<compile_context>
chip_gen: v7x
topology: tpu7x:2x2x1
jax: 0.10.2.dev20260603
libtpu: 0.0.44.dev20260713+nightly
codegen_flags: <defaults>
</compile_context>

<pallas_src>
import functools

import jax
import jax.numpy as jnp
from jax import lax
from jax.experimental import pallas as pl
from jax.experimental.pallas import tpu as pltpu
from jax.experimental.pallas import tpu_sc as plsc

B, S, D, E, K, H = 2, 4096, 2048, 8, 2, 512
N = B * S
CAP = N * K // E
EC = E * CAP
NC, NS, L = 2, 16, 16

_BR = 1024


_D2 = D // 2


def _pack16(v16):
    bits = lax.bitcast_convert_type(v16, jnp.uint16)
    lo = bits[:, :_D2].astype(jnp.int32)
    hi = bits[:, _D2:].astype(jnp.int32)
    return lo | (hi << 16)


def _unpack16(vi32):
    lo = vi32.astype(jnp.uint16)
    hi = lax.shift_right_logical(vi32, 16).astype(jnp.uint16)
    return jnp.concatenate(
        [lax.bitcast_convert_type(lo, jnp.bfloat16),
         lax.bitcast_convert_type(hi, jnp.bfloat16)], axis=1)


def _router_body(x_ref, w_ref, b_ref, noise_ref, t12_ref, g1_ref, xbf_ref):
    xbf_ref[...] = _pack16(x_ref[...].astype(jnp.bfloat16))
    lg = jnp.dot(x_ref[...], w_ref[...], preferred_element_type=jnp.float32)
    bias = b_ref[0:1, :]
    logits = lg[:, :E] + bias[:, :E]
    nlog = lg[:, E:] + bias[:, E:]
    sp = jnp.maximum(nlog, 0.0) + jnp.log1p(jnp.exp(-jnp.abs(nlog)))
    noisy = logits + noise_ref[...] * sp

    iota = lax.broadcasted_iota(jnp.int32, (_BR, E), 1)
    m1 = jnp.max(noisy, axis=1, keepdims=True)
    i1 = jnp.min(jnp.where(noisy == m1, iota, E), axis=1, keepdims=True)
    n2 = jnp.where(iota == i1, -jnp.inf, noisy)
    m2 = jnp.max(n2, axis=1, keepdims=True)
    i2 = jnp.min(jnp.where(n2 == m2, iota, E), axis=1, keepdims=True)
    r = jnp.exp(m2 - m1)
    g1 = 1.0 / (1.0 + r)
    t12_ref[...] = ((i1 << 3) | i2).reshape(_BR)
    g1_ref[...] = g1.reshape(_BR)


def _run_router(x2d, wcat, bcat, noise2d):
    return pl.pallas_call(
        _router_body,
        grid=(N // _BR,),
        in_specs=[
            pl.BlockSpec((_BR, D), lambda i: (i, 0)),
            pl.BlockSpec((D, 2 * E), lambda i: (0, 0)),
            pl.BlockSpec((8, 2 * E), lambda i: (0, 0)),
            pl.BlockSpec((_BR, E), lambda i: (i, 0)),
        ],
        out_specs=[
            pl.BlockSpec((_BR,), lambda i: (i,)),
            pl.BlockSpec((_BR,), lambda i: (i,)),
            pl.BlockSpec((_BR, _D2), lambda i: (i, 0)),
        ],
        out_shape=[
            jax.ShapeDtypeStruct((N,), jnp.int32),
            jax.ShapeDtypeStruct((N,), jnp.float32),
            jax.ShapeDtypeStruct((N, _D2), jnp.int32),
        ],
    )(x2d, wcat, bcat, noise2d)


_TT = N // NS
_TV = _TT // L
_SLOT_T = EC // NS

_disp_mesh = plsc.VectorSubcoreMesh(
    core_axis_name="c", subcore_axis_name="s", num_cores=1)


@functools.partial(
    pl.kernel,
    out_type=[
        jax.ShapeDtypeStruct((EC,), jnp.int32),
        jax.ShapeDtypeStruct((EC,), jnp.float32),
        jax.ShapeDtypeStruct((N,), jnp.int32),
        jax.ShapeDtypeStruct((N,), jnp.int32),
    ],
    mesh=_disp_mesh,
    scratch_types=[
        pltpu.VMEM((_TT,), jnp.int32),
        pltpu.VMEM((_TT,), jnp.float32),
        pltpu.VMEM((L,), jnp.int32),
        pltpu.VMEM((NS, L), jnp.int32),
        pltpu.VMEM((EC,), jnp.int32),
        pltpu.VMEM((EC,), jnp.float32),
        pltpu.VMEM((_TT,), jnp.int32),
        pltpu.VMEM((_TT,), jnp.int32),
        pltpu.VMEM((_SLOT_T,), jnp.int32),
        pltpu.VMEM((_SLOT_T,), jnp.float32),
        pltpu.VMEM((_SLOT_T,), jnp.int32),
        pltpu.VMEM((_SLOT_T,), jnp.float32),
        pltpu.VMEM_SHARED((NS, L), jnp.int32),
        pltpu.VMEM_SHARED((NS, EC), jnp.int32),
        pltpu.VMEM_SHARED((NS, EC), jnp.float32),
    ],
    compiler_params=pltpu.CompilerParams(needs_layout_passes=False),
)
def _dispatch(t12_hbm, g1_hbm, idx_hbm, gate_hbm, loc1_hbm, loc2_hbm,
              t12v, g1v, cntv, cnt_all, idxb, gateb, loc1b, loc2b,
              acc_i, acc_g, tmp_i, tmp_g, cnt_sh, idx_sh, gate_sh):
    sid = lax.axis_index("s")
    base = sid * _TT
    iota = lax.iota(jnp.int32, L)
    zero_i = jnp.zeros((L,), jnp.int32)
    zero_f = jnp.zeros((L,), jnp.float32)

    pltpu.sync_copy(t12_hbm.at[pl.ds(base, _TT)], t12v)
    pltpu.sync_copy(g1_hbm.at[pl.ds(base, _TT)], g1v)

    def _zero(i, _):
        idxb[pl.ds(i * L, L)] = zero_i
        gateb[pl.ds(i * L, L)] = zero_f
        return 0
    lax.fori_loop(0, EC // L, _zero, 0)

    def _count(i, cnt):
        t12x = t12v[pl.ds(i * L, L)]
        t1x = t12x >> 3
        t2x = t12x & 7
        for e in range(E):
            m = (t1x == e) | (t2x == e)
            c = jnp.sum(jnp.where(m, 1, 0))
            cnt = cnt + jnp.where(iota == e, c, 0)
        return cnt
    cnt = lax.fori_loop(0, _TV, _count, jnp.zeros((L,), jnp.int32))
    cntv[...] = cnt
    pltpu.sync_copy(cntv, cnt_sh.at[sid])
    plsc.subcore_barrier()
    pltpu.sync_copy(cnt_sh, cnt_all)

    offv = jnp.zeros((L,), jnp.int32)
    for w in range(NS):
        offv = offv + jnp.where(jnp.int32(w) < sid, cnt_all[w], 0)
    offs = [jnp.sum(jnp.where(iota == e, offv, 0)) for e in range(E)]

    def _scan(i, carry):
        offs = list(carry)
        sl = pl.ds(i * L, L)
        t12x = t12v[sl]
        t1x = t12x >> 3
        t2x = t12x & 7
        g1x = g1v[sl]
        g2x = 1.0 - g1x
        tok = base + i * L + iota
        l1 = jnp.full((L,), EC, jnp.int32)
        l2 = jnp.full((L,), EC, jnp.int32)
        for e in range(E):
            m1 = t1x == e
            m2 = t2x == e
            m = m1 | m2
            ones = jnp.where(m, 1, 0)
            cs = plsc.cumsum(ones)
            pos = offs[e] + cs - 1
            ok = m & (pos < CAP)
            dst = pos + e * CAP
            plsc.store_scatter(idxb, [dst], tok, mask=ok)
            gx = jnp.where(m1, g1x, g2x)
            plsc.store_scatter(gateb, [dst], gx, mask=ok)
            l1 = jnp.where(m1 & ok, dst, l1)
            l2 = jnp.where(m2 & ok, dst, l2)
            offs[e] = offs[e] + jnp.sum(ones)
        loc1b[sl] = l1
        loc2b[sl] = l2
        return tuple(offs)
    lax.fori_loop(0, _TV, _scan, tuple(offs))

    pltpu.sync_copy(loc1b, loc1_hbm.at[pl.ds(base, _TT)])
    pltpu.sync_copy(loc2b, loc2_hbm.at[pl.ds(base, _TT)])

    pltpu.sync_copy(idxb, idx_sh.at[sid])
    pltpu.sync_copy(gateb, gate_sh.at[sid])
    plsc.subcore_barrier()

    sbase = sid * _SLOT_T

    def _zacc(i, _):
        acc_i[pl.ds(i * L, L)] = zero_i
        acc_g[pl.ds(i * L, L)] = zero_f
        return 0
    lax.fori_loop(0, _SLOT_T // L, _zacc, 0)

    for w in range(NS):
        pltpu.sync_copy(idx_sh.at[w, pl.ds(sbase, _SLOT_T)], tmp_i)
        pltpu.sync_copy(gate_sh.at[w, pl.ds(sbase, _SLOT_T)], tmp_g)

        def _acc(i, _):
            sl = pl.ds(i * L, L)
            plsc.addupdate(acc_i.at[sl], tmp_i[sl])
            plsc.addupdate(acc_g.at[sl], tmp_g[sl])
            return 0
        lax.fori_loop(0, _SLOT_T // L, _acc, 0)

    pltpu.sync_copy(acc_i, idx_hbm.at[pl.ds(sbase, _SLOT_T)])
    pltpu.sync_copy(acc_g, gate_hbm.at[pl.ds(sbase, _SLOT_T)])


_GR = 32
_g_mesh = plsc.VectorSubcoreMesh(core_axis_name="c", subcore_axis_name="s")


@functools.partial(
    pl.kernel,
    out_type=jax.ShapeDtypeStruct((EC, _D2), jnp.int32),
    mesh=_g_mesh,
    scratch_types=[
        pltpu.VMEM((2, _GR), jnp.int32),
        pltpu.VMEM((2, _GR, _D2), jnp.int32),
        pltpu.SemaphoreType.DMA,
        pltpu.SemaphoreType.DMA,
    ],
    compiler_params=pltpu.CompilerParams(needs_layout_passes=False),
)
def _gather_rows(x_hbm, idx_hbm, out_hbm, idxv, rows, sem0, sem1):
    wid = lax.axis_index("s") * NC + lax.axis_index("c")
    rpt = EC // (NC * NS)
    nch = rpt // _GR
    base = wid * rpt
    sems = (sem0, sem1)

    for b in range(2):
        pltpu.sync_copy(idx_hbm.at[pl.ds(base + b * _GR, _GR)], idxv.at[b])
        pltpu.async_copy(x_hbm.at[idxv.at[b]], rows.at[b], sems[b])

    def _pair(m, _):
        for b in range(2):
            j = 2 * m + b
            pltpu.make_async_copy(x_hbm.at[idxv.at[b]], rows.at[b],
                                  sems[b]).wait()
            pltpu.sync_copy(rows.at[b], out_hbm.at[pl.ds(base + j * _GR, _GR)])

            @pl.when(j + 2 < nch)
            def _():
                pltpu.sync_copy(
                    idx_hbm.at[pl.ds(base + (j + 2) * _GR, _GR)], idxv.at[b])
                pltpu.async_copy(x_hbm.at[idxv.at[b]], rows.at[b], sems[b])
        return 0
    lax.fori_loop(0, nch // 2, _pair, 0)


_BM = 512
_NM = CAP // _BM
_CPAD = EC + _NM * _BM


def _ffn_body(x_ref, w1_ref, b1_ref, w2_ref, b2_ref, g_ref, c_ref):
    e = pl.program_id(0)

    @pl.when(e < E)
    def _():
        xb = _unpack16(x_ref[...]).astype(jnp.float32)
        h = jnp.dot(xb, w1_ref[0], preferred_element_type=jnp.float32) + b1_ref[0]
        h = 0.5 * h * (1.0 + lax.erf(h * 0.7071067811865476))
        o = jnp.dot(h, w2_ref[0], preferred_element_type=jnp.float32) + b2_ref[0]
        g = g_ref[...].reshape(_BM, 1)
        c_ref[...] = _pack16(((xb + o) * g).astype(jnp.bfloat16))

    @pl.when(e == E)
    def _():
        c_ref[...] = jnp.zeros((_BM, _D2), jnp.int32)


def _run_ffn(x_all, w1, b1r, w2, b2r, gate):
    ce = lambda e: jnp.minimum(e, E - 1)
    return pl.pallas_call(
        _ffn_body,
        grid=(E + 1, _NM),
        in_specs=[
            pl.BlockSpec((_BM, _D2), lambda e, m: (ce(e) * _NM + m, 0)),
            pl.BlockSpec((1, D, H), lambda e, m: (ce(e), 0, 0)),
            pl.BlockSpec((1, 1, H), lambda e, m: (ce(e), 0, 0)),
            pl.BlockSpec((1, H, D), lambda e, m: (ce(e), 0, 0)),
            pl.BlockSpec((1, 1, D), lambda e, m: (ce(e), 0, 0)),
            pl.BlockSpec((_BM,), lambda e, m: (ce(e) * _NM + m,)),
        ],
        out_specs=pl.BlockSpec((_BM, _D2), lambda e, m: (e * _NM + m, 0)),
        out_shape=jax.ShapeDtypeStruct((_CPAD, _D2), jnp.int32),
    )(x_all, w1, b1r, w2, b2r, gate)


_CT = 16


@functools.partial(
    pl.kernel,
    out_type=jax.ShapeDtypeStruct((N, _D2), jnp.int32),
    mesh=_g_mesh,
    scratch_types=[
        pltpu.VMEM((2, _CT), jnp.int32),
        pltpu.VMEM((2, _CT), jnp.int32),
        pltpu.VMEM((2, _CT, _D2), jnp.int32),
        pltpu.VMEM((2, _CT, _D2), jnp.int32),
        pltpu.SemaphoreType.DMA,
        pltpu.SemaphoreType.DMA,
    ],
    compiler_params=pltpu.CompilerParams(needs_layout_passes=False),
)
def _combine(c_hbm, loc1_hbm, loc2_hbm, out_hbm, l1v, l2v, b1, b2, sem0, sem1):
    wid = lax.axis_index("s") * NC + lax.axis_index("c")
    tpt = N // (NC * NS)
    nch = tpt // _CT
    base = wid * tpt
    sems = (sem0, sem1)

    def _fire(j, b):
        pltpu.sync_copy(loc1_hbm.at[pl.ds(base + j * _CT, _CT)], l1v.at[b])
        pltpu.sync_copy(loc2_hbm.at[pl.ds(base + j * _CT, _CT)], l2v.at[b])
        pltpu.async_copy(c_hbm.at[l1v.at[b]], b1.at[b], sems[b])
        pltpu.async_copy(c_hbm.at[l2v.at[b]], b2.at[b], sems[b])

    for b in range(2):
        _fire(b, b)

    def _pair(m, _):
        for b in range(2):
            j = 2 * m + b
            pltpu.make_async_copy(c_hbm.at[l1v.at[b]], b1.at[b],
                                  sems[b]).wait()
            pltpu.make_async_copy(c_hbm.at[l2v.at[b]], b2.at[b],
                                  sems[b]).wait()

            def _add(i, _):
                r = i // (_D2 // L)
                k = i % (_D2 // L)
                sl = pl.ds(k * L, L)
                v1 = plsc.bitcast(b1[b, r, sl], jnp.bfloat16)
                v2 = plsc.bitcast(b2[b, r, sl], jnp.bfloat16)
                b1[b, r, sl] = plsc.bitcast(v1 + v2, jnp.int32)
                return 0
            lax.fori_loop(0, _CT * (_D2 // L), _add, 0)
            pltpu.sync_copy(b1.at[b], out_hbm.at[pl.ds(base + j * _CT, _CT)])

            @pl.when(j + 2 < nch)
            def _():
                _fire(j + 2, b)
        return 0
    lax.fori_loop(0, nch // 2, _pair, 0)


def kernel(x, W_route, b_route, W_noise, b_noise, W1, b1, W2, b2, noise):
    x2d = x.reshape(N, D)
    noise2d = noise.reshape(N, E)
    wcat = jnp.concatenate([W_route, W_noise], axis=1)
    bcat = jnp.tile(jnp.concatenate([b_route, b_noise])[None, :], (8, 1))

    t12, g1, xbf = _run_router(x2d, wcat, bcat, noise2d)
    idx, gate, loc1, loc2 = _dispatch(t12, g1)
    x_all = _gather_rows(xbf, idx)
    c = _run_ffn(x_all, W1, b1.reshape(E, 1, H), W2, b2.reshape(E, 1, D), gate)
    out2d = _combine(c, loc1, loc2)
    lo = out2d.astype(jnp.uint16)
    hi = lax.shift_right_logical(out2d, 16).astype(jnp.uint16)
    out16 = jnp.concatenate(
        [lax.bitcast_convert_type(lo, jnp.bfloat16),
         lax.bitcast_convert_type(hi, jnp.bfloat16)], axis=1)
    return out16.astype(jnp.float32).reshape(B, S, D)

# --- scband reference (transcript-rebuilt; emitter-appended) ---
"""Pipeline reference for scband-sparse-mo-ae-5506148073583 (READ-ONLY COPY).

The authoritative reference and input builder live on the scoring server;
editing this copy changes nothing except your own understanding.
"""

import jax, jax.numpy as jnp
import numpy as np

B, S, D, E, K, H = 2, 4096, 2048, 8, 2, 512
CAP = int(B * S * K / E * 1.0)


def setup_inputs(seed: int = 0):
    key = jax.random.key(seed)
    ks = jax.random.split(key, 6)

    def kn(k, shape, fan_in):
        return jax.random.normal(k, shape, dtype=jnp.float32) * np.sqrt(2.0 / fan_in)

    return {
        "x": jax.random.normal(ks[0], (B, S, D), dtype=jnp.float32),
        "W_route": kn(ks[1], (D, E), D),
        "b_route": jnp.zeros((E,), jnp.float32),
        "W_noise": kn(ks[2], (D, E), D),
        "b_noise": jnp.zeros((E,), jnp.float32),
        "W1": kn(ks[3], (E, D, H), D),
        "b1": jnp.zeros((E, H), jnp.float32),
        "W2": kn(ks[4], (E, H, D), H),
        "b2": jnp.zeros((E, D), jnp.float32),
        "noise": jax.random.normal(ks[5], (B, S, E), dtype=jnp.float32),
    }


def reference(x, W_route, b_route, W_noise, b_noise, W1, b1, W2, b2, noise):
    # NoisyTopkRouter
    logits = x @ W_route + b_route
    noise_logits = x @ W_noise + b_noise
    noisy = logits + noise * jax.nn.softplus(noise_logits)
    _, topi = jax.lax.top_k(noisy, K)  # [B, S, K]
    # scatter top-k logits into -inf tensor == keep noisy where selected
    sel = jnp.max(jax.nn.one_hot(topi, E, dtype=noisy.dtype), axis=-2) > 0
    sparse = jnp.where(sel, noisy, -jnp.inf)
    gating = jax.nn.softmax(sparse, axis=-1)  # [B, S, E]

    flat_x = x.reshape(-1, D)
    flat_g = gating.reshape(-1, E)
    flat_i = topi.reshape(-1, K)
    out = jnp.zeros_like(flat_x)
    for i in range(E):
        mask = jnp.any(flat_i == i, axis=-1)
        idx = jnp.nonzero(mask, size=CAP, fill_value=0)[0]
        valid = (jnp.arange(CAP) < jnp.sum(mask)).astype(flat_x.dtype)[:, None]
        xin = flat_x[idx]
        # Adapter expert: fc1 -> GELU -> fc2 (+ skip)
        h = jax.nn.gelu(xin @ W1[i] + b1[i], approximate=False)
        eo = xin + (h @ W2[i] + b2[i])
        gs = flat_g[idx, i][:, None]
        out = out.at[idx].add(eo * gs * valid)
    return out.reshape(B, S, D)

if __name__ == "__main__":
    import jax
    _d = setup_inputs()
    print(jax.jit(kernel)(*tuple(_d.values())))

</pallas_src>

<mosaic_0001>
#map = affine_map<(d0, d1) -> (0, 0)>
#map1 = affine_map<(d0, d1) -> (0)>
module attributes {stable_mosaic.version = 14 : i64} {
  func.func @_combine(%arg0: i32, %arg1: i32, %arg2: memref<18432x1024xi32, #tpu.memory_space<hbm>>, %arg3: memref<8192xi32, #tpu.memory_space<hbm>>, %arg4: memref<8192xi32, #tpu.memory_space<hbm>>, %arg5: memref<8192x1024xi32, #tpu.memory_space<hbm>>, %arg6: memref<2x16xi32, #tpu.memory_space<vmem>>, %arg7: memref<2x16xi32, #tpu.memory_space<vmem>>, %arg8: memref<2x16x1024xi32, #tpu.memory_space<vmem>>, %arg9: memref<2x16x1024xi32, #tpu.memory_space<vmem>>, %arg10: memref<!tpu.dma_semaphore, #tpu.memory_space<semaphore_mem>>, %arg11: memref<!tpu.dma_semaphore, #tpu.memory_space<semaphore_mem>>) attributes {dimension_semantics = [#tpu.dimension_semantics<core_parallel>, #tpu.dimension_semantics<subcore_parallel>], iteration_bounds = array<i64: 2, 16>, scalar_prefetch = 0 : i64, scratch_operands = 6 : i64, tpu.core_type = #tpu.core_type<sc_vector_subcore>, window_params = [{transform_indices = #map}, {transform_indices = #map1}, {transform_indices = #map1}, {transform_indices = #map}]} {
    %mul3A = arith.constant 2 : i32
    %mul3A_0 = arith.muli %arg1, %mul3A : i32
    %add3A = arith.addi %mul3A_0, %arg0 : i32
    %mul3A_1 = arith.constant 256 : i32
    %mul3A_2 = arith.muli %add3A, %mul3A_1 : i32
    %add3A_3 = arith.constant 0 : i32
    %add3A_4 = arith.addi %mul3A_2, %add3A_3 : i32
    %run_scoped3A = arith.constant 0 : i32
    "tpu.region"() ({
      %run_scoped3A_67 = tpu.sem_alloc : memref<!tpu.dma_semaphore, #tpu.memory_space<semaphore_mem>>
      %dma_start3A_68 = arith.constant 0 : i32
      %dma_start3A_69 = tpu.memref_slice %arg6[%run_scoped3A, %dma_start3A_68] : memref<2x16xi32, #tpu.memory_space<vmem>> -> memref<1x16xi32, #tpu.memory_space<vmem>>
      %dma_start3A_70 = tpu.memref_squeeze %dma_start3A_69 : memref<1x16xi32, #tpu.memory_space<vmem>> -> memref<16xi32, #tpu.memory_space<vmem>>
      %dma_start3A_71 = tpu.memref_slice %arg3[%add3A_4] : memref<8192xi32, #tpu.memory_space<hbm>> -> memref<16xi32, #tpu.memory_space<hbm>>
      %dma_start3A_72 = arith.constant 0 : i32
      %dma_start3A_73 = tpu.memref_slice %arg6[%run_scoped3A, %dma_start3A_72] : memref<2x16xi32, #tpu.memory_space<vmem>> -> memref<1x16xi32, #tpu.memory_space<vmem>>
      %dma_start3A_74 = tpu.memref_squeeze %dma_start3A_73 : memref<1x16xi32, #tpu.memory_space<vmem>> -> memref<16xi32, #tpu.memory_space<vmem>>
      %dma_start3A_75 = tpu.memref_slice %arg3[%add3A_4] : memref<8192xi32, #tpu.memory_space<hbm>> -> memref<16xi32, #tpu.memory_space<hbm>>
      tpu.enqueue_dma source(%dma_start3A_75 : memref<16xi32, #tpu.memory_space<hbm>>) target(%dma_start3A_74 : memref<16xi32, #tpu.memory_space<vmem>>) target_semaphore(%run_scoped3A_67 : memref<!tpu.dma_semaphore, #tpu.memory_space<semaphore_mem>>)
      %dma_wait3A = arith.constant 0 : i32
      %dma_wait3A_76 = tpu.memref_slice %arg6[%run_scoped3A, %dma_wait3A] : memref<2x16xi32, #tpu.memory_space<vmem>> -> memref<1x16xi32, #tpu.memory_space<vmem>>
      %dma_wait3A_77 = tpu.memref_squeeze %dma_wait3A_76 : memref<1x16xi32, #tpu.memory_space<vmem>> -> memref<16xi32, #tpu.memory_space<vmem>>
      %dma_wait3A_78 = tpu.memref_slice %arg3[%add3A_4] : memref<8192xi32, #tpu.memory_space<hbm>> -> memref<16xi32, #tpu.memory_space<hbm>>
      %dma_wait3A_79 = arith.constant 0 : i32
      %dma_wait3A_80 = tpu.memref_slice %arg6[%run_scoped3A, %dma_wait3A_79] : memref<2x16xi32, #tpu.memory_space<vmem>> -> memref<1x16xi32, #tpu.memory_space<vmem>>
      %dma_wait3A_81 = tpu.memref_squeeze %dma_wait3A_80 : memref<1x16xi32, #tpu.memory_space<vmem>> -> memref<16xi32, #tpu.memory_space<vmem>>
      %dma_wait3A_82 = tpu.memref_slice %arg3[%add3A_4] : memref<8192xi32, #tpu.memory_space<hbm>> -> memref<16xi32, #tpu.memory_space<hbm>>
      tpu.wait_dma2 semaphore(%run_scoped3A_67 : memref<!tpu.dma_semaphore, #tpu.memory_space<semaphore_mem>>) src(%dma_wait3A_82 : memref<16xi32, #tpu.memory_space<hbm>>) dst(%dma_wait3A_81 : memref<16xi32, #tpu.memory_space<vmem>>)
      tpu.yield
    }) : () -> ()
    %add3A_5 = arith.constant 0 : i32
    %add3A_6 = arith.addi %mul3A_2, %add3A_5 : i32
    %run_scoped3A_7 = arith.constant 0 : i32
    "tpu.region"() ({
      %run_scoped3A_67 = tpu.sem_alloc : memref<!tpu.dma_semaphore, #tpu.memory_space<semaphore_mem>>
      %dma_start3A_68 = arith.constant 0 : i32
      %dma_start3A_69 = tpu.memref_slice %arg7[%run_scoped3A_7, %dma_start3A_68] : memref<2x16xi32, #tpu.memory_space<vmem>> -> memref<1x16xi32, #tpu.memory_space<vmem>>
      %dma_start3A_70 = tpu.memref_squeeze %dma_start3A_69 : memref<1x16xi32, #tpu.memory_space<vmem>> -> memref<16xi32, #tpu.memory_space<vmem>>
      %dma_start3A_71 = tpu.memref_slice %arg4[%add3A_6] : memref<8192xi32, #tpu.memory_space<hbm>> -> memref<16xi32, #tpu.memory_space<hbm>>
      %dma_start3A_72 = arith.constant 0 : i32
      %dma_start3A_73 = tpu.memref_slice %arg7[%run_scoped3A_7, %dma_start3A_72] : memref<2x16xi32, #tpu.memory_space<vmem>> -> memref<1x16xi32, #tpu.memory_space<vmem>>
      %dma_start3A_74 = tpu.memref_squeeze %dma_start3A_73 : memref<1x16xi32, #tpu.memory_space<vmem>> -> memref<16xi32, #tpu.memory_space<vmem>>
      %dma_start3A_75 = tpu.memref_slice %arg4[%add3A_6] : memref<8192xi32, #tpu.memory_space<hbm>> -> memref<16xi32, #tpu.memory_space<hbm>>
      tpu.enqueue_dma source(%dma_start3A_75 : memref<16xi32, #tpu.memory_space<hbm>>) target(%dma_start3A_74 : memref<16xi32, #tpu.memory_space<vmem>>) target_semaphore(%run_scoped3A_67 : memref<!tpu.dma_semaphore, #tpu.memory_space<semaphore_mem>>)
      %dma_wait3A = arith.constant 0 : i32
      %dma_wait3A_76 = tpu.memref_slice %arg7[%run_scoped3A_7, %dma_wait3A] : memref<2x16xi32, #tpu.memory_space<vmem>> -> memref<1x16xi32, #tpu.memory_space<vmem>>
      %dma_wait3A_77 = tpu.memref_squeeze %dma_wait3A_76 : memref<1x16xi32, #tpu.memory_space<vmem>> -> memref<16xi32, #tpu.memory_space<vmem>>
      %dma_wait3A_78 = tpu.memref_slice %arg4[%add3A_6] : memref<8192xi32, #tpu.memory_space<hbm>> -> memref<16xi32, #tpu.memory_space<hbm>>
      %dma_wait3A_79 = arith.constant 0 : i32
      %dma_wait3A_80 = tpu.memref_slice %arg7[%run_scoped3A_7, %dma_wait3A_79] : memref<2x16xi32, #tpu.memory_space<vmem>> -> memref<1x16xi32, #tpu.memory_space<vmem>>
      %dma_wait3A_81 = tpu.memref_squeeze %dma_wait3A_80 : memref<1x16xi32, #tpu.memory_space<vmem>> -> memref<16xi32, #tpu.memory_space<vmem>>
      %dma_wait3A_82 = tpu.memref_slice %arg4[%add3A_6] : memref<8192xi32, #tpu.memory_space<hbm>> -> memref<16xi32, #tpu.memory_space<hbm>>
      tpu.wait_dma2 semaphore(%run_scoped3A_67 : memref<!tpu.dma_semaphore, #tpu.memory_space<semaphore_mem>>) src(%dma_wait3A_82 : memref<16xi32, #tpu.memory_space<hbm>>) dst(%dma_wait3A_81 : memref<16xi32, #tpu.memory_space<vmem>>)
      tpu.yield
    }) : () -> ()
    %dma_start3A = arith.constant 0 : i32
    %dma_start3A_8 = arith.constant 0 : i32
    %dma_start3A_9 = arith.constant 0 : i32
    %dma_start3A_10 = arith.constant 0 : i32
    %dma_start3A_11 = tpu.memref_slice %arg8[%dma_start3A_8, %dma_start3A_9, %dma_start3A_10] : memref<2x16x1024xi32, #tpu.memory_space<vmem>> -> memref<1x16x1024xi32, #tpu.memory_space<vmem>>
    %dma_start3A_12 = tpu.memref_squeeze %dma_start3A_11 : memref<1x16x1024xi32, #tpu.memory_space<vmem>> -> memref<16x1024xi32, #tpu.memory_space<vmem>>
    %dma_start3A_13 = arith.constant 0 : i32
    %dma_start3A_14 = tpu.memref_slice %arg6[%dma_start3A, %dma_start3A_13] : memref<2x16xi32, #tpu.memory_space<vmem>> -> memref<1x16xi32, #tpu.memory_space<vmem>>
    %dma_start3A_15 = tpu.memref_squeeze %dma_start3A_14 : memref<1x16xi32, #tpu.memory_space<vmem>> -> memref<16xi32, #tpu.memory_space<vmem>>
    %dma_start3A_16 = arith.constant 0 : i32
    %dma_start3A_17 = arith.constant 0 : i32
    %dma_start3A_18 = tpu.memref_slice %arg2[%dma_start3A_16, %dma_start3A_17] : memref<18432x1024xi32, #tpu.memory_space<hbm>> -> memref<18432x1024xi32, #tpu.memory_space<hbm>>
    tpu.enqueue_indirect_dma source(%dma_start3A_18 : memref<18432x1024xi32, #tpu.memory_space<hbm>>) target(%dma_start3A_12 : memref<16x1024xi32, #tpu.memory_space<vmem>>) offsets(%dma_start3A_15 : memref<16xi32, #tpu.memory_space<vmem>>) semaphore(%arg10 : memref<!tpu.dma_semaphore, #tpu.memory_space<semaphore_mem>>)
    %dma_start3A_19 = arith.constant 0 : i32
    %dma_start3A_20 = arith.constant 0 : i32
    %dma_start3A_21 = arith.constant 0 : i32
    %dma_start3A_22 = arith.constant 0 : i32
    %dma_start3A_23 = tpu.memref_slice %arg9[%dma_start3A_20, %dma_start3A_21, %dma_start3A_22] : memref<2x16x1024xi32, #tpu.memory_space<vmem>> -> memref<1x16x1024xi32, #tpu.memory_space<vmem>>
    %dma_start3A_24 = tpu.memref_squeeze %dma_start3A_23 : memref<1x16x1024xi32, #tpu.memory_space<vmem>> -> memref<16x1024xi32, #tpu.memory_space<vmem>>
    %dma_start3A_25 = arith.constant 0 : i32
    %dma_start3A_26 = tpu.memref_slice %arg7[%dma_start3A_19, %dma_start3A_25] : memref<2x16xi32, #tpu.memory_space<vmem>> -> memref<1x16xi32, #tpu.memory_space<vmem>>
    %dma_start3A_27 = tpu.memref_squeeze %dma_start3A_26 : memref<1x16xi32, #tpu.memory_space<vmem>> -> memref<16xi32, #tpu.memory_space<vmem>>
    %dma_start3A_28 = arith.constant 0 : i32
    %dma_start3A_29 = arith.constant 0 : i32
    %dma_start3A_30 = tpu.memref_slice %arg2[%dma_start3A_28, %dma_start3A_29] : memref<18432x1024xi32, #tpu.memory_space<hbm>> -> memref<18432x1024xi32, #tpu.memory_space<hbm>>
    tpu.enqueue_indirect_dma source(%dma_start3A_30 : memref<18432x1024xi32, #tpu.memory_space<hbm>>) target(%dma_start3A_24 : memref<16x1024xi32, #tpu.memory_space<vmem>>) offsets(%dma_start3A_27 : memref<16xi32, #tpu.memory_space<vmem>>) semaphore(%arg10 : memref<!tpu.dma_semaphore, #tpu.memory_space<semaphore_mem>>)
    %add3A_31 = arith.constant 16 : i32
    %add3A_32 = arith.addi %mul3A_2, %add3A_31 : i32
    %run_scoped3A_33 = arith.constant 1 : i32
    "tpu.region"() ({
      %run_scoped3A_67 = tpu.sem_alloc : memref<!tpu.dma_semaphore, #tpu.memory_space<semaphore_mem>>
      %dma_start3A_68 = arith.constant 0 : i32
      %dma_start3A_69 = tpu.memref_slice %arg6[%run_scoped3A_33, %dma_start3A_68] : memref<2x16xi32, #tpu.memory_space<vmem>> -> memref<1x16xi32, #tpu.memory_space<vmem>>
      %dma_start3A_70 = tpu.memref_squeeze %dma_start3A_69 : memref<1x16xi32, #tpu.memory_space<vmem>> -> memref<16xi32, #tpu.memory_space<vmem>>
      %dma_start3A_71 = tpu.memref_slice %arg3[%add3A_32] : memref<8192xi32, #tpu.memory_space<hbm>> -> memref<16xi32, #tpu.memory_space<hbm>>
      %dma_start3A_72 = arith.constant 0 : i32
      %dma_start3A_73 = tpu.memref_slice %arg6[%run_scoped3A_33, %dma_start3A_72] : memref<2x16xi32, #tpu.memory_space<vmem>> -> memref<1x16xi32, #tpu.memory_space<vmem>>
      %dma_start3A_74 = tpu.memref_squeeze %dma_start3A_73 : memref<1x16xi32, #tpu.memory_space<vmem>> -> memref<16xi32, #tpu.memory_space<vmem>>
      %dma_start3A_75 = tpu.memref_slice %arg3[%add3A_32] : memref<8192xi32, #tpu.memory_space<hbm>> -> memref<16xi32, #tpu.memory_space<hbm>>
      tpu.enqueue_dma source(%dma_start3A_75 : memref<16xi32, #tpu.memory_space<hbm>>) target(%dma_start3A_74 : memref<16xi32, #tpu.memory_space<vmem>>) target_semaphore(%run_scoped3A_67 : memref<!tpu.dma_semaphore, #tpu.memory_space<semaphore_mem>>)
      %dma_wait3A = arith.constant 0 : i32
      %dma_wait3A_76 = tpu.memref_slice %arg6[%run_scoped3A_33, %dma_wait3A] : memref<2x16xi32, #tpu.memory_space<vmem>> -> memref<1x16xi32, #tpu.memory_space<vmem>>
      %dma_wait3A_77 = tpu.memref_squeeze %dma_wait3A_76 : memref<1x16xi32, #tpu.memory_space<vmem>> -> memref<16xi32, #tpu.memory_space<vmem>>
      %dma_wait3A_78 = tpu.memref_slice %arg3[%add3A_32] : memref<8192xi32, #tpu.memory_space<hbm>> -> memref<16xi32, #tpu.memory_space<hbm>>
      %dma_wait3A_79 = arith.constant 0 : i32
      %dma_wait3A_80 = tpu.memref_slice %arg6[%run_scoped3A_33, %dma_wait3A_79] : memref<2x16xi32, #tpu.memory_space<vmem>> -> memref<1x16xi32, #tpu.memory_space<vmem>>
      %dma_wait3A_81 = tpu.memref_squeeze %dma_wait3A_80 : memref<1x16xi32, #tpu.memory_space<vmem>> -> memref<16xi32, #tpu.memory_space<vmem>>
      %dma_wait3A_82 = tpu.memref_slice %arg3[%add3A_32] : memref<8192xi32, #tpu.memory_space<hbm>> -> memref<16xi32, #tpu.memory_space<hbm>>
      tpu.wait_dma2 semaphore(%run_scoped3A_67 : memref<!tpu.dma_semaphore, #tpu.memory_space<semaphore_mem>>) src(%dma_wait3A_82 : memref<16xi32, #tpu.memory_space<hbm>>) dst(%dma_wait3A_81 : memref<16xi32, #tpu.memory_space<vmem>>)
      tpu.yield
    }) : () -> ()
    %add3A_34 = arith.constant 16 : i32
    %add3A_35 = arith.addi %mul3A_2, %add3A_34 : i32
    %run_scoped3A_36 = arith.constant 1 : i32
    "tpu.region"() ({
      %run_scoped3A_67 = tpu.sem_alloc : memref<!tpu.dma_semaphore, #tpu.memory_space<semaphore_mem>>
      %dma_start3A_68 = arith.constant 0 : i32
      %dma_start3A_69 = tpu.memref_slice %arg7[%run_scoped3A_36, %dma_start3A_68] : memref<2x16xi32, #tpu.memory_space<vmem>> -> memref<1x16xi32, #tpu.memory_space<vmem>>
      %dma_start3A_70 = tpu.memref_squeeze %dma_start3A_69 : memref<1x16xi32, #tpu.memory_space<vmem>> -> memref<16xi32, #tpu.memory_space<vmem>>
      %dma_start3A_71 = tpu.memref_slice %arg4[%add3A_35] : memref<8192xi32, #tpu.memory_space<hbm>> -> memref<16xi32, #tpu.memory_space<hbm>>
      %dma_start3A_72 = arith.constant 0 : i32
      %dma_start3A_73 = tpu.memref_slice %arg7[%run_scoped3A_36, %dma_start3A_72] : memref<2x16xi32, #tpu.memory_space<vmem>> -> memref<1x16xi32, #tpu.memory_space<vmem>>
      %dma_start3A_74 = tpu.memref_squeeze %dma_start3A_73 : memref<1x16xi32, #tpu.memory_space<vmem>> -> memref<16xi32, #tpu.memory_space<vmem>>
      %dma_start3A_75 = tpu.memref_slice %arg4[%add3A_35] : memref<8192xi32, #tpu.memory_space<hbm>> -> memref<16xi32, #tpu.memory_space<hbm>>
      tpu.enqueue_dma source(%dma_start3A_75 : memref<16xi32, #tpu.memory_space<hbm>>) target(%dma_start3A_74 : memref<16xi32, #tpu.memory_space<vmem>>) target_semaphore(%run_scoped3A_67 : memref<!tpu.dma_semaphore, #tpu.memory_space<semaphore_mem>>)
      %dma_wait3A = arith.constant 0 : i32
      %dma_wait3A_76 = tpu.memref_slice %arg7[%run_scoped3A_36, %dma_wait3A] : memref<2x16xi32, #tpu.memory_space<vmem>> -> memref<1x16xi32, #tpu.memory_space<vmem>>
      %dma_wait3A_77 = tpu.memref_squeeze %dma_wait3A_76 : memref<1x16xi32, #tpu.memory_space<vmem>> -> memref<16xi32, #tpu.memory_space<vmem>>
      %dma_wait3A_78 = tpu.memref_slice %arg4[%add3A_35] : memref<8192xi32, #tpu.memory_space<hbm>> -> memref<16xi32, #tpu.memory_space<hbm>>
      %dma_wait3A_79 = arith.constant 0 : i32
      %dma_wait3A_80 = tpu.memref_slice %arg7[%run_scoped3A_36, %dma_wait3A_79] : memref<2x16xi32, #tpu.memory_space<vmem>> -> memref<1x16xi32, #tpu.memory_space<vmem>>
      %dma_wait3A_81 = tpu.memref_squeeze %dma_wait3A_80 : memref<1x16xi32, #tpu.memory_space<vmem>> -> memref<16xi32, #tpu.memory_space<vmem>>
      %dma_wait3A_82 = tpu.memref_slice %arg4[%add3A_35] : memref<8192xi32, #tpu.memory_space<hbm>> -> memref<16xi32, #tpu.memory_space<hbm>>
      tpu.wait_dma2 semaphore(%run_scoped3A_67 : memref<!tpu.dma_semaphore, #tpu.memory_space<semaphore_mem>>) src(%dma_wait3A_82 : memref<16xi32, #tpu.memory_space<hbm>>) dst(%dma_wait3A_81 : memref<16xi32, #tpu.memory_space<vmem>>)
      tpu.yield
    }) : () -> ()
    %dma_start3A_37 = arith.constant 1 : i32
    %dma_start3A_38 = arith.constant 1 : i32
    %dma_start3A_39 = arith.constant 0 : i32
    %dma_start3A_40 = arith.constant 0 : i32
    %dma_start3A_41 = tpu.memref_slice %arg8[%dma_start3A_38, %dma_start3A_39, %dma_start3A_40] : memref<2x16x1024xi32, #tpu.memory_space<vmem>> -> memref<1x16x1024xi32, #tpu.memory_space<vmem>>
    %dma_start3A_42 = tpu.memref_squeeze %dma_start3A_41 : memref<1x16x1024xi32, #tpu.memory_space<vmem>> -> memref<16x1024xi32, #tpu.memory_space<vmem>>
    %dma_start3A_43 = arith.constant 0 : i32
    %dma_start3A_44 = tpu.memref_slice %arg6[%dma_start3A_37, %dma_start3A_43] : memref<2x16xi32, #tpu.memory_space<vmem>> -> memref<1x16xi32, #tpu.memory_space<vmem>>
    %dma_start3A_45 = tpu.memref_squeeze %dma_start3A_44 : memref<1x16xi32, #tpu.memory_space<vmem>> -> memref<16xi32, #tpu.memory_space<vmem>>
    %dma_start3A_46 = arith.constant 0 : i32
    %dma_start3A_47 = arith.constant 0 : i32
    %dma_start3A_48 = tpu.memref_slice %arg2[%dma_start3A_46, %dma_start3A_47] : memref<18432x1024xi32, #tpu.memory_space<hbm>> -> memref<18432x1024xi32, #tpu.memory_space<hbm>>
    tpu.enqueue_indirect_dma source(%dma_start3A_48 : memref<18432x1024xi32, #tpu.memory_space<hbm>>) target(%dma_start3A_42 : memref<16x1024xi32, #tpu.memory_space<vmem>>) offsets(%dma_start3A_45 : memref<16xi32, #tpu.memory_space<vmem>>) semaphore(%arg11 : memref<!tpu.dma_semaphore, #tpu.memory_space<semaphore_mem>>)
    %dma_start3A_49 = arith.constant 1 : i32
    %dma_start3A_50 = arith.constant 1 : i32
    %dma_start3A_51 = arith.constant 0 : i32
    %dma_start3A_52 = arith.constant 0 : i32
    %dma_start3A_53 = tpu.memref_slice %arg9[%dma_start3A_50, %dma_start3A_51, %dma_start3A_52] : memref<2x16x1024xi32, #tpu.memory_space<vmem>> -> memref<1x16x1024xi32, #tpu.memory_space<vmem>>
    %dma_start3A_54 = tpu.memref_squeeze %dma_start3A_53 : memref<1x16x1024xi32, #tpu.memory_space<vmem>> -> memref<16x1024xi32, #tpu.memory_space<vmem>>
    %dma_start3A_55 = arith.constant 0 : i32
    %dma_start3A_56 = tpu.memref_slice %arg7[%dma_start3A_49, %dma_start3A_55] : memref<2x16xi32, #tpu.memory_space<vmem>> -> memref<1x16xi32, #tpu.memory_space<vmem>>
    %dma_start3A_57 = tpu.memref_squeeze %dma_start3A_56 : memref<1x16xi32, #tpu.memory_space<vmem>> -> memref<16xi32, #tpu.memory_space<vmem>>
    %dma_start3A_58 = arith.constant 0 : i32
    %dma_start3A_59 = arith.constant 0 : i32
    %dma_start3A_60 = tpu.memref_slice %arg2[%dma_start3A_58, %dma_start3A_59] : memref<18432x1024xi32, #tpu.memory_space<hbm>> -> memref<18432x1024xi32, #tpu.memory_space<hbm>>
    tpu.enqueue_indirect_dma source(%dma_start3A_60 : memref<18432x1024xi32, #tpu.memory_space<hbm>>) target(%dma_start3A_54 : memref<16x1024xi32, #tpu.memory_space<vmem>>) offsets(%dma_start3A_57 : memref<16xi32, #tpu.memory_space<vmem>>) semaphore(%arg11 : memref<!tpu.dma_semaphore, #tpu.memory_space<semaphore_mem>>)
    %scan3A = arith.constant 0 : i32
    %scan3A_61 = arith.constant 0 : i32
    %scan3A_62 = arith.constant 8 : i32
    %scan3A_63 = arith.addi %scan3A_61, %scan3A_62 : i32
    %scan3A_64 = arith.constant 1 : i32
    %scan3A_65 = scf.for %scan3A_67 = %scan3A_61 to %scan3A_63 step %scan3A_64 iter_args(%scan3A_68 = %scan3A) -> (i32)  : i32 {
      %mul3A_69 = arith.constant 2 : i32
      %mul3A_70 = arith.muli %mul3A_69, %scan3A_67 : i32
      %add3A_71 = arith.constant 0 : i32
      %add3A_72 = arith.addi %mul3A_70, %add3A_71 : i32
      %dma_wait3A = arith.constant 0 : i32
      %dma_wait3A_73 = arith.constant 0 : i32
      %dma_wait3A_74 = arith.constant 0 : i32
      %dma_wait3A_75 = arith.constant 0 : i32
      %dma_wait3A_76 = tpu.memref_slice %arg8[%dma_wait3A_73, %dma_wait3A_74, %dma_wait3A_75] : memref<2x16x1024xi32, #tpu.memory_space<vmem>> -> memref<1x16x1024xi32, #tpu.memory_space<vmem>>
      %dma_wait3A_77 = tpu.memref_squeeze %dma_wait3A_76 : memref<1x16x1024xi32, #tpu.memory_space<vmem>> -> memref<16x1024xi32, #tpu.memory_space<vmem>>
      %dma_wait3A_78 = arith.constant 0 : i32
      %dma_wait3A_79 = tpu.memref_slice %arg6[%dma_wait3A, %dma_wait3A_78] : memref<2x16xi32, #tpu.memory_space<vmem>> -> memref<1x16xi32, #tpu.memory_space<vmem>>
      %dma_wait3A_80 = tpu.memref_squeeze %dma_wait3A_79 : memref<1x16xi32, #tpu.memory_space<vmem>> -> memref<16xi32, #tpu.memory_space<vmem>>
      %dma_wait3A_81 = arith.constant 0 : i32
      %dma_wait3A_82 = arith.constant 0 : i32
      %dma_wait3A_83 = tpu.memref_slice %arg2[%dma_wait3A_81, %dma_wait3A_82] : memref<18432x1024xi32, #tpu.memory_space<hbm>> -> memref<18432x1024xi32, #tpu.memory_space<hbm>>
      tpu.wait_indirect_dma semaphore(%arg10 : memref<!tpu.dma_semaphore, #tpu.memory_space<semaphore_mem>>) src(%dma_wait3A_83 : memref<18432x1024xi32, #tpu.memory_space<hbm>>) dst(%dma_wait3A_77 : memref<16x1024xi32, #tpu.memory_space<vmem>>)
      %dma_wait3A_84 = arith.constant 0 : i32
      %dma_wait3A_85 = arith.constant 0 : i32
      %dma_wait3A_86 = arith.constant 0 : i32
      %dma_wait3A_87 = arith.constant 0 : i32
      %dma_wait3A_88 = tpu.memref_slice %arg9[%dma_wait3A_85, %dma_wait3A_86, %dma_wait3A_87] : memref<2x16x1024xi32, #tpu.memory_space<vmem>> -> memref<1x16x1024xi32, #tpu.memory_space<vmem>>
      %dma_wait3A_89 = tpu.memref_squeeze %dma_wait3A_88 : memref<1x16x1024xi32, #tpu.memory_space<vmem>> -> memref<16x1024xi32, #tpu.memory_space<vmem>>
      %dma_wait3A_90 = arith.constant 0 : i32
      %dma_wait3A_91 = tpu.memref_slice %arg7[%dma_wait3A_84, %dma_wait3A_90] : memref<2x16xi32, #tpu.memory_space<vmem>> -> memref<1x16xi32, #tpu.memory_space<vmem>>
      %dma_wait3A_92 = tpu.memref_squeeze %dma_wait3A_91 : memref<1x16xi32, #tpu.memory_space<vmem>> -> memref<16xi32, #tpu.memory_space<vmem>>
      %dma_wait3A_93 = arith.constant 0 : i32
      %dma_wait3A_94 = arith.constant 0 : i32
      %dma_wait3A_95 = tpu.memref_slice %arg2[%dma_wait3A_93, %dma_wait3A_94] : memref<18432x1024xi32, #tpu.memory_space<hbm>> -> memref<18432x1024xi32, #tpu.memory_space<hbm>>
      tpu.wait_indirect_dma semaphore(%arg10 : memref<!tpu.dma_semaphore, #tpu.memory_space<semaphore_mem>>) src(%dma_wait3A_95 : memref<18432x1024xi32, #tpu.memory_space<hbm>>) dst(%dma_wait3A_89 : memref<16x1024xi32, #tpu.memory_space<vmem>>)
      %scan3A_96 = arith.constant 0 : i32
      %scan3A_97 = arith.constant 0 : i32
      %scan3A_98 = arith.constant 1024 : i32
      %scan3A_99 = arith.addi %scan3A_97, %scan3A_98 : i32
      %scan3A_100 = arith.constant 1 : i32
      %scan3A_101 = scf.for %scan3A_158 = %scan3A_97 to %scan3A_99 step %scan3A_100 iter_args(%scan3A_159 = %scan3A_96) -> (i32)  : i32 {
        %jit3A = arith.constant 64 : i32
        %div3A = arith.divsi %scan3A_158, %jit3A : i32
        %sign3A = arith.constant 0 : i32
        %sign3A_160 = arith.cmpi sgt, %scan3A_158, %sign3A : i32
        %sign3A_161 = arith.extui %sign3A_160 : i1 to i32
        %sign3A_162 = arith.constant 0 : i32
        %sign3A_163 = arith.cmpi slt, %scan3A_158, %sign3A_162 : i32
        %sign3A_164 = arith.extui %sign3A_163 : i1 to i32
        %sign3A_165 = arith.subi %sign3A_161, %sign3A_164 : i32
        %sign3A_166 = arith.constant 0 : i32
        %sign3A_167 = arith.cmpi sgt, %jit3A, %sign3A_166 : i32
        %sign3A_168 = arith.extui %sign3A_167 : i1 to i32
        %sign3A_169 = arith.constant 0 : i32
        %sign3A_170 = arith.cmpi slt, %jit3A, %sign3A_169 : i32
        %sign3A_171 = arith.extui %sign3A_170 : i1 to i32
        %sign3A_172 = arith.subi %sign3A_168, %sign3A_171 : i32
        %ne3A = arith.cmpi ne, %sign3A_165, %sign3A_172 : i32
        %rem3A = arith.remsi %scan3A_158, %jit3A : i32
        %ne3A_173 = arith.constant 0 : i32
        %ne3A_174 = arith.cmpi ne, %rem3A, %ne3A_173 : i32
        %and3A = arith.andi %ne3A, %ne3A_174 : i1
        %sub3A = arith.constant 1 : i32
        %sub3A_175 = arith.subi %div3A, %sub3A : i32
        %select_n3A = arith.select %and3A, %sub3A_175, %div3A : i32
        %jit3A_176 = arith.constant 64 : i32
        %eq3A = arith.constant 0 : i32
        %eq3A_177 = arith.cmpi eq, %jit3A_176, %eq3A : i32
        %jit3A_178 = arith.constant 1 : i32
        %select_n3A_179 = arith.select %eq3A_177, %jit3A_178, %jit3A_176 : i32
        %rem3A_180 = arith.remsi %scan3A_158, %select_n3A_179 : i32
        %ne3A_181 = arith.constant 0 : i32
        %ne3A_182 = arith.cmpi ne, %rem3A_180, %ne3A_181 : i32
        %lt3A_183 = arith.constant 0 : i32
        %lt3A_184 = arith.cmpi slt, %rem3A_180, %lt3A_183 : i32
        %lt3A_185 = arith.constant 0 : i32
        %lt3A_186 = arith.cmpi slt, %select_n3A_179, %lt3A_185 : i32
        %ne3A_187 = arith.xori %lt3A_184, %lt3A_186 : i1
        %and3A_188 = arith.andi %ne3A_187, %ne3A_182 : i1
        %add3A_189 = arith.addi %rem3A_180, %select_n3A_179 : i32
        %select_n3A_190 = arith.select %and3A_188, %add3A_189, %rem3A_180 : i32
        %mul3A_191 = arith.constant 16 : i32
        %mul3A_192 = arith.muli %select_n3A_190, %mul3A_191 : i32
        %get3A = arith.constant 0 : i32
        %get3A_193 = arith.index_cast %get3A : i32 to index
        %get3A_194 = arith.index_cast %select_n3A : i32 to index
        %get3A_195 = arith.index_cast %mul3A_192 : i32 to index
        %get3A_196 = tpu.vector_load %arg8[%get3A_193, %get3A_194, %get3A_195] {strides = array<i32>} : memref<2x16x1024xi32, #tpu.memory_space<vmem>>, vector<16xi32>,
        %bitcast3A = vector.bitcast %get3A_196 : vector<16xi32> to vector<32xbf16>
        %get3A_197 = arith.constant 0 : i32
        %get3A_198 = arith.index_cast %get3A_197 : i32 to index
        %get3A_199 = arith.index_cast %select_n3A : i32 to index
        %get3A_200 = arith.index_cast %mul3A_192 : i32 to index
        %get3A_201 = tpu.vector_load %arg9[%get3A_198, %get3A_199, %get3A_200] {strides = array<i32>} : memref<2x16x1024xi32, #tpu.memory_space<vmem>>, vector<16xi32>,
        %bitcast3A_202 = vector.bitcast %get3A_201 : vector<16xi32> to vector<32xbf16>
        %add3A_203 = arith.addf %bitcast3A, %bitcast3A_202 : vector<32xbf16>
        %bitcast3A_204 = vector.bitcast %add3A_203 : vector<32xbf16> to vector<16xi32>
        %swap3A = arith.constant 0 : i32
        %swap3A_205 = arith.index_cast %swap3A : i32 to index
        %swap3A_206 = arith.index_cast %select_n3A : i32 to index
        %swap3A_207 = arith.index_cast %mul3A_192 : i32 to index
        %swap3A_208 = tpu.vector_load %arg8[%swap3A_205, %swap3A_206, %swap3A_207] {strides = array<i32>} : memref<2x16x1024xi32, #tpu.memory_space<vmem>>, vector<16xi32>,
        tpu.vector_store %arg8[%swap3A_205, %swap3A_206, %swap3A_207], %bitcast3A_204 {strides = array<i32>} : memref<2x16x1024xi32, #tpu.memory_space<vmem>>, vector<16xi32>,
        %scan3A_209 = arith.constant 0 : i32
        scf.yield %scan3A_209 : i32
      }
      %scan3A_102 = arith.constant 1024 : i32
      %mul3A_103 = arith.constant 16 : i32
      %mul3A_104 = arith.muli %add3A_72, %mul3A_103 : i32
      %add3A_105 = arith.addi %mul3A_2, %mul3A_104 : i32
      %run_scoped3A_106 = arith.constant 0 : i32
      "tpu.region"() ({
        %run_scoped3A_158 = tpu.sem_alloc : memref<!tpu.dma_semaphore, #tpu.memory_space<semaphore_mem>>
        %dma_start3A_159 = arith.constant 0 : i32
        %dma_start3A_160 = arith.constant 0 : i32
        %dma_start3A_161 = tpu.memref_slice %arg8[%run_scoped3A_106, %dma_start3A_159, %dma_start3A_160] : memref<2x16x1024xi32, #tpu.memory_space<vmem>> -> memref<1x16x1024xi32, #tpu.memory_space<vmem>>
        %dma_start3A_162 = tpu.memref_squeeze %dma_start3A_161 : memref<1x16x1024xi32, #tpu.memory_space<vmem>> -> memref<16x1024xi32, #tpu.memory_space<vmem>>
        %dma_start3A_163 = arith.constant 0 : i32
        %dma_start3A_164 = tpu.memref_slice %arg5[%add3A_105, %dma_start3A_163] : memref<8192x1024xi32, #tpu.memory_space<hbm>> -> memref<16x1024xi32, #tpu.memory_space<hbm>>
        %dma_start3A_165 = arith.constant 0 : i32
        %dma_start3A_166 = tpu.memref_slice %arg5[%add3A_105, %dma_start3A_165] : memref<8192x1024xi32, #tpu.memory_space<hbm>> -> memref<16x1024xi32, #tpu.memory_space<hbm>>
        %dma_start3A_167 = arith.constant 0 : i32
        %dma_start3A_168 = arith.constant 0 : i32
        %dma_start3A_169 = tpu.memref_slice %arg8[%run_scoped3A_106, %dma_start3A_167, %dma_start3A_168] : memref<2x16x1024xi32, #tpu.memory_space<vmem>> -> memref<1x16x1024xi32, #tpu.memory_space<vmem>>
        %dma_start3A_170 = tpu.memref_squeeze %dma_start3A_169 : memref<1x16x1024xi32, #tpu.memory_space<vmem>> -> memref<16x1024xi32, #tpu.memory_space<vmem>>
        tpu.enqueue_dma source(%dma_start3A_170 : memref<16x1024xi32, #tpu.memory_space<vmem>>) target(%dma_start3A_166 : memref<16x1024xi32, #tpu.memory_space<hbm>>) target_semaphore(%run_scoped3A_158 : memref<!tpu.dma_semaphore, #tpu.memory_space<semaphore_mem>>)
        %dma_wait3A_171 = arith.constant 0 : i32
        %dma_wait3A_172 = arith.constant 0 : i32
        %dma_wait3A_173 = tpu.memref_slice %arg8[%run_scoped3A_106, %dma_wait3A_171, %dma_wait3A_172] : memref<2x16x1024xi32, #tpu.memory_space<vmem>> -> memref<1x16x1024xi32, #tpu.memory_space<vmem>>
        %dma_wait3A_174 = tpu.memref_squeeze %dma_wait3A_173 : memref<1x16x1024xi32, #tpu.memory_space<vmem>> -> memref<16x1024xi32, #tpu.memory_space<vmem>>
        %dma_wait3A_175 = arith.constant 0 : i32
        %dma_wait3A_176 = tpu.memref_slice %arg5[%add3A_105, %dma_wait3A_175] : memref<8192x1024xi32, #tpu.memory_space<hbm>> -> memref<16x1024xi32, #tpu.memory_space<hbm>>
        %dma_wait3A_177 = arith.constant 0 : i32
        %dma_wait3A_178 = tpu.memref_slice %arg5[%add3A_105, %dma_wait3A_177] : memref<8192x1024xi32, #tpu.memory_space<hbm>> -> memref<16x1024xi32, #tpu.memory_space<hbm>>
        %dma_wait3A_179 = arith.constant 0 : i32
        %dma_wait3A_180 = arith.constant 0 : i32
        %dma_wait3A_181 = tpu.memref_slice %arg8[%run_scoped3A_106, %dma_wait3A_179, %dma_wait3A_180] : memref<2x16x1024xi32, #tpu.memory_space<vmem>> -> memref<1x16x1024xi32, #tpu.memory_space<vmem>>
        %dma_wait3A_182 = tpu.memref_squeeze %dma_wait3A_181 : memref<1x16x1024xi32, #tpu.memory_space<vmem>> -> memref<16x1024xi32, #tpu.memory_space<vmem>>
        tpu.wait_dma2 semaphore(%run_scoped3A_158 : memref<!tpu.dma_semaphore, #tpu.memory_space<semaphore_mem>>) src(%dma_wait3A_182 : memref<16x1024xi32, #tpu.memory_space<vmem>>) dst(%dma_wait3A_178 : memref<16x1024xi32, #tpu.memory_space<hbm>>)
        tpu.yield
      }) : () -> ()
      %add3A_107 = arith.constant 2 : i32
      %add3A_108 = arith.addi %add3A_72, %add3A_107 : i32
      %lt3A = arith.constant 16 : i32
      %lt3A_109 = arith.cmpi slt, %add3A_108, %lt3A : i32
      %convert_element_type3A = arith.extui %lt3A_109 : i1 to i32
      %cond3A = arith.constant 0 : i32
      %cond3A_110 = arith.cmpi ne, %convert_element_type3A, %cond3A : i32
      scf.if %cond3A_110 {
        %add3A_158 = arith.constant 2 : i32
        %add3A_159 = arith.addi %add3A_72, %add3A_158 : i32
        %mul3A_160 = arith.constant 16 : i32
        %mul3A_161 = arith.muli %add3A_159, %mul3A_160 : i32
        %add3A_162 = arith.addi %mul3A_2, %mul3A_161 : i32
        %run_scoped3A_163 = arith.constant 0 : i32
        "tpu.region"() ({
          %run_scoped3A_192 = tpu.sem_alloc : memref<!tpu.dma_semaphore, #tpu.memory_space<semaphore_mem>>
          %dma_start3A_193 = arith.constant 0 : i32
          %dma_start3A_194 = tpu.memref_slice %arg6[%run_scoped3A_163, %dma_start3A_193] : memref<2x16xi32, #tpu.memory_space<vmem>> -> memref<1x16xi32, #tpu.memory_space<vmem>>
          %dma_start3A_195 = tpu.memref_squeeze %dma_start3A_194 : memref<1x16xi32, #tpu.memory_space<vmem>> -> memref<16xi32, #tpu.memory_space<vmem>>
          %dma_start3A_196 = tpu.memref_slice %arg3[%add3A_162] : memref<8192xi32, #tpu.memory_space<hbm>> -> memref<16xi32, #tpu.memory_space<hbm>>
          %dma_start3A_197 = arith.constant 0 : i32
          %dma_start3A_198 = tpu.memref_slice %arg6[%run_scoped3A_163, %dma_start3A_197] : memref<2x16xi32, #tpu.memory_space<vmem>> -> memref<1x16xi32, #tpu.memory_space<vmem>>
          %dma_start3A_199 = tpu.memref_squeeze %dma_start3A_198 : memref<1x16xi32, #tpu.memory_space<vmem>> -> memref<16xi32, #tpu.memory_space<vmem>>
          %dma_start3A_200 = tpu.memref_slice %arg3[%add3A_162] : memref<8192xi32, #tpu.memory_space<hbm>> -> memref<16xi32, #tpu.memory_space<hbm>>
          tpu.enqueue_dma source(%dma_start3A_200 : memref<16xi32, #tpu.memory_space<hbm>>) target(%dma_start3A_199 : memref<16xi32, #tpu.memory_space<vmem>>) target_semaphore(%run_scoped3A_192 : memref<!tpu.dma_semaphore, #tpu.memory_space<semaphore_mem>>)
          %dma_wait3A_201 = arith.constant 0 : i32
          %dma_wait3A_202 = tpu.memref_slice %arg6[%run_scoped3A_163, %dma_wait3A_201] : memref<2x16xi32, #tpu.memory_space<vmem>> -> memref<1x16xi32, #tpu.memory_space<vmem>>
          %dma_wait3A_203 = tpu.memref_squeeze %dma_wait3A_202 : memref<1x16xi32, #tpu.memory_space<vmem>> -> memref<16xi32, #tpu.memory_space<vmem>>
          %dma_wait3A_204 = tpu.memref_slice %arg3[%add3A_162] : memref<8192xi32, #tpu.memory_space<hbm>> -> memref<16xi32, #tpu.memory_space<hbm>>
          %dma_wait3A_205 = arith.constant 0 : i32
          %dma_wait3A_206 = tpu.memref_slice %arg6[%run_scoped3A_163, %dma_wait3A_205] : memref<2x16xi32, #tpu.memory_space<vmem>> -> memref<1x16xi32, #tpu.memory_space<vmem>>
          %dma_wait3A_207 = tpu.memref_squeeze %dma_wait3A_206 : memref<1x16xi32, #tpu.memory_space<vmem>> -> memref<16xi32, #tpu.memory_space<vmem>>
          %dma_wait3A_208 = tpu.memref_slice %arg3[%add3A_162] : memref<8192xi32, #tpu.memory_space<hbm>> -> memref<16xi32, #tpu.memory_space<hbm>>
          tpu.wait_dma2 semaphore(%run_scoped3A_192 : memref<!tpu.dma_semaphore, #tpu.memory_space<semaphore_mem>>) src(%dma_wait3A_208 : memref<16xi32, #tpu.memory_space<hbm>>) dst(%dma_wait3A_207 : memref<16xi32, #tpu.memory_space<vmem>>)
          tpu.yield
        }) : () -> ()
        %mul3A_164 = arith.constant 16 : i32
        %mul3A_165 = arith.muli %add3A_159, %mul3A_164 : i32
        %add3A_166 = arith.addi %mul3A_2, %mul3A_165 : i32
        %run_scoped3A_167 = arith.constant 0 : i32
        "tpu.region"() ({
          %run_scoped3A_192 = tpu.sem_alloc : memref<!tpu.dma_semaphore, #tpu.memory_space<semaphore_mem>>
          %dma_start3A_193 = arith.constant 0 : i32
          %dma_start3A_194 = tpu.memref_slice %arg7[%run_scoped3A_167, %dma_start3A_193] : memref<2x16xi32, #tpu.memory_space<vmem>> -> memref<1x16xi32, #tpu.memory_space<vmem>>
          %dma_start3A_195 = tpu.memref_squeeze %dma_start3A_194 : memref<1x16xi32, #tpu.memory_space<vmem>> -> memref<16xi32, #tpu.memory_space<vmem>>
          %dma_start3A_196 = tpu.memref_slice %arg4[%add3A_166] : memref<8192xi32, #tpu.memory_space<hbm>> -> memref<16xi32, #tpu.memory_space<hbm>>
          %dma_start3A_197 = arith.constant 0 : i32
          %dma_start3A_198 = tpu.memref_slice %arg7[%run_scoped3A_167, %dma_start3A_197] : memref<2x16xi32, #tpu.memory_space<vmem>> -> memref<1x16xi32, #tpu.memory_space<vmem>>
          %dma_start3A_199 = tpu.memref_squeeze %dma_start3A_198 : memref<1x16xi32, #tpu.memory_space<vmem>> -> memref<16xi32, #tpu.memory_space<vmem>>
          %dma_start3A_200 = tpu.memref_slice %arg4[%add3A_166] : memref<8192xi32, #tpu.memory_space<hbm>> -> memref<16xi32, #tpu.memory_space<hbm>>
          tpu.enqueue_dma source(%dma_start3A_200 : memref<16xi32, #tpu.memory_space<hbm>>) target(%dma_start3A_199 : memref<16xi32, #tpu.memory_space<vmem>>) target_semaphore(%run_scoped3A_192 : memref<!tpu.dma_semaphore, #tpu.memory_space<semaphore_mem>>)
          %dma_wait3A_201 = arith.constant 0 : i32
          %dma_wait3A_202 = tpu.memref_slice %arg7[%run_scoped3A_167, %dma_wait3A_201] : memref<2x16xi32, #tpu.memory_space<vmem>> -> memref<1x16xi32, #tpu.memory_space<vmem>>
          %dma_wait3A_203 = tpu.memref_squeeze %dma_wait3A_202 : memref<1x16xi32, #tpu.memory_space<vmem>> -> memref<16xi32, #tpu.memory_space<vmem>>
          %dma_wait3A_204 = tpu.memref_slice %arg4[%add3A_166] : memref<8192xi32, #tpu.memory_space<hbm>> -> memref<16xi32, #tpu.memory_space<hbm>>
          %dma_wait3A_205 = arith.constant 0 : i32
          %dma_wait3A_206 = tpu.memref_slice %arg7[%run_scoped3A_167, %dma_wait3A_205] : memref<2x16xi32, #tpu.memory_space<vmem>> -> memref<1x16xi32, #tpu.memory_space<vmem>>
          %dma_wait3A_207 = tpu.memref_squeeze %dma_wait3A_206 : memref<1x16xi32, #tpu.memory_space<vmem>> -> memref<16xi32, #tpu.memory_space<vmem>>
          %dma_wait3A_208 = tpu.memref_slice %arg4[%add3A_166] : memref<8192xi32, #tpu.memory_space<hbm>> -> memref<16xi32, #tpu.memory_space<hbm>>
          tpu.wait_dma2 semaphore(%run_scoped3A_192 : memref<!tpu.dma_semaphore, #tpu.memory_space<semaphore_mem>>) src(%dma_wait3A_208 : memref<16xi32, #tpu.memory_space<hbm>>) dst(%dma_wait3A_207 : memref<16xi32, #tpu.memory_space<vmem>>)
          tpu.yield
        }) : () -> ()
        %dma_start3A_168 = arith.constant 0 : i32
        %dma_start3A_169 = arith.constant 0 : i32
        %dma_start3A_170 = arith.constant 0 : i32
        %dma_start3A_171 = arith.constant 0 : i32
        %dma_start3A_172 = tpu.memref_slice %arg8[%dma_start3A_169, %dma_start3A_170, %dma_start3A_171] : memref<2x16x1024xi32, #tpu.memory_space<vmem>> -> memref<1x16x1024xi32, #tpu.memory_space<vmem>>
        %dma_start3A_173 = tpu.memref_squeeze %dma_start3A_172 : memref<1x16x1024xi32, #tpu.memory_space<vmem>> -> memref<16x1024xi32, #tpu.memory_space<vmem>>
        %dma_start3A_174 = arith.constant 0 : i32
        %dma_start3A_175 = tpu.memref_slice %arg6[%dma_start3A_168, %dma_start3A_174] : memref<2x16xi32, #tpu.memory_space<vmem>> -> memref<1x16xi32, #tpu.memory_space<vmem>>
        %dma_start3A_176 = tpu.memref_squeeze %dma_start3A_175 : memref<1x16xi32, #tpu.memory_space<vmem>> -> memref<16xi32, #tpu.memory_space<vmem>>
        %dma_start3A_177 = arith.constant 0 : i32
        %dma_start3A_178 = arith.constant 0 : i32
        %dma_start3A_179 = tpu.memref_slice %arg2[%dma_start3A_177, %dma_start3A_178] : memref<18432x1024xi32, #tpu.memory_space<hbm>> -> memref<18432x1024xi32, #tpu.memory_space<hbm>>
        tpu.enqueue_indirect_dma source(%dma_start3A_179 : memref<18432x1024xi32, #tpu.memory_space<hbm>>) target(%dma_start3A_173 : memref<16x1024xi32, #tpu.memory_space<vmem>>) offsets(%dma_start3A_176 : memref<16xi32, #tpu.memory_space<vmem>>) semaphore(%arg10 : memref<!tpu.dma_semaphore, #tpu.memory_space<semaphore_mem>>)
        %dma_start3A_180 = arith.constant 0 : i32
        %dma_start3A_181 = arith.constant 0 : i32
        %dma_start3A_182 = arith.constant 0 : i32
        %dma_start3A_183 = arith.constant 0 : i32
        %dma_start3A_184 = tpu.memref_slice %arg9[%dma_start3A_181, %dma_start3A_182, %dma_start3A_183] : memref<2x16x1024xi32, #tpu.memory_space<vmem>> -> memref<1x16x1024xi32, #tpu.memory_space<vmem>>
        %dma_start3A_185 = tpu.memref_squeeze %dma_start3A_184 : memref<1x16x1024xi32, #tpu.memory_space<vmem>> -> memref<16x1024xi32, #tpu.memory_space<vmem>>
        %dma_start3A_186 = arith.constant 0 : i32
        %dma_start3A_187 = tpu.memref_slice %arg7[%dma_start3A_180, %dma_start3A_186] : memref<2x16xi32, #tpu.memory_space<vmem>> -> memref<1x16xi32, #tpu.memory_space<vmem>>
        %dma_start3A_188 = tpu.memref_squeeze %dma_start3A_187 : memref<1x16xi32, #tpu.memory_space<vmem>> -> memref<16xi32, #tpu.memory_space<vmem>>
        %dma_start3A_189 = arith.constant 0 : i32
        %dma_start3A_190 = arith.constant 0 : i32
        %dma_start3A_191 = tpu.memref_slice %arg2[%dma_start3A_189, %dma_start3A_190] : memref<18432x1024xi32, #tpu.memory_space<hbm>> -> memref<18432x1024xi32, #tpu.memory_space<hbm>>
        tpu.enqueue_indirect_dma source(%dma_start3A_191 : memref<18432x1024xi32, #tpu.memory_space<hbm>>) target(%dma_start3A_185 : memref<16x1024xi32, #tpu.memory_space<vmem>>) offsets(%dma_start3A_188 : memref<16xi32, #tpu.memory_space<vmem>>) semaphore(%arg10 : memref<!tpu.dma_semaphore, #tpu.memory_space<semaphore_mem>>)
      } else {
      }
      %mul3A_111 = arith.constant 2 : i32
      %mul3A_112 = arith.muli %mul3A_111, %scan3A_67 : i32
      %add3A_113 = arith.constant 1 : i32
      %add3A_114 = arith.addi %mul3A_112, %add3A_113 : i32
      %dma_wait3A_115 = arith.constant 1 : i32
      %dma_wait3A_116 = arith.constant 1 : i32
      %dma_wait3A_117 = arith.constant 0 : i32
      %dma_wait3A_118 = arith.constant 0 : i32
      %dma_wait3A_119 = tpu.memref_slice %arg8[%dma_wait3A_116, %dma_wait3A_117, %dma_wait3A_118] : memref<2x16x1024xi32, #tpu.memory_space<vmem>> -> memref<1x16x1024xi32, #tpu.memory_space<vmem>>
      %dma_wait3A_120 = tpu.memref_squeeze %dma_wait3A_119 : memref<1x16x1024xi32, #tpu.memory_space<vmem>> -> memref<16x1024xi32, #tpu.memory_space<vmem>>
      %dma_wait3A_121 = arith.constant 0 : i32
      %dma_wait3A_122 = tpu.memref_slice %arg6[%dma_wait3A_115, %dma_wait3A_121] : memref<2x16xi32, #tpu.memory_space<vmem>> -> memref<1x16xi32, #tpu.memory_space<vmem>>
      %dma_wait3A_123 = tpu.memref_squeeze %dma_wait3A_122 : memref<1x16xi32, #tpu.memory_space<vmem>> -> memref<16xi32, #tpu.memory_space<vmem>>
      %dma_wait3A_124 = arith.constant 0 : i32
      %dma_wait3A_125 = arith.constant 0 : i32
      %dma_wait3A_126 = tpu.memref_slice %arg2[%dma_wait3A_124, %dma_wait3A_125] : memref<18432x1024xi32, #tpu.memory_space<hbm>> -> memref<18432x1024xi32, #tpu.memory_space<hbm>>
      tpu.wait_indirect_dma semaphore(%arg11 : memref<!tpu.dma_semaphore, #tpu.memory_space<semaphore_mem>>) src(%dma_wait3A_126 : memref<18432x1024xi32, #tpu.memory_space<hbm>>) dst(%dma_wait3A_120 : memref<16x1024xi32, #tpu.memory_space<vmem>>)
      %dma_wait3A_127 = arith.constant 1 : i32
      %dma_wait3A_128 = arith.constant 1 : i32
      %dma_wait3A_129 = arith.constant 0 : i32
      %dma_wait3A_130 = arith.constant 0 : i32
      %dma_wait3A_131 = tpu.memref_slice %arg9[%dma_wait3A_128, %dma_wait3A_129, %dma_wait3A_130] : memref<2x16x1024xi32, #tpu.memory_space<vmem>> -> memref<1x16x1024xi32, #tpu.memory_space<vmem>>
      %dma_wait3A_132 = tpu.memref_squeeze %dma_wait3A_131 : memref<1x16x1024xi32, #tpu.memory_space<vmem>> -> memref<16x1024xi32, #tpu.memory_space<vmem>>
      %dma_wait3A_133 = arith.constant 0 : i32
      %dma_wait3A_134 = tpu.memref_slice %arg7[%dma_wait3A_127, %dma_wait3A_133] : memref<2x16xi32, #tpu.memory_space<vmem>> -> memref<1x16xi32, #tpu.memory_space<vmem>>
      %dma_wait3A_135 = tpu.memref_squeeze %dma_wait3A_134 : memref<1x16xi32, #tpu.memory_space<vmem>> -> memref<16xi32, #tpu.memory_space<vmem>>
      %dma_wait3A_136 = arith.constant 0 : i32
      %dma_wait3A_137 = arith.constant 0 : i32
      %dma_wait3A_138 = tpu.memref_slice %arg2[%dma_wait3A_136, %dma_wait3A_137] : memref<18432x1024xi32, #tpu.memory_space<hbm>> -> memref<18432x1024xi32, #tpu.memory_space<hbm>>
      tpu.wait_indirect_dma semaphore(%arg11 : memref<!tpu.dma_semaphore, #tpu.memory_space<semaphore_mem>>) src(%dma_wait3A_138 : memref<18432x1024xi32, #tpu.memory_space<hbm>>) dst(%dma_wait3A_132 : memref<16x1024xi32, #tpu.memory_space<vmem>>)
      %scan3A_139 = arith.constant 0 : i32
      %scan3A_140 = arith.constant 0 : i32
      %scan3A_141 = arith.constant 1024 : i32
      %scan3A_142 = arith.addi %scan3A_140, %scan3A_141 : i32
      %scan3A_143 = arith.constant 1 : i32
      %scan3A_144 = scf.for %scan3A_158 = %scan3A_140 to %scan3A_142 step %scan3A_143 iter_args(%scan3A_159 = %scan3A_139) -> (i32)  : i32 {
        %jit3A = arith.constant 64 : i32
        %div3A = arith.divsi %scan3A_158, %jit3A : i32
        %sign3A = arith.constant 0 : i32
        %sign3A_160 = arith.cmpi sgt, %scan3A_158, %sign3A : i32
        %sign3A_161 = arith.extui %sign3A_160 : i1 to i32
        %sign3A_162 = arith.constant 0 : i32
        %sign3A_163 = arith.cmpi slt, %scan3A_158, %sign3A_162 : i32
        %sign3A_164 = arith.extui %sign3A_163 : i1 to i32
        %sign3A_165 = arith.subi %sign3A_161, %sign3A_164 : i32
        %sign3A_166 = arith.constant 0 : i32
        %sign3A_167 = arith.cmpi sgt, %jit3A, %sign3A_166 : i32
        %sign3A_168 = arith.extui %sign3A_167 : i1 to i32
        %sign3A_169 = arith.constant 0 : i32
        %sign3A_170 = arith.cmpi slt, %jit3A, %sign3A_169 : i32
        %sign3A_171 = arith.extui %sign3A_170 : i1 to i32
        %sign3A_172 = arith.subi %sign3A_168, %sign3A_171 : i32
        %ne3A = arith.cmpi ne, %sign3A_165, %sign3A_172 : i32
        %rem3A = arith.remsi %scan3A_158, %jit3A : i32
        %ne3A_173 = arith.constant 0 : i32
        %ne3A_174 = arith.cmpi ne, %rem3A, %ne3A_173 : i32
        %and3A = arith.andi %ne3A, %ne3A_174 : i1
        %sub3A = arith.constant 1 : i32
        %sub3A_175 = arith.subi %div3A, %sub3A : i32
        %select_n3A = arith.select %and3A, %sub3A_175, %div3A : i32
        %jit3A_176 = arith.constant 64 : i32
        %eq3A = arith.constant 0 : i32
        %eq3A_177 = arith.cmpi eq, %jit3A_176, %eq3A : i32
        %jit3A_178 = arith.constant 1 : i32
        %select_n3A_179 = arith.select %eq3A_177, %jit3A_178, %jit3A_176 : i32
        %rem3A_180 = arith.remsi %scan3A_158, %select_n3A_179 : i32
        %ne3A_181 = arith.constant 0 : i32
        %ne3A_182 = arith.cmpi ne, %rem3A_180, %ne3A_181 : i32
        %lt3A_183 = arith.constant 0 : i32
        %lt3A_184 = arith.cmpi slt, %rem3A_180, %lt3A_183 : i32
        %lt3A_185 = arith.constant 0 : i32
        %lt3A_186 = arith.cmpi slt, %select_n3A_179, %lt3A_185 : i32
        %ne3A_187 = arith.xori %lt3A_184, %lt3A_186 : i1
        %and3A_188 = arith.andi %ne3A_187, %ne3A_182 : i1
        %add3A_189 = arith.addi %rem3A_180, %select_n3A_179 : i32
        %select_n3A_190 = arith.select %and3A_188, %add3A_189, %rem3A_180 : i32
        %mul3A_191 = arith.constant 16 : i32
        %mul3A_192 = arith.muli %select_n3A_190, %mul3A_191 : i32
        %get3A = arith.constant 1 : i32
        %get3A_193 = arith.index_cast %get3A : i32 to index
        %get3A_194 = arith.index_cast %select_n3A : i32 to index
        %get3A_195 = arith.index_cast %mul3A_192 : i32 to index
        %get3A_196 = tpu.vector_load %arg8[%get3A_193, %get3A_194, %get3A_195] {strides = array<i32>} : memref<2x16x1024xi32, #tpu.memory_space<vmem>>, vector<16xi32>,
        %bitcast3A = vector.bitcast %get3A_196 : vector<16xi32> to vector<32xbf16>
        %get3A_197 = arith.constant 1 : i32
        %get3A_198 = arith.index_cast %get3A_197 : i32 to index
        %get3A_199 = arith.index_cast %select_n3A : i32 to index
        %get3A_200 = arith.index_cast %mul3A_192 : i32 to index
        %get3A_201 = tpu.vector_load %arg9[%get3A_198, %get3A_199, %get3A_200] {strides = array<i32>} : memref<2x16x1024xi32, #tpu.memory_space<vmem>>, vector<16xi32>,
        %bitcast3A_202 = vector.bitcast %get3A_201 : vector<16xi32> to vector<32xbf16>
        %add3A_203 = arith.addf %bitcast3A, %bitcast3A_202 : vector<32xbf16>
        %bitcast3A_204 = vector.bitcast %add3A_203 : vector<32xbf16> to vector<16xi32>
        %swap3A = arith.constant 1 : i32
        %swap3A_205 = arith.index_cast %swap3A : i32 to index
        %swap3A_206 = arith.index_cast %select_n3A : i32 to index
        %swap3A_207 = arith.index_cast %mul3A_192 : i32 to index
        %swap3A_208 = tpu.vector_load %arg8[%swap3A_205, %swap3A_206, %swap3A_207] {strides = array<i32>} : memref<2x16x1024xi32, #tpu.memory_space<vmem>>, vector<16xi32>,
        tpu.vector_store %arg8[%swap3A_205, %swap3A_206, %swap3A_207], %bitcast3A_204 {strides = array<i32>} : memref<2x16x1024xi32, #tpu.memory_space<vmem>>, vector<16xi32>,
        %scan3A_209 = arith.constant 0 : i32
        scf.yield %scan3A_209 : i32
      }
      %scan3A_145 = arith.constant 1024 : i32
      %mul3A_146 = arith.constant 16 : i32
      %mul3A_147 = arith.muli %add3A_114, %mul3A_146 : i32
      %add3A_148 = arith.addi %mul3A_2, %mul3A_147 : i32
      %run_scoped3A_149 = arith.constant 1 : i32
      "tpu.region"() ({
        %run_scoped3A_158 = tpu.sem_alloc : memref<!tpu.dma_semaphore, #tpu.memory_space<semaphore_mem>>
        %dma_start3A_159 = arith.constant 0 : i32
        %dma_start3A_160 = arith.constant 0 : i32
        %dma_start3A_161 = tpu.memref_slice %arg8[%run_scoped3A_149, %dma_start3A_159, %dma_start3A_160] : memref<2x16x1024xi32, #tpu.memory_space<vmem>> -> memref<1x16x1024xi32, #tpu.memory_space<vmem>>
        %dma_start3A_162 = tpu.memref_squeeze %dma_start3A_161 : memref<1x16x1024xi32, #tpu.memory_space<vmem>> -> memref<16x1024xi32, #tpu.memory_space<vmem>>
        %dma_start3A_163 = arith.constant 0 : i32
        %dma_start3A_164 = tpu.memref_slice %arg5[%add3A_148, %dma_start3A_163] : memref<8192x1024xi32, #tpu.memory_space<hbm>> -> memref<16x1024xi32, #tpu.memory_space<hbm>>
        %dma_start3A_165 = arith.constant 0 : i32
        %dma_start3A_166 = tpu.memref_slice %arg5[%add3A_148, %dma_start3A_165] : memref<8192x1024xi32, #tpu.memory_space<hbm>> -> memref<16x1024xi32, #tpu.memory_space<hbm>>
        %dma_start3A_167 = arith.constant 0 : i32
        %dma_start3A_168 = arith.constant 0 : i32
        %dma_start3A_169 = tpu.memref_slice %arg8[%run_scoped3A_149, %dma_start3A_167, %dma_start3A_168] : memref<2x16x1024xi32, #tpu.memory_space<vmem>> -> memref<1x16x1024xi32, #tpu.memory_space<vmem>>
        %dma_start3A_170 = tpu.memref_squeeze %dma_start3A_169 : memref<1x16x1024xi32, #tpu.memory_space<vmem>> -> memref<16x1024xi32, #tpu.memory_space<vmem>>
        tpu.enqueue_dma source(%dma_start3A_170 : memref<16x1024xi32, #tpu.memory_space<vmem>>) target(%dma_start3A_166 : memref<16x1024xi32, #tpu.memory_space<hbm>>) target_semaphore(%run_scoped3A_158 : memref<!tpu.dma_semaphore, #tpu.memory_space<semaphore_mem>>)
        %dma_wait3A_171 = arith.constant 0 : i32
        %dma_wait3A_172 = arith.constant 0 : i32
        %dma_wait3A_173 = tpu.memref_slice %arg8[%run_scoped3A_149, %dma_wait3A_171, %dma_wait3A_172] : memref<2x16x1024xi32, #tpu.memory_space<vmem>> -> memref<1x16x1024xi32, #tpu.memory_space<vmem>>
        %dma_wait3A_174 = tpu.memref_squeeze %dma_wait3A_173 : memref<1x16x1024xi32, #tpu.memory_space<vmem>> -> memref<16x1024xi32, #tpu.memory_space<vmem>>
        %dma_wait3A_175 = arith.constant 0 : i32
        %dma_wait3A_176 = tpu.memref_slice %arg5[%add3A_148, %dma_wait3A_175] : memref<8192x1024xi32, #tpu.memory_space<hbm>> -> memref<16x1024xi32, #tpu.memory_space<hbm>>
        %dma_wait3A_177 = arith.constant 0 : i32
        %dma_wait3A_178 = tpu.memref_slice %arg5[%add3A_148, %dma_wait3A_177] : memref<8192x1024xi32, #tpu.memory_space<hbm>> -> memref<16x1024xi32, #tpu.memory_space<hbm>>
        %dma_wait3A_179 = arith.constant 0 : i32
        %dma_wait3A_180 = arith.constant 0 : i32
        %dma_wait3A_181 = tpu.memref_slice %arg8[%run_scoped3A_149, %dma_wait3A_179, %dma_wait3A_180] : memref<2x16x1024xi32, #tpu.memory_space<vmem>> -> memref<1x16x1024xi32, #tpu.memory_space<vmem>>
        %dma_wait3A_182 = tpu.memref_squeeze %dma_wait3A_181 : memref<1x16x1024xi32, #tpu.memory_space<vmem>> -> memref<16x1024xi32, #tpu.memory_space<vmem>>
        tpu.wait_dma2 semaphore(%run_scoped3A_158 : memref<!tpu.dma_semaphore, #tpu.memory_space<semaphore_mem>>) src(%dma_wait3A_182 : memref<16x1024xi32, #tpu.memory_space<vmem>>) dst(%dma_wait3A_178 : memref<16x1024xi32, #tpu.memory_space<hbm>>)
        tpu.yield
      }) : () -> ()
      %add3A_150 = arith.constant 2 : i32
      %add3A_151 = arith.addi %add3A_114, %add3A_150 : i32
      %lt3A_152 = arith.constant 16 : i32
      %lt3A_153 = arith.cmpi slt, %add3A_151, %lt3A_152 : i32
      %convert_element_type3A_154 = arith.extui %lt3A_153 : i1 to i32
      %cond3A_155 = arith.constant 0 : i32
      %cond3A_156 = arith.cmpi ne, %convert_element_type3A_154, %cond3A_155 : i32
      scf.if %cond3A_156 {
        %add3A_158 = arith.constant 2 : i32
        %add3A_159 = arith.addi %add3A_114, %add3A_158 : i32
        %mul3A_160 = arith.constant 16 : i32
        %mul3A_161 = arith.muli %add3A_159, %mul3A_160 : i32
        %add3A_162 = arith.addi %mul3A_2, %mul3A_161 : i32
        %run_scoped3A_163 = arith.constant 1 : i32
        "tpu.region"() ({
          %run_scoped3A_192 = tpu.sem_alloc : memref<!tpu.dma_semaphore, #tpu.memory_space<semaphore_mem>>
          %dma_start3A_193 = arith.constant 0 : i32
          %dma_start3A_194 = tpu.memref_slice %arg6[%run_scoped3A_163, %dma_start3A_193] : memref<2x16xi32, #tpu.memory_space<vmem>> -> memref<1x16xi32, #tpu.memory_space<vmem>>
          %dma_start3A_195 = tpu.memref_squeeze %dma_start3A_194 : memref<1x16xi32, #tpu.memory_space<vmem>> -> memref<16xi32, #tpu.memory_space<vmem>>
          %dma_start3A_196 = tpu.memref_slice %arg3[%add3A_162] : memref<8192xi32, #tpu.memory_space<hbm>> -> memref<16xi32, #tpu.memory_space<hbm>>
          %dma_start3A_197 = arith.constant 0 : i32
          %dma_start3A_198 = tpu.memref_slice %arg6[%run_scoped3A_163, %dma_start3A_197] : memref<2x16xi32, #tpu.memory_space<vmem>> -> memref<1x16xi32, #tpu.memory_space<vmem>>
          %dma_start3A_199 = tpu.memref_squeeze %dma_start3A_198 : memref<1x16xi32, #tpu.memory_space<vmem>> -> memref<16xi32, #tpu.memory_space<vmem>>
          %dma_start3A_200 = tpu.memref_slice %arg3[%add3A_162] : memref<8192xi32, #tpu.memory_space<hbm>> -> memref<16xi32, #tpu.memory_space<hbm>>
          tpu.enqueue_dma source(%dma_start3A_200 : memref<16xi32, #tpu.memory_space<hbm>>) target(%dma_start3A_199 : memref<16xi32, #tpu.memory_space<vmem>>) target_semaphore(%run_scoped3A_192 : memref<!tpu.dma_semaphore, #tpu.memory_space<semaphore_mem>>)
          %dma_wait3A_201 = arith.constant 0 : i32
          %dma_wait3A_202 = tpu.memref_slice %arg6[%run_scoped3A_163, %dma_wait3A_201] : memref<2x16xi32, #tpu.memory_space<vmem>> -> memref<1x16xi32, #tpu.memory_space<vmem>>
          %dma_wait3A_203 = tpu.memref_squeeze %dma_wait3A_202 : memref<1x16xi32, #tpu.memory_space<vmem>> -> memref<16xi32, #tpu.memory_space<vmem>>
          %dma_wait3A_204 = tpu.memref_slice %arg3[%add3A_162] : memref<8192xi32, #tpu.memory_space<hbm>> -> memref<16xi32, #tpu.memory_space<hbm>>
          %dma_wait3A_205 = arith.constant 0 : i32
          %dma_wait3A_206 = tpu.memref_slice %arg6[%run_scoped3A_163, %dma_wait3A_205] : memref<2x16xi32, #tpu.memory_space<vmem>> -> memref<1x16xi32, #tpu.memory_space<vmem>>
          %dma_wait3A_207 = tpu.memref_squeeze %dma_wait3A_206 : memref<1x16xi32, #tpu.memory_space<vmem>> -> memref<16xi32, #tpu.memory_space<vmem>>
          %dma_wait3A_208 = tpu.memref_slice %arg3[%add3A_162] : memref<8192xi32, #tpu.memory_space<hbm>> -> memref<16xi32, #tpu.memory_space<hbm>>
          tpu.wait_dma2 semaphore(%run_scoped3A_192 : memref<!tpu.dma_semaphore, #tpu.memory_space<semaphore_mem>>) src(%dma_wait3A_208 : memref<16xi32, #tpu.memory_space<hbm>>) dst(%dma_wait3A_207 : memref<16xi32, #tpu.memory_space<vmem>>)
          tpu.yield
        }) : () -> ()
        %mul3A_164 = arith.constant 16 : i32
        %mul3A_165 = arith.muli %add3A_159, %mul3A_164 : i32
        %add3A_166 = arith.addi %mul3A_2, %mul3A_165 : i32
        %run_scoped3A_167 = arith.constant 1 : i32
        "tpu.region"() ({
          %run_scoped3A_192 = tpu.sem_alloc : memref<!tpu.dma_semaphore, #tpu.memory_space<semaphore_mem>>
          %dma_start3A_193 = arith.constant 0 : i32
          %dma_start3A_194 = tpu.memref_slice %arg7[%run_scoped3A_167, %dma_start3A_193] : memref<2x16xi32, #tpu.memory_space<vmem>> -> memref<1x16xi32, #tpu.memory_space<vmem>>
          %dma_start3A_195 = tpu.memref_squeeze %dma_start3A_194 : memref<1x16xi32, #tpu.memory_space<vmem>> -> memref<16xi32, #tpu.memory_space<vmem>>
          %dma_start3A_196 = tpu.memref_slice %arg4[%add3A_166] : memref<8192xi32, #tpu.memory_space<hbm>> -> memref<16xi32, #tpu.memory_space<hbm>>
          %dma_start3A_197 = arith.constant 0 : i32
          %dma_start3A_198 = tpu.memref_slice %arg7[%run_scoped3A_167, %dma_start3A_197] : memref<2x16xi32, #tpu.memory_space<vmem>> -> memref<1x16xi32, #tpu.memory_space<vmem>>
          %dma_start3A_199 = tpu.memref_squeeze %dma_start3A_198 : memref<1x16xi32, #tpu.memory_space<vmem>> -> memref<16xi32, #tpu.memory_space<vmem>>
          %dma_start3A_200 = tpu.memref_slice %arg4[%add3A_166] : memref<8192xi32, #tpu.memory_space<hbm>> -> memref<16xi32, #tpu.memory_space<hbm>>
          tpu.enqueue_dma source(%dma_start3A_200 : memref<16xi32, #tpu.memory_space<hbm>>) target(%dma_start3A_199 : memref<16xi32, #tpu.memory_space<vmem>>) target_semaphore(%run_scoped3A_192 : memref<!tpu.dma_semaphore, #tpu.memory_space<semaphore_mem>>)
          %dma_wait3A_201 = arith.constant 0 : i32
          %dma_wait3A_202 = tpu.memref_slice %arg7[%run_scoped3A_167, %dma_wait3A_201] : memref<2x16xi32, #tpu.memory_space<vmem>> -> memref<1x16xi32, #tpu.memory_space<vmem>>
          %dma_wait3A_203 = tpu.memref_squeeze %dma_wait3A_202 : memref<1x16xi32, #tpu.memory_space<vmem>> -> memref<16xi32, #tpu.memory_space<vmem>>
          %dma_wait3A_204 = tpu.memref_slice %arg4[%add3A_166] : memref<8192xi32, #tpu.memory_space<hbm>> -> memref<16xi32, #tpu.memory_space<hbm>>
          %dma_wait3A_205 = arith.constant 0 : i32
          %dma_wait3A_206 = tpu.memref_slice %arg7[%run_scoped3A_167, %dma_wait3A_205] : memref<2x16xi32, #tpu.memory_space<vmem>> -> memref<1x16xi32, #tpu.memory_space<vmem>>
          %dma_wait3A_207 = tpu.memref_squeeze %dma_wait3A_206 : memref<1x16xi32, #tpu.memory_space<vmem>> -> memref<16xi32, #tpu.memory_space<vmem>>
          %dma_wait3A_208 = tpu.memref_slice %arg4[%add3A_166] : memref<8192xi32, #tpu.memory_space<hbm>> -> memref<16xi32, #tpu.memory_space<hbm>>
          tpu.wait_dma2 semaphore(%run_scoped3A_192 : memref<!tpu.dma_semaphore, #tpu.memory_space<semaphore_mem>>) src(%dma_wait3A_208 : memref<16xi32, #tpu.memory_space<hbm>>) dst(%dma_wait3A_207 : memref<16xi32, #tpu.memory_space<vmem>>)
          tpu.yield
        }) : () -> ()
        %dma_start3A_168 = arith.constant 1 : i32
        %dma_start3A_169 = arith.constant 1 : i32
        %dma_start3A_170 = arith.constant 0 : i32
        %dma_start3A_171 = arith.constant 0 : i32
        %dma_start3A_172 = tpu.memref_slice %arg8[%dma_start3A_169, %dma_start3A_170, %dma_start3A_171] : memref<2x16x1024xi32, #tpu.memory_space<vmem>> -> memref<1x16x1024xi32, #tpu.memory_space<vmem>>
        %dma_start3A_173 = tpu.memref_squeeze %dma_start3A_172 : memref<1x16x1024xi32, #tpu.memory_space<vmem>> -> memref<16x1024xi32, #tpu.memory_space<vmem>>
        %dma_start3A_174 = arith.constant 0 : i32
        %dma_start3A_175 = tpu.memref_slice %arg6[%dma_start3A_168, %dma_start3A_174] : memref<2x16xi32, #tpu.memory_space<vmem>> -> memref<1x16xi32, #tpu.memory_space<vmem>>
        %dma_start3A_176 = tpu.memref_squeeze %dma_start3A_175 : memref<1x16xi32, #tpu.memory_space<vmem>> -> memref<16xi32, #tpu.memory_space<vmem>>
        %dma_start3A_177 = arith.constant 0 : i32
        %dma_start3A_178 = arith.constant 0 : i32
        %dma_start3A_179 = tpu.memref_slice %arg2[%dma_start3A_177, %dma_start3A_178] : memref<18432x1024xi32, #tpu.memory_space<hbm>> -> memref<18432x1024xi32, #tpu.memory_space<hbm>>
        tpu.enqueue_indirect_dma source(%dma_start3A_179 : memref<18432x1024xi32, #tpu.memory_space<hbm>>) target(%dma_start3A_173 : memref<16x1024xi32, #tpu.memory_space<vmem>>) offsets(%dma_start3A_176 : memref<16xi32, #tpu.memory_space<vmem>>) semaphore(%arg11 : memref<!tpu.dma_semaphore, #tpu.memory_space<semaphore_mem>>)
        %dma_start3A_180 = arith.constant 1 : i32
        %dma_start3A_181 = arith.constant 1 : i32
        %dma_start3A_182 = arith.constant 0 : i32
        %dma_start3A_183 = arith.constant 0 : i32
        %dma_start3A_184 = tpu.memref_slice %arg9[%dma_start3A_181, %dma_start3A_182, %dma_start3A_183] : memref<2x16x1024xi32, #tpu.memory_space<vmem>> -> memref<1x16x1024xi32, #tpu.memory_space<vmem>>
        %dma_start3A_185 = tpu.memref_squeeze %dma_start3A_184 : memref<1x16x1024xi32, #tpu.memory_space<vmem>> -> memref<16x1024xi32, #tpu.memory_space<vmem>>
        %dma_start3A_186 = arith.constant 0 : i32
        %dma_start3A_187 = tpu.memref_slice %arg7[%dma_start3A_180, %dma_start3A_186] : memref<2x16xi32, #tpu.memory_space<vmem>> -> memref<1x16xi32, #tpu.memory_space<vmem>>
        %dma_start3A_188 = tpu.memref_squeeze %dma_start3A_187 : memref<1x16xi32, #tpu.memory_space<vmem>> -> memref<16xi32, #tpu.memory_space<vmem>>
        %dma_start3A_189 = arith.constant 0 : i32
        %dma_start3A_190 = arith.constant 0 : i32
        %dma_start3A_191 = tpu.memref_slice %arg2[%dma_start3A_189, %dma_start3A_190] : memref<18432x1024xi32, #tpu.memory_space<hbm>> -> memref<18432x1024xi32, #tpu.memory_space<hbm>>
        tpu.enqueue_indirect_dma source(%dma_start3A_191 : memref<18432x1024xi32, #tpu.memory_space<hbm>>) target(%dma_start3A_185 : memref<16x1024xi32, #tpu.memory_space<vmem>>) offsets(%dma_start3A_188 : memref<16xi32, #tpu.memory_space<vmem>>) semaphore(%arg11 : memref<!tpu.dma_semaphore, #tpu.memory_space<semaphore_mem>>)
      } else {
      }
      %scan3A_157 = arith.constant 0 : i32
      scf.yield %scan3A_157 : i32
    }
    %scan3A_66 = arith.constant 8 : i32
    return
  }
}

#map = affine_map<(d0, d1) -> (0, 0)>
#map1 = affine_map<(d0, d1) -> (0)>
module attributes {stable_mosaic.version = 14 : i64} {
  func.func @_gather_rows(%arg0: i32, %arg1: i32, %arg2: memref<8192x1024xi32, #tpu.memory_space<hbm>>, %arg3: memref<16384xi32, #tpu.memory_space<hbm>>, %arg4: memref<16384x1024xi32, #tpu.memory_space<hbm>>, %arg5: memref<2x32xi32, #tpu.memory_space<vmem>>, %arg6: memref<2x32x1024xi32, #tpu.memory_space<vmem>>, %arg7: memref<!tpu.dma_semaphore, #tpu.memory_space<semaphore_mem>>, %arg8: memref<!tpu.dma_semaphore, #tpu.memory_space<semaphore_mem>>) attributes {dimension_semantics = [#tpu.dimension_semantics<core_parallel>, #tpu.dimension_semantics<subcore_parallel>], iteration_bounds = array<i64: 2, 16>, scalar_prefetch = 0 : i64, scratch_operands = 4 : i64, tpu.core_type = #tpu.core_type<sc_vector_subcore>, window_params = [{transform_indices = #map}, {transform_indices = #map1}, {transform_indices = #map}]} {
    %mul3A = arith.constant 2 : i32
    %mul3A_0 = arith.muli %arg1, %mul3A : i32
    %add3A = arith.addi %mul3A_0, %arg0 : i32
    %mul3A_1 = arith.constant 512 : i32
    %mul3A_2 = arith.muli %add3A, %mul3A_1 : i32
    %add3A_3 = arith.constant 0 : i32
    %add3A_4 = arith.addi %mul3A_2, %add3A_3 : i32
    %run_scoped3A = arith.constant 0 : i32
    "tpu.region"() ({
      %run_scoped3A_37 = tpu.sem_alloc : memref<!tpu.dma_semaphore, #tpu.memory_space<semaphore_mem>>
      %dma_start3A_38 = arith.constant 0 : i32
      %dma_start3A_39 = tpu.memref_slice %arg5[%run_scoped3A, %dma_start3A_38] : memref<2x32xi32, #tpu.memory_space<vmem>> -> memref<1x32xi32, #tpu.memory_space<vmem>>
      %dma_start3A_40 = tpu.memref_squeeze %dma_start3A_39 : memref<1x32xi32, #tpu.memory_space<vmem>> -> memref<32xi32, #tpu.memory_space<vmem>>
      %dma_start3A_41 = tpu.memref_slice %arg3[%add3A_4] : memref<16384xi32, #tpu.memory_space<hbm>> -> memref<32xi32, #tpu.memory_space<hbm>>
      %dma_start3A_42 = arith.constant 0 : i32
      %dma_start3A_43 = tpu.memref_slice %arg5[%run_scoped3A, %dma_start3A_42] : memref<2x32xi32, #tpu.memory_space<vmem>> -> memref<1x32xi32, #tpu.memory_space<vmem>>
      %dma_start3A_44 = tpu.memref_squeeze %dma_start3A_43 : memref<1x32xi32, #tpu.memory_space<vmem>> -> memref<32xi32, #tpu.memory_space<vmem>>
      %dma_start3A_45 = tpu.memref_slice %arg3[%add3A_4] : memref<16384xi32, #tpu.memory_space<hbm>> -> memref<32xi32, #tpu.memory_space<hbm>>
      tpu.enqueue_dma source(%dma_start3A_45 : memref<32xi32, #tpu.memory_space<hbm>>) target(%dma_start3A_44 : memref<32xi32, #tpu.memory_space<vmem>>) target_semaphore(%run_scoped3A_37 : memref<!tpu.dma_semaphore, #tpu.memory_space<semaphore_mem>>)
      %dma_wait3A = arith.constant 0 : i32
      %dma_wait3A_46 = tpu.memref_slice %arg5[%run_scoped3A, %dma_wait3A] : memref<2x32xi32, #tpu.memory_space<vmem>> -> memref<1x32xi32, #tpu.memory_space<vmem>>
      %dma_wait3A_47 = tpu.memref_squeeze %dma_wait3A_46 : memref<1x32xi32, #tpu.memory_space<vmem>> -> memref<32xi32, #tpu.memory_space<vmem>>
      %dma_wait3A_48 = tpu.memref_slice %arg3[%add3A_4] : memref<16384xi32, #tpu.memory_space<hbm>> -> memref<32xi32, #tpu.memory_space<hbm>>
      %dma_wait3A_49 = arith.constant 0 : i32
      %dma_wait3A_50 = tpu.memref_slice %arg5[%run_scoped3A, %dma_wait3A_49] : memref<2x32xi32, #tpu.memory_space<vmem>> -> memref<1x32xi32, #tpu.memory_space<vmem>>
      %dma_wait3A_51 = tpu.memref_squeeze %dma_wait3A_50 : memref<1x32xi32, #tpu.memory_space<vmem>> -> memref<32xi32, #tpu.memory_space<vmem>>
      %dma_wait3A_52 = tpu.memref_slice %arg3[%add3A_4] : memref<16384xi32, #tpu.memory_space<hbm>> -> memref<32xi32, #tpu.memory_space<hbm>>
      tpu.wait_dma2 semaphore(%run_scoped3A_37 : memref<!tpu.dma_semaphore, #tpu.memory_space<semaphore_mem>>) src(%dma_wait3A_52 : memref<32xi32, #tpu.memory_space<hbm>>) dst(%dma_wait3A_51 : memref<32xi32, #tpu.memory_space<vmem>>)
      tpu.yield
    }) : () -> ()
    %dma_start3A = arith.constant 0 : i32
    %dma_start3A_5 = arith.constant 0 : i32
    %dma_start3A_6 = arith.constant 0 : i32
    %dma_start3A_7 = arith.constant 0 : i32
    %dma_start3A_8 = tpu.memref_slice %arg6[%dma_start3A_5, %dma_start3A_6, %dma_start3A_7] : memref<2x32x1024xi32, #tpu.memory_space<vmem>> -> memref<1x32x1024xi32, #tpu.memory_space<vmem>>
    %dma_start3A_9 = tpu.memref_squeeze %dma_start3A_8 : memref<1x32x1024xi32, #tpu.memory_space<vmem>> -> memref<32x1024xi32, #tpu.memory_space<vmem>>
    %dma_start3A_10 = arith.constant 0 : i32
    %dma_start3A_11 = tpu.memref_slice %arg5[%dma_start3A, %dma_start3A_10] : memref<2x32xi32, #tpu.memory_space<vmem>> -> memref<1x32xi32, #tpu.memory_space<vmem>>
    %dma_start3A_12 = tpu.memref_squeeze %dma_start3A_11 : memref<1x32xi32, #tpu.memory_space<vmem>> -> memref<32xi32, #tpu.memory_space<vmem>>
    %dma_start3A_13 = arith.constant 0 : i32
    %dma_start3A_14 = arith.constant 0 : i32
    %dma_start3A_15 = tpu.memref_slice %arg2[%dma_start3A_13, %dma_start3A_14] : memref<8192x1024xi32, #tpu.memory_space<hbm>> -> memref<8192x1024xi32, #tpu.memory_space<hbm>>
    tpu.enqueue_indirect_dma source(%dma_start3A_15 : memref<8192x1024xi32, #tpu.memory_space<hbm>>) target(%dma_start3A_9 : memref<32x1024xi32, #tpu.memory_space<vmem>>) offsets(%dma_start3A_12 : memref<32xi32, #tpu.memory_space<vmem>>) semaphore(%arg7 : memref<!tpu.dma_semaphore, #tpu.memory_space<semaphore_mem>>)
    %add3A_16 = arith.constant 32 : i32
    %add3A_17 = arith.addi %mul3A_2, %add3A_16 : i32
    %run_scoped3A_18 = arith.constant 1 : i32
    "tpu.region"() ({
      %run_scoped3A_37 = tpu.sem_alloc : memref<!tpu.dma_semaphore, #tpu.memory_space<semaphore_mem>>
      %dma_start3A_38 = arith.constant 0 : i32
      %dma_start3A_39 = tpu.memref_slice %arg5[%run_scoped3A_18, %dma_start3A_38] : memref<2x32xi32, #tpu.memory_space<vmem>> -> memref<1x32xi32, #tpu.memory_space<vmem>>
      %dma_start3A_40 = tpu.memref_squeeze %dma_start3A_39 : memref<1x32xi32, #tpu.memory_space<vmem>> -> memref<32xi32, #tpu.memory_space<vmem>>
      %dma_start3A_41 = tpu.memref_slice %arg3[%add3A_17] : memref<16384xi32, #tpu.memory_space<hbm>> -> memref<32xi32, #tpu.memory_space<hbm>>
      %dma_start3A_42 = arith.constant 0 : i32
      %dma_start3A_43 = tpu.memref_slice %arg5[%run_scoped3A_18, %dma_start3A_42] : memref<2x32xi32, #tpu.memory_space<vmem>> -> memref<1x32xi32, #tpu.memory_space<vmem>>
      %dma_start3A_44 = tpu.memref_squeeze %dma_start3A_43 : memref<1x32xi32, #tpu.memory_space<vmem>> -> memref<32xi32, #tpu.memory_space<vmem>>
      %dma_start3A_45 = tpu.memref_slice %arg3[%add3A_17] : memref<16384xi32, #tpu.memory_space<hbm>> -> memref<32xi32, #tpu.memory_space<hbm>>
      tpu.enqueue_dma source(%dma_start3A_45 : memref<32xi32, #tpu.memory_space<hbm>>) target(%dma_start3A_44 : memref<32xi32, #tpu.memory_space<vmem>>) target_semaphore(%run_scoped3A_37 : memref<!tpu.dma_semaphore, #tpu.memory_space<semaphore_mem>>)
      %dma_wait3A = arith.constant 0 : i32
      %dma_wait3A_46 = tpu.memref_slice %arg5[%run_scoped3A_18, %dma_wait3A] : memref<2x32xi32, #tpu.memory_space<vmem>> -> memref<1x32xi32, #tpu.memory_space<vmem>>
      %dma_wait3A_47 = tpu.memref_squeeze %dma_wait3A_46 : memref<1x32xi32, #tpu.memory_space<vmem>> -> memref<32xi32, #tpu.memory_space<vmem>>
      %dma_wait3A_48 = tpu.memref_slice %arg3[%add3A_17] : memref<16384xi32, #tpu.memory_space<hbm>> -> memref<32xi32, #tpu.memory_space<hbm>>
      %dma_wait3A_49 = arith.constant 0 : i32
      %dma_wait3A_50 = tpu.memref_slice %arg5[%run_scoped3A_18, %dma_wait3A_49] : memref<2x32xi32, #tpu.memory_space<vmem>> -> memref<1x32xi32, #tpu.memory_space<vmem>>
      %dma_wait3A_51 = tpu.memref_squeeze %dma_wait3A_50 : memref<1x32xi32, #tpu.memory_space<vmem>> -> memref<32xi32, #tpu.memory_space<vmem>>
      %dma_wait3A_52 = tpu.memref_slice %arg3[%add3A_17] : memref<16384xi32, #tpu.memory_space<hbm>> -> memref<32xi32, #tpu.memory_space<hbm>>
      tpu.wait_dma2 semaphore(%run_scoped3A_37 : memref<!tpu.dma_semaphore, #tpu.memory_space<semaphore_mem>>) src(%dma_wait3A_52 : memref<32xi32, #tpu.memory_space<hbm>>) dst(%dma_wait3A_51 : memref<32xi32, #tpu.memory_space<vmem>>)
      tpu.yield
    }) : () -> ()
    %dma_start3A_19 = arith.constant 1 : i32
    %dma_start3A_20 = arith.constant 1 : i32
    %dma_start3A_21 = arith.constant 0 : i32
    %dma_start3A_22 = arith.constant 0 : i32
    %dma_start3A_23 = tpu.memref_slice %arg6[%dma_start3A_20, %dma_start3A_21, %dma_start3A_22] : memref<2x32x1024xi32, #tpu.memory_space<vmem>> -> memref<1x32x1024xi32, #tpu.memory_space<vmem>>
    %dma_start3A_24 = tpu.memref_squeeze %dma_start3A_23 : memref<1x32x1024xi32, #tpu.memory_space<vmem>> -> memref<32x1024xi32, #tpu.memory_space<vmem>>
    %dma_start3A_25 = arith.constant 0 : i32
    %dma_start3A_26 = tpu.memref_slice %arg5[%dma_start3A_19, %dma_start3A_25] : memref<2x32xi32, #tpu.memory_space<vmem>> -> memref<1x32xi32, #tpu.memory_space<vmem>>
    %dma_start3A_27 = tpu.memref_squeeze %dma_start3A_26 : memref<1x32xi32, #tpu.memory_space<vmem>> -> memref<32xi32, #tpu.memory_space<vmem>>
    %dma_start3A_28 = arith.constant 0 : i32
    %dma_start3A_29 = arith.constant 0 : i32
    %dma_start3A_30 = tpu.memref_slice %arg2[%dma_start3A_28, %dma_start3A_29] : memref<8192x1024xi32, #tpu.memory_space<hbm>> -> memref<8192x1024xi32, #tpu.memory_space<hbm>>
    tpu.enqueue_indirect_dma source(%dma_start3A_30 : memref<8192x1024xi32, #tpu.memory_space<hbm>>) target(%dma_start3A_24 : memref<32x1024xi32, #tpu.memory_space<vmem>>) offsets(%dma_start3A_27 : memref<32xi32, #tpu.memory_space<vmem>>) semaphore(%arg8 : memref<!tpu.dma_semaphore, #tpu.memory_space<semaphore_mem>>)
    %scan3A = arith.constant 0 : i32
    %scan3A_31 = arith.constant 0 : i32
    %scan3A_32 = arith.constant 8 : i32
    %scan3A_33 = arith.addi %scan3A_31, %scan3A_32 : i32
    %scan3A_34 = arith.constant 1 : i32
    %scan3A_35 = scf.for %scan3A_37 = %scan3A_31 to %scan3A_33 step %scan3A_34 iter_args(%scan3A_38 = %scan3A) -> (i32)  : i32 {
      %mul3A_39 = arith.constant 2 : i32
      %mul3A_40 = arith.muli %mul3A_39, %scan3A_37 : i32
      %add3A_41 = arith.constant 0 : i32
      %add3A_42 = arith.addi %mul3A_40, %add3A_41 : i32
      %dma_wait3A = arith.constant 0 : i32
      %dma_wait3A_43 = arith.constant 0 : i32
      %dma_wait3A_44 = arith.constant 0 : i32
      %dma_wait3A_45 = arith.constant 0 : i32
      %dma_wait3A_46 = tpu.memref_slice %arg6[%dma_wait3A_43, %dma_wait3A_44, %dma_wait3A_45] : memref<2x32x1024xi32, #tpu.memory_space<vmem>> -> memref<1x32x1024xi32, #tpu.memory_space<vmem>>
      %dma_wait3A_47 = tpu.memref_squeeze %dma_wait3A_46 : memref<1x32x1024xi32, #tpu.memory_space<vmem>> -> memref<32x1024xi32, #tpu.memory_space<vmem>>
      %dma_wait3A_48 = arith.constant 0 : i32
      %dma_wait3A_49 = tpu.memref_slice %arg5[%dma_wait3A, %dma_wait3A_48] : memref<2x32xi32, #tpu.memory_space<vmem>> -> memref<1x32xi32, #tpu.memory_space<vmem>>
      %dma_wait3A_50 = tpu.memref_squeeze %dma_wait3A_49 : memref<1x32xi32, #tpu.memory_space<vmem>> -> memref<32xi32, #tpu.memory_space<vmem>>
      %dma_wait3A_51 = arith.constant 0 : i32
      %dma_wait3A_52 = arith.constant 0 : i32
      %dma_wait3A_53 = tpu.memref_slice %arg2[%dma_wait3A_51, %dma_wait3A_52] : memref<8192x1024xi32, #tpu.memory_space<hbm>> -> memref<8192x1024xi32, #tpu.memory_space<hbm>>
      tpu.wait_indirect_dma semaphore(%arg7 : memref<!tpu.dma_semaphore, #tpu.memory_space<semaphore_mem>>) src(%dma_wait3A_53 : memref<8192x1024xi32, #tpu.memory_space<hbm>>) dst(%dma_wait3A_47 : memref<32x1024xi32, #tpu.memory_space<vmem>>)
      %mul3A_54 = arith.constant 32 : i32
      %mul3A_55 = arith.muli %add3A_42, %mul3A_54 : i32
      %add3A_56 = arith.addi %mul3A_2, %mul3A_55 : i32
      %run_scoped3A_57 = arith.constant 0 : i32
      "tpu.region"() ({
        %run_scoped3A_90 = tpu.sem_alloc : memref<!tpu.dma_semaphore, #tpu.memory_space<semaphore_mem>>
        %dma_start3A_91 = arith.constant 0 : i32
        %dma_start3A_92 = arith.constant 0 : i32
        %dma_start3A_93 = tpu.memref_slice %arg6[%run_scoped3A_57, %dma_start3A_91, %dma_start3A_92] : memref<2x32x1024xi32, #tpu.memory_space<vmem>> -> memref<1x32x1024xi32, #tpu.memory_space<vmem>>
        %dma_start3A_94 = tpu.memref_squeeze %dma_start3A_93 : memref<1x32x1024xi32, #tpu.memory_space<vmem>> -> memref<32x1024xi32, #tpu.memory_space<vmem>>
        %dma_start3A_95 = arith.constant 0 : i32
        %dma_start3A_96 = tpu.memref_slice %arg4[%add3A_56, %dma_start3A_95] : memref<16384x1024xi32, #tpu.memory_space<hbm>> -> memref<32x1024xi32, #tpu.memory_space<hbm>>
        %dma_start3A_97 = arith.constant 0 : i32
        %dma_start3A_98 = tpu.memref_slice %arg4[%add3A_56, %dma_start3A_97] : memref<16384x1024xi32, #tpu.memory_space<hbm>> -> memref<32x1024xi32, #tpu.memory_space<hbm>>
        %dma_start3A_99 = arith.constant 0 : i32
        %dma_start3A_100 = arith.constant 0 : i32
        %dma_start3A_101 = tpu.memref_slice %arg6[%run_scoped3A_57, %dma_start3A_99, %dma_start3A_100] : memref<2x32x1024xi32, #tpu.memory_space<vmem>> -> memref<1x32x1024xi32, #tpu.memory_space<vmem>>
        %dma_start3A_102 = tpu.memref_squeeze %dma_start3A_101 : memref<1x32x1024xi32, #tpu.memory_space<vmem>> -> memref<32x1024xi32, #tpu.memory_space<vmem>>
        tpu.enqueue_dma source(%dma_start3A_102 : memref<32x1024xi32, #tpu.memory_space<vmem>>) target(%dma_start3A_98 : memref<32x1024xi32, #tpu.memory_space<hbm>>) target_semaphore(%run_scoped3A_90 : memref<!tpu.dma_semaphore, #tpu.memory_space<semaphore_mem>>)
        %dma_wait3A_103 = arith.constant 0 : i32
        %dma_wait3A_104 = arith.constant 0 : i32
        %dma_wait3A_105 = tpu.memref_slice %arg6[%run_scoped3A_57, %dma_wait3A_103, %dma_wait3A_104] : memref<2x32x1024xi32, #tpu.memory_space<vmem>> -> memref<1x32x1024xi32, #tpu.memory_space<vmem>>
        %dma_wait3A_106 = tpu.memref_squeeze %dma_wait3A_105 : memref<1x32x1024xi32, #tpu.memory_space<vmem>> -> memref<32x1024xi32, #tpu.memory_space<vmem>>
        %dma_wait3A_107 = arith.constant 0 : i32
        %dma_wait3A_108 = tpu.memref_slice %arg4[%add3A_56, %dma_wait3A_107] : memref<16384x1024xi32, #tpu.memory_space<hbm>> -> memref<32x1024xi32, #tpu.memory_space<hbm>>
        %dma_wait3A_109 = arith.constant 0 : i32
        %dma_wait3A_110 = tpu.memref_slice %arg4[%add3A_56, %dma_wait3A_109] : memref<16384x1024xi32, #tpu.memory_space<hbm>> -> memref<32x1024xi32, #tpu.memory_space<hbm>>
        %dma_wait3A_111 = arith.constant 0 : i32
        %dma_wait3A_112 = arith.constant 0 : i32
        %dma_wait3A_113 = tpu.memref_slice %arg6[%run_scoped3A_57, %dma_wait3A_111, %dma_wait3A_112] : memref<2x32x1024xi32, #tpu.memory_space<vmem>> -> memref<1x32x1024xi32, #tpu.memory_space<vmem>>
        %dma_wait3A_114 = tpu.memref_squeeze %dma_wait3A_113 : memref<1x32x1024xi32, #tpu.memory_space<vmem>> -> memref<32x1024xi32, #tpu.memory_space<vmem>>
        tpu.wait_dma2 semaphore(%run_scoped3A_90 : memref<!tpu.dma_semaphore, #tpu.memory_space<semaphore_mem>>) src(%dma_wait3A_114 : memref<32x1024xi32, #tpu.memory_space<vmem>>) dst(%dma_wait3A_110 : memref<32x1024xi32, #tpu.memory_space<hbm>>)
        tpu.yield
      }) : () -> ()
      %add3A_58 = arith.constant 2 : i32
      %add3A_59 = arith.addi %add3A_42, %add3A_58 : i32
      %lt3A = arith.constant 16 : i32
      %lt3A_60 = arith.cmpi slt, %add3A_59, %lt3A : i32
      %convert_element_type3A = arith.extui %lt3A_60 : i1 to i32
      %cond3A = arith.constant 0 : i32
      %cond3A_61 = arith.cmpi ne, %convert_element_type3A, %cond3A : i32
      scf.if %cond3A_61 {
        %add3A_90 = arith.constant 2 : i32
        %add3A_91 = arith.addi %add3A_42, %add3A_90 : i32
        %mul3A_92 = arith.constant 32 : i32
        %mul3A_93 = arith.muli %add3A_91, %mul3A_92 : i32
        %add3A_94 = arith.addi %mul3A_2, %mul3A_93 : i32
        %run_scoped3A_95 = arith.constant 0 : i32
        "tpu.region"() ({
          %run_scoped3A_108 = tpu.sem_alloc : memref<!tpu.dma_semaphore, #tpu.memory_space<semaphore_mem>>
          %dma_start3A_109 = arith.constant 0 : i32
          %dma_start3A_110 = tpu.memref_slice %arg5[%run_scoped3A_95, %dma_start3A_109] : memref<2x32xi32, #tpu.memory_space<vmem>> -> memref<1x32xi32, #tpu.memory_space<vmem>>
          %dma_start3A_111 = tpu.memref_squeeze %dma_start3A_110 : memref<1x32xi32, #tpu.memory_space<vmem>> -> memref<32xi32, #tpu.memory_space<vmem>>
          %dma_start3A_112 = tpu.memref_slice %arg3[%add3A_94] : memref<16384xi32, #tpu.memory_space<hbm>> -> memref<32xi32, #tpu.memory_space<hbm>>
          %dma_start3A_113 = arith.constant 0 : i32
          %dma_start3A_114 = tpu.memref_slice %arg5[%run_scoped3A_95, %dma_start3A_113] : memref<2x32xi32, #tpu.memory_space<vmem>> -> memref<1x32xi32, #tpu.memory_space<vmem>>
          %dma_start3A_115 = tpu.memref_squeeze %dma_start3A_114 : memref<1x32xi32, #tpu.memory_space<vmem>> -> memref<32xi32, #tpu.memory_space<vmem>>
          %dma_start3A_116 = tpu.memref_slice %arg3[%add3A_94] : memref<16384xi32, #tpu.memory_space<hbm>> -> memref<32xi32, #tpu.memory_space<hbm>>
          tpu.enqueue_dma source(%dma_start3A_116 : memref<32xi32, #tpu.memory_space<hbm>>) target(%dma_start3A_115 : memref<32xi32, #tpu.memory_space<vmem>>) target_semaphore(%run_scoped3A_108 : memref<!tpu.dma_semaphore, #tpu.memory_space<semaphore_mem>>)
          %dma_wait3A_117 = arith.constant 0 : i32
          %dma_wait3A_118 = tpu.memref_slice %arg5[%run_scoped3A_95, %dma_wait3A_117] : memref<2x32xi32, #tpu.memory_space<vmem>> -> memref<1x32xi32, #tpu.memory_space<vmem>>
          %dma_wait3A_119 = tpu.memref_squeeze %dma_wait3A_118 : memref<1x32xi32, #tpu.memory_space<vmem>> -> memref<32xi32, #tpu.memory_space<vmem>>
          %dma_wait3A_120 = tpu.memref_slice %arg3[%add3A_94] : memref<16384xi32, #tpu.memory_space<hbm>> -> memref<32xi32, #tpu.memory_space<hbm>>
          %dma_wait3A_121 = arith.constant 0 : i32
          %dma_wait3A_122 = tpu.memref_slice %arg5[%run_scoped3A_95, %dma_wait3A_121] : memref<2x32xi32, #tpu.memory_space<vmem>> -> memref<1x32xi32, #tpu.memory_space<vmem>>
          %dma_wait3A_123 = tpu.memref_squeeze %dma_wait3A_122 : memref<1x32xi32, #tpu.memory_space<vmem>> -> memref<32xi32, #tpu.memory_space<vmem>>
          %dma_wait3A_124 = tpu.memref_slice %arg3[%add3A_94] : memref<16384xi32, #tpu.memory_space<hbm>> -> memref<32xi32, #tpu.memory_space<hbm>>
          tpu.wait_dma2 semaphore(%run_scoped3A_108 : memref<!tpu.dma_semaphore, #tpu.memory_space<semaphore_mem>>) src(%dma_wait3A_124 : memref<32xi32, #tpu.memory_space<hbm>>) dst(%dma_wait3A_123 : memref<32xi32, #tpu.memory_space<vmem>>)
          tpu.yield
        }) : () -> ()
        %dma_start3A_96 = arith.constant 0 : i32
        %dma_start3A_97 = arith.constant 0 : i32
        %dma_start3A_98 = arith.constant 0 : i32
        %dma_start3A_99 = arith.constant 0 : i32
        %dma_start3A_100 = tpu.memref_slice %arg6[%dma_start3A_97, %dma_start3A_98, %dma_start3A_99] : memref<2x32x1024xi32, #tpu.memory_space<vmem>> -> memref<1x32x1024xi32, #tpu.memory_space<vmem>>
        %dma_start3A_101 = tpu.memref_squeeze %dma_start3A_100 : memref<1x32x1024xi32, #tpu.memory_space<vmem>> -> memref<32x1024xi32, #tpu.memory_space<vmem>>
        %dma_start3A_102 = arith.constant 0 : i32
        %dma_start3A_103 = tpu.memref_slice %arg5[%dma_start3A_96, %dma_start3A_102] : memref<2x32xi32, #tpu.memory_space<vmem>> -> memref<1x32xi32, #tpu.memory_space<vmem>>
        %dma_start3A_104 = tpu.memref_squeeze %dma_start3A_103 : memref<1x32xi32, #tpu.memory_space<vmem>> -> memref<32xi32, #tpu.memory_space<vmem>>
        %dma_start3A_105 = arith.constant 0 : i32
        %dma_start3A_106 = arith.constant 0 : i32
        %dma_start3A_107 = tpu.memref_slice %arg2[%dma_start3A_105, %dma_start3A_106] : memref<8192x1024xi32, #tpu.memory_space<hbm>> -> memref<8192x1024xi32, #tpu.memory_space<hbm>>
        tpu.enqueue_indirect_dma source(%dma_start3A_107 : memref<8192x1024xi32, #tpu.memory_space<hbm>>) target(%dma_start3A_101 : memref<32x1024xi32, #tpu.memory_space<vmem>>) offsets(%dma_start3A_104 : memref<32xi32, #tpu.memory_space<vmem>>) semaphore(%arg7 : memref<!tpu.dma_semaphore, #tpu.memory_space<semaphore_mem>>)
      } else {
      }
      %mul3A_62 = arith.constant 2 : i32
      %mul3A_63 = arith.muli %mul3A_62, %scan3A_37 : i32
      %add3A_64 = arith.constant 1 : i32
      %add3A_65 = arith.addi %mul3A_63, %add3A_64 : i32
      %dma_wait3A_66 = arith.constant 1 : i32
      %dma_wait3A_67 = arith.constant 1 : i32
      %dma_wait3A_68 = arith.constant 0 : i32
      %dma_wait3A_69 = arith.constant 0 : i32
      %dma_wait3A_70 = tpu.memref_slice %arg6[%dma_wait3A_67, %dma_wait3A_68, %dma_wait3A_69] : memref<2x32x1024xi32, #tpu.memory_space<vmem>> -> memref<1x32x1024xi32, #tpu.memory_space<vmem>>
      %dma_wait3A_71 = tpu.memref_squeeze %dma_wait3A_70 : memref<1x32x1024xi32, #tpu.memory_space<vmem>> -> memref<32x1024xi32, #tpu.memory_space<vmem>>
      %dma_wait3A_72 = arith.constant 0 : i32
      %dma_wait3A_73 = tpu.memref_slice %arg5[%dma_wait3A_66, %dma_wait3A_72] : memref<2x32xi32, #tpu.memory_space<vmem>> -> memref<1x32xi32, #tpu.memory_space<vmem>>
      %dma_wait3A_74 = tpu.memref_squeeze %dma_wait3A_73 : memref<1x32xi32, #tpu.memory_space<vmem>> -> memref<32xi32, #tpu.memory_space<vmem>>
      %dma_wait3A_75 = arith.constant 0 : i32
      %dma_wait3A_76 = arith.constant 0 : i32
      %dma_wait3A_77 = tpu.memref_slice %arg2[%dma_wait3A_75, %dma_wait3A_76] : memref<8192x1024xi32, #tpu.memory_space<hbm>> -> memref<8192x1024xi32, #tpu.memory_space<hbm>>
      tpu.wait_indirect_dma semaphore(%arg8 : memref<!tpu.dma_semaphore, #tpu.memory_space<semaphore_mem>>) src(%dma_wait3A_77 : memref<8192x1024xi32, #tpu.memory_space<hbm>>) dst(%dma_wait3A_71 : memref<32x1024xi32, #tpu.memory_space<vmem>>)
      %mul3A_78 = arith.constant 32 : i32
      %mul3A_79 = arith.muli %add3A_65, %mul3A_78 : i32
      %add3A_80 = arith.addi %mul3A_2, %mul3A_79 : i32
      %run_scoped3A_81 = arith.constant 1 : i32
      "tpu.region"() ({
        %run_scoped3A_90 = tpu.sem_alloc : memref<!tpu.dma_semaphore, #tpu.memory_space<semaphore_mem>>
        %dma_start3A_91 = arith.constant 0 : i32
        %dma_start3A_92 = arith.constant 0 : i32
        %dma_start3A_93 = tpu.memref_slice %arg6[%run_scoped3A_81, %dma_start3A_91, %dma_start3A_92] : memref<2x32x1024xi32, #tpu.memory_space<vmem>> -> memref<1x32x1024xi32, #tpu.memory_space<vmem>>
        %dma_start3A_94 = tpu.memref_squeeze %dma_start3A_93 : memref<1x32x1024xi32, #tpu.memory_space<vmem>> -> memref<32x1024xi32, #tpu.memory_space<vmem>>
        %dma_start3A_95 = arith.constant 0 : i32
        %dma_start3A_96 = tpu.memref_slice %arg4[%add3A_80, %dma_start3A_95] : memref<16384x1024xi32, #tpu.memory_space<hbm>> -> memref<32x1024xi32, #tpu.memory_space<hbm>>
        %dma_start3A_97 = arith.constant 0 : i32
        %dma_start3A_98 = tpu.memref_slice %arg4[%add3A_80, %dma_start3A_97] : memref<16384x1024xi32, #tpu.memory_space<hbm>> -> memref<32x1024xi32, #tpu.memory_space<hbm>>
        %dma_start3A_99 = arith.constant 0 : i32
        %dma_start3A_100 = arith.constant 0 : i32
        %dma_start3A_101 = tpu.memref_slice %arg6[%run_scoped3A_81, %dma_start3A_99, %dma_start3A_100] : memref<2x32x1024xi32, #tpu.memory_space<vmem>> -> memref<1x32x1024xi32, #tpu.memory_space<vmem>>
        %dma_start3A_102 = tpu.memref_squeeze %dma_start3A_101 : memref<1x32x1024xi32, #tpu.memory_space<vmem>> -> memref<32x1024xi32, #tpu.memory_space<vmem>>
        tpu.enqueue_dma source(%dma_start3A_102 : memref<32x1024xi32, #tpu.memory_space<vmem>>) target(%dma_start3A_98 : memref<32x1024xi32, #tpu.memory_space<hbm>>) target_semaphore(%run_scoped3A_90 : memref<!tpu.dma_semaphore, #tpu.memory_space<semaphore_mem>>)
        %dma_wait3A_103 = arith.constant 0 : i32
        %dma_wait3A_104 = arith.constant 0 : i32
        %dma_wait3A_105 = tpu.memref_slice %arg6[%run_scoped3A_81, %dma_wait3A_103, %dma_wait3A_104] : memref<2x32x1024xi32, #tpu.memory_space<vmem>> -> memref<1x32x1024xi32, #tpu.memory_space<vmem>>
        %dma_wait3A_106 = tpu.memref_squeeze %dma_wait3A_105 : memref<1x32x1024xi32, #tpu.memory_space<vmem>> -> memref<32x1024xi32, #tpu.memory_space<vmem>>
        %dma_wait3A_107 = arith.constant 0 : i32
        %dma_wait3A_108 = tpu.memref_slice %arg4[%add3A_80, %dma_wait3A_107] : memref<16384x1024xi32, #tpu.memory_space<hbm>> -> memref<32x1024xi32, #tpu.memory_space<hbm>>
        %dma_wait3A_109 = arith.constant 0 : i32
        %dma_wait3A_110 = tpu.memref_slice %arg4[%add3A_80, %dma_wait3A_109] : memref<16384x1024xi32, #tpu.memory_space<hbm>> -> memref<32x1024xi32, #tpu.memory_space<hbm>>
        %dma_wait3A_111 = arith.constant 0 : i32
        %dma_wait3A_112 = arith.constant 0 : i32
        %dma_wait3A_113 = tpu.memref_slice %arg6[%run_scoped3A_81, %dma_wait3A_111, %dma_wait3A_112] : memref<2x32x1024xi32, #tpu.memory_space<vmem>> -> memref<1x32x1024xi32, #tpu.memory_space<vmem>>
        %dma_wait3A_114 = tpu.memref_squeeze %dma_wait3A_113 : memref<1x32x1024xi32, #tpu.memory_space<vmem>> -> memref<32x1024xi32, #tpu.memory_space<vmem>>
        tpu.wait_dma2 semaphore(%run_scoped3A_90 : memref<!tpu.dma_semaphore, #tpu.memory_space<semaphore_mem>>) src(%dma_wait3A_114 : memref<32x1024xi32, #tpu.memory_space<vmem>>) dst(%dma_wait3A_110 : memref<32x1024xi32, #tpu.memory_space<hbm>>)
        tpu.yield
      }) : () -> ()
      %add3A_82 = arith.constant 2 : i32
      %add3A_83 = arith.addi %add3A_65, %add3A_82 : i32
      %lt3A_84 = arith.constant 16 : i32
      %lt3A_85 = arith.cmpi slt, %add3A_83, %lt3A_84 : i32
      %convert_element_type3A_86 = arith.extui %lt3A_85 : i1 to i32
      %cond3A_87 = arith.constant 0 : i32
      %cond3A_88 = arith.cmpi ne, %convert_element_type3A_86, %cond3A_87 : i32
      scf.if %cond3A_88 {
        %add3A_90 = arith.constant 2 : i32
        %add3A_91 = arith.addi %add3A_65, %add3A_90 : i32
        %mul3A_92 = arith.constant 32 : i32
        %mul3A_93 = arith.muli %add3A_91, %mul3A_92 : i32
        %add3A_94 = arith.addi %mul3A_2, %mul3A_93 : i32
        %run_scoped3A_95 = arith.constant 1 : i32
        "tpu.region"() ({
          %run_scoped3A_108 = tpu.sem_alloc : memref<!tpu.dma_semaphore, #tpu.memory_space<semaphore_mem>>
          %dma_start3A_109 = arith.constant 0 : i32
          %dma_start3A_110 = tpu.memref_slice %arg5[%run_scoped3A_95, %dma_start3A_109] : memref<2x32xi32, #tpu.memory_space<vmem>> -> memref<1x32xi32, #tpu.memory_space<vmem>>
          %dma_start3A_111 = tpu.memref_squeeze %dma_start3A_110 : memref<1x32xi32, #tpu.memory_space<vmem>> -> memref<32xi32, #tpu.memory_space<vmem>>
          %dma_start3A_112 = tpu.memref_slice %arg3[%add3A_94] : memref<16384xi32, #tpu.memory_space<hbm>> -> memref<32xi32, #tpu.memory_space<hbm>>
          %dma_start3A_113 = arith.constant 0 : i32
          %dma_start3A_114 = tpu.memref_slice %arg5[%run_scoped3A_95, %dma_start3A_113] : memref<2x32xi32, #tpu.memory_space<vmem>> -> memref<1x32xi32, #tpu.memory_space<vmem>>
          %dma_start3A_115 = tpu.memref_squeeze %dma_start3A_114 : memref<1x32xi32, #tpu.memory_space<vmem>> -> memref<32xi32, #tpu.memory_space<vmem>>
          %dma_start3A_116 = tpu.memref_slice %arg3[%add3A_94] : memref<16384xi32, #tpu.memory_space<hbm>> -> memref<32xi32, #tpu.memory_space<hbm>>
          tpu.enqueue_dma source(%dma_start3A_116 : memref<32xi32, #tpu.memory_space<hbm>>) target(%dma_start3A_115 : memref<32xi32, #tpu.memory_space<vmem>>) target_semaphore(%run_scoped3A_108 : memref<!tpu.dma_semaphore, #tpu.memory_space<semaphore_mem>>)
          %dma_wait3A_117 = arith.constant 0 : i32
          %dma_wait3A_118 = tpu.memref_slice %arg5[%run_scoped3A_95, %dma_wait3A_117] : memref<2x32xi32, #tpu.memory_space<vmem>> -> memref<1x32xi32, #tpu.memory_space<vmem>>
          %dma_wait3A_119 = tpu.memref_squeeze %dma_wait3A_118 : memref<1x32xi32, #tpu.memory_space<vmem>> -> memref<32xi32, #tpu.memory_space<vmem>>
          %dma_wait3A_120 = tpu.memref_slice %arg3[%add3A_94] : memref<16384xi32, #tpu.memory_space<hbm>> -> memref<32xi32, #tpu.memory_space<hbm>>
          %dma_wait3A_121 = arith.constant 0 : i32
          %dma_wait3A_122 = tpu.memref_slice %arg5[%run_scoped3A_95, %dma_wait3A_121] : memref<2x32xi32, #tpu.memory_space<vmem>> -> memref<1x32xi32, #tpu.memory_space<vmem>>
          %dma_wait3A_123 = tpu.memref_squeeze %dma_wait3A_122 : memref<1x32xi32, #tpu.memory_space<vmem>> -> memref<32xi32, #tpu.memory_space<vmem>>
          %dma_wait3A_124 = tpu.memref_slice %arg3[%add3A_94] : memref<16384xi32, #tpu.memory_space<hbm>> -> memref<32xi32, #tpu.memory_space<hbm>>
          tpu.wait_dma2 semaphore(%run_scoped3A_108 : memref<!tpu.dma_semaphore, #tpu.memory_space<semaphore_mem>>) src(%dma_wait3A_124 : memref<32xi32, #tpu.memory_space<hbm>>) dst(%dma_wait3A_123 : memref<32xi32, #tpu.memory_space<vmem>>)
          tpu.yield
        }) : () -> ()
        %dma_start3A_96 = arith.constant 1 : i32
        %dma_start3A_97 = arith.constant 1 : i32
        %dma_start3A_98 = arith.constant 0 : i32
        %dma_start3A_99 = arith.constant 0 : i32
        %dma_start3A_100 = tpu.memref_slice %arg6[%dma_start3A_97, %dma_start3A_98, %dma_start3A_99] : memref<2x32x1024xi32, #tpu.memory_space<vmem>> -> memref<1x32x1024xi32, #tpu.memory_space<vmem>>
        %dma_start3A_101 = tpu.memref_squeeze %dma_start3A_100 : memref<1x32x1024xi32, #tpu.memory_space<vmem>> -> memref<32x1024xi32, #tpu.memory_space<vmem>>
        %dma_start3A_102 = arith.constant 0 : i32
        %dma_start3A_103 = tpu.memref_slice %arg5[%dma_start3A_96, %dma_start3A_102] : memref<2x32xi32, #tpu.memory_space<vmem>> -> memref<1x32xi32, #tpu.memory_space<vmem>>
        %dma_start3A_104 = tpu.memref_squeeze %dma_start3A_103 : memref<1x32xi32, #tpu.memory_space<vmem>> -> memref<32xi32, #tpu.memory_space<vmem>>
        %dma_start3A_105 = arith.constant 0 : i32
        %dma_start3A_106 = arith.constant 0 : i32
        %dma_start3A_107 = tpu.memref_slice %arg2[%dma_start3A_105, %dma_start3A_106] : memref<8192x1024xi32, #tpu.memory_space<hbm>> -> memref<8192x1024xi32, #tpu.memory_space<hbm>>
        tpu.enqueue_indirect_dma source(%dma_start3A_107 : memref<8192x1024xi32, #tpu.memory_space<hbm>>) target(%dma_start3A_101 : memref<32x1024xi32, #tpu.memory_space<vmem>>) offsets(%dma_start3A_104 : memref<32xi32, #tpu.memory_space<vmem>>) semaphore(%arg8 : memref<!tpu.dma_semaphore, #tpu.memory_space<semaphore_mem>>)
      } else {
      }
      %scan3A_89 = arith.constant 0 : i32
      scf.yield %scan3A_89 : i32
    }
    %scan3A_36 = arith.constant 8 : i32
    return
  }
}

#map = affine_map<(d0, d1) -> (0)>
module attributes {stable_mosaic.version = 14 : i64} {
  func.func @_dispatch(%arg0: i32, %arg1: i32, %arg2: memref<8192xi32, #tpu.memory_space<hbm>>, %arg3: memref<8192xf32, #tpu.memory_space<hbm>>, %arg4: memref<16384xi32, #tpu.memory_space<hbm>>, %arg5: memref<16384xf32, #tpu.memory_space<hbm>>, %arg6: memref<8192xi32, #tpu.memory_space<hbm>>, %arg7: memref<8192xi32, #tpu.memory_space<hbm>>, %arg8: memref<512xi32, #tpu.memory_space<vmem>>, %arg9: memref<512xf32, #tpu.memory_space<vmem>>, %arg10: memref<16xi32, #tpu.memory_space<vmem>>, %arg11: memref<16x16xi32, #tpu.memory_space<vmem>>, %arg12: memref<16384xi32, #tpu.memory_space<vmem>>, %arg13: memref<16384xf32, #tpu.memory_space<vmem>>, %arg14: memref<512xi32, #tpu.memory_space<vmem>>, %arg15: memref<512xi32, #tpu.memory_space<vmem>>, %arg16: memref<1024xi32, #tpu.memory_space<vmem>>, %arg17: memref<1024xf32, #tpu.memory_space<vmem>>, %arg18: memref<1024xi32, #tpu.memory_space<vmem>>, %arg19: memref<1024xf32, #tpu.memory_space<vmem>>, %arg20: memref<16x16xi32, #tpu.memory_space<vmem_shared>>, %arg21: memref<16x16384xi32, #tpu.memory_space<vmem_shared>>, %arg22: memref<16x16384xf32, #tpu.memory_space<vmem_shared>>) attributes {dimension_semantics = [#tpu.dimension_semantics<core_parallel>, #tpu.dimension_semantics<subcore_parallel>], iteration_bounds = array<i64: 1, 16>, scalar_prefetch = 0 : i64, scratch_operands = 15 : i64, tpu.core_type = #tpu.core_type<sc_vector_subcore>, window_params = [{transform_indices = #map}, {transform_indices = #map}, {transform_indices = #map}, {transform_indices = #map}, {transform_indices = #map}, {transform_indices = #map}]} {
    %mul3A = arith.constant 512 : i32
    %mul3A_0 = arith.muli %arg1, %mul3A : i32
    %iota3A = tpu.iota {dimensions = array<i32: 0>} : vector<16xi32>
    %broadcast_in_dim3A = arith.constant 0 : i32
    %broadcast_in_dim3A_1 = vector.broadcast %broadcast_in_dim3A : i32 to vector<16xi32>
    %broadcast_in_dim3A_2 = arith.constant 0.000000e+00 : f32
    %broadcast_in_dim3A_3 = vector.broadcast %broadcast_in_dim3A_2 : f32 to vector<16xf32>
    "tpu.region"() ({
      %run_scoped3A_413 = tpu.sem_alloc : memref<!tpu.dma_semaphore, #tpu.memory_space<semaphore_mem>>
      %dma_start3A = tpu.memref_slice %arg2[%mul3A_0] : memref<8192xi32, #tpu.memory_space<hbm>> -> memref<512xi32, #tpu.memory_space<hbm>>
      %dma_start3A_414 = tpu.memref_slice %arg2[%mul3A_0] : memref<8192xi32, #tpu.memory_space<hbm>> -> memref<512xi32, #tpu.memory_space<hbm>>
      tpu.enqueue_dma source(%dma_start3A_414 : memref<512xi32, #tpu.memory_space<hbm>>) target(%arg8 : memref<512xi32, #tpu.memory_space<vmem>>) target_semaphore(%run_scoped3A_413 : memref<!tpu.dma_semaphore, #tpu.memory_space<semaphore_mem>>)
      %dma_wait3A = tpu.memref_slice %arg2[%mul3A_0] : memref<8192xi32, #tpu.memory_space<hbm>> -> memref<512xi32, #tpu.memory_space<hbm>>
      %dma_wait3A_415 = tpu.memref_slice %arg2[%mul3A_0] : memref<8192xi32, #tpu.memory_space<hbm>> -> memref<512xi32, #tpu.memory_space<hbm>>
      tpu.wait_dma2 semaphore(%run_scoped3A_413 : memref<!tpu.dma_semaphore, #tpu.memory_space<semaphore_mem>>) src(%dma_wait3A_415 : memref<512xi32, #tpu.memory_space<hbm>>) dst(%arg8 : memref<512xi32, #tpu.memory_space<vmem>>)
      tpu.yield
    }) : () -> ()
    "tpu.region"() ({
      %run_scoped3A_413 = tpu.sem_alloc : memref<!tpu.dma_semaphore, #tpu.memory_space<semaphore_mem>>
      %dma_start3A = tpu.memref_slice %arg3[%mul3A_0] : memref<8192xf32, #tpu.memory_space<hbm>> -> memref<512xf32, #tpu.memory_space<hbm>>
      %dma_start3A_414 = tpu.memref_slice %arg3[%mul3A_0] : memref<8192xf32, #tpu.memory_space<hbm>> -> memref<512xf32, #tpu.memory_space<hbm>>
      tpu.enqueue_dma source(%dma_start3A_414 : memref<512xf32, #tpu.memory_space<hbm>>) target(%arg9 : memref<512xf32, #tpu.memory_space<vmem>>) target_semaphore(%run_scoped3A_413 : memref<!tpu.dma_semaphore, #tpu.memory_space<semaphore_mem>>)
      %dma_wait3A = tpu.memref_slice %arg3[%mul3A_0] : memref<8192xf32, #tpu.memory_space<hbm>> -> memref<512xf32, #tpu.memory_space<hbm>>
      %dma_wait3A_415 = tpu.memref_slice %arg3[%mul3A_0] : memref<8192xf32, #tpu.memory_space<hbm>> -> memref<512xf32, #tpu.memory_space<hbm>>
      tpu.wait_dma2 semaphore(%run_scoped3A_413 : memref<!tpu.dma_semaphore, #tpu.memory_space<semaphore_mem>>) src(%dma_wait3A_415 : memref<512xf32, #tpu.memory_space<hbm>>) dst(%arg9 : memref<512xf32, #tpu.memory_space<vmem>>)
      tpu.yield
    }) : () -> ()
    %scan3A = arith.constant 0 : i32
    %scan3A_4 = arith.constant 0 : i32
    %scan3A_5 = arith.constant 1024 : i32
    %scan3A_6 = arith.addi %scan3A_4, %scan3A_5 : i32
    %scan3A_7 = arith.constant 1 : i32
    %scan3A_8 = scf.for %scan3A_413 = %scan3A_4 to %scan3A_6 step %scan3A_7 iter_args(%scan3A_414 = %scan3A) -> (i32)  : i32 {
      %mul3A_415 = arith.constant 16 : i32
      %mul3A_416 = arith.muli %scan3A_413, %mul3A_415 : i32
      %swap3A_417 = arith.index_cast %mul3A_416 : i32 to index
      %swap3A_418 = tpu.vector_load %arg12[%swap3A_417] {strides = array<i32>} : memref<16384xi32, #tpu.memory_space<vmem>>, vector<16xi32>,
      tpu.vector_store %arg12[%swap3A_417], %broadcast_in_dim3A_1 {strides = array<i32>} : memref<16384xi32, #tpu.memory_space<vmem>>, vector<16xi32>,
      %mul3A_419 = arith.constant 16 : i32
      %mul3A_420 = arith.muli %scan3A_413, %mul3A_419 : i32
      %swap3A_421 = arith.index_cast %mul3A_420 : i32 to index
      %swap3A_422 = tpu.vector_load %arg13[%swap3A_421] {strides = array<i32>} : memref<16384xf32, #tpu.memory_space<vmem>>, vector<16xf32>,
      tpu.vector_store %arg13[%swap3A_421], %broadcast_in_dim3A_3 {strides = array<i32>} : memref<16384xf32, #tpu.memory_space<vmem>>, vector<16xf32>,
      %scan3A_423 = arith.constant 0 : i32
      scf.yield %scan3A_423 : i32
    }
    %scan3A_9 = arith.constant 1024 : i32
    %broadcast_in_dim3A_10 = arith.constant 0 : i32
    %broadcast_in_dim3A_11 = vector.broadcast %broadcast_in_dim3A_10 : i32 to vector<16xi32>
    %scan3A_12 = arith.constant 0 : i32
    %scan3A_13 = arith.constant 32 : i32
    %scan3A_14 = arith.addi %scan3A_12, %scan3A_13 : i32
    %scan3A_15 = arith.constant 1 : i32
    %scan3A_16 = scf.for %scan3A_413 = %scan3A_12 to %scan3A_14 step %scan3A_15 iter_args(%scan3A_414 = %broadcast_in_dim3A_11) -> (vector<16xi32>)  : i32 {
      %mul3A_415 = arith.constant 16 : i32
      %mul3A_416 = arith.muli %scan3A_413, %mul3A_415 : i32
      %get3A_417 = arith.index_cast %mul3A_416 : i32 to index
      %get3A_418 = tpu.vector_load %arg8[%get3A_417] {strides = array<i32>} : memref<512xi32, #tpu.memory_space<vmem>>, vector<16xi32>,
      %shift_right_arithmetic3A = arith.constant 3 : i32
      %shift_right_arithmetic3A_419 = vector.broadcast %shift_right_arithmetic3A : i32 to vector<16xi32>
      %shift_right_arithmetic3A_420 = arith.shrsi %get3A_418, %shift_right_arithmetic3A_419 : vector<16xi32>
      %and3A = arith.constant 7 : i32
      %and3A_421 = vector.broadcast %and3A : i32 to vector<16xi32>
      %and3A_422 = arith.andi %get3A_418, %and3A_421 : vector<16xi32>
      %eq3A_423 = arith.constant 0 : i32
      %eq3A_424 = vector.broadcast %eq3A_423 : i32 to vector<16xi32>
      %eq3A_425 = arith.cmpi eq, %shift_right_arithmetic3A_420, %eq3A_424 : vector<16xi32>
      %eq3A_426 = arith.constant 0 : i32
      %eq3A_427 = vector.broadcast %eq3A_426 : i32 to vector<16xi32>
      %eq3A_428 = arith.cmpi eq, %and3A_422, %eq3A_427 : vector<16xi32>
      %or3A = arith.ori %eq3A_425, %eq3A_428 : vector<16xi1>
      %jit3A_429 = arith.constant 1 : i32
      %jit3A_430 = arith.constant 0 : i32
      %broadcast_in_dim3A_431 = vector.broadcast %jit3A_429 : i32 to vector<16xi32>
      %broadcast_in_dim3A_432 = vector.broadcast %jit3A_430 : i32 to vector<16xi32>
      %select_n3A_433 = arith.select %or3A, %broadcast_in_dim3A_431, %broadcast_in_dim3A_432 : vector<16xi1>, vector<16xi32>
      %reduce_sum3A_434 = arith.constant true
      %reduce_sum3A_435 = vector.broadcast %reduce_sum3A_434 : i1 to vector<16xi1>
      %reduce_sum3A_436 = tpu.scan <sum>, %select_n3A_433 masked %reduce_sum3A_435 : vector<16xi32>, vector<16xi1> -> vector<16xi32>
      %reduce_sum3A_437 = vector.extract %reduce_sum3A_436[15] : i32 from vector<16xi32>
      %eq3A_438 = arith.constant 0 : i32
      %eq3A_439 = vector.broadcast %eq3A_438 : i32 to vector<16xi32>
      %eq3A_440 = arith.cmpi eq, %iota3A, %eq3A_439 : vector<16xi32>
      %jit3A_441 = arith.constant 0 : i32
      %broadcast_in_dim3A_442 = vector.broadcast %reduce_sum3A_437 : i32 to vector<16xi32>
      %broadcast_in_dim3A_443 = vector.broadcast %jit3A_441 : i32 to vector<16xi32>
      %select_n3A_444 = arith.select %eq3A_440, %broadcast_in_dim3A_442, %broadcast_in_dim3A_443 : vector<16xi1>, vector<16xi32>
      %add3A_445 = arith.addi %scan3A_414, %select_n3A_444 : vector<16xi32>
      %eq3A_446 = arith.constant 1 : i32
      %eq3A_447 = vector.broadcast %eq3A_446 : i32 to vector<16xi32>
      %eq3A_448 = arith.cmpi eq, %shift_right_arithmetic3A_420, %eq3A_447 : vector<16xi32>
      %eq3A_449 = arith.constant 1 : i32
      %eq3A_450 = vector.broadcast %eq3A_449 : i32 to vector<16xi32>
      %eq3A_451 = arith.cmpi eq, %and3A_422, %eq3A_450 : vector<16xi32>
      %or3A_452 = arith.ori %eq3A_448, %eq3A_451 : vector<16xi1>
      %jit3A_453 = arith.constant 1 : i32
      %jit3A_454 = arith.constant 0 : i32
      %broadcast_in_dim3A_455 = vector.broadcast %jit3A_453 : i32 to vector<16xi32>
      %broadcast_in_dim3A_456 = vector.broadcast %jit3A_454 : i32 to vector<16xi32>
      %select_n3A_457 = arith.select %or3A_452, %broadcast_in_dim3A_455, %broadcast_in_dim3A_456 : vector<16xi1>, vector<16xi32>
      %reduce_sum3A_458 = arith.constant true
      %reduce_sum3A_459 = vector.broadcast %reduce_sum3A_458 : i1 to vector<16xi1>
      %reduce_sum3A_460 = tpu.scan <sum>, %select_n3A_457 masked %reduce_sum3A_459 : vector<16xi32>, vector<16xi1> -> vector<16xi32>
      %reduce_sum3A_461 = vector.extract %reduce_sum3A_460[15] : i32 from vector<16xi32>
      %eq3A_462 = arith.constant 1 : i32
      %eq3A_463 = vector.broadcast %eq3A_462 : i32 to vector<16xi32>
      %eq3A_464 = arith.cmpi eq, %iota3A, %eq3A_463 : vector<16xi32>
      %jit3A_465 = arith.constant 0 : i32
      %broadcast_in_dim3A_466 = vector.broadcast %reduce_sum3A_461 : i32 to vector<16xi32>
      %broadcast_in_dim3A_467 = vector.broadcast %jit3A_465 : i32 to vector<16xi32>
      %select_n3A_468 = arith.select %eq3A_464, %broadcast_in_dim3A_466, %broadcast_in_dim3A_467 : vector<16xi1>, vector<16xi32>
      %add3A_469 = arith.addi %add3A_445, %select_n3A_468 : vector<16xi32>
      %eq3A_470 = arith.constant 2 : i32
      %eq3A_471 = vector.broadcast %eq3A_470 : i32 to vector<16xi32>
      %eq3A_472 = arith.cmpi eq, %shift_right_arithmetic3A_420, %eq3A_471 : vector<16xi32>
      %eq3A_473 = arith.constant 2 : i32
      %eq3A_474 = vector.broadcast %eq3A_473 : i32 to vector<16xi32>
      %eq3A_475 = arith.cmpi eq, %and3A_422, %eq3A_474 : vector<16xi32>
      %or3A_476 = arith.ori %eq3A_472, %eq3A_475 : vector<16xi1>
      %jit3A_477 = arith.constant 1 : i32
      %jit3A_478 = arith.constant 0 : i32
      %broadcast_in_dim3A_479 = vector.broadcast %jit3A_477 : i32 to vector<16xi32>
      %broadcast_in_dim3A_480 = vector.broadcast %jit3A_478 : i32 to vector<16xi32>
      %select_n3A_481 = arith.select %or3A_476, %broadcast_in_dim3A_479, %broadcast_in_dim3A_480 : vector<16xi1>, vector<16xi32>
      %reduce_sum3A_482 = arith.constant true
      %reduce_sum3A_483 = vector.broadcast %reduce_sum3A_482 : i1 to vector<16xi1>
      %reduce_sum3A_484 = tpu.scan <sum>, %select_n3A_481 masked %reduce_sum3A_483 : vector<16xi32>, vector<16xi1> -> vector<16xi32>
      %reduce_sum3A_485 = vector.extract %reduce_sum3A_484[15] : i32 from vector<16xi32>
      %eq3A_486 = arith.constant 2 : i32
      %eq3A_487 = vector.broadcast %eq3A_486 : i32 to vector<16xi32>
      %eq3A_488 = arith.cmpi eq, %iota3A, %eq3A_487 : vector<16xi32>
      %jit3A_489 = arith.constant 0 : i32
      %broadcast_in_dim3A_490 = vector.broadcast %reduce_sum3A_485 : i32 to vector<16xi32>
      %broadcast_in_dim3A_491 = vector.broadcast %jit3A_489 : i32 to vector<16xi32>
      %select_n3A_492 = arith.select %eq3A_488, %broadcast_in_dim3A_490, %broadcast_in_dim3A_491 : vector<16xi1>, vector<16xi32>
      %add3A_493 = arith.addi %add3A_469, %select_n3A_492 : vector<16xi32>
      %eq3A_494 = arith.constant 3 : i32
      %eq3A_495 = vector.broadcast %eq3A_494 : i32 to vector<16xi32>
      %eq3A_496 = arith.cmpi eq, %shift_right_arithmetic3A_420, %eq3A_495 : vector<16xi32>
      %eq3A_497 = arith.constant 3 : i32
      %eq3A_498 = vector.broadcast %eq3A_497 : i32 to vector<16xi32>
      %eq3A_499 = arith.cmpi eq, %and3A_422, %eq3A_498 : vector<16xi32>
      %or3A_500 = arith.ori %eq3A_496, %eq3A_499 : vector<16xi1>
      %jit3A_501 = arith.constant 1 : i32
      %jit3A_502 = arith.constant 0 : i32
      %broadcast_in_dim3A_503 = vector.broadcast %jit3A_501 : i32 to vector<16xi32>
      %broadcast_in_dim3A_504 = vector.broadcast %jit3A_502 : i32 to vector<16xi32>
      %select_n3A_505 = arith.select %or3A_500, %broadcast_in_dim3A_503, %broadcast_in_dim3A_504 : vector<16xi1>, vector<16xi32>
      %reduce_sum3A_506 = arith.constant true
      %reduce_sum3A_507 = vector.broadcast %reduce_sum3A_506 : i1 to vector<16xi1>
      %reduce_sum3A_508 = tpu.scan <sum>, %select_n3A_505 masked %reduce_sum3A_507 : vector<16xi32>, vector<16xi1> -> vector<16xi32>
      %reduce_sum3A_509 = vector.extract %reduce_sum3A_508[15] : i32 from vector<16xi32>
      %eq3A_510 = arith.constant 3 : i32
      %eq3A_511 = vector.broadcast %eq3A_510 : i32 to vector<16xi32>
      %eq3A_512 = arith.cmpi eq, %iota3A, %eq3A_511 : vector<16xi32>
      %jit3A_513 = arith.constant 0 : i32
      %broadcast_in_dim3A_514 = vector.broadcast %reduce_sum3A_509 : i32 to vector<16xi32>
      %broadcast_in_dim3A_515 = vector.broadcast %jit3A_513 : i32 to vector<16xi32>
      %select_n3A_516 = arith.select %eq3A_512, %broadcast_in_dim3A_514, %broadcast_in_dim3A_515 : vector<16xi1>, vector<16xi32>
      %add3A_517 = arith.addi %add3A_493, %select_n3A_516 : vector<16xi32>
      %eq3A_518 = arith.constant 4 : i32
      %eq3A_519 = vector.broadcast %eq3A_518 : i32 to vector<16xi32>
      %eq3A_520 = arith.cmpi eq, %shift_right_arithmetic3A_420, %eq3A_519 : vector<16xi32>
      %eq3A_521 = arith.constant 4 : i32
      %eq3A_522 = vector.broadcast %eq3A_521 : i32 to vector<16xi32>
      %eq3A_523 = arith.cmpi eq, %and3A_422, %eq3A_522 : vector<16xi32>
      %or3A_524 = arith.ori %eq3A_520, %eq3A_523 : vector<16xi1>
      %jit3A_525 = arith.constant 1 : i32
      %jit3A_526 = arith.constant 0 : i32
      %broadcast_in_dim3A_527 = vector.broadcast %jit3A_525 : i32 to vector<16xi32>
      %broadcast_in_dim3A_528 = vector.broadcast %jit3A_526 : i32 to vector<16xi32>
      %select_n3A_529 = arith.select %or3A_524, %broadcast_in_dim3A_527, %broadcast_in_dim3A_528 : vector<16xi1>, vector<16xi32>
      %reduce_sum3A_530 = arith.constant true
      %reduce_sum3A_531 = vector.broadcast %reduce_sum3A_530 : i1 to vector<16xi1>
      %reduce_sum3A_532 = tpu.scan <sum>, %select_n3A_529 masked %reduce_sum3A_531 : vector<16xi32>, vector<16xi1> -> vector<16xi32>
      %reduce_sum3A_533 = vector.extract %reduce_sum3A_532[15] : i32 from vector<16xi32>
      %eq3A_534 = arith.constant 4 : i32
      %eq3A_535 = vector.broadcast %eq3A_534 : i32 to vector<16xi32>
      %eq3A_536 = arith.cmpi eq, %iota3A, %eq3A_535 : vector<16xi32>
      %jit3A_537 = arith.constant 0 : i32
      %broadcast_in_dim3A_538 = vector.broadcast %reduce_sum3A_533 : i32 to vector<16xi32>
      %broadcast_in_dim3A_539 = vector.broadcast %jit3A_537 : i32 to vector<16xi32>
      %select_n3A_540 = arith.select %eq3A_536, %broadcast_in_dim3A_538, %broadcast_in_dim3A_539 : vector<16xi1>, vector<16xi32>
      %add3A_541 = arith.addi %add3A_517, %select_n3A_540 : vector<16xi32>
      %eq3A_542 = arith.constant 5 : i32
      %eq3A_543 = vector.broadcast %eq3A_542 : i32 to vector<16xi32>
      %eq3A_544 = arith.cmpi eq, %shift_right_arithmetic3A_420, %eq3A_543 : vector<16xi32>
      %eq3A_545 = arith.constant 5 : i32
      %eq3A_546 = vector.broadcast %eq3A_545 : i32 to vector<16xi32>
      %eq3A_547 = arith.cmpi eq, %and3A_422, %eq3A_546 : vector<16xi32>
      %or3A_548 = arith.ori %eq3A_544, %eq3A_547 : vector<16xi1>
      %jit3A_549 = arith.constant 1 : i32
      %jit3A_550 = arith.constant 0 : i32
      %broadcast_in_dim3A_551 = vector.broadcast %jit3A_549 : i32 to vector<16xi32>
      %broadcast_in_dim3A_552 = vector.broadcast %jit3A_550 : i32 to vector<16xi32>
      %select_n3A_553 = arith.select %or3A_548, %broadcast_in_dim3A_551, %broadcast_in_dim3A_552 : vector<16xi1>, vector<16xi32>
      %reduce_sum3A_554 = arith.constant true
      %reduce_sum3A_555 = vector.broadcast %reduce_sum3A_554 : i1 to vector<16xi1>
      %reduce_sum3A_556 = tpu.scan <sum>, %select_n3A_553 masked %reduce_sum3A_555 : vector<16xi32>, vector<16xi1> -> vector<16xi32>
      %reduce_sum3A_557 = vector.extract %reduce_sum3A_556[15] : i32 from vector<16xi32>
      %eq3A_558 = arith.constant 5 : i32
      %eq3A_559 = vector.broadcast %eq3A_558 : i32 to vector<16xi32>
      %eq3A_560 = arith.cmpi eq, %iota3A, %eq3A_559 : vector<16xi32>
      %jit3A_561 = arith.constant 0 : i32
      %broadcast_in_dim3A_562 = vector.broadcast %reduce_sum3A_557 : i32 to vector<16xi32>
      %broadcast_in_dim3A_563 = vector.broadcast %jit3A_561 : i32 to vector<16xi32>
      %select_n3A_564 = arith.select %eq3A_560, %broadcast_in_dim3A_562, %broadcast_in_dim3A_563 : vector<16xi1>, vector<16xi32>
      %add3A_565 = arith.addi %add3A_541, %select_n3A_564 : vector<16xi32>
      %eq3A_566 = arith.constant 6 : i32
      %eq3A_567 = vector.broadcast %eq3A_566 : i32 to vector<16xi32>
      %eq3A_568 = arith.cmpi eq, %shift_right_arithmetic3A_420, %eq3A_567 : vector<16xi32>
      %eq3A_569 = arith.constant 6 : i32
      %eq3A_570 = vector.broadcast %eq3A_569 : i32 to vector<16xi32>
      %eq3A_571 = arith.cmpi eq, %and3A_422, %eq3A_570 : vector<16xi32>
      %or3A_572 = arith.ori %eq3A_568, %eq3A_571 : vector<16xi1>
      %jit3A_573 = arith.constant 1 : i32
      %jit3A_574 = arith.constant 0 : i32
      %broadcast_in_dim3A_575 = vector.broadcast %jit3A_573 : i32 to vector<16xi32>
      %broadcast_in_dim3A_576 = vector.broadcast %jit3A_574 : i32 to vector<16xi32>
      %select_n3A_577 = arith.select %or3A_572, %broadcast_in_dim3A_575, %broadcast_in_dim3A_576 : vector<16xi1>, vector<16xi32>
      %reduce_sum3A_578 = arith.constant true
      %reduce_sum3A_579 = vector.broadcast %reduce_sum3A_578 : i1 to vector<16xi1>
      %reduce_sum3A_580 = tpu.scan <sum>, %select_n3A_577 masked %reduce_sum3A_579 : vector<16xi32>, vector<16xi1> -> vector<16xi32>
      %reduce_sum3A_581 = vector.extract %reduce_sum3A_580[15] : i32 from vector<16xi32>
      %eq3A_582 = arith.constant 6 : i32
      %eq3A_583 = vector.broadcast %eq3A_582 : i32 to vector<16xi32>
      %eq3A_584 = arith.cmpi eq, %iota3A, %eq3A_583 : vector<16xi32>
      %jit3A_585 = arith.constant 0 : i32
      %broadcast_in_dim3A_586 = vector.broadcast %reduce_sum3A_581 : i32 to vector<16xi32>
      %broadcast_in_dim3A_587 = vector.broadcast %jit3A_585 : i32 to vector<16xi32>
      %select_n3A_588 = arith.select %eq3A_584, %broadcast_in_dim3A_586, %broadcast_in_dim3A_587 : vector<16xi1>, vector<16xi32>
      %add3A_589 = arith.addi %add3A_565, %select_n3A_588 : vector<16xi32>
      %eq3A_590 = arith.constant 7 : i32
      %eq3A_591 = vector.broadcast %eq3A_590 : i32 to vector<16xi32>
      %eq3A_592 = arith.cmpi eq, %shift_right_arithmetic3A_420, %eq3A_591 : vector<16xi32>
      %eq3A_593 = arith.constant 7 : i32
      %eq3A_594 = vector.broadcast %eq3A_593 : i32 to vector<16xi32>
      %eq3A_595 = arith.cmpi eq, %and3A_422, %eq3A_594 : vector<16xi32>
      %or3A_596 = arith.ori %eq3A_592, %eq3A_595 : vector<16xi1>
      %jit3A_597 = arith.constant 1 : i32
      %jit3A_598 = arith.constant 0 : i32
      %broadcast_in_dim3A_599 = vector.broadcast %jit3A_597 : i32 to vector<16xi32>
      %broadcast_in_dim3A_600 = vector.broadcast %jit3A_598 : i32 to vector<16xi32>
      %select_n3A_601 = arith.select %or3A_596, %broadcast_in_dim3A_599, %broadcast_in_dim3A_600 : vector<16xi1>, vector<16xi32>
      %reduce_sum3A_602 = arith.constant true
      %reduce_sum3A_603 = vector.broadcast %reduce_sum3A_602 : i1 to vector<16xi1>
      %reduce_sum3A_604 = tpu.scan <sum>, %select_n3A_601 masked %reduce_sum3A_603 : vector<16xi32>, vector<16xi1> -> vector<16xi32>
      %reduce_sum3A_605 = vector.extract %reduce_sum3A_604[15] : i32 from vector<16xi32>
      %eq3A_606 = arith.constant 7 : i32
      %eq3A_607 = vector.broadcast %eq3A_606 : i32 to vector<16xi32>
      %eq3A_608 = arith.cmpi eq, %iota3A, %eq3A_607 : vector<16xi32>
      %jit3A_609 = arith.constant 0 : i32
      %broadcast_in_dim3A_610 = vector.broadcast %reduce_sum3A_605 : i32 to vector<16xi32>
      %broadcast_in_dim3A_611 = vector.broadcast %jit3A_609 : i32 to vector<16xi32>
      %select_n3A_612 = arith.select %eq3A_608, %broadcast_in_dim3A_610, %broadcast_in_dim3A_611 : vector<16xi1>, vector<16xi32>
      %add3A_613 = arith.addi %add3A_589, %select_n3A_612 : vector<16xi32>
      scf.yield %add3A_613 : vector<16xi32>
    }
    %scan3A_17 = arith.constant 32 : i32
    %swap3A = arith.constant 0 : index
    %swap3A_18 = tpu.vector_load %arg10[%swap3A] {strides = array<i32>} : memref<16xi32, #tpu.memory_space<vmem>>, vector<16xi32>,
    tpu.vector_store %arg10[%swap3A], %scan3A_16 {strides = array<i32>} : memref<16xi32, #tpu.memory_space<vmem>>, vector<16xi32>,
    "tpu.region"() ({
      %run_scoped3A_413 = tpu.sem_alloc : memref<!tpu.dma_semaphore, #tpu.memory_space<semaphore_mem>>
      %dma_start3A = arith.constant 0 : i32
      %dma_start3A_414 = tpu.memref_slice %arg20[%arg1, %dma_start3A] : memref<16x16xi32, #tpu.memory_space<vmem_shared>> -> memref<1x16xi32, #tpu.memory_space<vmem_shared>>
      %dma_start3A_415 = tpu.memref_squeeze %dma_start3A_414 : memref<1x16xi32, #tpu.memory_space<vmem_shared>> -> memref<16xi32, #tpu.memory_space<vmem_shared>>
      %dma_start3A_416 = arith.constant 0 : i32
      %dma_start3A_417 = tpu.memref_slice %arg20[%arg1, %dma_start3A_416] : memref<16x16xi32, #tpu.memory_space<vmem_shared>> -> memref<1x16xi32, #tpu.memory_space<vmem_shared>>
      %dma_start3A_418 = tpu.memref_squeeze %dma_start3A_417 : memref<1x16xi32, #tpu.memory_space<vmem_shared>> -> memref<16xi32, #tpu.memory_space<vmem_shared>>
      tpu.enqueue_dma source(%arg10 : memref<16xi32, #tpu.memory_space<vmem>>) target(%dma_start3A_418 : memref<16xi32, #tpu.memory_space<vmem_shared>>) target_semaphore(%run_scoped3A_413 : memref<!tpu.dma_semaphore, #tpu.memory_space<semaphore_mem>>)
      %dma_wait3A = arith.constant 0 : i32
      %dma_wait3A_419 = tpu.memref_slice %arg20[%arg1, %dma_wait3A] : memref<16x16xi32, #tpu.memory_space<vmem_shared>> -> memref<1x16xi32, #tpu.memory_space<vmem_shared>>
      %dma_wait3A_420 = tpu.memref_squeeze %dma_wait3A_419 : memref<1x16xi32, #tpu.memory_space<vmem_shared>> -> memref<16xi32, #tpu.memory_space<vmem_shared>>
      %dma_wait3A_421 = arith.constant 0 : i32
      %dma_wait3A_422 = tpu.memref_slice %arg20[%arg1, %dma_wait3A_421] : memref<16x16xi32, #tpu.memory_space<vmem_shared>> -> memref<1x16xi32, #tpu.memory_space<vmem_shared>>
      %dma_wait3A_423 = tpu.memref_squeeze %dma_wait3A_422 : memref<1x16xi32, #tpu.memory_space<vmem_shared>> -> memref<16xi32, #tpu.memory_space<vmem_shared>>
      tpu.wait_dma2 semaphore(%run_scoped3A_413 : memref<!tpu.dma_semaphore, #tpu.memory_space<semaphore_mem>>) src(%arg10 : memref<16xi32, #tpu.memory_space<vmem>>) dst(%dma_wait3A_423 : memref<16xi32, #tpu.memory_space<vmem_shared>>)
      tpu.yield
    }) : () -> ()
    %barrier3A = arith.constant 0 : index
    tpu.barrier barrier_id(%barrier3A)
    "tpu.region"() ({
      %run_scoped3A_413 = tpu.sem_alloc : memref<!tpu.dma_semaphore, #tpu.memory_space<semaphore_mem>>
      tpu.enqueue_dma source(%arg20 : memref<16x16xi32, #tpu.memory_space<vmem_shared>>) target(%arg11 : memref<16x16xi32, #tpu.memory_space<vmem>>) target_semaphore(%run_scoped3A_413 : memref<!tpu.dma_semaphore, #tpu.memory_space<semaphore_mem>>)
      tpu.wait_dma2 semaphore(%run_scoped3A_413 : memref<!tpu.dma_semaphore, #tpu.memory_space<semaphore_mem>>) src(%arg20 : memref<16x16xi32, #tpu.memory_space<vmem_shared>>) dst(%arg11 : memref<16x16xi32, #tpu.memory_space<vmem>>)
      tpu.yield
    }) : () -> ()
    %broadcast_in_dim3A_19 = arith.constant 0 : i32
    %broadcast_in_dim3A_20 = vector.broadcast %broadcast_in_dim3A_19 : i32 to vector<16xi32>
    %lt3A = arith.constant 0 : i32
    %lt3A_21 = arith.cmpi slt, %lt3A, %arg1 : i32
    %get3A = arith.constant 0 : i32
    %get3A_22 = arith.index_cast %get3A : i32 to index
    %get3A_23 = arith.constant 0 : index
    %get3A_24 = tpu.vector_load %arg11[%get3A_22, %get3A_23] {strides = array<i32>} : memref<16x16xi32, #tpu.memory_space<vmem>>, vector<16xi32>,
    %jit3A = arith.constant 0 : i32
    %broadcast_in_dim3A_25 = vector.broadcast %jit3A : i32 to vector<16xi32>
    %select_n3A = arith.select %lt3A_21, %get3A_24, %broadcast_in_dim3A_25 : vector<16xi32>
    %add3A = arith.addi %broadcast_in_dim3A_20, %select_n3A : vector<16xi32>
    %lt3A_26 = arith.constant 1 : i32
    %lt3A_27 = arith.cmpi slt, %lt3A_26, %arg1 : i32
    %get3A_28 = arith.constant 1 : i32
    %get3A_29 = arith.index_cast %get3A_28 : i32 to index
    %get3A_30 = arith.constant 0 : index
    %get3A_31 = tpu.vector_load %arg11[%get3A_29, %get3A_30] {strides = array<i32>} : memref<16x16xi32, #tpu.memory_space<vmem>>, vector<16xi32>,
    %jit3A_32 = arith.constant 0 : i32
    %broadcast_in_dim3A_33 = vector.broadcast %jit3A_32 : i32 to vector<16xi32>
    %select_n3A_34 = arith.select %lt3A_27, %get3A_31, %broadcast_in_dim3A_33 : vector<16xi32>
    %add3A_35 = arith.addi %add3A, %select_n3A_34 : vector<16xi32>
    %lt3A_36 = arith.constant 2 : i32
    %lt3A_37 = arith.cmpi slt, %lt3A_36, %arg1 : i32
    %get3A_38 = arith.constant 2 : i32
    %get3A_39 = arith.index_cast %get3A_38 : i32 to index
    %get3A_40 = arith.constant 0 : index
    %get3A_41 = tpu.vector_load %arg11[%get3A_39, %get3A_40] {strides = array<i32>} : memref<16x16xi32, #tpu.memory_space<vmem>>, vector<16xi32>,
    %jit3A_42 = arith.constant 0 : i32
    %broadcast_in_dim3A_43 = vector.broadcast %jit3A_42 : i32 to vector<16xi32>
    %select_n3A_44 = arith.select %lt3A_37, %get3A_41, %broadcast_in_dim3A_43 : vector<16xi32>
    %add3A_45 = arith.addi %add3A_35, %select_n3A_44 : vector<16xi32>
    %lt3A_46 = arith.constant 3 : i32
    %lt3A_47 = arith.cmpi slt, %lt3A_46, %arg1 : i32
    %get3A_48 = arith.constant 3 : i32
    %get3A_49 = arith.index_cast %get3A_48 : i32 to index
    %get3A_50 = arith.constant 0 : index
    %get3A_51 = tpu.vector_load %arg11[%get3A_49, %get3A_50] {strides = array<i32>} : memref<16x16xi32, #tpu.memory_space<vmem>>, vector<16xi32>,
    %jit3A_52 = arith.constant 0 : i32
    %broadcast_in_dim3A_53 = vector.broadcast %jit3A_52 : i32 to vector<16xi32>
    %select_n3A_54 = arith.select %lt3A_47, %get3A_51, %broadcast_in_dim3A_53 : vector<16xi32>
    %add3A_55 = arith.addi %add3A_45, %select_n3A_54 : vector<16xi32>
    %lt3A_56 = arith.constant 4 : i32
    %lt3A_57 = arith.cmpi slt, %lt3A_56, %arg1 : i32
    %get3A_58 = arith.constant 4 : i32
    %get3A_59 = arith.index_cast %get3A_58 : i32 to index
    %get3A_60 = arith.constant 0 : index
    %get3A_61 = tpu.vector_load %arg11[%get3A_59, %get3A_60] {strides = array<i32>} : memref<16x16xi32, #tpu.memory_space<vmem>>, vector<16xi32>,
    %jit3A_62 = arith.constant 0 : i32
    %broadcast_in_dim3A_63 = vector.broadcast %jit3A_62 : i32 to vector<16xi32>
    %select_n3A_64 = arith.select %lt3A_57, %get3A_61, %broadcast_in_dim3A_63 : vector<16xi32>
    %add3A_65 = arith.addi %add3A_55, %select_n3A_64 : vector<16xi32>
    %lt3A_66 = arith.constant 5 : i32
    %lt3A_67 = arith.cmpi slt, %lt3A_66, %arg1 : i32
    %get3A_68 = arith.constant 5 : i32
    %get3A_69 = arith.index_cast %get3A_68 : i32 to index
    %get3A_70 = arith.constant 0 : index
    %get3A_71 = tpu.vector_load %arg11[%get3A_69, %get3A_70] {strides = array<i32>} : memref<16x16xi32, #tpu.memory_space<vmem>>, vector<16xi32>,
    %jit3A_72 = arith.constant 0 : i32
    %broadcast_in_dim3A_73 = vector.broadcast %jit3A_72 : i32 to vector<16xi32>
    %select_n3A_74 = arith.select %lt3A_67, %get3A_71, %broadcast_in_dim3A_73 : vector<16xi32>
    %add3A_75 = arith.addi %add3A_65, %select_n3A_74 : vector<16xi32>
    %lt3A_76 = arith.constant 6 : i32
    %lt3A_77 = arith.cmpi slt, %lt3A_76, %arg1 : i32
    %get3A_78 = arith.constant 6 : i32
    %get3A_79 = arith.index_cast %get3A_78 : i32 to index
    %get3A_80 = arith.constant 0 : index
    %get3A_81 = tpu.vector_load %arg11[%get3A_79, %get3A_80] {strides = array<i32>} : memref<16x16xi32, #tpu.memory_space<vmem>>, vector<16xi32>,
    %jit3A_82 = arith.constant 0 : i32
    %broadcast_in_dim3A_83 = vector.broadcast %jit3A_82 : i32 to vector<16xi32>
    %select_n3A_84 = arith.select %lt3A_77, %get3A_81, %broadcast_in_dim3A_83 : vector<16xi32>
    %add3A_85 = arith.addi %add3A_75, %select_n3A_84 : vector<16xi32>
    %lt3A_86 = arith.constant 7 : i32
    %lt3A_87 = arith.cmpi slt, %lt3A_86, %arg1 : i32
    %get3A_88 = arith.constant 7 : i32
    %get3A_89 = arith.index_cast %get3A_88 : i32 to index
    %get3A_90 = arith.constant 0 : index
    %get3A_91 = tpu.vector_load %arg11[%get3A_89, %get3A_90] {strides = array<i32>} : memref<16x16xi32, #tpu.memory_space<vmem>>, vector<16xi32>,
    %jit3A_92 = arith.constant 0 : i32
    %broadcast_in_dim3A_93 = vector.broadcast %jit3A_92 : i32 to vector<16xi32>
    %select_n3A_94 = arith.select %lt3A_87, %get3A_91, %broadcast_in_dim3A_93 : vector<16xi32>
    %add3A_95 = arith.addi %add3A_85, %select_n3A_94 : vector<16xi32>
    %lt3A_96 = arith.constant 8 : i32
    %lt3A_97 = arith.cmpi slt, %lt3A_96, %arg1 : i32
    %get3A_98 = arith.constant 8 : i32
    %get3A_99 = arith.index_cast %get3A_98 : i32 to index
    %get3A_100 = arith.constant 0 : index
    %get3A_101 = tpu.vector_load %arg11[%get3A_99, %get3A_100] {strides = array<i32>} : memref<16x16xi32, #tpu.memory_space<vmem>>, vector<16xi32>,
    %jit3A_102 = arith.constant 0 : i32
    %broadcast_in_dim3A_103 = vector.broadcast %jit3A_102 : i32 to vector<16xi32>
    %select_n3A_104 = arith.select %lt3A_97, %get3A_101, %broadcast_in_dim3A_103 : vector<16xi32>
    %add3A_105 = arith.addi %add3A_95, %select_n3A_104 : vector<16xi32>
    %lt3A_106 = arith.constant 9 : i32
    %lt3A_107 = arith.cmpi slt, %lt3A_106, %arg1 : i32
    %get3A_108 = arith.constant 9 : i32
    %get3A_109 = arith.index_cast %get3A_108 : i32 to index
    %get3A_110 = arith.constant 0 : index
    %get3A_111 = tpu.vector_load %arg11[%get3A_109, %get3A_110] {strides = array<i32>} : memref<16x16xi32, #tpu.memory_space<vmem>>, vector<16xi32>,
    %jit3A_112 = arith.constant 0 : i32
    %broadcast_in_dim3A_113 = vector.broadcast %jit3A_112 : i32 to vector<16xi32>
    %select_n3A_114 = arith.select %lt3A_107, %get3A_111, %broadcast_in_dim3A_113 : vector<16xi32>
    %add3A_115 = arith.addi %add3A_105, %select_n3A_114 : vector<16xi32>
    %lt3A_116 = arith.constant 10 : i32
    %lt3A_117 = arith.cmpi slt, %lt3A_116, %arg1 : i32
    %get3A_118 = arith.constant 10 : i32
    %get3A_119 = arith.index_cast %get3A_118 : i32 to index
    %get3A_120 = arith.constant 0 : index
    %get3A_121 = tpu.vector_load %arg11[%get3A_119, %get3A_120] {strides = array<i32>} : memref<16x16xi32, #tpu.memory_space<vmem>>, vector<16xi32>,
    %jit3A_122 = arith.constant 0 : i32
    %broadcast_in_dim3A_123 = vector.broadcast %jit3A_122 : i32 to vector<16xi32>
    %select_n3A_124 = arith.select %lt3A_117, %get3A_121, %broadcast_in_dim3A_123 : vector<16xi32>
    %add3A_125 = arith.addi %add3A_115, %select_n3A_124 : vector<16xi32>
    %lt3A_126 = arith.constant 11 : i32
    %lt3A_127 = arith.cmpi slt, %lt3A_126, %arg1 : i32
    %get3A_128 = arith.constant 11 : i32
    %get3A_129 = arith.index_cast %get3A_128 : i32 to index
    %get3A_130 = arith.constant 0 : index
    %get3A_131 = tpu.vector_load %arg11[%get3A_129, %get3A_130] {strides = array<i32>} : memref<16x16xi32, #tpu.memory_space<vmem>>, vector<16xi32>,
    %jit3A_132 = arith.constant 0 : i32
    %broadcast_in_dim3A_133 = vector.broadcast %jit3A_132 : i32 to vector<16xi32>
    %select_n3A_134 = arith.select %lt3A_127, %get3A_131, %broadcast_in_dim3A_133 : vector<16xi32>
    %add3A_135 = arith.addi %add3A_125, %select_n3A_134 : vector<16xi32>
    %lt3A_136 = arith.constant 12 : i32
    %lt3A_137 = arith.cmpi slt, %lt3A_136, %arg1 : i32
    %get3A_138 = arith.constant 12 : i32
    %get3A_139 = arith.index_cast %get3A_138 : i32 to index
    %get3A_140 = arith.constant 0 : index
    %get3A_141 = tpu.vector_load %arg11[%get3A_139, %get3A_140] {strides = array<i32>} : memref<16x16xi32, #tpu.memory_space<vmem>>, vector<16xi32>,
    %jit3A_142 = arith.constant 0 : i32
    %broadcast_in_dim3A_143 = vector.broadcast %jit3A_142 : i32 to vector<16xi32>
    %select_n3A_144 = arith.select %lt3A_137, %get3A_141, %broadcast_in_dim3A_143 : vector<16xi32>
    %add3A_145 = arith.addi %add3A_135, %select_n3A_144 : vector<16xi32>
    %lt3A_146 = arith.constant 13 : i32
    %lt3A_147 = arith.cmpi slt, %lt3A_146, %arg1 : i32
    %get3A_148 = arith.constant 13 : i32
    %get3A_149 = arith.index_cast %get3A_148 : i32 to index
    %get3A_150 = arith.constant 0 : index
    %get3A_151 = tpu.vector_load %arg11[%get3A_149, %get3A_150] {strides = array<i32>} : memref<16x16xi32, #tpu.memory_space<vmem>>, vector<16xi32>,
    %jit3A_152 = arith.constant 0 : i32
    %broadcast_in_dim3A_153 = vector.broadcast %jit3A_152 : i32 to vector<16xi32>
    %select_n3A_154 = arith.select %lt3A_147, %get3A_151, %broadcast_in_dim3A_153 : vector<16xi32>
    %add3A_155 = arith.addi %add3A_145, %select_n3A_154 : vector<16xi32>
    %lt3A_156 = arith.constant 14 : i32
    %lt3A_157 = arith.cmpi slt, %lt3A_156, %arg1 : i32
    %get3A_158 = arith.constant 14 : i32
    %get3A_159 = arith.index_cast %get3A_158 : i32 to index
    %get3A_160 = arith.constant 0 : index
    %get3A_161 = tpu.vector_load %arg11[%get3A_159, %get3A_160] {strides = array<i32>} : memref<16x16xi32, #tpu.memory_space<vmem>>, vector<16xi32>,
    %jit3A_162 = arith.constant 0 : i32
    %broadcast_in_dim3A_163 = vector.broadcast %jit3A_162 : i32 to vector<16xi32>
    %select_n3A_164 = arith.select %lt3A_157, %get3A_161, %broadcast_in_dim3A_163 : vector<16xi32>
    %add3A_165 = arith.addi %add3A_155, %select_n3A_164 : vector<16xi32>
    %lt3A_166 = arith.constant 15 : i32
    %lt3A_167 = arith.cmpi slt, %lt3A_166, %arg1 : i32
    %get3A_168 = arith.constant 15 : i32
    %get3A_169 = arith.index_cast %get3A_168 : i32 to index
    %get3A_170 = arith.constant 0 : index
    %get3A_171 = tpu.vector_load %arg11[%get3A_169, %get3A_170] {strides = array<i32>} : memref<16x16xi32, #tpu.memory_space<vmem>>, vector<16xi32>,
    %jit3A_172 = arith.constant 0 : i32
    %broadcast_in_dim3A_173 = vector.broadcast %jit3A_172 : i32 to vector<16xi32>
    %select_n3A_174 = arith.select %lt3A_167, %get3A_171, %broadcast_in_dim3A_173 : vector<16xi32>
    %add3A_175 = arith.addi %add3A_165, %select_n3A_174 : vector<16xi32>
    %eq3A = arith.constant 0 : i32
    %eq3A_176 = vector.broadcast %eq3A : i32 to vector<16xi32>
    %eq3A_177 = arith.cmpi eq, %iota3A, %eq3A_176 : vector<16xi32>
    %jit3A_178 = arith.constant 0 : i32
    %broadcast_in_dim3A_179 = vector.broadcast %jit3A_178 : i32 to vector<16xi32>
    %select_n3A_180 = arith.select %eq3A_177, %add3A_175, %broadcast_in_dim3A_179 : vector<16xi1>, vector<16xi32>
    %reduce_sum3A = arith.constant true
    %reduce_sum3A_181 = vector.broadcast %reduce_sum3A : i1 to vector<16xi1>
    %reduce_sum3A_182 = tpu.scan <sum>, %select_n3A_180 masked %reduce_sum3A_181 : vector<16xi32>, vector<16xi1> -> vector<16xi32>
    %reduce_sum3A_183 = vector.extract %reduce_sum3A_182[15] : i32 from vector<16xi32>
    %eq3A_184 = arith.constant 1 : i32
    %eq3A_185 = vector.broadcast %eq3A_184 : i32 to vector<16xi32>
    %eq3A_186 = arith.cmpi eq, %iota3A, %eq3A_185 : vector<16xi32>
    %jit3A_187 = arith.constant 0 : i32
    %broadcast_in_dim3A_188 = vector.broadcast %jit3A_187 : i32 to vector<16xi32>
    %select_n3A_189 = arith.select %eq3A_186, %add3A_175, %broadcast_in_dim3A_188 : vector<16xi1>, vector<16xi32>
    %reduce_sum3A_190 = arith.constant true
    %reduce_sum3A_191 = vector.broadcast %reduce_sum3A_190 : i1 to vector<16xi1>
    %reduce_sum3A_192 = tpu.scan <sum>, %select_n3A_189 masked %reduce_sum3A_191 : vector<16xi32>, vector<16xi1> -> vector<16xi32>
    %reduce_sum3A_193 = vector.extract %reduce_sum3A_192[15] : i32 from vector<16xi32>
    %eq3A_194 = arith.constant 2 : i32
    %eq3A_195 = vector.broadcast %eq3A_194 : i32 to vector<16xi32>
    %eq3A_196 = arith.cmpi eq, %iota3A, %eq3A_195 : vector<16xi32>
    %jit3A_197 = arith.constant 0 : i32
    %broadcast_in_dim3A_198 = vector.broadcast %jit3A_197 : i32 to vector<16xi32>
    %select_n3A_199 = arith.select %eq3A_196, %add3A_175, %broadcast_in_dim3A_198 : vector<16xi1>, vector<16xi32>
    %reduce_sum3A_200 = arith.constant true
    %reduce_sum3A_201 = vector.broadcast %reduce_sum3A_200 : i1 to vector<16xi1>
    %reduce_sum3A_202 = tpu.scan <sum>, %select_n3A_199 masked %reduce_sum3A_201 : vector<16xi32>, vector<16xi1> -> vector<16xi32>
    %reduce_sum3A_203 = vector.extract %reduce_sum3A_202[15] : i32 from vector<16xi32>
    %eq3A_204 = arith.constant 3 : i32
    %eq3A_205 = vector.broadcast %eq3A_204 : i32 to vector<16xi32>
    %eq3A_206 = arith.cmpi eq, %iota3A, %eq3A_205 : vector<16xi32>
    %jit3A_207 = arith.constant 0 : i32
    %broadcast_in_dim3A_208 = vector.broadcast %jit3A_207 : i32 to vector<16xi32>
    %select_n3A_209 = arith.select %eq3A_206, %add3A_175, %broadcast_in_dim3A_208 : vector<16xi1>, vector<16xi32>
    %reduce_sum3A_210 = arith.constant true
    %reduce_sum3A_211 = vector.broadcast %reduce_sum3A_210 : i1 to vector<16xi1>
    %reduce_sum3A_212 = tpu.scan <sum>, %select_n3A_209 masked %reduce_sum3A_211 : vector<16xi32>, vector<16xi1> -> vector<16xi32>
    %reduce_sum3A_213 = vector.extract %reduce_sum3A_212[15] : i32 from vector<16xi32>
    %eq3A_214 = arith.constant 4 : i32
    %eq3A_215 = vector.broadcast %eq3A_214 : i32 to vector<16xi32>
    %eq3A_216 = arith.cmpi eq, %iota3A, %eq3A_215 : vector<16xi32>
    %jit3A_217 = arith.constant 0 : i32
    %broadcast_in_dim3A_218 = vector.broadcast %jit3A_217 : i32 to vector<16xi32>
    %select_n3A_219 = arith.select %eq3A_216, %add3A_175, %broadcast_in_dim3A_218 : vector<16xi1>, vector<16xi32>
    %reduce_sum3A_220 = arith.constant true
    %reduce_sum3A_221 = vector.broadcast %reduce_sum3A_220 : i1 to vector<16xi1>
    %reduce_sum3A_222 = tpu.scan <sum>, %select_n3A_219 masked %reduce_sum3A_221 : vector<16xi32>, vector<16xi1> -> vector<16xi32>
    %reduce_sum3A_223 = vector.extract %reduce_sum3A_222[15] : i32 from vector<16xi32>
    %eq3A_224 = arith.constant 5 : i32
    %eq3A_225 = vector.broadcast %eq3A_224 : i32 to vector<16xi32>
    %eq3A_226 = arith.cmpi eq, %iota3A, %eq3A_225 : vector<16xi32>
    %jit3A_227 = arith.constant 0 : i32
    %broadcast_in_dim3A_228 = vector.broadcast %jit3A_227 : i32 to vector<16xi32>
    %select_n3A_229 = arith.select %eq3A_226, %add3A_175, %broadcast_in_dim3A_228 : vector<16xi1>, vector<16xi32>
    %reduce_sum3A_230 = arith.constant true
    %reduce_sum3A_231 = vector.broadcast %reduce_sum3A_230 : i1 to vector<16xi1>
    %reduce_sum3A_232 = tpu.scan <sum>, %select_n3A_229 masked %reduce_sum3A_231 : vector<16xi32>, vector<16xi1> -> vector<16xi32>
    %reduce_sum3A_233 = vector.extract %reduce_sum3A_232[15] : i32 from vector<16xi32>
    %eq3A_234 = arith.constant 6 : i32
    %eq3A_235 = vector.broadcast %eq3A_234 : i32 to vector<16xi32>
    %eq3A_236 = arith.cmpi eq, %iota3A, %eq3A_235 : vector<16xi32>
    %jit3A_237 = arith.constant 0 : i32
    %broadcast_in_dim3A_238 = vector.broadcast %jit3A_237 : i32 to vector<16xi32>
    %select_n3A_239 = arith.select %eq3A_236, %add3A_175, %broadcast_in_dim3A_238 : vector<16xi1>, vector<16xi32>
    %reduce_sum3A_240 = arith.constant true
    %reduce_sum3A_241 = vector.broadcast %reduce_sum3A_240 : i1 to vector<16xi1>
    %reduce_sum3A_242 = tpu.scan <sum>, %select_n3A_239 masked %reduce_sum3A_241 : vector<16xi32>, vector<16xi1> -> vector<16xi32>
    %reduce_sum3A_243 = vector.extract %reduce_sum3A_242[15] : i32 from vector<16xi32>
    %eq3A_244 = arith.constant 7 : i32
    %eq3A_245 = vector.broadcast %eq3A_244 : i32 to vector<16xi32>
    %eq3A_246 = arith.cmpi eq, %iota3A, %eq3A_245 : vector<16xi32>
    %jit3A_247 = arith.constant 0 : i32
    %broadcast_in_dim3A_248 = vector.broadcast %jit3A_247 : i32 to vector<16xi32>
    %select_n3A_249 = arith.select %eq3A_246, %add3A_175, %broadcast_in_dim3A_248 : vector<16xi1>, vector<16xi32>
    %reduce_sum3A_250 = arith.constant true
    %reduce_sum3A_251 = vector.broadcast %reduce_sum3A_250 : i1 to vector<16xi1>
    %reduce_sum3A_252 = tpu.scan <sum>, %select_n3A_249 masked %reduce_sum3A_251 : vector<16xi32>, vector<16xi1> -> vector<16xi32>
    %reduce_sum3A_253 = vector.extract %reduce_sum3A_252[15] : i32 from vector<16xi32>
    %scan3A_254 = arith.constant 0 : i32
    %scan3A_255 = arith.constant 32 : i32
    %scan3A_256 = arith.addi %scan3A_254, %scan3A_255 : i32
    %scan3A_257 = arith.constant 1 : i32
    %scan3A_258:8 = scf.for %scan3A_413 = %scan3A_254 to %scan3A_256 step %scan3A_257 iter_args(%scan3A_414 = %reduce_sum3A_183, %scan3A_415 = %reduce_sum3A_193, %scan3A_416 = %reduce_sum3A_203, %scan3A_417 = %reduce_sum3A_213, %scan3A_418 = %reduce_sum3A_223, %scan3A_419 = %reduce_sum3A_233, %scan3A_420 = %reduce_sum3A_243, %scan3A_421 = %reduce_sum3A_253) -> (i32, i32, i32, i32, i32, i32, i32, i32)  : i32 {
      %mul3A_422 = arith.constant 16 : i32
      %mul3A_423 = arith.muli %scan3A_413, %mul3A_422 : i32
      %get3A_424 = arith.index_cast %mul3A_423 : i32 to index
      %get3A_425 = tpu.vector_load %arg8[%get3A_424] {strides = array<i32>} : memref<512xi32, #tpu.memory_space<vmem>>, vector<16xi32>,
      %shift_right_arithmetic3A = arith.constant 3 : i32
      %shift_right_arithmetic3A_426 = vector.broadcast %shift_right_arithmetic3A : i32 to vector<16xi32>
      %shift_right_arithmetic3A_427 = arith.shrsi %get3A_425, %shift_right_arithmetic3A_426 : vector<16xi32>
      %and3A = arith.constant 7 : i32
      %and3A_428 = vector.broadcast %and3A : i32 to vector<16xi32>
      %and3A_429 = arith.andi %get3A_425, %and3A_428 : vector<16xi32>
      %get3A_430 = arith.index_cast %mul3A_423 : i32 to index
      %get3A_431 = tpu.vector_load %arg9[%get3A_430] {strides = array<i32>} : memref<512xf32, #tpu.memory_space<vmem>>, vector<16xf32>,
      %sub3A = arith.constant 1.000000e+00 : f32
      %sub3A_432 = vector.broadcast %sub3A : f32 to vector<16xf32>
      %sub3A_433 = arith.subf %sub3A_432, %get3A_431 : vector<16xf32>
      %mul3A_434 = arith.constant 16 : i32
      %mul3A_435 = arith.muli %scan3A_413, %mul3A_434 : i32
      %add3A_436 = arith.addi %mul3A_0, %mul3A_435 : i32
      %add3A_437 = vector.broadcast %add3A_436 : i32 to vector<16xi32>
      %add3A_438 = arith.addi %add3A_437, %iota3A : vector<16xi32>
      %broadcast_in_dim3A_439 = arith.constant 16384 : i32
      %broadcast_in_dim3A_440 = vector.broadcast %broadcast_in_dim3A_439 : i32 to vector<16xi32>
      %broadcast_in_dim3A_441 = arith.constant 16384 : i32
      %broadcast_in_dim3A_442 = vector.broadcast %broadcast_in_dim3A_441 : i32 to vector<16xi32>
      %eq3A_443 = arith.constant 0 : i32
      %eq3A_444 = vector.broadcast %eq3A_443 : i32 to vector<16xi32>
      %eq3A_445 = arith.cmpi eq, %shift_right_arithmetic3A_427, %eq3A_444 : vector<16xi32>
      %eq3A_446 = arith.constant 0 : i32
      %eq3A_447 = vector.broadcast %eq3A_446 : i32 to vector<16xi32>
      %eq3A_448 = arith.cmpi eq, %and3A_429, %eq3A_447 : vector<16xi32>
      %or3A = arith.ori %eq3A_445, %eq3A_448 : vector<16xi1>
      %jit3A_449 = arith.constant 1 : i32
      %jit3A_450 = arith.constant 0 : i32
      %broadcast_in_dim3A_451 = vector.broadcast %jit3A_449 : i32 to vector<16xi32>
      %broadcast_in_dim3A_452 = vector.broadcast %jit3A_450 : i32 to vector<16xi32>
      %select_n3A_453 = arith.select %or3A, %broadcast_in_dim3A_451, %broadcast_in_dim3A_452 : vector<16xi1>, vector<16xi32>
      %broadcast_in_dim3A_454 = arith.constant true
      %broadcast_in_dim3A_455 = vector.broadcast %broadcast_in_dim3A_454 : i1 to vector<16xi1>
      %masked_cumsum3A = tpu.scan <sum>, %select_n3A_453 masked %broadcast_in_dim3A_455 : vector<16xi32>, vector<16xi1> -> vector<16xi32>
      %add3A_456 = vector.broadcast %scan3A_414 : i32 to vector<16xi32>
      %add3A_457 = arith.addi %add3A_456, %masked_cumsum3A : vector<16xi32>
      %sub3A_458 = arith.constant 1 : i32
      %sub3A_459 = vector.broadcast %sub3A_458 : i32 to vector<16xi32>
      %sub3A_460 = arith.subi %add3A_457, %sub3A_459 : vector<16xi32>
      %lt3A_461 = arith.constant 2048 : i32
      %lt3A_462 = vector.broadcast %lt3A_461 : i32 to vector<16xi32>
      %lt3A_463 = arith.cmpi slt, %sub3A_460, %lt3A_462 : vector<16xi32>
      %and3A_464 = arith.andi %or3A, %lt3A_463 : vector<16xi1>
      %add3A_465 = arith.constant 0 : i32
      %add3A_466 = vector.broadcast %add3A_465 : i32 to vector<16xi32>
      %add3A_467 = arith.addi %sub3A_460, %add3A_466 : vector<16xi32>
      tpu.vector_store_idx %arg12[%add3A_467], %add3A_438 masked %and3A_464 : memref<16384xi32, #tpu.memory_space<vmem>>[vector<16xi32>], vector<16xi32>, vector<16xi1>
      %select_n3A_468 = arith.select %eq3A_445, %get3A_431, %sub3A_433 : vector<16xi1>, vector<16xf32>
      tpu.vector_store_idx %arg13[%add3A_467], %select_n3A_468 masked %and3A_464 : memref<16384xf32, #tpu.memory_space<vmem>>[vector<16xi32>], vector<16xf32>, vector<16xi1>
      %and3A_469 = arith.andi %eq3A_445, %and3A_464 : vector<16xi1>
      %select_n3A_470 = arith.select %and3A_469, %add3A_467, %broadcast_in_dim3A_440 : vector<16xi1>, vector<16xi32>
      %and3A_471 = arith.andi %eq3A_448, %and3A_464 : vector<16xi1>
      %select_n3A_472 = arith.select %and3A_471, %add3A_467, %broadcast_in_dim3A_442 : vector<16xi1>, vector<16xi32>
      %reduce_sum3A_473 = arith.constant true
      %reduce_sum3A_474 = vector.broadcast %reduce_sum3A_473 : i1 to vector<16xi1>
      %reduce_sum3A_475 = tpu.scan <sum>, %select_n3A_453 masked %reduce_sum3A_474 : vector<16xi32>, vector<16xi1> -> vector<16xi32>
      %reduce_sum3A_476 = vector.extract %reduce_sum3A_475[15] : i32 from vector<16xi32>
      %add3A_477 = arith.addi %scan3A_414, %reduce_sum3A_476 : i32
      %eq3A_478 = arith.constant 1 : i32
      %eq3A_479 = vector.broadcast %eq3A_478 : i32 to vector<16xi32>
      %eq3A_480 = arith.cmpi eq, %shift_right_arithmetic3A_427, %eq3A_479 : vector<16xi32>
      %eq3A_481 = arith.constant 1 : i32
      %eq3A_482 = vector.broadcast %eq3A_481 : i32 to vector<16xi32>
      %eq3A_483 = arith.cmpi eq, %and3A_429, %eq3A_482 : vector<16xi32>
      %or3A_484 = arith.ori %eq3A_480, %eq3A_483 : vector<16xi1>
      %jit3A_485 = arith.constant 1 : i32
      %jit3A_486 = arith.constant 0 : i32
      %broadcast_in_dim3A_487 = vector.broadcast %jit3A_485 : i32 to vector<16xi32>
      %broadcast_in_dim3A_488 = vector.broadcast %jit3A_486 : i32 to vector<16xi32>
      %select_n3A_489 = arith.select %or3A_484, %broadcast_in_dim3A_487, %broadcast_in_dim3A_488 : vector<16xi1>, vector<16xi32>
      %broadcast_in_dim3A_490 = arith.constant true
      %broadcast_in_dim3A_491 = vector.broadcast %broadcast_in_dim3A_490 : i1 to vector<16xi1>
      %masked_cumsum3A_492 = tpu.scan <sum>, %select_n3A_489 masked %broadcast_in_dim3A_491 : vector<16xi32>, vector<16xi1> -> vector<16xi32>
      %add3A_493 = vector.broadcast %scan3A_415 : i32 to vector<16xi32>
      %add3A_494 = arith.addi %add3A_493, %masked_cumsum3A_492 : vector<16xi32>
      %sub3A_495 = arith.constant 1 : i32
      %sub3A_496 = vector.broadcast %sub3A_495 : i32 to vector<16xi32>
      %sub3A_497 = arith.subi %add3A_494, %sub3A_496 : vector<16xi32>
      %lt3A_498 = arith.constant 2048 : i32
      %lt3A_499 = vector.broadcast %lt3A_498 : i32 to vector<16xi32>
      %lt3A_500 = arith.cmpi slt, %sub3A_497, %lt3A_499 : vector<16xi32>
      %and3A_501 = arith.andi %or3A_484, %lt3A_500 : vector<16xi1>
      %add3A_502 = arith.constant 2048 : i32
      %add3A_503 = vector.broadcast %add3A_502 : i32 to vector<16xi32>
      %add3A_504 = arith.addi %sub3A_497, %add3A_503 : vector<16xi32>
      tpu.vector_store_idx %arg12[%add3A_504], %add3A_438 masked %and3A_501 : memref<16384xi32, #tpu.memory_space<vmem>>[vector<16xi32>], vector<16xi32>, vector<16xi1>
      %select_n3A_505 = arith.select %eq3A_480, %get3A_431, %sub3A_433 : vector<16xi1>, vector<16xf32>
      tpu.vector_store_idx %arg13[%add3A_504], %select_n3A_505 masked %and3A_501 : memref<16384xf32, #tpu.memory_space<vmem>>[vector<16xi32>], vector<16xf32>, vector<16xi1>
      %and3A_506 = arith.andi %eq3A_480, %and3A_501 : vector<16xi1>
      %select_n3A_507 = arith.select %and3A_506, %add3A_504, %select_n3A_470 : vector<16xi1>, vector<16xi32>
      %and3A_508 = arith.andi %eq3A_483, %and3A_501 : vector<16xi1>
      %select_n3A_509 = arith.select %and3A_508, %add3A_504, %select_n3A_472 : vector<16xi1>, vector<16xi32>
      %reduce_sum3A_510 = arith.constant true
      %reduce_sum3A_511 = vector.broadcast %reduce_sum3A_510 : i1 to vector<16xi1>
      %reduce_sum3A_512 = tpu.scan <sum>, %select_n3A_489 masked %reduce_sum3A_511 : vector<16xi32>, vector<16xi1> -> vector<16xi32>
      %reduce_sum3A_513 = vector.extract %reduce_sum3A_512[15] : i32 from vector<16xi32>
      %add3A_514 = arith.addi %scan3A_415, %reduce_sum3A_513 : i32
      %eq3A_515 = arith.constant 2 : i32
      %eq3A_516 = vector.broadcast %eq3A_515 : i32 to vector<16xi32>
      %eq3A_517 = arith.cmpi eq, %shift_right_arithmetic3A_427, %eq3A_516 : vector<16xi32>
      %eq3A_518 = arith.constant 2 : i32
      %eq3A_519 = vector.broadcast %eq3A_518 : i32 to vector<16xi32>
      %eq3A_520 = arith.cmpi eq, %and3A_429, %eq3A_519 : vector<16xi32>
      %or3A_521 = arith.ori %eq3A_517, %eq3A_520 : vector<16xi1>
      %jit3A_522 = arith.constant 1 : i32
      %jit3A_523 = arith.constant 0 : i32
      %broadcast_in_dim3A_524 = vector.broadcast %jit3A_522 : i32 to vector<16xi32>
      %broadcast_in_dim3A_525 = vector.broadcast %jit3A_523 : i32 to vector<16xi32>
      %select_n3A_526 = arith.select %or3A_521, %broadcast_in_dim3A_524, %broadcast_in_dim3A_525 : vector<16xi1>, vector<16xi32>
      %broadcast_in_dim3A_527 = arith.constant true
      %broadcast_in_dim3A_528 = vector.broadcast %broadcast_in_dim3A_527 : i1 to vector<16xi1>
      %masked_cumsum3A_529 = tpu.scan <sum>, %select_n3A_526 masked %broadcast_in_dim3A_528 : vector<16xi32>, vector<16xi1> -> vector<16xi32>
      %add3A_530 = vector.broadcast %scan3A_416 : i32 to vector<16xi32>
      %add3A_531 = arith.addi %add3A_530, %masked_cumsum3A_529 : vector<16xi32>
      %sub3A_532 = arith.constant 1 : i32
      %sub3A_533 = vector.broadcast %sub3A_532 : i32 to vector<16xi32>
      %sub3A_534 = arith.subi %add3A_531, %sub3A_533 : vector<16xi32>
      %lt3A_535 = arith.constant 2048 : i32
      %lt3A_536 = vector.broadcast %lt3A_535 : i32 to vector<16xi32>
      %lt3A_537 = arith.cmpi slt, %sub3A_534, %lt3A_536 : vector<16xi32>
      %and3A_538 = arith.andi %or3A_521, %lt3A_537 : vector<16xi1>
      %add3A_539 = arith.constant 4096 : i32
      %add3A_540 = vector.broadcast %add3A_539 : i32 to vector<16xi32>
      %add3A_541 = arith.addi %sub3A_534, %add3A_540 : vector<16xi32>
      tpu.vector_store_idx %arg12[%add3A_541], %add3A_438 masked %and3A_538 : memref<16384xi32, #tpu.memory_space<vmem>>[vector<16xi32>], vector<16xi32>, vector<16xi1>
      %select_n3A_542 = arith.select %eq3A_517, %get3A_431, %sub3A_433 : vector<16xi1>, vector<16xf32>
      tpu.vector_store_idx %arg13[%add3A_541], %select_n3A_542 masked %and3A_538 : memref<16384xf32, #tpu.memory_space<vmem>>[vector<16xi32>], vector<16xf32>, vector<16xi1>
      %and3A_543 = arith.andi %eq3A_517, %and3A_538 : vector<16xi1>
      %select_n3A_544 = arith.select %and3A_543, %add3A_541, %select_n3A_507 : vector<16xi1>, vector<16xi32>
      %and3A_545 = arith.andi %eq3A_520, %and3A_538 : vector<16xi1>
      %select_n3A_546 = arith.select %and3A_545, %add3A_541, %select_n3A_509 : vector<16xi1>, vector<16xi32>
      %reduce_sum3A_547 = arith.constant true
      %reduce_sum3A_548 = vector.broadcast %reduce_sum3A_547 : i1 to vector<16xi1>
      %reduce_sum3A_549 = tpu.scan <sum>, %select_n3A_526 masked %reduce_sum3A_548 : vector<16xi32>, vector<16xi1> -> vector<16xi32>
      %reduce_sum3A_550 = vector.extract %reduce_sum3A_549[15] : i32 from vector<16xi32>
      %add3A_551 = arith.addi %scan3A_416, %reduce_sum3A_550 : i32
      %eq3A_552 = arith.constant 3 : i32
      %eq3A_553 = vector.broadcast %eq3A_552 : i32 to vector<16xi32>
      %eq3A_554 = arith.cmpi eq, %shift_right_arithmetic3A_427, %eq3A_553 : vector<16xi32>
      %eq3A_555 = arith.constant 3 : i32
      %eq3A_556 = vector.broadcast %eq3A_555 : i32 to vector<16xi32>
      %eq3A_557 = arith.cmpi eq, %and3A_429, %eq3A_556 : vector<16xi32>
      %or3A_558 = arith.ori %eq3A_554, %eq3A_557 : vector<16xi1>
      %jit3A_559 = arith.constant 1 : i32
      %jit3A_560 = arith.constant 0 : i32
      %broadcast_in_dim3A_561 = vector.broadcast %jit3A_559 : i32 to vector<16xi32>
      %broadcast_in_dim3A_562 = vector.broadcast %jit3A_560 : i32 to vector<16xi32>
      %select_n3A_563 = arith.select %or3A_558, %broadcast_in_dim3A_561, %broadcast_in_dim3A_562 : vector<16xi1>, vector<16xi32>
      %broadcast_in_dim3A_564 = arith.constant true
      %broadcast_in_dim3A_565 = vector.broadcast %broadcast_in_dim3A_564 : i1 to vector<16xi1>
      %masked_cumsum3A_566 = tpu.scan <sum>, %select_n3A_563 masked %broadcast_in_dim3A_565 : vector<16xi32>, vector<16xi1> -> vector<16xi32>
      %add3A_567 = vector.broadcast %scan3A_417 : i32 to vector<16xi32>
      %add3A_568 = arith.addi %add3A_567, %masked_cumsum3A_566 : vector<16xi32>
      %sub3A_569 = arith.constant 1 : i32
      %sub3A_570 = vector.broadcast %sub3A_569 : i32 to vector<16xi32>
      %sub3A_571 = arith.subi %add3A_568, %sub3A_570 : vector<16xi32>
      %lt3A_572 = arith.constant 2048 : i32
      %lt3A_573 = vector.broadcast %lt3A_572 : i32 to vector<16xi32>
      %lt3A_574 = arith.cmpi slt, %sub3A_571, %lt3A_573 : vector<16xi32>
      %and3A_575 = arith.andi %or3A_558, %lt3A_574 : vector<16xi1>
      %add3A_576 = arith.constant 6144 : i32
      %add3A_577 = vector.broadcast %add3A_576 : i32 to vector<16xi32>
      %add3A_578 = arith.addi %sub3A_571, %add3A_577 : vector<16xi32>
      tpu.vector_store_idx %arg12[%add3A_578], %add3A_438 masked %and3A_575 : memref<16384xi32, #tpu.memory_space<vmem>>[vector<16xi32>], vector<16xi32>, vector<16xi1>
      %select_n3A_579 = arith.select %eq3A_554, %get3A_431, %sub3A_433 : vector<16xi1>, vector<16xf32>
      tpu.vector_store_idx %arg13[%add3A_578], %select_n3A_579 masked %and3A_575 : memref<16384xf32, #tpu.memory_space<vmem>>[vector<16xi32>], vector<16xf32>, vector<16xi1>
      %and3A_580 = arith.andi %eq3A_554, %and3A_575 : vector<16xi1>
      %select_n3A_581 = arith.select %and3A_580, %add3A_578, %select_n3A_544 : vector<16xi1>, vector<16xi32>
      %and3A_582 = arith.andi %eq3A_557, %and3A_575 : vector<16xi1>
      %select_n3A_583 = arith.select %and3A_582, %add3A_578, %select_n3A_546 : vector<16xi1>, vector<16xi32>
      %reduce_sum3A_584 = arith.constant true
      %reduce_sum3A_585 = vector.broadcast %reduce_sum3A_584 : i1 to vector<16xi1>
      %reduce_sum3A_586 = tpu.scan <sum>, %select_n3A_563 masked %reduce_sum3A_585 : vector<16xi32>, vector<16xi1> -> vector<16xi32>
      %reduce_sum3A_587 = vector.extract %reduce_sum3A_586[15] : i32 from vector<16xi32>
      %add3A_588 = arith.addi %scan3A_417, %reduce_sum3A_587 : i32
      %eq3A_589 = arith.constant 4 : i32
      %eq3A_590 = vector.broadcast %eq3A_589 : i32 to vector<16xi32>
      %eq3A_591 = arith.cmpi eq, %shift_right_arithmetic3A_427, %eq3A_590 : vector<16xi32>
      %eq3A_592 = arith.constant 4 : i32
      %eq3A_593 = vector.broadcast %eq3A_592 : i32 to vector<16xi32>
      %eq3A_594 = arith.cmpi eq, %and3A_429, %eq3A_593 : vector<16xi32>
      %or3A_595 = arith.ori %eq3A_591, %eq3A_594 : vector<16xi1>
      %jit3A_596 = arith.constant 1 : i32
      %jit3A_597 = arith.constant 0 : i32
      %broadcast_in_dim3A_598 = vector.broadcast %jit3A_596 : i32 to vector<16xi32>
      %broadcast_in_dim3A_599 = vector.broadcast %jit3A_597 : i32 to vector<16xi32>
      %select_n3A_600 = arith.select %or3A_595, %broadcast_in_dim3A_598, %broadcast_in_dim3A_599 : vector<16xi1>, vector<16xi32>
      %broadcast_in_dim3A_601 = arith.constant true
      %broadcast_in_dim3A_602 = vector.broadcast %broadcast_in_dim3A_601 : i1 to vector<16xi1>
      %masked_cumsum3A_603 = tpu.scan <sum>, %select_n3A_600 masked %broadcast_in_dim3A_602 : vector<16xi32>, vector<16xi1> -> vector<16xi32>
      %add3A_604 = vector.broadcast %scan3A_418 : i32 to vector<16xi32>
      %add3A_605 = arith.addi %add3A_604, %masked_cumsum3A_603 : vector<16xi32>
      %sub3A_606 = arith.constant 1 : i32
      %sub3A_607 = vector.broadcast %sub3A_606 : i32 to vector<16xi32>
      %sub3A_608 = arith.subi %add3A_605, %sub3A_607 : vector<16xi32>
      %lt3A_609 = arith.constant 2048 : i32
      %lt3A_610 = vector.broadcast %lt3A_609 : i32 to vector<16xi32>
      %lt3A_611 = arith.cmpi slt, %sub3A_608, %lt3A_610 : vector<16xi32>
      %and3A_612 = arith.andi %or3A_595, %lt3A_611 : vector<16xi1>
      %add3A_613 = arith.constant 8192 : i32
      %add3A_614 = vector.broadcast %add3A_613 : i32 to vector<16xi32>
      %add3A_615 = arith.addi %sub3A_608, %add3A_614 : vector<16xi32>
      tpu.vector_store_idx %arg12[%add3A_615], %add3A_438 masked %and3A_612 : memref<16384xi32, #tpu.memory_space<vmem>>[vector<16xi32>], vector<16xi32>, vector<16xi1>
      %select_n3A_616 = arith.select %eq3A_591, %get3A_431, %sub3A_433 : vector<16xi1>, vector<16xf32>
      tpu.vector_store_idx %arg13[%add3A_615], %select_n3A_616 masked %and3A_612 : memref<16384xf32, #tpu.memory_space<vmem>>[vector<16xi32>], vector<16xf32>, vector<16xi1>
      %and3A_617 = arith.andi %eq3A_591, %and3A_612 : vector<16xi1>
      %select_n3A_618 = arith.select %and3A_617, %add3A_615, %select_n3A_581 : vector<16xi1>, vector<16xi32>
      %and3A_619 = arith.andi %eq3A_594, %and3A_612 : vector<16xi1>
      %select_n3A_620 = arith.select %and3A_619, %add3A_615, %select_n3A_583 : vector<16xi1>, vector<16xi32>
      %reduce_sum3A_621 = arith.constant true
      %reduce_sum3A_622 = vector.broadcast %reduce_sum3A_621 : i1 to vector<16xi1>
      %reduce_sum3A_623 = tpu.scan <sum>, %select_n3A_600 masked %reduce_sum3A_622 : vector<16xi32>, vector<16xi1> -> vector<16xi32>
      %reduce_sum3A_624 = vector.extract %reduce_sum3A_623[15] : i32 from vector<16xi32>
      %add3A_625 = arith.addi %scan3A_418, %reduce_sum3A_624 : i32
      %eq3A_626 = arith.constant 5 : i32
      %eq3A_627 = vector.broadcast %eq3A_626 : i32 to vector<16xi32>
      %eq3A_628 = arith.cmpi eq, %shift_right_arithmetic3A_427, %eq3A_627 : vector<16xi32>
      %eq3A_629 = arith.constant 5 : i32
      %eq3A_630 = vector.broadcast %eq3A_629 : i32 to vector<16xi32>
      %eq3A_631 = arith.cmpi eq, %and3A_429, %eq3A_630 : vector<16xi32>
      %or3A_632 = arith.ori %eq3A_628, %eq3A_631 : vector<16xi1>
      %jit3A_633 = arith.constant 1 : i32
      %jit3A_634 = arith.constant 0 : i32
      %broadcast_in_dim3A_635 = vector.broadcast %jit3A_633 : i32 to vector<16xi32>
      %broadcast_in_dim3A_636 = vector.broadcast %jit3A_634 : i32 to vector<16xi32>
      %select_n3A_637 = arith.select %or3A_632, %broadcast_in_dim3A_635, %broadcast_in_dim3A_636 : vector<16xi1>, vector<16xi32>
      %broadcast_in_dim3A_638 = arith.constant true
      %broadcast_in_dim3A_639 = vector.broadcast %broadcast_in_dim3A_638 : i1 to vector<16xi1>
      %masked_cumsum3A_640 = tpu.scan <sum>, %select_n3A_637 masked %broadcast_in_dim3A_639 : vector<16xi32>, vector<16xi1> -> vector<16xi32>
      %add3A_641 = vector.broadcast %scan3A_419 : i32 to vector<16xi32>
      %add3A_642 = arith.addi %add3A_641, %masked_cumsum3A_640 : vector<16xi32>
      %sub3A_643 = arith.constant 1 : i32
      %sub3A_644 = vector.broadcast %sub3A_643 : i32 to vector<16xi32>
      %sub3A_645 = arith.subi %add3A_642, %sub3A_644 : vector<16xi32>
      %lt3A_646 = arith.constant 2048 : i32
      %lt3A_647 = vector.broadcast %lt3A_646 : i32 to vector<16xi32>
      %lt3A_648 = arith.cmpi slt, %sub3A_645, %lt3A_647 : vector<16xi32>
      %and3A_649 = arith.andi %or3A_632, %lt3A_648 : vector<16xi1>
      %add3A_650 = arith.constant 10240 : i32
      %add3A_651 = vector.broadcast %add3A_650 : i32 to vector<16xi32>
      %add3A_652 = arith.addi %sub3A_645, %add3A_651 : vector<16xi32>
      tpu.vector_store_idx %arg12[%add3A_652], %add3A_438 masked %and3A_649 : memref<16384xi32, #tpu.memory_space<vmem>>[vector<16xi32>], vector<16xi32>, vector<16xi1>
      %select_n3A_653 = arith.select %eq3A_628, %get3A_431, %sub3A_433 : vector<16xi1>, vector<16xf32>
      tpu.vector_store_idx %arg13[%add3A_652], %select_n3A_653 masked %and3A_649 : memref<16384xf32, #tpu.memory_space<vmem>>[vector<16xi32>], vector<16xf32>, vector<16xi1>
      %and3A_654 = arith.andi %eq3A_628, %and3A_649 : vector<16xi1>
      %select_n3A_655 = arith.select %and3A_654, %add3A_652, %select_n3A_618 : vector<16xi1>, vector<16xi32>
      %and3A_656 = arith.andi %eq3A_631, %and3A_649 : vector<16xi1>
      %select_n3A_657 = arith.select %and3A_656, %add3A_652, %select_n3A_620 : vector<16xi1>, vector<16xi32>
      %reduce_sum3A_658 = arith.constant true
      %reduce_sum3A_659 = vector.broadcast %reduce_sum3A_658 : i1 to vector<16xi1>
      %reduce_sum3A_660 = tpu.scan <sum>, %select_n3A_637 masked %reduce_sum3A_659 : vector<16xi32>, vector<16xi1> -> vector<16xi32>
      %reduce_sum3A_661 = vector.extract %reduce_sum3A_660[15] : i32 from vector<16xi32>
      %add3A_662 = arith.addi %scan3A_419, %reduce_sum3A_661 : i32
      %eq3A_663 = arith.constant 6 : i32
      %eq3A_664 = vector.broadcast %eq3A_663 : i32 to vector<16xi32>
      %eq3A_665 = arith.cmpi eq, %shift_right_arithmetic3A_427, %eq3A_664 : vector<16xi32>
      %eq3A_666 = arith.constant 6 : i32
      %eq3A_667 = vector.broadcast %eq3A_666 : i32 to vector<16xi32>
      %eq3A_668 = arith.cmpi eq, %and3A_429, %eq3A_667 : vector<16xi32>
      %or3A_669 = arith.ori %eq3A_665, %eq3A_668 : vector<16xi1>
      %jit3A_670 = arith.constant 1 : i32
      %jit3A_671 = arith.constant 0 : i32
      %broadcast_in_dim3A_672 = vector.broadcast %jit3A_670 : i32 to vector<16xi32>
      %broadcast_in_dim3A_673 = vector.broadcast %jit3A_671 : i32 to vector<16xi32>
      %select_n3A_674 = arith.select %or3A_669, %broadcast_in_dim3A_672, %broadcast_in_dim3A_673 : vector<16xi1>, vector<16xi32>
      %broadcast_in_dim3A_675 = arith.constant true
      %broadcast_in_dim3A_676 = vector.broadcast %broadcast_in_dim3A_675 : i1 to vector<16xi1>
      %masked_cumsum3A_677 = tpu.scan <sum>, %select_n3A_674 masked %broadcast_in_dim3A_676 : vector<16xi32>, vector<16xi1> -> vector<16xi32>
      %add3A_678 = vector.broadcast %scan3A_420 : i32 to vector<16xi32>
      %add3A_679 = arith.addi %add3A_678, %masked_cumsum3A_677 : vector<16xi32>
      %sub3A_680 = arith.constant 1 : i32
      %sub3A_681 = vector.broadcast %sub3A_680 : i32 to vector<16xi32>
      %sub3A_682 = arith.subi %add3A_679, %sub3A_681 : vector<16xi32>
      %lt3A_683 = arith.constant 2048 : i32
      %lt3A_684 = vector.broadcast %lt3A_683 : i32 to vector<16xi32>
      %lt3A_685 = arith.cmpi slt, %sub3A_682, %lt3A_684 : vector<16xi32>
      %and3A_686 = arith.andi %or3A_669, %lt3A_685 : vector<16xi1>
      %add3A_687 = arith.constant 12288 : i32
      %add3A_688 = vector.broadcast %add3A_687 : i32 to vector<16xi32>
      %add3A_689 = arith.addi %sub3A_682, %add3A_688 : vector<16xi32>
      tpu.vector_store_idx %arg12[%add3A_689], %add3A_438 masked %and3A_686 : memref<16384xi32, #tpu.memory_space<vmem>>[vector<16xi32>], vector<16xi32>, vector<16xi1>
      %select_n3A_690 = arith.select %eq3A_665, %get3A_431, %sub3A_433 : vector<16xi1>, vector<16xf32>
      tpu.vector_store_idx %arg13[%add3A_689], %select_n3A_690 masked %and3A_686 : memref<16384xf32, #tpu.memory_space<vmem>>[vector<16xi32>], vector<16xf32>, vector<16xi1>
      %and3A_691 = arith.andi %eq3A_665, %and3A_686 : vector<16xi1>
      %select_n3A_692 = arith.select %and3A_691, %add3A_689, %select_n3A_655 : vector<16xi1>, vector<16xi32>
      %and3A_693 = arith.andi %eq3A_668, %and3A_686 : vector<16xi1>
      %select_n3A_694 = arith.select %and3A_693, %add3A_689, %select_n3A_657 : vector<16xi1>, vector<16xi32>
      %reduce_sum3A_695 = arith.constant true
      %reduce_sum3A_696 = vector.broadcast %reduce_sum3A_695 : i1 to vector<16xi1>
      %reduce_sum3A_697 = tpu.scan <sum>, %select_n3A_674 masked %reduce_sum3A_696 : vector<16xi32>, vector<16xi1> -> vector<16xi32>
      %reduce_sum3A_698 = vector.extract %reduce_sum3A_697[15] : i32 from vector<16xi32>
      %add3A_699 = arith.addi %scan3A_420, %reduce_sum3A_698 : i32
      %eq3A_700 = arith.constant 7 : i32
      %eq3A_701 = vector.broadcast %eq3A_700 : i32 to vector<16xi32>
      %eq3A_702 = arith.cmpi eq, %shift_right_arithmetic3A_427, %eq3A_701 : vector<16xi32>
      %eq3A_703 = arith.constant 7 : i32
      %eq3A_704 = vector.broadcast %eq3A_703 : i32 to vector<16xi32>
      %eq3A_705 = arith.cmpi eq, %and3A_429, %eq3A_704 : vector<16xi32>
      %or3A_706 = arith.ori %eq3A_702, %eq3A_705 : vector<16xi1>
      %jit3A_707 = arith.constant 1 : i32
      %jit3A_708 = arith.constant 0 : i32
      %broadcast_in_dim3A_709 = vector.broadcast %jit3A_707 : i32 to vector<16xi32>
      %broadcast_in_dim3A_710 = vector.broadcast %jit3A_708 : i32 to vector<16xi32>
      %select_n3A_711 = arith.select %or3A_706, %broadcast_in_dim3A_709, %broadcast_in_dim3A_710 : vector<16xi1>, vector<16xi32>
      %broadcast_in_dim3A_712 = arith.constant true
      %broadcast_in_dim3A_713 = vector.broadcast %broadcast_in_dim3A_712 : i1 to vector<16xi1>
      %masked_cumsum3A_714 = tpu.scan <sum>, %select_n3A_711 masked %broadcast_in_dim3A_713 : vector<16xi32>, vector<16xi1> -> vector<16xi32>
      %add3A_715 = vector.broadcast %scan3A_421 : i32 to vector<16xi32>
      %add3A_716 = arith.addi %add3A_715, %masked_cumsum3A_714 : vector<16xi32>
      %sub3A_717 = arith.constant 1 : i32
      %sub3A_718 = vector.broadcast %sub3A_717 : i32 to vector<16xi32>
      %sub3A_719 = arith.subi %add3A_716, %sub3A_718 : vector<16xi32>
      %lt3A_720 = arith.constant 2048 : i32
      %lt3A_721 = vector.broadcast %lt3A_720 : i32 to vector<16xi32>
      %lt3A_722 = arith.cmpi slt, %sub3A_719, %lt3A_721 : vector<16xi32>
      %and3A_723 = arith.andi %or3A_706, %lt3A_722 : vector<16xi1>
      %add3A_724 = arith.constant 14336 : i32
      %add3A_725 = vector.broadcast %add3A_724 : i32 to vector<16xi32>
      %add3A_726 = arith.addi %sub3A_719, %add3A_725 : vector<16xi32>
      tpu.vector_store_idx %arg12[%add3A_726], %add3A_438 masked %and3A_723 : memref<16384xi32, #tpu.memory_space<vmem>>[vector<16xi32>], vector<16xi32>, vector<16xi1>
      %select_n3A_727 = arith.select %eq3A_702, %get3A_431, %sub3A_433 : vector<16xi1>, vector<16xf32>
      tpu.vector_store_idx %arg13[%add3A_726], %select_n3A_727 masked %and3A_723 : memref<16384xf32, #tpu.memory_space<vmem>>[vector<16xi32>], vector<16xf32>, vector<16xi1>
      %and3A_728 = arith.andi %eq3A_702, %and3A_723 : vector<16xi1>
      %select_n3A_729 = arith.select %and3A_728, %add3A_726, %select_n3A_692 : vector<16xi1>, vector<16xi32>
      %and3A_730 = arith.andi %eq3A_705, %and3A_723 : vector<16xi1>
      %select_n3A_731 = arith.select %and3A_730, %add3A_726, %select_n3A_694 : vector<16xi1>, vector<16xi32>
      %reduce_sum3A_732 = arith.constant true
      %reduce_sum3A_733 = vector.broadcast %reduce_sum3A_732 : i1 to vector<16xi1>
      %reduce_sum3A_734 = tpu.scan <sum>, %select_n3A_711 masked %reduce_sum3A_733 : vector<16xi32>, vector<16xi1> -> vector<16xi32>
      %reduce_sum3A_735 = vector.extract %reduce_sum3A_734[15] : i32 from vector<16xi32>
      %add3A_736 = arith.addi %scan3A_421, %reduce_sum3A_735 : i32
      %swap3A_737 = arith.index_cast %mul3A_423 : i32 to index
      %swap3A_738 = tpu.vector_load %arg14[%swap3A_737] {strides = array<i32>} : memref<512xi32, #tpu.memory_space<vmem>>, vector<16xi32>,
      tpu.vector_store %arg14[%swap3A_737], %select_n3A_729 {strides = array<i32>} : memref<512xi32, #tpu.memory_space<vmem>>, vector<16xi32>,
      %swap3A_739 = arith.index_cast %mul3A_423 : i32 to index
      %swap3A_740 = tpu.vector_load %arg15[%swap3A_739] {strides = array<i32>} : memref<512xi32, #tpu.memory_space<vmem>>, vector<16xi32>,
      tpu.vector_store %arg15[%swap3A_739], %select_n3A_731 {strides = array<i32>} : memref<512xi32, #tpu.memory_space<vmem>>, vector<16xi32>,
      scf.yield %add3A_477, %add3A_514, %add3A_551, %add3A_588, %add3A_625, %add3A_662, %add3A_699, %add3A_736 : i32, i32, i32, i32, i32, i32, i32, i32
    }
    %scan3A_259 = arith.constant 32 : i32
    "tpu.region"() ({
      %run_scoped3A_413 = tpu.sem_alloc : memref<!tpu.dma_semaphore, #tpu.memory_space<semaphore_mem>>
      %dma_start3A = tpu.memref_slice %arg6[%mul3A_0] : memref<8192xi32, #tpu.memory_space<hbm>> -> memref<512xi32, #tpu.memory_space<hbm>>
      %dma_start3A_414 = tpu.memref_slice %arg6[%mul3A_0] : memref<8192xi32, #tpu.memory_space<hbm>> -> memref<512xi32, #tpu.memory_space<hbm>>
      tpu.enqueue_dma source(%arg14 : memref<512xi32, #tpu.memory_space<vmem>>) target(%dma_start3A_414 : memref<512xi32, #tpu.memory_space<hbm>>) target_semaphore(%run_scoped3A_413 : memref<!tpu.dma_semaphore, #tpu.memory_space<semaphore_mem>>)
      %dma_wait3A = tpu.memref_slice %arg6[%mul3A_0] : memref<8192xi32, #tpu.memory_space<hbm>> -> memref<512xi32, #tpu.memory_space<hbm>>
      %dma_wait3A_415 = tpu.memref_slice %arg6[%mul3A_0] : memref<8192xi32, #tpu.memory_space<hbm>> -> memref<512xi32, #tpu.memory_space<hbm>>
      tpu.wait_dma2 semaphore(%run_scoped3A_413 : memref<!tpu.dma_semaphore, #tpu.memory_space<semaphore_mem>>) src(%arg14 : memref<512xi32, #tpu.memory_space<vmem>>) dst(%dma_wait3A_415 : memref<512xi32, #tpu.memory_space<hbm>>)
      tpu.yield
    }) : () -> ()
    "tpu.region"() ({
      %run_scoped3A_413 = tpu.sem_alloc : memref<!tpu.dma_semaphore, #tpu.memory_space<semaphore_mem>>
      %dma_start3A = tpu.memref_slice %arg7[%mul3A_0] : memref<8192xi32, #tpu.memory_space<hbm>> -> memref<512xi32, #tpu.memory_space<hbm>>
      %dma_start3A_414 = tpu.memref_slice %arg7[%mul3A_0] : memref<8192xi32, #tpu.memory_space<hbm>> -> memref<512xi32, #tpu.memory_space<hbm>>
      tpu.enqueue_dma source(%arg15 : memref<512xi32, #tpu.memory_space<vmem>>) target(%dma_start3A_414 : memref<512xi32, #tpu.memory_space<hbm>>) target_semaphore(%run_scoped3A_413 : memref<!tpu.dma_semaphore, #tpu.memory_space<semaphore_mem>>)
      %dma_wait3A = tpu.memref_slice %arg7[%mul3A_0] : memref<8192xi32, #tpu.memory_space<hbm>> -> memref<512xi32, #tpu.memory_space<hbm>>
      %dma_wait3A_415 = tpu.memref_slice %arg7[%mul3A_0] : memref<8192xi32, #tpu.memory_space<hbm>> -> memref<512xi32, #tpu.memory_space<hbm>>
      tpu.wait_dma2 semaphore(%run_scoped3A_413 : memref<!tpu.dma_semaphore, #tpu.memory_space<semaphore_mem>>) src(%arg15 : memref<512xi32, #tpu.memory_space<vmem>>) dst(%dma_wait3A_415 : memref<512xi32, #tpu.memory_space<hbm>>)
      tpu.yield
    }) : () -> ()
    "tpu.region"() ({
      %run_scoped3A_413 = tpu.sem_alloc : memref<!tpu.dma_semaphore, #tpu.memory_space<semaphore_mem>>
      %dma_start3A = arith.constant 0 : i32
      %dma_start3A_414 = tpu.memref_slice %arg21[%arg1, %dma_start3A] : memref<16x16384xi32, #tpu.memory_space<vmem_shared>> -> memref<1x16384xi32, #tpu.memory_space<vmem_shared>>
      %dma_start3A_415 = tpu.memref_squeeze %dma_start3A_414 : memref<1x16384xi32, #tpu.memory_space<vmem_shared>> -> memref<16384xi32, #tpu.memory_space<vmem_shared>>
      %dma_start3A_416 = arith.constant 0 : i32
      %dma_start3A_417 = tpu.memref_slice %arg21[%arg1, %dma_start3A_416] : memref<16x16384xi32, #tpu.memory_space<vmem_shared>> -> memref<1x16384xi32, #tpu.memory_space<vmem_shared>>
      %dma_start3A_418 = tpu.memref_squeeze %dma_start3A_417 : memref<1x16384xi32, #tpu.memory_space<vmem_shared>> -> memref<16384xi32, #tpu.memory_space<vmem_shared>>
      tpu.enqueue_dma source(%arg12 : memref<16384xi32, #tpu.memory_space<vmem>>) target(%dma_start3A_418 : memref<16384xi32, #tpu.memory_space<vmem_shared>>) target_semaphore(%run_scoped3A_413 : memref<!tpu.dma_semaphore, #tpu.memory_space<semaphore_mem>>)
      %dma_wait3A = arith.constant 0 : i32
      %dma_wait3A_419 = tpu.memref_slice %arg21[%arg1, %dma_wait3A] : memref<16x16384xi32, #tpu.memory_space<vmem_shared>> -> memref<1x16384xi32, #tpu.memory_space<vmem_shared>>
      %dma_wait3A_420 = tpu.memref_squeeze %dma_wait3A_419 : memref<1x16384xi32, #tpu.memory_space<vmem_shared>> -> memref<16384xi32, #tpu.memory_space<vmem_shared>>
      %dma_wait3A_421 = arith.constant 0 : i32
      %dma_wait3A_422 = tpu.memref_slice %arg21[%arg1, %dma_wait3A_421] : memref<16x16384xi32, #tpu.memory_space<vmem_shared>> -> memref<1x16384xi32, #tpu.memory_space<vmem_shared>>
      %dma_wait3A_423 = tpu.memref_squeeze %dma_wait3A_422 : memref<1x16384xi32, #tpu.memory_space<vmem_shared>> -> memref<16384xi32, #tpu.memory_space<vmem_shared>>
      tpu.wait_dma2 semaphore(%run_scoped3A_413 : memref<!tpu.dma_semaphore, #tpu.memory_space<semaphore_mem>>) src(%arg12 : memref<16384xi32, #tpu.memory_space<vmem>>) dst(%dma_wait3A_423 : memref<16384xi32, #tpu.memory_space<vmem_shared>>)
      tpu.yield
    }) : () -> ()
    "tpu.region"() ({
      %run_scoped3A_413 = tpu.sem_alloc : memref<!tpu.dma_semaphore, #tpu.memory_space<semaphore_mem>>
      %dma_start3A = arith.constant 0 : i32
      %dma_start3A_414 = tpu.memref_slice %arg22[%arg1, %dma_start3A] : memref<16x16384xf32, #tpu.memory_space<vmem_shared>> -> memref<1x16384xf32, #tpu.memory_space<vmem_shared>>
      %dma_start3A_415 = tpu.memref_squeeze %dma_start3A_414 : memref<1x16384xf32, #tpu.memory_space<vmem_shared>> -> memref<16384xf32, #tpu.memory_space<vmem_shared>>
      %dma_start3A_416 = arith.constant 0 : i32
      %dma_start3A_417 = tpu.memref_slice %arg22[%arg1, %dma_start3A_416] : memref<16x16384xf32, #tpu.memory_space<vmem_shared>> -> memref<1x16384xf32, #tpu.memory_space<vmem_shared>>
      %dma_start3A_418 = tpu.memref_squeeze %dma_start3A_417 : memref<1x16384xf32, #tpu.memory_space<vmem_shared>> -> memref<16384xf32, #tpu.memory_space<vmem_shared>>
      tpu.enqueue_dma source(%arg13 : memref<16384xf32, #tpu.memory_space<vmem>>) target(%dma_start3A_418 : memref<16384xf32, #tpu.memory_space<vmem_shared>>) target_semaphore(%run_scoped3A_413 : memref<!tpu.dma_semaphore, #tpu.memory_space<semaphore_mem>>)
      %dma_wait3A = arith.constant 0 : i32
      %dma_wait3A_419 = tpu.memref_slice %arg22[%arg1, %dma_wait3A] : memref<16x16384xf32, #tpu.memory_space<vmem_shared>> -> memref<1x16384xf32, #tpu.memory_space<vmem_shared>>
      %dma_wait3A_420 = tpu.memref_squeeze %dma_wait3A_419 : memref<1x16384xf32, #tpu.memory_space<vmem_shared>> -> memref<16384xf32, #tpu.memory_space<vmem_shared>>
      %dma_wait3A_421 = arith.constant 0 : i32
      %dma_wait3A_422 = tpu.memref_slice %arg22[%arg1, %dma_wait3A_421] : memref<16x16384xf32, #tpu.memory_space<vmem_shared>> -> memref<1x16384xf32, #tpu.memory_space<vmem_shared>>
      %dma_wait3A_423 = tpu.memref_squeeze %dma_wait3A_422 : memref<1x16384xf32, #tpu.memory_space<vmem_shared>> -> memref<16384xf32, #tpu.memory_space<vmem_shared>>
      tpu.wait_dma2 semaphore(%run_scoped3A_413 : memref<!tpu.dma_semaphore, #tpu.memory_space<semaphore_mem>>) src(%arg13 : memref<16384xf32, #tpu.memory_space<vmem>>) dst(%dma_wait3A_423 : memref<16384xf32, #tpu.memory_space<vmem_shared>>)
      tpu.yield
    }) : () -> ()
    %barrier3A_260 = arith.constant 0 : index
    tpu.barrier barrier_id(%barrier3A_260)
    %mul3A_261 = arith.constant 1024 : i32
    %mul3A_262 = arith.muli %arg1, %mul3A_261 : i32
    %scan3A_263 = arith.constant 0 : i32
    %scan3A_264 = arith.constant 0 : i32
    %scan3A_265 = arith.constant 64 : i32
    %scan3A_266 = arith.addi %scan3A_264, %scan3A_265 : i32
    %scan3A_267 = arith.constant 1 : i32
    %scan3A_268 = scf.for %scan3A_413 = %scan3A_264 to %scan3A_266 step %scan3A_267 iter_args(%scan3A_414 = %scan3A_263) -> (i32)  : i32 {
      %mul3A_415 = arith.constant 16 : i32
      %mul3A_416 = arith.muli %scan3A_413, %mul3A_415 : i32
      %swap3A_417 = arith.index_cast %mul3A_416 : i32 to index
      %swap3A_418 = tpu.vector_load %arg16[%swap3A_417] {strides = array<i32>} : memref<1024xi32, #tpu.memory_space<vmem>>, vector<16xi32>,
      tpu.vector_store %arg16[%swap3A_417], %broadcast_in_dim3A_1 {strides = array<i32>} : memref<1024xi32, #tpu.memory_space<vmem>>, vector<16xi32>,
      %mul3A_419 = arith.constant 16 : i32
      %mul3A_420 = arith.muli %scan3A_413, %mul3A_419 : i32
      %swap3A_421 = arith.index_cast %mul3A_420 : i32 to index
      %swap3A_422 = tpu.vector_load %arg17[%swap3A_421] {strides = array<i32>} : memref<1024xf32, #tpu.memory_space<vmem>>, vector<16xf32>,
      tpu.vector_store %arg17[%swap3A_421], %broadcast_in_dim3A_3 {strides = array<i32>} : memref<1024xf32, #tpu.memory_space<vmem>>, vector<16xf32>,
      %scan3A_423 = arith.constant 0 : i32
      scf.yield %scan3A_423 : i32
    }
    %scan3A_269 = arith.constant 64 : i32
    %run_scoped3A = arith.constant 0 : i32
    "tpu.region"() ({
      %run_scoped3A_413 = tpu.sem_alloc : memref<!tpu.dma_semaphore, #tpu.memory_space<semaphore_mem>>
      %dma_start3A = tpu.memref_slice %arg21[%run_scoped3A, %mul3A_262] : memref<16x16384xi32, #tpu.memory_space<vmem_shared>> -> memref<1x1024xi32, #tpu.memory_space<vmem_shared>>
      %dma_start3A_414 = tpu.memref_squeeze %dma_start3A : memref<1x1024xi32, #tpu.memory_space<vmem_shared>> -> memref<1024xi32, #tpu.memory_space<vmem_shared>>
      %dma_start3A_415 = tpu.memref_slice %arg21[%run_scoped3A, %mul3A_262] : memref<16x16384xi32, #tpu.memory_space<vmem_shared>> -> memref<1x1024xi32, #tpu.memory_space<vmem_shared>>
      %dma_start3A_416 = tpu.memref_squeeze %dma_start3A_415 : memref<1x1024xi32, #tpu.memory_space<vmem_shared>> -> memref<1024xi32, #tpu.memory_space<vmem_shared>>
      tpu.enqueue_dma source(%dma_start3A_416 : memref<1024xi32, #tpu.memory_space<vmem_shared>>) target(%arg18 : memref<1024xi32, #tpu.memory_space<vmem>>) target_semaphore(%run_scoped3A_413 : memref<!tpu.dma_semaphore, #tpu.memory_space<semaphore_mem>>)
      %dma_wait3A = tpu.memref_slice %arg21[%run_scoped3A, %mul3A_262] : memref<16x16384xi32, #tpu.memory_space<vmem_shared>> -> memref<1x1024xi32, #tpu.memory_space<vmem_shared>>
      %dma_wait3A_417 = tpu.memref_squeeze %dma_wait3A : memref<1x1024xi32, #tpu.memory_space<vmem_shared>> -> memref<1024xi32, #tpu.memory_space<vmem_shared>>
      %dma_wait3A_418 = tpu.memref_slice %arg21[%run_scoped3A, %mul3A_262] : memref<16x16384xi32, #tpu.memory_space<vmem_shared>> -> memref<1x1024xi32, #tpu.memory_space<vmem_shared>>
      %dma_wait3A_419 = tpu.memref_squeeze %dma_wait3A_418 : memref<1x1024xi32, #tpu.memory_space<vmem_shared>> -> memref<1024xi32, #tpu.memory_space<vmem_shared>>
      tpu.wait_dma2 semaphore(%run_scoped3A_413 : memref<!tpu.dma_semaphore, #tpu.memory_space<semaphore_mem>>) src(%dma_wait3A_419 : memref<1024xi32, #tpu.memory_space<vmem_shared>>) dst(%arg18 : memref<1024xi32, #tpu.memory_space<vmem>>)
      tpu.yield
    }) : () -> ()
    %run_scoped3A_270 = arith.constant 0 : i32
    "tpu.region"() ({
      %run_scoped3A_413 = tpu.sem_alloc : memref<!tpu.dma_semaphore, #tpu.memory_space<semaphore_mem>>
      %dma_start3A = tpu.memref_slice %arg22[%run_scoped3A_270, %mul3A_262] : memref<16x16384xf32, #tpu.memory_space<vmem_shared>> -> memref<1x1024xf32, #tpu.memory_space<vmem_shared>>
      %dma_start3A_414 = tpu.memref_squeeze %dma_start3A : memref<1x1024xf32, #tpu.memory_space<vmem_shared>> -> memref<1024xf32, #tpu.memory_space<vmem_shared>>
      %dma_start3A_415 = tpu.memref_slice %arg22[%run_scoped3A_270, %mul3A_262] : memref<16x16384xf32, #tpu.memory_space<vmem_shared>> -> memref<1x1024xf32, #tpu.memory_space<vmem_shared>>
      %dma_start3A_416 = tpu.memref_squeeze %dma_start3A_415 : memref<1x1024xf32, #tpu.memory_space<vmem_shared>> -> memref<1024xf32, #tpu.memory_space<vmem_shared>>
      tpu.enqueue_dma source(%dma_start3A_416 : memref<1024xf32, #tpu.memory_space<vmem_shared>>) target(%arg19 : memref<1024xf32, #tpu.memory_space<vmem>>) target_semaphore(%run_scoped3A_413 : memref<!tpu.dma_semaphore, #tpu.memory_space<semaphore_mem>>)
      %dma_wait3A = tpu.memref_slice %arg22[%run_scoped3A_270, %mul3A_262] : memref<16x16384xf32, #tpu.memory_space<vmem_shared>> -> memref<1x1024xf32, #tpu.memory_space<vmem_shared>>
      %dma_wait3A_417 = tpu.memref_squeeze %dma_wait3A : memref<1x1024xf32, #tpu.memory_space<vmem_shared>> -> memref<1024xf32, #tpu.memory_space<vmem_shared>>
      %dma_wait3A_418 = tpu.memref_slice %arg22[%run_scoped3A_270, %mul3A_262] : memref<16x16384xf32, #tpu.memory_space<vmem_shared>> -> memref<1x1024xf32, #tpu.memory_space<vmem_shared>>
      %dma_wait3A_419 = tpu.memref_squeeze %dma_wait3A_418 : memref<1x1024xf32, #tpu.memory_space<vmem_shared>> -> memref<1024xf32, #tpu.memory_space<vmem_shared>>
      tpu.wait_dma2 semaphore(%run_scoped3A_413 : memref<!tpu.dma_semaphore, #tpu.memory_space<semaphore_mem>>) src(%dma_wait3A_419 : memref<1024xf32, #tpu.memory_space<vmem_shared>>) dst(%arg19 : memref<1024xf32, #tpu.memory_space<vmem>>)
      tpu.yield
    }) : () -> ()
    %scan3A_271 = arith.constant 0 : i32
    %scan3A_272 = arith.constant 0 : i32
    %scan3A_273 = arith.constant 64 : i32
    %scan3A_274 = arith.addi %scan3A_272, %scan3A_273 : i32
    %scan3A_275 = arith.constant 1 : i32
    %scan3A_276 = scf.for %scan3A_413 = %scan3A_272 to %scan3A_274 step %scan3A_275 iter_args(%scan3A_414 = %scan3A_271) -> (i32)  : i32 {
      %mul3A_415 = arith.constant 16 : i32
      %mul3A_416 = arith.muli %scan3A_413, %mul3A_415 : i32
      %get3A_417 = arith.index_cast %mul3A_416 : i32 to index
      %get3A_418 = tpu.vector_load %arg18[%get3A_417] {strides = array<i32>} : memref<1024xi32, #tpu.memory_space<vmem>>, vector<16xi32>,
      %swap3A_419 = arith.index_cast %mul3A_416 : i32 to index
      %swap3A_420 = tpu.vector_load %arg16[%swap3A_419] {strides = array<i32>} : memref<1024xi32, #tpu.memory_space<vmem>>, vector<16xi32>,
      tpu.vector_store %arg16[%swap3A_419], %get3A_418 {add = true, strides = array<i32>} : memref<1024xi32, #tpu.memory_space<vmem>>, vector<16xi32>,
      %get3A_421 = arith.index_cast %mul3A_416 : i32 to index
      %get3A_422 = tpu.vector_load %arg19[%get3A_421] {strides = array<i32>} : memref<1024xf32, #tpu.memory_space<vmem>>, vector<16xf32>,
      %swap3A_423 = arith.index_cast %mul3A_416 : i32 to index
      %swap3A_424 = tpu.vector_load %arg17[%swap3A_423] {strides = array<i32>} : memref<1024xf32, #tpu.memory_space<vmem>>, vector<16xf32>,
      tpu.vector_store %arg17[%swap3A_423], %get3A_422 {add = true, strides = array<i32>} : memref<1024xf32, #tpu.memory_space<vmem>>, vector<16xf32>,
      %scan3A_425 = arith.constant 0 : i32
      scf.yield %scan3A_425 : i32
    }
    %scan3A_277 = arith.constant 64 : i32
    %run_scoped3A_278 = arith.constant 1 : i32
    "tpu.region"() ({
      %run_scoped3A_413 = tpu.sem_alloc : memref<!tpu.dma_semaphore, #tpu.memory_space<semaphore_mem>>
      %dma_start3A = tpu.memref_slice %arg21[%run_scoped3A_278, %mul3A_262] : memref<16x16384xi32, #tpu.memory_space<vmem_shared>> -> memref<1x1024xi32, #tpu.memory_space<vmem_shared>>
      %dma_start3A_414 = tpu.memref_squeeze %dma_start3A : memref<1x1024xi32, #tpu.memory_space<vmem_shared>> -> memref<1024xi32, #tpu.memory_space<vmem_shared>>
      %dma_start3A_415 = tpu.memref_slice %arg21[%run_scoped3A_278, %mul3A_262] : memref<16x16384xi32, #tpu.memory_space<vmem_shared>> -> memref<1x1024xi32, #tpu.memory_space<vmem_shared>>
      %dma_start3A_416 = tpu.memref_squeeze %dma_start3A_415 : memref<1x1024xi32, #tpu.memory_space<vmem_shared>> -> memref<1024xi32, #tpu.memory_space<vmem_shared>>
      tpu.enqueue_dma source(%dma_start3A_416 : memref<1024xi32, #tpu.memory_space<vmem_shared>>) target(%arg18 : memref<1024xi32, #tpu.memory_space<vmem>>) target_semaphore(%run_scoped3A_413 : memref<!tpu.dma_semaphore, #tpu.memory_space<semaphore_mem>>)
      %dma_wait3A = tpu.memref_slice %arg21[%run_scoped3A_278, %mul3A_262] : memref<16x16384xi32, #tpu.memory_space<vmem_shared>> -> memref<1x1024xi32, #tpu.memory_space<vmem_shared>>
      %dma_wait3A_417 = tpu.memref_squeeze %dma_wait3A : memref<1x1024xi32, #tpu.memory_space<vmem_shared>> -> memref<1024xi32, #tpu.memory_space<vmem_shared>>
      %dma_wait3A_418 = tpu.memref_slice %arg21[%run_scoped3A_278, %mul3A_262] : memref<16x16384xi32, #tpu.memory_space<vmem_shared>> -> memref<1x1024xi32, #tpu.memory_space<vmem_shared>>
      %dma_wait3A_419 = tpu.memref_squeeze %dma_wait3A_418 : memref<1x1024xi32, #tpu.memory_space<vmem_shared>> -> memref<1024xi32, #tpu.memory_space<vmem_shared>>
      tpu.wait_dma2 semaphore(%run_scoped3A_413 : memref<!tpu.dma_semaphore, #tpu.memory_space<semaphore_mem>>) src(%dma_wait3A_419 : memref<1024xi32, #tpu.memory_space<vmem_shared>>) dst(%arg18 : memref<1024xi32, #tpu.memory_space<vmem>>)
      tpu.yield
    }) : () -> ()
    %run_scoped3A_279 = arith.constant 1 : i32
    "tpu.region"() ({
      %run_scoped3A_413 = tpu.sem_alloc : memref<!tpu.dma_semaphore, #tpu.memory_space<semaphore_mem>>
      %dma_start3A = tpu.memref_slice %arg22[%run_scoped3A_279, %mul3A_262] : memref<16x16384xf32, #tpu.memory_space<vmem_shared>> -> memref<1x1024xf32, #tpu.memory_space<vmem_shared>>
      %dma_start3A_414 = tpu.memref_squeeze %dma_start3A : memref<1x1024xf32, #tpu.memory_space<vmem_shared>> -> memref<1024xf32, #tpu.memory_space<vmem_shared>>
      %dma_start3A_415 = tpu.memref_slice %arg22[%run_scoped3A_279, %mul3A_262] : memref<16x16384xf32, #tpu.memory_space<vmem_shared>> -> memref<1x1024xf32, #tpu.memory_space<vmem_shared>>
      %dma_start3A_416 = tpu.memref_squeeze %dma_start3A_415 : memref<1x1024xf32, #tpu.memory_space<vmem_shared>> -> memref<1024xf32, #tpu.memory_space<vmem_shared>>
      tpu.enqueue_dma source(%dma_start3A_416 : memref<1024xf32, #tpu.memory_space<vmem_shared>>) target(%arg19 : memref<1024xf32, #tpu.memory_space<vmem>>) target_semaphore(%run_scoped3A_413 : memref<!tpu.dma_semaphore, #tpu.memory_space<semaphore_mem>>)
      %dma_wait3A = tpu.memref_slice %arg22[%run_scoped3A_279, %mul3A_262] : memref<16x16384xf32, #tpu.memory_space<vmem_shared>> -> memref<1x1024xf32, #tpu.memory_space<vmem_shared>>
      %dma_wait3A_417 = tpu.memref_squeeze %dma_wait3A : memref<1x1024xf32, #tpu.memory_space<vmem_shared>> -> memref<1024xf32, #tpu.memory_space<vmem_shared>>
      %dma_wait3A_418 = tpu.memref_slice %arg22[%run_scoped3A_279, %mul3A_262] : memref<16x16384xf32, #tpu.memory_space<vmem_shared>> -> memref<1x1024xf32, #tpu.memory_space<vmem_shared>>
      %dma_wait3A_419 = tpu.memref_squeeze %dma_wait3A_418 : memref<1x1024xf32, #tpu.memory_space<vmem_shared>> -> memref<1024xf32, #tpu.memory_space<vmem_shared>>
      tpu.wait_dma2 semaphore(%run_scoped3A_413 : memref<!tpu.dma_semaphore, #tpu.memory_space<semaphore_mem>>) src(%dma_wait3A_419 : memref<1024xf32, #tpu.memory_space<vmem_shared>>) dst(%arg19 : memref<1024xf32, #tpu.memory_space<vmem>>)
      tpu.yield
    }) : () -> ()
    %scan3A_280 = arith.constant 0 : i32
    %scan3A_281 = arith.constant 0 : i32
    %scan3A_282 = arith.constant 64 : i32
    %scan3A_283 = arith.addi %scan3A_281, %scan3A_282 : i32
    %scan3A_284 = arith.constant 1 : i32
    %scan3A_285 = scf.for %scan3A_413 = %scan3A_281 to %scan3A_283 step %scan3A_284 iter_args(%scan3A_414 = %scan3A_280) -> (i32)  : i32 {
      %mul3A_415 = arith.constant 16 : i32
      %mul3A_416 = arith.muli %scan3A_413, %mul3A_415 : i32
      %get3A_417 = arith.index_cast %mul3A_416 : i32 to index
      %get3A_418 = tpu.vector_load %arg18[%get3A_417] {strides = array<i32>} : memref<1024xi32, #tpu.memory_space<vmem>>, vector<16xi32>,
      %swap3A_419 = arith.index_cast %mul3A_416 : i32 to index
      %swap3A_420 = tpu.vector_load %arg16[%swap3A_419] {strides = array<i32>} : memref<1024xi32, #tpu.memory_space<vmem>>, vector<16xi32>,
      tpu.vector_store %arg16[%swap3A_419], %get3A_418 {add = true, strides = array<i32>} : memref<1024xi32, #tpu.memory_space<vmem>>, vector<16xi32>,
      %get3A_421 = arith.index_cast %mul3A_416 : i32 to index
      %get3A_422 = tpu.vector_load %arg19[%get3A_421] {strides = array<i32>} : memref<1024xf32, #tpu.memory_space<vmem>>, vector<16xf32>,
      %swap3A_423 = arith.index_cast %mul3A_416 : i32 to index
      %swap3A_424 = tpu.vector_load %arg17[%swap3A_423] {strides = array<i32>} : memref<1024xf32, #tpu.memory_space<vmem>>, vector<16xf32>,
      tpu.vector_store %arg17[%swap3A_423], %get3A_422 {add = true, strides = array<i32>} : memref<1024xf32, #tpu.memory_space<vmem>>, vector<16xf32>,
      %scan3A_425 = arith.constant 0 : i32
      scf.yield %scan3A_425 : i32
    }
    %scan3A_286 = arith.constant 64 : i32
    %run_scoped3A_287 = arith.constant 2 : i32
    "tpu.region"() ({
      %run_scoped3A_413 = tpu.sem_alloc : memref<!tpu.dma_semaphore, #tpu.memory_space<semaphore_mem>>
      %dma_start3A = tpu.memref_slice %arg21[%run_scoped3A_287, %mul3A_262] : memref<16x16384xi32, #tpu.memory_space<vmem_shared>> -> memref<1x1024xi32, #tpu.memory_space<vmem_shared>>
      %dma_start3A_414 = tpu.memref_squeeze %dma_start3A : memref<1x1024xi32, #tpu.memory_space<vmem_shared>> -> memref<1024xi32, #tpu.memory_space<vmem_shared>>
      %dma_start3A_415 = tpu.memref_slice %arg21[%run_scoped3A_287, %mul3A_262] : memref<16x16384xi32, #tpu.memory_space<vmem_shared>> -> memref<1x1024xi32, #tpu.memory_space<vmem_shared>>
      %dma_start3A_416 = tpu.memref_squeeze %dma_start3A_415 : memref<1x1024xi32, #tpu.memory_space<vmem_shared>> -> memref<1024xi32, #tpu.memory_space<vmem_shared>>
      tpu.enqueue_dma source(%dma_start3A_416 : memref<1024xi32, #tpu.memory_space<vmem_shared>>) target(%arg18 : memref<1024xi32, #tpu.memory_space<vmem>>) target_semaphore(%run_scoped3A_413 : memref<!tpu.dma_semaphore, #tpu.memory_space<semaphore_mem>>)
      %dma_wait3A = tpu.memref_slice %arg21[%run_scoped3A_287, %mul3A_262] : memref<16x16384xi32, #tpu.memory_space<vmem_shared>> -> memref<1x1024xi32, #tpu.memory_space<vmem_shared>>
      %dma_wait3A_417 = tpu.memref_squeeze %dma_wait3A : memref<1x1024xi32, #tpu.memory_space<vmem_shared>> -> memref<1024xi32, #tpu.memory_space<vmem_shared>>
      %dma_wait3A_418 = tpu.memref_slice %arg21[%run_scoped3A_287, %mul3A_262] : memref<16x16384xi32, #tpu.memory_space<vmem_shared>> -> memref<1x1024xi32, #tpu.memory_space<vmem_shared>>
      %dma_wait3A_419 = tpu.memref_squeeze %dma_wait3A_418 : memref<1x1024xi32, #tpu.memory_space<vmem_shared>> -> memref<1024xi32, #tpu.memory_space<vmem_shared>>
      tpu.wait_dma2 semaphore(%run_scoped3A_413 : memref<!tpu.dma_semaphore, #tpu.memory_space<semaphore_mem>>) src(%dma_wait3A_419 : memref<1024xi32, #tpu.memory_space<vmem_shared>>) dst(%arg18 : memref<1024xi32, #tpu.memory_space<vmem>>)
      tpu.yield
    }) : () -> ()
    %run_scoped3A_288 = arith.constant 2 : i32
    "tpu.region"() ({
      %run_scoped3A_413 = tpu.sem_alloc : memref<!tpu.dma_semaphore, #tpu.memory_space<semaphore_mem>>
      %dma_start3A = tpu.memref_slice %arg22[%run_scoped3A_288, %mul3A_262] : memref<16x16384xf32, #tpu.memory_space<vmem_shared>> -> memref<1x1024xf32, #tpu.memory_space<vmem_shared>>
      %dma_start3A_414 = tpu.memref_squeeze %dma_start3A : memref<1x1024xf32, #tpu.memory_space<vmem_shared>> -> memref<1024xf32, #tpu.memory_space<vmem_shared>>
      %dma_start3A_415 = tpu.memref_slice %arg22[%run_scoped3A_288, %mul3A_262] : memref<16x16384xf32, #tpu.memory_space<vmem_shared>> -> memref<1x1024xf32, #tpu.memory_space<vmem_shared>>
      %dma_start3A_416 = tpu.memref_squeeze %dma_start3A_415 : memref<1x1024xf32, #tpu.memory_space<vmem_shared>> -> memref<1024xf32, #tpu.memory_space<vmem_shared>>
      tpu.enqueue_dma source(%dma_start3A_416 : memref<1024xf32, #tpu.memory_space<vmem_shared>>) target(%arg19 : memref<1024xf32, #tpu.memory_space<vmem>>) target_semaphore(%run_scoped3A_413 : memref<!tpu.dma_semaphore, #tpu.memory_space<semaphore_mem>>)
      %dma_wait3A = tpu.memref_slice %arg22[%run_scoped3A_288, %mul3A_262] : memref<16x16384xf32, #tpu.memory_space<vmem_shared>> -> memref<1x1024xf32, #tpu.memory_space<vmem_shared>>
      %dma_wait3A_417 = tpu.memref_squeeze %dma_wait3A : memref<1x1024xf32, #tpu.memory_space<vmem_shared>> -> memref<1024xf32, #tpu.memory_space<vmem_shared>>
      %dma_wait3A_418 = tpu.memref_slice %arg22[%run_scoped3A_288, %mul3A_262] : memref<16x16384xf32, #tpu.memory_space<vmem_shared>> -> memref<1x1024xf32, #tpu.memory_space<vmem_shared>>
      %dma_wait3A_419 = tpu.memref_squeeze %dma_wait3A_418 : memref<1x1024xf32, #tpu.memory_space<vmem_shared>> -> memref<1024xf32, #tpu.memory_space<vmem_shared>>
      tpu.wait_dma2 semaphore(%run_scoped3A_413 : memref<!tpu.dma_semaphore, #tpu.memory_space<semaphore_mem>>) src(%dma_wait3A_419 : memref<1024xf32, #tpu.memory_space<vmem_shared>>) dst(%arg19 : memref<1024xf32, #tpu.memory_space<vmem>>)
      tpu.yield
    }) : () -> ()
    %scan3A_289 = arith.constant 0 : i32
    %scan3A_290 = arith.constant 0 : i32
    %scan3A_291 = arith.constant 64 : i32
    %scan3A_292 = arith.addi %scan3A_290, %scan3A_291 : i32
    %scan3A_293 = arith.constant 1 : i32
    %scan3A_294 = scf.for %scan3A_413 = %scan3A_290 to %scan3A_292 step %scan3A_293 iter_args(%scan3A_414 = %scan3A_289) -> (i32)  : i32 {
      %mul3A_415 = arith.constant 16 : i32
      %mul3A_416 = arith.muli %scan3A_413, %mul3A_415 : i32
      %get3A_417 = arith.index_cast %mul3A_416 : i32 to index
      %get3A_418 = tpu.vector_load %arg18[%get3A_417] {strides = array<i32>} : memref<1024xi32, #tpu.memory_space<vmem>>, vector<16xi32>,
      %swap3A_419 = arith.index_cast %mul3A_416 : i32 to index
      %swap3A_420 = tpu.vector_load %arg16[%swap3A_419] {strides = array<i32>} : memref<1024xi32, #tpu.memory_space<vmem>>, vector<16xi32>,
      tpu.vector_store %arg16[%swap3A_419], %get3A_418 {add = true, strides = array<i32>} : memref<1024xi32, #tpu.memory_space<vmem>>, vector<16xi32>,
      %get3A_421 = arith.index_cast %mul3A_416 : i32 to index
      %get3A_422 = tpu.vector_load %arg19[%get3A_421] {strides = array<i32>} : memref<1024xf32, #tpu.memory_space<vmem>>, vector<16xf32>,
      %swap3A_423 = arith.index_cast %mul3A_416 : i32 to index
      %swap3A_424 = tpu.vector_load %arg17[%swap3A_423] {strides = array<i32>} : memref<1024xf32, #tpu.memory_space<vmem>>, vector<16xf32>,
      tpu.vector_store %arg17[%swap3A_423], %get3A_422 {add = true, strides = array<i32>} : memref<1024xf32, #tpu.memory_space<vmem>>, vector<16xf32>,
      %scan3A_425 = arith.constant 0 : i32
      scf.yield %scan3A_425 : i32
    }
    %scan3A_295 = arith.constant 64 : i32
    %run_scoped3A_296 = arith.constant 3 : i32
    "tpu.region"() ({
      %run_scoped3A_413 = tpu.sem_alloc : memref<!tpu.dma_semaphore, #tpu.memory_space<semaphore_mem>>
      %dma_start3A = tpu.memref_slice %arg21[%run_scoped3A_296, %mul3A_262] : memref<16x16384xi32, #tpu.memory_space<vmem_shared>> -> memref<1x1024xi32, #tpu.memory_space<vmem_shared>>
      %dma_start3A_414 = tpu.memref_squeeze %dma_start3A : memref<1x1024xi32, #tpu.memory_space<vmem_shared>> -> memref<1024xi32, #tpu.memory_space<vmem_shared>>
      %dma_start3A_415 = tpu.memref_slice %arg21[%run_scoped3A_296, %mul3A_262] : memref<16x16384xi32, #tpu.memory_space<vmem_shared>> -> memref<1x1024xi32, #tpu.memory_space<vmem_shared>>
      %dma_start3A_416 = tpu.memref_squeeze %dma_start3A_415 : memref<1x1024xi32, #tpu.memory_space<vmem_shared>> -> memref<1024xi32, #tpu.memory_space<vmem_shared>>
      tpu.enqueue_dma source(%dma_start3A_416 : memref<1024xi32, #tpu.memory_space<vmem_shared>>) target(%arg18 : memref<1024xi32, #tpu.memory_space<vmem>>) target_semaphore(%run_scoped3A_413 : memref<!tpu.dma_semaphore, #tpu.memory_space<semaphore_mem>>)
      %dma_wait3A = tpu.memref_slice %arg21[%run_scoped3A_296, %mul3A_262] : memref<16x16384xi32, #tpu.memory_space<vmem_shared>> -> memref<1x1024xi32, #tpu.memory_space<vmem_shared>>
      %dma_wait3A_417 = tpu.memref_squeeze %dma_wait3A : memref<1x1024xi32, #tpu.memory_space<vmem_shared>> -> memref<1024xi32, #tpu.memory_space<vmem_shared>>
      %dma_wait3A_418 = tpu.memref_slice %arg21[%run_scoped3A_296, %mul3A_262] : memref<16x16384xi32, #tpu.memory_space<vmem_shared>> -> memref<1x1024xi32, #tpu.memory_space<vmem_shared>>
      %dma_wait3A_419 = tpu.memref_squeeze %dma_wait3A_418 : memref<1x1024xi32, #tpu.memory_space<vmem_shared>> -> memref<1024xi32, #tpu.memory_space<vmem_shared>>
      tpu.wait_dma2 semaphore(%run_scoped3A_413 : memref<!tpu.dma_semaphore, #tpu.memory_space<semaphore_mem>>) src(%dma_wait3A_419 : memref<1024xi32, #tpu.memory_space<vmem_shared>>) dst(%arg18 : memref<1024xi32, #tpu.memory_space<vmem>>)
      tpu.yield
    }) : () -> ()
    %run_scoped3A_297 = arith.constant 3 : i32
    "tpu.region"() ({
      %run_scoped3A_413 = tpu.sem_alloc : memref<!tpu.dma_semaphore, #tpu.memory_space<semaphore_mem>>
      %dma_start3A = tpu.memref_slice %arg22[%run_scoped3A_297, %mul3A_262] : memref<16x16384xf32, #tpu.memory_space<vmem_shared>> -> memref<1x1024xf32, #tpu.memory_space<vmem_shared>>
      %dma_start3A_414 = tpu.memref_squeeze %dma_start3A : memref<1x1024xf32, #tpu.memory_space<vmem_shared>> -> memref<1024xf32, #tpu.memory_space<vmem_shared>>
      %dma_start3A_415 = tpu.memref_slice %arg22[%run_scoped3A_297, %mul3A_262] : memref<16x16384xf32, #tpu.memory_space<vmem_shared>> -> memref<1x1024xf32, #tpu.memory_space<vmem_shared>>
      %dma_start3A_416 = tpu.memref_squeeze %dma_start3A_415 : memref<1x1024xf32, #tpu.memory_space<vmem_shared>> -> memref<1024xf32, #tpu.memory_space<vmem_shared>>
      tpu.enqueue_dma source(%dma_start3A_416 : memref<1024xf32, #tpu.memory_space<vmem_shared>>) target(%arg19 : memref<1024xf32, #tpu.memory_space<vmem>>) target_semaphore(%run_scoped3A_413 : memref<!tpu.dma_semaphore, #tpu.memory_space<semaphore_mem>>)
      %dma_wait3A = tpu.memref_slice %arg22[%run_scoped3A_297, %mul3A_262] : memref<16x16384xf32, #tpu.memory_space<vmem_shared>> -> memref<1x1024xf32, #tpu.memory_space<vmem_shared>>
      %dma_wait3A_417 = tpu.memref_squeeze %dma_wait3A : memref<1x1024xf32, #tpu.memory_space<vmem_shared>> -> memref<1024xf32, #tpu.memory_space<vmem_shared>>
      %dma_wait3A_418 = tpu.memref_slice %arg22[%run_scoped3A_297, %mul3A_262] : memref<16x16384xf32, #tpu.memory_space<vmem_shared>> -> memref<1x1024xf32, #tpu.memory_space<vmem_shared>>
      %dma_wait3A_419 = tpu.memref_squeeze %dma_wait3A_418 : memref<1x1024xf32, #tpu.memory_space<vmem_shared>> -> memref<1024xf32, #tpu.memory_space<vmem_shared>>
      tpu.wait_dma2 semaphore(%run_scoped3A_413 : memref<!tpu.dma_semaphore, #tpu.memory_space<semaphore_mem>>) src(%dma_wait3A_419 : memref<1024xf32, #tpu.memory_space<vmem_shared>>) dst(%arg19 : memref<1024xf32, #tpu.memory_space<vmem>>)
      tpu.yield
    }) : () -> ()
    %scan3A_298 = arith.constant 0 : i32
    %scan3A_299 = arith.constant 0 : i32
    %scan3A_300 = arith.constant 64 : i32
    %scan3A_301 = arith.addi %scan3A_299, %scan3A_300 : i32
    %scan3A_302 = arith.constant 1 : i32
    %scan3A_303 = scf.for %scan3A_413 = %scan3A_299 to %scan3A_301 step %scan3A_302 iter_args(%scan3A_414 = %scan3A_298) -> (i32)  : i32 {
      %mul3A_415 = arith.constant 16 : i32
      %mul3A_416 = arith.muli %scan3A_413, %mul3A_415 : i32
      %get3A_417 = arith.index_cast %mul3A_416 : i32 to index
      %get3A_418 = tpu.vector_load %arg18[%get3A_417] {strides = array<i32>} : memref<1024xi32, #tpu.memory_space<vmem>>, vector<16xi32>,
      %swap3A_419 = arith.index_cast %mul3A_416 : i32 to index
      %swap3A_420 = tpu.vector_load %arg16[%swap3A_419] {strides = array<i32>} : memref<1024xi32, #tpu.memory_space<vmem>>, vector<16xi32>,
      tpu.vector_store %arg16[%swap3A_419], %get3A_418 {add = true, strides = array<i32>} : memref<1024xi32, #tpu.memory_space<vmem>>, vector<16xi32>,
      %get3A_421 = arith.index_cast %mul3A_416 : i32 to index
      %get3A_422 = tpu.vector_load %arg19[%get3A_421] {strides = array<i32>} : memref<1024xf32, #tpu.memory_space<vmem>>, vector<16xf32>,
      %swap3A_423 = arith.index_cast %mul3A_416 : i32 to index
      %swap3A_424 = tpu.vector_load %arg17[%swap3A_423] {strides = array<i32>} : memref<1024xf32, #tpu.memory_space<vmem>>, vector<16xf32>,
      tpu.vector_store %arg17[%swap3A_423], %get3A_422 {add = true, strides = array<i32>} : memref<1024xf32, #tpu.memory_space<vmem>>, vector<16xf32>,
      %scan3A_425 = arith.constant 0 : i32
      scf.yield %scan3A_425 : i32
    }
    %scan3A_304 = arith.constant 64 : i32
    %run_scoped3A_305 = arith.constant 4 : i32
    "tpu.region"() ({
      %run_scoped3A_413 = tpu.sem_alloc : memref<!tpu.dma_semaphore, #tpu.memory_space<semaphore_mem>>
      %dma_start3A = tpu.memref_slice %arg21[%run_scoped3A_305, %mul3A_262] : memref<16x16384xi32, #tpu.memory_space<vmem_shared>> -> memref<1x1024xi32, #tpu.memory_space<vmem_shared>>
      %dma_start3A_414 = tpu.memref_squeeze %dma_start3A : memref<1x1024xi32, #tpu.memory_space<vmem_shared>> -> memref<1024xi32, #tpu.memory_space<vmem_shared>>
      %dma_start3A_415 = tpu.memref_slice %arg21[%run_scoped3A_305, %mul3A_262] : memref<16x16384xi32, #tpu.memory_space<vmem_shared>> -> memref<1x1024xi32, #tpu.memory_space<vmem_shared>>
      %dma_start3A_416 = tpu.memref_squeeze %dma_start3A_415 : memref<1x1024xi32, #tpu.memory_space<vmem_shared>> -> memref<1024xi32, #tpu.memory_space<vmem_shared>>
      tpu.enqueue_dma source(%dma_start3A_416 : memref<1024xi32, #tpu.memory_space<vmem_shared>>) target(%arg18 : memref<1024xi32, #tpu.memory_space<vmem>>) target_semaphore(%run_scoped3A_413 : memref<!tpu.dma_semaphore, #tpu.memory_space<semaphore_mem>>)
      %dma_wait3A = tpu.memref_slice %arg21[%run_scoped3A_305, %mul3A_262] : memref<16x16384xi32, #tpu.memory_space<vmem_shared>> -> memref<1x1024xi32, #tpu.memory_space<vmem_shared>>
      %dma_wait3A_417 = tpu.memref_squeeze %dma_wait3A : memref<1x1024xi32, #tpu.memory_space<vmem_shared>> -> memref<1024xi32, #tpu.memory_space<vmem_shared>>
      %dma_wait3A_418 = tpu.memref_slice %arg21[%run_scoped3A_305, %mul3A_262] : memref<16x16384xi32, #tpu.memory_space<vmem_shared>> -> memref<1x1024xi32, #tpu.memory_space<vmem_shared>>
      %dma_wait3A_419 = tpu.memref_squeeze %dma_wait3A_418 : memref<1x1024xi32, #tpu.memory_space<vmem_shared>> -> memref<1024xi32, #tpu.memory_space<vmem_shared>>
      tpu.wait_dma2 semaphore(%run_scoped3A_413 : memref<!tpu.dma_semaphore, #tpu.memory_space<semaphore_mem>>) src(%dma_wait3A_419 : memref<1024xi32, #tpu.memory_space<vmem_shared>>) dst(%arg18 : memref<1024xi32, #tpu.memory_space<vmem>>)
      tpu.yield
    }) : () -> ()
    %run_scoped3A_306 = arith.constant 4 : i32
    "tpu.region"() ({
      %run_scoped3A_413 = tpu.sem_alloc : memref<!tpu.dma_semaphore, #tpu.memory_space<semaphore_mem>>
      %dma_start3A = tpu.memref_slice %arg22[%run_scoped3A_306, %mul3A_262] : memref<16x16384xf32, #tpu.memory_space<vmem_shared>> -> memref<1x1024xf32, #tpu.memory_space<vmem_shared>>
      %dma_start3A_414 = tpu.memref_squeeze %dma_start3A : memref<1x1024xf32, #tpu.memory_space<vmem_shared>> -> memref<1024xf32, #tpu.memory_space<vmem_shared>>
      %dma_start3A_415 = tpu.memref_slice %arg22[%run_scoped3A_306, %mul3A_262] : memref<16x16384xf32, #tpu.memory_space<vmem_shared>> -> memref<1x1024xf32, #tpu.memory_space<vmem_shared>>
      %dma_start3A_416 = tpu.memref_squeeze %dma_start3A_415 : memref<1x1024xf32, #tpu.memory_space<vmem_shared>> -> memref<1024xf32, #tpu.memory_space<vmem_shared>>
      tpu.enqueue_dma source(%dma_start3A_416 : memref<1024xf32, #tpu.memory_space<vmem_shared>>) target(%arg19 : memref<1024xf32, #tpu.memory_space<vmem>>) target_semaphore(%run_scoped3A_413 : memref<!tpu.dma_semaphore, #tpu.memory_space<semaphore_mem>>)
      %dma_wait3A = tpu.memref_slice %arg22[%run_scoped3A_306, %mul3A_262] : memref<16x16384xf32, #tpu.memory_space<vmem_shared>> -> memref<1x1024xf32, #tpu.memory_space<vmem_shared>>
      %dma_wait3A_417 = tpu.memref_squeeze %dma_wait3A : memref<1x1024xf32, #tpu.memory_space<vmem_shared>> -> memref<1024xf32, #tpu.memory_space<vmem_shared>>
      %dma_wait3A_418 = tpu.memref_slice %arg22[%run_scoped3A_306, %mul3A_262] : memref<16x16384xf32, #tpu.memory_space<vmem_shared>> -> memref<1x1024xf32, #tpu.memory_space<vmem_shared>>
      %dma_wait3A_419 = tpu.memref_squeeze %dma_wait3A_418 : memref<1x1024xf32, #tpu.memory_space<vmem_shared>> -> memref<1024xf32, #tpu.memory_space<vmem_shared>>
      tpu.wait_dma2 semaphore(%run_scoped3A_413 : memref<!tpu.dma_semaphore, #tpu.memory_space<semaphore_mem>>) src(%dma_wait3A_419 : memref<1024xf32, #tpu.memory_space<vmem_shared>>) dst(%arg19 : memref<1024xf32, #tpu.memory_space<vmem>>)
      tpu.yield
    }) : () -> ()
    %scan3A_307 = arith.constant 0 : i32
    %scan3A_308 = arith.constant 0 : i32
    %scan3A_309 = arith.constant 64 : i32
    %scan3A_310 = arith.addi %scan3A_308, %scan3A_309 : i32
    %scan3A_311 = arith.constant 1 : i32
    %scan3A_312 = scf.for %scan3A_413 = %scan3A_308 to %scan3A_310 step %scan3A_311 iter_args(%scan3A_414 = %scan3A_307) -> (i32)  : i32 {
      %mul3A_415 = arith.constant 16 : i32
      %mul3A_416 = arith.muli %scan3A_413, %mul3A_415 : i32
      %get3A_417 = arith.index_cast %mul3A_416 : i32 to index
      %get3A_418 = tpu.vector_load %arg18[%get3A_417] {strides = array<i32>} : memref<1024xi32, #tpu.memory_space<vmem>>, vector<16xi32>,
      %swap3A_419 = arith.index_cast %mul3A_416 : i32 to index
      %swap3A_420 = tpu.vector_load %arg16[%swap3A_419] {strides = array<i32>} : memref<1024xi32, #tpu.memory_space<vmem>>, vector<16xi32>,
      tpu.vector_store %arg16[%swap3A_419], %get3A_418 {add = true, strides = array<i32>} : memref<1024xi32, #tpu.memory_space<vmem>>, vector<16xi32>,
      %get3A_421 = arith.index_cast %mul3A_416 : i32 to index
      %get3A_422 = tpu.vector_load %arg19[%get3A_421] {strides = array<i32>} : memref<1024xf32, #tpu.memory_space<vmem>>, vector<16xf32>,
      %swap3A_423 = arith.index_cast %mul3A_416 : i32 to index
      %swap3A_424 = tpu.vector_load %arg17[%swap3A_423] {strides = array<i32>} : memref<1024xf32, #tpu.memory_space<vmem>>, vector<16xf32>,
      tpu.vector_store %arg17[%swap3A_423], %get3A_422 {add = true, strides = array<i32>} : memref<1024xf32, #tpu.memory_space<vmem>>, vector<16xf32>,
      %scan3A_425 = arith.constant 0 : i32
      scf.yield %scan3A_425 : i32
    }
    %scan3A_313 = arith.constant 64 : i32
    %run_scoped3A_314 = arith.constant 5 : i32
    "tpu.region"() ({
      %run_scoped3A_413 = tpu.sem_alloc : memref<!tpu.dma_semaphore, #tpu.memory_space<semaphore_mem>>
      %dma_start3A = tpu.memref_slice %arg21[%run_scoped3A_314, %mul3A_262] : memref<16x16384xi32, #tpu.memory_space<vmem_shared>> -> memref<1x1024xi32, #tpu.memory_space<vmem_shared>>
      %dma_start3A_414 = tpu.memref_squeeze %dma_start3A : memref<1x1024xi32, #tpu.memory_space<vmem_shared>> -> memref<1024xi32, #tpu.memory_space<vmem_shared>>
      %dma_start3A_415 = tpu.memref_slice %arg21[%run_scoped3A_314, %mul3A_262] : memref<16x16384xi32, #tpu.memory_space<vmem_shared>> -> memref<1x1024xi32, #tpu.memory_space<vmem_shared>>
      %dma_start3A_416 = tpu.memref_squeeze %dma_start3A_415 : memref<1x1024xi32, #tpu.memory_space<vmem_shared>> -> memref<1024xi32, #tpu.memory_space<vmem_shared>>
      tpu.enqueue_dma source(%dma_start3A_416 : memref<1024xi32, #tpu.memory_space<vmem_shared>>) target(%arg18 : memref<1024xi32, #tpu.memory_space<vmem>>) target_semaphore(%run_scoped3A_413 : memref<!tpu.dma_semaphore, #tpu.memory_space<semaphore_mem>>)
      %dma_wait3A = tpu.memref_slice %arg21[%run_scoped3A_314, %mul3A_262] : memref<16x16384xi32, #tpu.memory_space<vmem_shared>> -> memref<1x1024xi32, #tpu.memory_space<vmem_shared>>
      %dma_wait3A_417 = tpu.memref_squeeze %dma_wait3A : memref<1x1024xi32, #tpu.memory_space<vmem_shared>> -> memref<1024xi32, #tpu.memory_space<vmem_shared>>
      %dma_wait3A_418 = tpu.memref_slice %arg21[%run_scoped3A_314, %mul3A_262] : memref<16x16384xi32, #tpu.memory_space<vmem_shared>> -> memref<1x1024xi32, #tpu.memory_space<vmem_shared>>
      %dma_wait3A_419 = tpu.memref_squeeze %dma_wait3A_418 : memref<1x1024xi32, #tpu.memory_space<vmem_shared>> -> memref<1024xi32, #tpu.memory_space<vmem_shared>>
      tpu.wait_dma2 semaphore(%run_scoped3A_413 : memref<!tpu.dma_semaphore, #tpu.memory_space<semaphore_mem>>) src(%dma_wait3A_419 : memref<1024xi32, #tpu.memory_space<vmem_shared>>) dst(%arg18 : memref<1024xi32, #tpu.memory_space<vmem>>)
      tpu.yield
    }) : () -> ()
    %run_scoped3A_315 = arith.constant 5 : i32
    "tpu.region"() ({
      %run_scoped3A_413 = tpu.sem_alloc : memref<!tpu.dma_semaphore, #tpu.memory_space<semaphore_mem>>
      %dma_start3A = tpu.memref_slice %arg22[%run_scoped3A_315, %mul3A_262] : memref<16x16384xf32, #tpu.memory_space<vmem_shared>> -> memref<1x1024xf32, #tpu.memory_space<vmem_shared>>
      %dma_start3A_414 = tpu.memref_squeeze %dma_start3A : memref<1x1024xf32, #tpu.memory_space<vmem_shared>> -> memref<1024xf32, #tpu.memory_space<vmem_shared>>
      %dma_start3A_415 = tpu.memref_slice %arg22[%run_scoped3A_315, %mul3A_262] : memref<16x16384xf32, #tpu.memory_space<vmem_shared>> -> memref<1x1024xf32, #tpu.memory_space<vmem_shared>>
      %dma_start3A_416 = tpu.memref_squeeze %dma_start3A_415 : memref<1x1024xf32, #tpu.memory_space<vmem_shared>> -> memref<1024xf32, #tpu.memory_space<vmem_shared>>
      tpu.enqueue_dma source(%dma_start3A_416 : memref<1024xf32, #tpu.memory_space<vmem_shared>>) target(%arg19 : memref<1024xf32, #tpu.memory_space<vmem>>) target_semaphore(%run_scoped3A_413 : memref<!tpu.dma_semaphore, #tpu.memory_space<semaphore_mem>>)
      %dma_wait3A = tpu.memref_slice %arg22[%run_scoped3A_315, %mul3A_262] : memref<16x16384xf32, #tpu.memory_space<vmem_shared>> -> memref<1x1024xf32, #tpu.memory_space<vmem_shared>>
      %dma_wait3A_417 = tpu.memref_squeeze %dma_wait3A : memref<1x1024xf32, #tpu.memory_space<vmem_shared>> -> memref<1024xf32, #tpu.memory_space<vmem_shared>>
      %dma_wait3A_418 = tpu.memref_slice %arg22[%run_scoped3A_315, %mul3A_262] : memref<16x16384xf32, #tpu.memory_space<vmem_shared>> -> memref<1x1024xf32, #tpu.memory_space<vmem_shared>>
      %dma_wait3A_419 = tpu.memref_squeeze %dma_wait3A_418 : memref<1x1024xf32, #tpu.memory_space<vmem_shared>> -> memref<1024xf32, #tpu.memory_space<vmem_shared>>
      tpu.wait_dma2 semaphore(%run_scoped3A_413 : memref<!tpu.dma_semaphore, #tpu.memory_space<semaphore_mem>>) src(%dma_wait3A_419 : memref<1024xf32, #tpu.memory_space<vmem_shared>>) dst(%arg19 : memref<1024xf32, #tpu.memory_space<vmem>>)
      tpu.yield
    }) : () -> ()
    %scan3A_316 = arith.constant 0 : i32
    %scan3A_317 = arith.constant 0 : i32
    %scan3A_318 = arith.constant 64 : i32
    %scan3A_319 = arith.addi %scan3A_317, %scan3A_318 : i32
    %scan3A_320 = arith.constant 1 : i32
    %scan3A_321 = scf.for %scan3A_413 = %scan3A_317 to %scan3A_319 step %scan3A_320 iter_args(%scan3A_414 = %scan3A_316) -> (i32)  : i32 {
      %mul3A_415 = arith.constant 16 : i32
      %mul3A_416 = arith.muli %scan3A_413, %mul3A_415 : i32
      %get3A_417 = arith.index_cast %mul3A_416 : i32 to index
      %get3A_418 = tpu.vector_load %arg18[%get3A_417] {strides = array<i32>} : memref<1024xi32, #tpu.memory_space<vmem>>, vector<16xi32>,
      %swap3A_419 = arith.index_cast %mul3A_416 : i32 to index
      %swap3A_420 = tpu.vector_load %arg16[%swap3A_419] {strides = array<i32>} : memref<1024xi32, #tpu.memory_space<vmem>>, vector<16xi32>,
      tpu.vector_store %arg16[%swap3A_419], %get3A_418 {add = true, strides = array<i32>} : memref<1024xi32, #tpu.memory_space<vmem>>, vector<16xi32>,
      %get3A_421 = arith.index_cast %mul3A_416 : i32 to index
      %get3A_422 = tpu.vector_load %arg19[%get3A_421] {strides = array<i32>} : memref<1024xf32, #tpu.memory_space<vmem>>, vector<16xf32>,
      %swap3A_423 = arith.index_cast %mul3A_416 : i32 to index
      %swap3A_424 = tpu.vector_load %arg17[%swap3A_423] {strides = array<i32>} : memref<1024xf32, #tpu.memory_space<vmem>>, vector<16xf32>,
      tpu.vector_store %arg17[%swap3A_423], %get3A_422 {add = true, strides = array<i32>} : memref<1024xf32, #tpu.memory_space<vmem>>, vector<16xf32>,
      %scan3A_425 = arith.constant 0 : i32
      scf.yield %scan3A_425 : i32
    }
    %scan3A_322 = arith.constant 64 : i32
    %run_scoped3A_323 = arith.constant 6 : i32
    "tpu.region"() ({
      %run_scoped3A_413 = tpu.sem_alloc : memref<!tpu.dma_semaphore, #tpu.memory_space<semaphore_mem>>
      %dma_start3A = tpu.memref_slice %arg21[%run_scoped3A_323, %mul3A_262] : memref<16x16384xi32, #tpu.memory_space<vmem_shared>> -> memref<1x1024xi32, #tpu.memory_space<vmem_shared>>
      %dma_start3A_414 = tpu.memref_squeeze %dma_start3A : memref<1x1024xi32, #tpu.memory_space<vmem_shared>> -> memref<1024xi32, #tpu.memory_space<vmem_shared>>
      %dma_start3A_415 = tpu.memref_slice %arg21[%run_scoped3A_323, %mul3A_262] : memref<16x16384xi32, #tpu.memory_space<vmem_shared>> -> memref<1x1024xi32, #tpu.memory_space<vmem_shared>>
      %dma_start3A_416 = tpu.memref_squeeze %dma_start3A_415 : memref<1x1024xi32, #tpu.memory_space<vmem_shared>> -> memref<1024xi32, #tpu.memory_space<vmem_shared>>
      tpu.enqueue_dma source(%dma_start3A_416 : memref<1024xi32, #tpu.memory_space<vmem_shared>>) target(%arg18 : memref<1024xi32, #tpu.memory_space<vmem>>) target_semaphore(%run_scoped3A_413 : memref<!tpu.dma_semaphore, #tpu.memory_space<semaphore_mem>>)
      %dma_wait3A = tpu.memref_slice %arg21[%run_scoped3A_323, %mul3A_262] : memref<16x16384xi32, #tpu.memory_space<vmem_shared>> -> memref<1x1024xi32, #tpu.memory_space<vmem_shared>>
      %dma_wait3A_417 = tpu.memref_squeeze %dma_wait3A : memref<1x1024xi32, #tpu.memory_space<vmem_shared>> -> memref<1024xi32, #tpu.memory_space<vmem_shared>>
      %dma_wait3A_418 = tpu.memref_slice %arg21[%run_scoped3A_323, %mul3A_262] : memref<16x16384xi32, #tpu.memory_space<vmem_shared>> -> memref<1x1024xi32, #tpu.memory_space<vmem_shared>>
      %dma_wait3A_419 = tpu.memref_squeeze %dma_wait3A_418 : memref<1x1024xi32, #tpu.memory_space<vmem_shared>> -> memref<1024xi32, #tpu.memory_space<vmem_shared>>
      tpu.wait_dma2 semaphore(%run_scoped3A_413 : memref<!tpu.dma_semaphore, #tpu.memory_space<semaphore_mem>>) src(%dma_wait3A_419 : memref<1024xi32, #tpu.memory_space<vmem_shared>>) dst(%arg18 : memref<1024xi32, #tpu.memory_space<vmem>>)
      tpu.yield
    }) : () -> ()
    %run_scoped3A_324 = arith.constant 6 : i32
    "tpu.region"() ({
      %run_scoped3A_413 = tpu.sem_alloc : memref<!tpu.dma_semaphore, #tpu.memory_space<semaphore_mem>>
      %dma_start3A = tpu.memref_slice %arg22[%run_scoped3A_324, %mul3A_262] : memref<16x16384xf32, #tpu.memory_space<vmem_shared>> -> memref<1x1024xf32, #tpu.memory_space<vmem_shared>>
      %dma_start3A_414 = tpu.memref_squeeze %dma_start3A : memref<1x1024xf32, #tpu.memory_space<vmem_shared>> -> memref<1024xf32, #tpu.memory_space<vmem_shared>>
      %dma_start3A_415 = tpu.memref_slice %arg22[%run_scoped3A_324, %mul3A_262] : memref<16x16384xf32, #tpu.memory_space<vmem_shared>> -> memref<1x1024xf32, #tpu.memory_space<vmem_shared>>
      %dma_start3A_416 = tpu.memref_squeeze %dma_start3A_415 : memref<1x1024xf32, #tpu.memory_space<vmem_shared>> -> memref<1024xf32, #tpu.memory_space<vmem_shared>>
      tpu.enqueue_dma source(%dma_start3A_416 : memref<1024xf32, #tpu.memory_space<vmem_shared>>) target(%arg19 : memref<1024xf32, #tpu.memory_space<vmem>>) target_semaphore(%run_scoped3A_413 : memref<!tpu.dma_semaphore, #tpu.memory_space<semaphore_mem>>)
      %dma_wait3A = tpu.memref_slice %arg22[%run_scoped3A_324, %mul3A_262] : memref<16x16384xf32, #tpu.memory_space<vmem_shared>> -> memref<1x1024xf32, #tpu.memory_space<vmem_shared>>
      %dma_wait3A_417 = tpu.memref_squeeze %dma_wait3A : memref<1x1024xf32, #tpu.memory_space<vmem_shared>> -> memref<1024xf32, #tpu.memory_space<vmem_shared>>
      %dma_wait3A_418 = tpu.memref_slice %arg22[%run_scoped3A_324, %mul3A_262] : memref<16x16384xf32, #tpu.memory_space<vmem_shared>> -> memref<1x1024xf32, #tpu.memory_space<vmem_shared>>
      %dma_wait3A_419 = tpu.memref_squeeze %dma_wait3A_418 : memref<1x1024xf32, #tpu.memory_space<vmem_shared>> -> memref<1024xf32, #tpu.memory_space<vmem_shared>>
      tpu.wait_dma2 semaphore(%run_scoped3A_413 : memref<!tpu.dma_semaphore, #tpu.memory_space<semaphore_mem>>) src(%dma_wait3A_419 : memref<1024xf32, #tpu.memory_space<vmem_shared>>) dst(%arg19 : memref<1024xf32, #tpu.memory_space<vmem>>)
      tpu.yield
    }) : () -> ()
    %scan3A_325 = arith.constant 0 : i32
    %scan3A_326 = arith.constant 0 : i32
    %scan3A_327 = arith.constant 64 : i32
    %scan3A_328 = arith.addi %scan3A_326, %scan3A_327 : i32
    %scan3A_329 = arith.constant 1 : i32
    %scan3A_330 = scf.for %scan3A_413 = %scan3A_326 to %scan3A_328 step %scan3A_329 iter_args(%scan3A_414 = %scan3A_325) -> (i32)  : i32 {
      %mul3A_415 = arith.constant 16 : i32
      %mul3A_416 = arith.muli %scan3A_413, %mul3A_415 : i32
      %get3A_417 = arith.index_cast %mul3A_416 : i32 to index
      %get3A_418 = tpu.vector_load %arg18[%get3A_417] {strides = array<i32>} : memref<1024xi32, #tpu.memory_space<vmem>>, vector<16xi32>,
      %swap3A_419 = arith.index_cast %mul3A_416 : i32 to index
      %swap3A_420 = tpu.vector_load %arg16[%swap3A_419] {strides = array<i32>} : memref<1024xi32, #tpu.memory_space<vmem>>, vector<16xi32>,
      tpu.vector_store %arg16[%swap3A_419], %get3A_418 {add = true, strides = array<i32>} : memref<1024xi32, #tpu.memory_space<vmem>>, vector<16xi32>,
      %get3A_421 = arith.index_cast %mul3A_416 : i32 to index
      %get3A_422 = tpu.vector_load %arg19[%get3A_421] {strides = array<i32>} : memref<1024xf32, #tpu.memory_space<vmem>>, vector<16xf32>,
      %swap3A_423 = arith.index_cast %mul3A_416 : i32 to index
      %swap3A_424 = tpu.vector_load %arg17[%swap3A_423] {strides = array<i32>} : memref<1024xf32, #tpu.memory_space<vmem>>, vector<16xf32>,
      tpu.vector_store %arg17[%swap3A_423], %get3A_422 {add = true, strides = array<i32>} : memref<1024xf32, #tpu.memory_space<vmem>>, vector<16xf32>,
      %scan3A_425 = arith.constant 0 : i32
      scf.yield %scan3A_425 : i32
    }
    %scan3A_331 = arith.constant 64 : i32
    %run_scoped3A_332 = arith.constant 7 : i32
    "tpu.region"() ({
      %run_scoped3A_413 = tpu.sem_alloc : memref<!tpu.dma_semaphore, #tpu.memory_space<semaphore_mem>>
      %dma_start3A = tpu.memref_slice %arg21[%run_scoped3A_332, %mul3A_262] : memref<16x16384xi32, #tpu.memory_space<vmem_shared>> -> memref<1x1024xi32, #tpu.memory_space<vmem_shared>>
      %dma_start3A_414 = tpu.memref_squeeze %dma_start3A : memref<1x1024xi32, #tpu.memory_space<vmem_shared>> -> memref<1024xi32, #tpu.memory_space<vmem_shared>>
      %dma_start3A_415 = tpu.memref_slice %arg21[%run_scoped3A_332, %mul3A_262] : memref<16x16384xi32, #tpu.memory_space<vmem_shared>> -> memref<1x1024xi32, #tpu.memory_space<vmem_shared>>
      %dma_start3A_416 = tpu.memref_squeeze %dma_start3A_415 : memref<1x1024xi32, #tpu.memory_space<vmem_shared>> -> memref<1024xi32, #tpu.memory_space<vmem_shared>>
      tpu.enqueue_dma source(%dma_start3A_416 : memref<1024xi32, #tpu.memory_space<vmem_shared>>) target(%arg18 : memref<1024xi32, #tpu.memory_space<vmem>>) target_semaphore(%run_scoped3A_413 : memref<!tpu.dma_semaphore, #tpu.memory_space<semaphore_mem>>)
      %dma_wait3A = tpu.memref_slice %arg21[%run_scoped3A_332, %mul3A_262] : memref<16x16384xi32, #tpu.memory_space<vmem_shared>> -> memref<1x1024xi32, #tpu.memory_space<vmem_shared>>
      %dma_wait3A_417 = tpu.memref_squeeze %dma_wait3A : memref<1x1024xi32, #tpu.memory_space<vmem_shared>> -> memref<1024xi32, #tpu.memory_space<vmem_shared>>
      %dma_wait3A_418 = tpu.memref_slice %arg21[%run_scoped3A_332, %mul3A_262] : memref<16x16384xi32, #tpu.memory_space<vmem_shared>> -> memref<1x1024xi32, #tpu.memory_space<vmem_shared>>
      %dma_wait3A_419 = tpu.memref_squeeze %dma_wait3A_418 : memref<1x1024xi32, #tpu.memory_space<vmem_shared>> -> memref<1024xi32, #tpu.memory_space<vmem_shared>>
      tpu.wait_dma2 semaphore(%run_scoped3A_413 : memref<!tpu.dma_semaphore, #tpu.memory_space<semaphore_mem>>) src(%dma_wait3A_419 : memref<1024xi32, #tpu.memory_space<vmem_shared>>) dst(%arg18 : memref<1024xi32, #tpu.memory_space<vmem>>)
      tpu.yield
    }) : () -> ()
    %run_scoped3A_333 = arith.constant 7 : i32
    "tpu.region"() ({
      %run_scoped3A_413 = tpu.sem_alloc : memref<!tpu.dma_semaphore, #tpu.memory_space<semaphore_mem>>
      %dma_start3A = tpu.memref_slice %arg22[%run_scoped3A_333, %mul3A_262] : memref<16x16384xf32, #tpu.memory_space<vmem_shared>> -> memref<1x1024xf32, #tpu.memory_space<vmem_shared>>
      %dma_start3A_414 = tpu.memref_squeeze %dma_start3A : memref<1x1024xf32, #tpu.memory_space<vmem_shared>> -> memref<1024xf32, #tpu.memory_space<vmem_shared>>
      %dma_start3A_415 = tpu.memref_slice %arg22[%run_scoped3A_333, %mul3A_262] : memref<16x16384xf32, #tpu.memory_space<vmem_shared>> -> memref<1x1024xf32, #tpu.memory_space<vmem_shared>>
      %dma_start3A_416 = tpu.memref_squeeze %dma_start3A_415 : memref<1x1024xf32, #tpu.memory_space<vmem_shared>> -> memref<1024xf32, #tpu.memory_space<vmem_shared>>
      tpu.enqueue_dma source(%dma_start3A_416 : memref<1024xf32, #tpu.memory_space<vmem_shared>>) target(%arg19 : memref<1024xf32, #tpu.memory_space<vmem>>) target_semaphore(%run_scoped3A_413 : memref<!tpu.dma_semaphore, #tpu.memory_space<semaphore_mem>>)
      %dma_wait3A = tpu.memref_slice %arg22[%run_scoped3A_333, %mul3A_262] : memref<16x16384xf32, #tpu.memory_space<vmem_shared>> -> memref<1x1024xf32, #tpu.memory_space<vmem_shared>>
      %dma_wait3A_417 = tpu.memref_squeeze %dma_wait3A : memref<1x1024xf32, #tpu.memory_space<vmem_shared>> -> memref<1024xf32, #tpu.memory_space<vmem_shared>>
      %dma_wait3A_418 = tpu.memref_slice %arg22[%run_scoped3A_333, %mul3A_262] : memref<16x16384xf32, #tpu.memory_space<vmem_shared>> -> memref<1x1024xf32, #tpu.memory_space<vmem_shared>>
      %dma_wait3A_419 = tpu.memref_squeeze %dma_wait3A_418 : memref<1x1024xf32, #tpu.memory_space<vmem_shared>> -> memref<1024xf32, #tpu.memory_space<vmem_shared>>
      tpu.wait_dma2 semaphore(%run_scoped3A_413 : memref<!tpu.dma_semaphore, #tpu.memory_space<semaphore_mem>>) src(%dma_wait3A_419 : memref<1024xf32, #tpu.memory_space<vmem_shared>>) dst(%arg19 : memref<1024xf32, #tpu.memory_space<vmem>>)
      tpu.yield
    }) : () -> ()
    %scan3A_334 = arith.constant 0 : i32
    %scan3A_335 = arith.constant 0 : i32
    %scan3A_336 = arith.constant 64 : i32
    %scan3A_337 = arith.addi %scan3A_335, %scan3A_336 : i32
    %scan3A_338 = arith.constant 1 : i32
    %scan3A_339 = scf.for %scan3A_413 = %scan3A_335 to %scan3A_337 step %scan3A_338 iter_args(%scan3A_414 = %scan3A_334) -> (i32)  : i32 {
      %mul3A_415 = arith.constant 16 : i32
      %mul3A_416 = arith.muli %scan3A_413, %mul3A_415 : i32
      %get3A_417 = arith.index_cast %mul3A_416 : i32 to index
      %get3A_418 = tpu.vector_load %arg18[%get3A_417] {strides = array<i32>} : memref<1024xi32, #tpu.memory_space<vmem>>, vector<16xi32>,
      %swap3A_419 = arith.index_cast %mul3A_416 : i32 to index
      %swap3A_420 = tpu.vector_load %arg16[%swap3A_419] {strides = array<i32>} : memref<1024xi32, #tpu.memory_space<vmem>>, vector<16xi32>,
      tpu.vector_store %arg16[%swap3A_419], %get3A_418 {add = true, strides = array<i32>} : memref<1024xi32, #tpu.memory_space<vmem>>, vector<16xi32>,
      %get3A_421 = arith.index_cast %mul3A_416 : i32 to index
      %get3A_422 = tpu.vector_load %arg19[%get3A_421] {strides = array<i32>} : memref<1024xf32, #tpu.memory_space<vmem>>, vector<16xf32>,
      %swap3A_423 = arith.index_cast %mul3A_416 : i32 to index
      %swap3A_424 = tpu.vector_load %arg17[%swap3A_423] {strides = array<i32>} : memref<1024xf32, #tpu.memory_space<vmem>>, vector<16xf32>,
      tpu.vector_store %arg17[%swap3A_423], %get3A_422 {add = true, strides = array<i32>} : memref<1024xf32, #tpu.memory_space<vmem>>, vector<16xf32>,
      %scan3A_425 = arith.constant 0 : i32
      scf.yield %scan3A_425 : i32
    }
    %scan3A_340 = arith.constant 64 : i32
    %run_scoped3A_341 = arith.constant 8 : i32
    "tpu.region"() ({
      %run_scoped3A_413 = tpu.sem_alloc : memref<!tpu.dma_semaphore, #tpu.memory_space<semaphore_mem>>
      %dma_start3A = tpu.memref_slice %arg21[%run_scoped3A_341, %mul3A_262] : memref<16x16384xi32, #tpu.memory_space<vmem_shared>> -> memref<1x1024xi32, #tpu.memory_space<vmem_shared>>
      %dma_start3A_414 = tpu.memref_squeeze %dma_start3A : memref<1x1024xi32, #tpu.memory_space<vmem_shared>> -> memref<1024xi32, #tpu.memory_space<vmem_shared>>
      %dma_start3A_415 = tpu.memref_slice %arg21[%run_scoped3A_341, %mul3A_262] : memref<16x16384xi32, #tpu.memory_space<vmem_shared>> -> memref<1x1024xi32, #tpu.memory_space<vmem_shared>>
      %dma_start3A_416 = tpu.memref_squeeze %dma_start3A_415 : memref<1x1024xi32, #tpu.memory_space<vmem_shared>> -> memref<1024xi32, #tpu.memory_space<vmem_shared>>
      tpu.enqueue_dma source(%dma_start3A_416 : memref<1024xi32, #tpu.memory_space<vmem_shared>>) target(%arg18 : memref<1024xi32, #tpu.memory_space<vmem>>) target_semaphore(%run_scoped3A_413 : memref<!tpu.dma_semaphore, #tpu.memory_space<semaphore_mem>>)
      %dma_wait3A = tpu.memref_slice %arg21[%run_scoped3A_341, %mul3A_262] : memref<16x16384xi32, #tpu.memory_space<vmem_shared>> -> memref<1x1024xi32, #tpu.memory_space<vmem_shared>>
      %dma_wait3A_417 = tpu.memref_squeeze %dma_wait3A : memref<1x1024xi32, #tpu.memory_space<vmem_shared>> -> memref<1024xi32, #tpu.memory_space<vmem_shared>>
      %dma_wait3A_418 = tpu.memref_slice %arg21[%run_scoped3A_341, %mul3A_262] : memref<16x16384xi32, #tpu.memory_space<vmem_shared>> -> memref<1x1024xi32, #tpu.memory_space<vmem_shared>>
      %dma_wait3A_419 = tpu.memref_squeeze %dma_wait3A_418 : memref<1x1024xi32, #tpu.memory_space<vmem_shared>> -> memref<1024xi32, #tpu.memory_space<vmem_shared>>
      tpu.wait_dma2 semaphore(%run_scoped3A_413 : memref<!tpu.dma_semaphore, #tpu.memory_space<semaphore_mem>>) src(%dma_wait3A_419 : memref<1024xi32, #tpu.memory_space<vmem_shared>>) dst(%arg18 : memref<1024xi32, #tpu.memory_space<vmem>>)
      tpu.yield
    }) : () -> ()
    %run_scoped3A_342 = arith.constant 8 : i32
    "tpu.region"() ({
      %run_scoped3A_413 = tpu.sem_alloc : memref<!tpu.dma_semaphore, #tpu.memory_space<semaphore_mem>>
      %dma_start3A = tpu.memref_slice %arg22[%run_scoped3A_342, %mul3A_262] : memref<16x16384xf32, #tpu.memory_space<vmem_shared>> -> memref<1x1024xf32, #tpu.memory_space<vmem_shared>>
      %dma_start3A_414 = tpu.memref_squeeze %dma_start3A : memref<1x1024xf32, #tpu.memory_space<vmem_shared>> -> memref<1024xf32, #tpu.memory_space<vmem_shared>>
      %dma_start3A_415 = tpu.memref_slice %arg22[%run_scoped3A_342, %mul3A_262] : memref<16x16384xf32, #tpu.memory_space<vmem_shared>> -> memref<1x1024xf32, #tpu.memory_space<vmem_shared>>
      %dma_start3A_416 = tpu.memref_squeeze %dma_start3A_415 : memref<1x1024xf32, #tpu.memory_space<vmem_shared>> -> memref<1024xf32, #tpu.memory_space<vmem_shared>>
      tpu.enqueue_dma source(%dma_start3A_416 : memref<1024xf32, #tpu.memory_space<vmem_shared>>) target(%arg19 : memref<1024xf32, #tpu.memory_space<vmem>>) target_semaphore(%run_scoped3A_413 : memref<!tpu.dma_semaphore, #tpu.memory_space<semaphore_mem>>)
      %dma_wait3A = tpu.memref_slice %arg22[%run_scoped3A_342, %mul3A_262] : memref<16x16384xf32, #tpu.memory_space<vmem_shared>> -> memref<1x1024xf32, #tpu.memory_space<vmem_shared>>
      %dma_wait3A_417 = tpu.memref_squeeze %dma_wait3A : memref<1x1024xf32, #tpu.memory_space<vmem_shared>> -> memref<1024xf32, #tpu.memory_space<vmem_shared>>
      %dma_wait3A_418 = tpu.memref_slice %arg22[%run_scoped3A_342, %mul3A_262] : memref<16x16384xf32, #tpu.memory_space<vmem_shared>> -> memref<1x1024xf32, #tpu.memory_space<vmem_shared>>
      %dma_wait3A_419 = tpu.memref_squeeze %dma_wait3A_418 : memref<1x1024xf32, #tpu.memory_space<vmem_shared>> -> memref<1024xf32, #tpu.memory_space<vmem_shared>>
      tpu.wait_dma2 semaphore(%run_scoped3A_413 : memref<!tpu.dma_semaphore, #tpu.memory_space<semaphore_mem>>) src(%dma_wait3A_419 : memref<1024xf32, #tpu.memory_space<vmem_shared>>) dst(%arg19 : memref<1024xf32, #tpu.memory_space<vmem>>)
      tpu.yield
    }) : () -> ()
    %scan3A_343 = arith.constant 0 : i32
    %scan3A_344 = arith.constant 0 : i32
    %scan3A_345 = arith.constant 64 : i32
    %scan3A_346 = arith.addi %scan3A_344, %scan3A_345 : i32
    %scan3A_347 = arith.constant 1 : i32
    %scan3A_348 = scf.for %scan3A_413 = %scan3A_344 to %scan3A_346 step %scan3A_347 iter_args(%scan3A_414 = %scan3A_343) -> (i32)  : i32 {
      %mul3A_415 = arith.constant 16 : i32
      %mul3A_416 = arith.muli %scan3A_413, %mul3A_415 : i32
      %get3A_417 = arith.index_cast %mul3A_416 : i32 to index
      %get3A_418 = tpu.vector_load %arg18[%get3A_417] {strides = array<i32>} : memref<1024xi32, #tpu.memory_space<vmem>>, vector<16xi32>,
      %swap3A_419 = arith.index_cast %mul3A_416 : i32 to index
      %swap3A_420 = tpu.vector_load %arg16[%swap3A_419] {strides = array<i32>} : memref<1024xi32, #tpu.memory_space<vmem>>, vector<16xi32>,
      tpu.vector_store %arg16[%swap3A_419], %get3A_418 {add = true, strides = array<i32>} : memref<1024xi32, #tpu.memory_space<vmem>>, vector<16xi32>,
      %get3A_421 = arith.index_cast %mul3A_416 : i32 to index
      %get3A_422 = tpu.vector_load %arg19[%get3A_421] {strides = array<i32>} : memref<1024xf32, #tpu.memory_space<vmem>>, vector<16xf32>,
      %swap3A_423 = arith.index_cast %mul3A_416 : i32 to index
      %swap3A_424 = tpu.vector_load %arg17[%swap3A_423] {strides = array<i32>} : memref<1024xf32, #tpu.memory_space<vmem>>, vector<16xf32>,
      tpu.vector_store %arg17[%swap3A_423], %get3A_422 {add = true, strides = array<i32>} : memref<1024xf32, #tpu.memory_space<vmem>>, vector<16xf32>,
      %scan3A_425 = arith.constant 0 : i32
      scf.yield %scan3A_425 : i32
    }
    %scan3A_349 = arith.constant 64 : i32
    %run_scoped3A_350 = arith.constant 9 : i32
    "tpu.region"() ({
      %run_scoped3A_413 = tpu.sem_alloc : memref<!tpu.dma_semaphore, #tpu.memory_space<semaphore_mem>>
      %dma_start3A = tpu.memref_slice %arg21[%run_scoped3A_350, %mul3A_262] : memref<16x16384xi32, #tpu.memory_space<vmem_shared>> -> memref<1x1024xi32, #tpu.memory_space<vmem_shared>>
      %dma_start3A_414 = tpu.memref_squeeze %dma_start3A : memref<1x1024xi32, #tpu.memory_space<vmem_shared>> -> memref<1024xi32, #tpu.memory_space<vmem_shared>>
      %dma_start3A_415 = tpu.memref_slice %arg21[%run_scoped3A_350, %mul3A_262] : memref<16x16384xi32, #tpu.memory_space<vmem_shared>> -> memref<1x1024xi32, #tpu.memory_space<vmem_shared>>
      %dma_start3A_416 = tpu.memref_squeeze %dma_start3A_415 : memref<1x1024xi32, #tpu.memory_space<vmem_shared>> -> memref<1024xi32, #tpu.memory_space<vmem_shared>>
      tpu.enqueue_dma source(%dma_start3A_416 : memref<1024xi32, #tpu.memory_space<vmem_shared>>) target(%arg18 : memref<1024xi32, #tpu.memory_space<vmem>>) target_semaphore(%run_scoped3A_413 : memref<!tpu.dma_semaphore, #tpu.memory_space<semaphore_mem>>)
      %dma_wait3A = tpu.memref_slice %arg21[%run_scoped3A_350, %mul3A_262] : memref<16x16384xi32, #tpu.memory_space<vmem_shared>> -> memref<1x1024xi32, #tpu.memory_space<vmem_shared>>
      %dma_wait3A_417 = tpu.memref_squeeze %dma_wait3A : memref<1x1024xi32, #tpu.memory_space<vmem_shared>> -> memref<1024xi32, #tpu.memory_space<vmem_shared>>
      %dma_wait3A_418 = tpu.memref_slice %arg21[%run_scoped3A_350, %mul3A_262] : memref<16x16384xi32, #tpu.memory_space<vmem_shared>> -> memref<1x1024xi32, #tpu.memory_space<vmem_shared>>
      %dma_wait3A_419 = tpu.memref_squeeze %dma_wait3A_418 : memref<1x1024xi32, #tpu.memory_space<vmem_shared>> -> memref<1024xi32, #tpu.memory_space<vmem_shared>>
      tpu.wait_dma2 semaphore(%run_scoped3A_413 : memref<!tpu.dma_semaphore, #tpu.memory_space<semaphore_mem>>) src(%dma_wait3A_419 : memref<1024xi32, #tpu.memory_space<vmem_shared>>) dst(%arg18 : memref<1024xi32, #tpu.memory_space<vmem>>)
      tpu.yield
    }) : () -> ()
    %run_scoped3A_351 = arith.constant 9 : i32
    "tpu.region"() ({
      %run_scoped3A_413 = tpu.sem_alloc : memref<!tpu.dma_semaphore, #tpu.memory_space<semaphore_mem>>
      %dma_start3A = tpu.memref_slice %arg22[%run_scoped3A_351, %mul3A_262] : memref<16x16384xf32, #tpu.memory_space<vmem_shared>> -> memref<1x1024xf32, #tpu.memory_space<vmem_shared>>
      %dma_start3A_414 = tpu.memref_squeeze %dma_start3A : memref<1x1024xf32, #tpu.memory_space<vmem_shared>> -> memref<1024xf32, #tpu.memory_space<vmem_shared>>
      %dma_start3A_415 = tpu.memref_slice %arg22[%run_scoped3A_351, %mul3A_262] : memref<16x16384xf32, #tpu.memory_space<vmem_shared>> -> memref<1x1024xf32, #tpu.memory_space<vmem_shared>>
      %dma_start3A_416 = tpu.memref_squeeze %dma_start3A_415 : memref<1x1024xf32, #tpu.memory_space<vmem_shared>> -> memref<1024xf32, #tpu.memory_space<vmem_shared>>
      tpu.enqueue_dma source(%dma_start3A_416 : memref<1024xf32, #tpu.memory_space<vmem_shared>>) target(%arg19 : memref<1024xf32, #tpu.memory_space<vmem>>) target_semaphore(%run_scoped3A_413 : memref<!tpu.dma_semaphore, #tpu.memory_space<semaphore_mem>>)
      %dma_wait3A = tpu.memref_slice %arg22[%run_scoped3A_351, %mul3A_262] : memref<16x16384xf32, #tpu.memory_space<vmem_shared>> -> memref<1x1024xf32, #tpu.memory_space<vmem_shared>>
      %dma_wait3A_417 = tpu.memref_squeeze %dma_wait3A : memref<1x1024xf32, #tpu.memory_space<vmem_shared>> -> memref<1024xf32, #tpu.memory_space<vmem_shared>>
      %dma_wait3A_418 = tpu.memref_slice %arg22[%run_scoped3A_351, %mul3A_262] : memref<16x16384xf32, #tpu.memory_space<vmem_shared>> -> memref<1x1024xf32, #tpu.memory_space<vmem_shared>>
      %dma_wait3A_419 = tpu.memref_squeeze %dma_wait3A_418 : memref<1x1024xf32, #tpu.memory_space<vmem_shared>> -> memref<1024xf32, #tpu.memory_space<vmem_shared>>
      tpu.wait_dma2 semaphore(%run_scoped3A_413 : memref<!tpu.dma_semaphore, #tpu.memory_space<semaphore_mem>>) src(%dma_wait3A_419 : memref<1024xf32, #tpu.memory_space<vmem_shared>>) dst(%arg19 : memref<1024xf32, #tpu.memory_space<vmem>>)
      tpu.yield
    }) : () -> ()
    %scan3A_352 = arith.constant 0 : i32
    %scan3A_353 = arith.constant 0 : i32
    %scan3A_354 = arith.constant 64 : i32
    %scan3A_355 = arith.addi %scan3A_353, %scan3A_354 : i32
    %scan3A_356 = arith.constant 1 : i32
    %scan3A_357 = scf.for %scan3A_413 = %scan3A_353 to %scan3A_355 step %scan3A_356 iter_args(%scan3A_414 = %scan3A_352) -> (i32)  : i32 {
      %mul3A_415 = arith.constant 16 : i32
      %mul3A_416 = arith.muli %scan3A_413, %mul3A_415 : i32
      %get3A_417 = arith.index_cast %mul3A_416 : i32 to index
      %get3A_418 = tpu.vector_load %arg18[%get3A_417] {strides = array<i32>} : memref<1024xi32, #tpu.memory_space<vmem>>, vector<16xi32>,
      %swap3A_419 = arith.index_cast %mul3A_416 : i32 to index
      %swap3A_420 = tpu.vector_load %arg16[%swap3A_419] {strides = array<i32>} : memref<1024xi32, #tpu.memory_space<vmem>>, vector<16xi32>,
      tpu.vector_store %arg16[%swap3A_419], %get3A_418 {add = true, strides = array<i32>} : memref<1024xi32, #tpu.memory_space<vmem>>, vector<16xi32>,
      %get3A_421 = arith.index_cast %mul3A_416 : i32 to index
      %get3A_422 = tpu.vector_load %arg19[%get3A_421] {strides = array<i32>} : memref<1024xf32, #tpu.memory_space<vmem>>, vector<16xf32>,
      %swap3A_423 = arith.index_cast %mul3A_416 : i32 to index
      %swap3A_424 = tpu.vector_load %arg17[%swap3A_423] {strides = array<i32>} : memref<1024xf32, #tpu.memory_space<vmem>>, vector<16xf32>,
      tpu.vector_store %arg17[%swap3A_423], %get3A_422 {add = true, strides = array<i32>} : memref<1024xf32, #tpu.memory_space<vmem>>, vector<16xf32>,
      %scan3A_425 = arith.constant 0 : i32
      scf.yield %scan3A_425 : i32
    }
    %scan3A_358 = arith.constant 64 : i32
    %run_scoped3A_359 = arith.constant 10 : i32
    "tpu.region"() ({
      %run_scoped3A_413 = tpu.sem_alloc : memref<!tpu.dma_semaphore, #tpu.memory_space<semaphore_mem>>
      %dma_start3A = tpu.memref_slice %arg21[%run_scoped3A_359, %mul3A_262] : memref<16x16384xi32, #tpu.memory_space<vmem_shared>> -> memref<1x1024xi32, #tpu.memory_space<vmem_shared>>
      %dma_start3A_414 = tpu.memref_squeeze %dma_start3A : memref<1x1024xi32, #tpu.memory_space<vmem_shared>> -> memref<1024xi32, #tpu.memory_space<vmem_shared>>
      %dma_start3A_415 = tpu.memref_slice %arg21[%run_scoped3A_359, %mul3A_262] : memref<16x16384xi32, #tpu.memory_space<vmem_shared>> -> memref<1x1024xi32, #tpu.memory_space<vmem_shared>>
      %dma_start3A_416 = tpu.memref_squeeze %dma_start3A_415 : memref<1x1024xi32, #tpu.memory_space<vmem_shared>> -> memref<1024xi32, #tpu.memory_space<vmem_shared>>
      tpu.enqueue_dma source(%dma_start3A_416 : memref<1024xi32, #tpu.memory_space<vmem_shared>>) target(%arg18 : memref<1024xi32, #tpu.memory_space<vmem>>) target_semaphore(%run_scoped3A_413 : memref<!tpu.dma_semaphore, #tpu.memory_space<semaphore_mem>>)
      %dma_wait3A = tpu.memref_slice %arg21[%run_scoped3A_359, %mul3A_262] : memref<16x16384xi32, #tpu.memory_space<vmem_shared>> -> memref<1x1024xi32, #tpu.memory_space<vmem_shared>>
      %dma_wait3A_417 = tpu.memref_squeeze %dma_wait3A : memref<1x1024xi32, #tpu.memory_space<vmem_shared>> -> memref<1024xi32, #tpu.memory_space<vmem_shared>>
      %dma_wait3A_418 = tpu.memref_slice %arg21[%run_scoped3A_359, %mul3A_262] : memref<16x16384xi32, #tpu.memory_space<vmem_shared>> -> memref<1x1024xi32, #tpu.memory_space<vmem_shared>>
      %dma_wait3A_419 = tpu.memref_squeeze %dma_wait3A_418 : memref<1x1024xi32, #tpu.memory_space<vmem_shared>> -> memref<1024xi32, #tpu.memory_space<vmem_shared>>
      tpu.wait_dma2 semaphore(%run_scoped3A_413 : memref<!tpu.dma_semaphore, #tpu.memory_space<semaphore_mem>>) src(%dma_wait3A_419 : memref<1024xi32, #tpu.memory_space<vmem_shared>>) dst(%arg18 : memref<1024xi32, #tpu.memory_space<vmem>>)
      tpu.yield
    }) : () -> ()
    %run_scoped3A_360 = arith.constant 10 : i32
    "tpu.region"() ({
      %run_scoped3A_413 = tpu.sem_alloc : memref<!tpu.dma_semaphore, #tpu.memory_space<semaphore_mem>>
      %dma_start3A = tpu.memref_slice %arg22[%run_scoped3A_360, %mul3A_262] : memref<16x16384xf32, #tpu.memory_space<vmem_shared>> -> memref<1x1024xf32, #tpu.memory_space<vmem_shared>>
      %dma_start3A_414 = tpu.memref_squeeze %dma_start3A : memref<1x1024xf32, #tpu.memory_space<vmem_shared>> -> memref<1024xf32, #tpu.memory_space<vmem_shared>>
      %dma_start3A_415 = tpu.memref_slice %arg22[%run_scoped3A_360, %mul3A_262] : memref<16x16384xf32, #tpu.memory_space<vmem_shared>> -> memref<1x1024xf32, #tpu.memory_space<vmem_shared>>
      %dma_start3A_416 = tpu.memref_squeeze %dma_start3A_415 : memref<1x1024xf32, #tpu.memory_space<vmem_shared>> -> memref<1024xf32, #tpu.memory_space<vmem_shared>>
      tpu.enqueue_dma source(%dma_start3A_416 : memref<1024xf32, #tpu.memory_space<vmem_shared>>) target(%arg19 : memref<1024xf32, #tpu.memory_space<vmem>>) target_semaphore(%run_scoped3A_413 : memref<!tpu.dma_semaphore, #tpu.memory_space<semaphore_mem>>)
      %dma_wait3A = tpu.memref_slice %arg22[%run_scoped3A_360, %mul3A_262] : memref<16x16384xf32, #tpu.memory_space<vmem_shared>> -> memref<1x1024xf32, #tpu.memory_space<vmem_shared>>
      %dma_wait3A_417 = tpu.memref_squeeze %dma_wait3A : memref<1x1024xf32, #tpu.memory_space<vmem_shared>> -> memref<1024xf32, #tpu.memory_space<vmem_shared>>
      %dma_wait3A_418 = tpu.memref_slice %arg22[%run_scoped3A_360, %mul3A_262] : memref<16x16384xf32, #tpu.memory_space<vmem_shared>> -> memref<1x1024xf32, #tpu.memory_space<vmem_shared>>
      %dma_wait3A_419 = tpu.memref_squeeze %dma_wait3A_418 : memref<1x1024xf32, #tpu.memory_space<vmem_shared>> -> memref<1024xf32, #tpu.memory_space<vmem_shared>>
      tpu.wait_dma2 semaphore(%run_scoped3A_413 : memref<!tpu.dma_semaphore, #tpu.memory_space<semaphore_mem>>) src(%dma_wait3A_419 : memref<1024xf32, #tpu.memory_space<vmem_shared>>) dst(%arg19 : memref<1024xf32, #tpu.memory_space<vmem>>)
      tpu.yield
    }) : () -> ()
    %scan3A_361 = arith.constant 0 : i32
    %scan3A_362 = arith.constant 0 : i32
    %scan3A_363 = arith.constant 64 : i32
    %scan3A_364 = arith.addi %scan3A_362, %scan3A_363 : i32
    %scan3A_365 = arith.constant 1 : i32
    %scan3A_366 = scf.for %scan3A_413 = %scan3A_362 to %scan3A_364 step %scan3A_365 iter_args(%scan3A_414 = %scan3A_361) -> (i32)  : i32 {
      %mul3A_415 = arith.constant 16 : i32
      %mul3A_416 = arith.muli %scan3A_413, %mul3A_415 : i32
      %get3A_417 = arith.index_cast %mul3A_416 : i32 to index
      %get3A_418 = tpu.vector_load %arg18[%get3A_417] {strides = array<i32>} : memref<1024xi32, #tpu.memory_space<vmem>>, vector<16xi32>,
      %swap3A_419 = arith.index_cast %mul3A_416 : i32 to index
      %swap3A_420 = tpu.vector_load %arg16[%swap3A_419] {strides = array<i32>} : memref<1024xi32, #tpu.memory_space<vmem>>, vector<16xi32>,
      tpu.vector_store %arg16[%swap3A_419], %get3A_418 {add = true, strides = array<i32>} : memref<1024xi32, #tpu.memory_space<vmem>>, vector<16xi32>,
      %get3A_421 = arith.index_cast %mul3A_416 : i32 to index
      %get3A_422 = tpu.vector_load %arg19[%get3A_421] {strides = array<i32>} : memref<1024xf32, #tpu.memory_space<vmem>>, vector<16xf32>,
      %swap3A_423 = arith.index_cast %mul3A_416 : i32 to index
      %swap3A_424 = tpu.vector_load %arg17[%swap3A_423] {strides = array<i32>} : memref<1024xf32, #tpu.memory_space<vmem>>, vector<16xf32>,
      tpu.vector_store %arg17[%swap3A_423], %get3A_422 {add = true, strides = array<i32>} : memref<1024xf32, #tpu.memory_space<vmem>>, vector<16xf32>,
      %scan3A_425 = arith.constant 0 : i32
      scf.yield %scan3A_425 : i32
    }
    %scan3A_367 = arith.constant 64 : i32
    %run_scoped3A_368 = arith.constant 11 : i32
    "tpu.region"() ({
      %run_scoped3A_413 = tpu.sem_alloc : memref<!tpu.dma_semaphore, #tpu.memory_space<semaphore_mem>>
      %dma_start3A = tpu.memref_slice %arg21[%run_scoped3A_368, %mul3A_262] : memref<16x16384xi32, #tpu.memory_space<vmem_shared>> -> memref<1x1024xi32, #tpu.memory_space<vmem_shared>>
      %dma_start3A_414 = tpu.memref_squeeze %dma_start3A : memref<1x1024xi32, #tpu.memory_space<vmem_shared>> -> memref<1024xi32, #tpu.memory_space<vmem_shared>>
      %dma_start3A_415 = tpu.memref_slice %arg21[%run_scoped3A_368, %mul3A_262] : memref<16x16384xi32, #tpu.memory_space<vmem_shared>> -> memref<1x1024xi32, #tpu.memory_space<vmem_shared>>
      %dma_start3A_416 = tpu.memref_squeeze %dma_start3A_415 : memref<1x1024xi32, #tpu.memory_space<vmem_shared>> -> memref<1024xi32, #tpu.memory_space<vmem_shared>>
      tpu.enqueue_dma source(%dma_start3A_416 : memref<1024xi32, #tpu.memory_space<vmem_shared>>) target(%arg18 : memref<1024xi32, #tpu.memory_space<vmem>>) target_semaphore(%run_scoped3A_413 : memref<!tpu.dma_semaphore, #tpu.memory_space<semaphore_mem>>)
      %dma_wait3A = tpu.memref_slice %arg21[%run_scoped3A_368, %mul3A_262] : memref<16x16384xi32, #tpu.memory_space<vmem_shared>> -> memref<1x1024xi32, #tpu.memory_space<vmem_shared>>
      %dma_wait3A_417 = tpu.memref_squeeze %dma_wait3A : memref<1x1024xi32, #tpu.memory_space<vmem_shared>> -> memref<1024xi32, #tpu.memory_space<vmem_shared>>
      %dma_wait3A_418 = tpu.memref_slice %arg21[%run_scoped3A_368, %mul3A_262] : memref<16x16384xi32, #tpu.memory_space<vmem_shared>> -> memref<1x1024xi32, #tpu.memory_space<vmem_shared>>
      %dma_wait3A_419 = tpu.memref_squeeze %dma_wait3A_418 : memref<1x1024xi32, #tpu.memory_space<vmem_shared>> -> memref<1024xi32, #tpu.memory_space<vmem_shared>>
      tpu.wait_dma2 semaphore(%run_scoped3A_413 : memref<!tpu.dma_semaphore, #tpu.memory_space<semaphore_mem>>) src(%dma_wait3A_419 : memref<1024xi32, #tpu.memory_space<vmem_shared>>) dst(%arg18 : memref<1024xi32, #tpu.memory_space<vmem>>)
      tpu.yield
    }) : () -> ()
    %run_scoped3A_369 = arith.constant 11 : i32
    "tpu.region"() ({
      %run_scoped3A_413 = tpu.sem_alloc : memref<!tpu.dma_semaphore, #tpu.memory_space<semaphore_mem>>
      %dma_start3A = tpu.memref_slice %arg22[%run_scoped3A_369, %mul3A_262] : memref<16x16384xf32, #tpu.memory_space<vmem_shared>> -> memref<1x1024xf32, #tpu.memory_space<vmem_shared>>
      %dma_start3A_414 = tpu.memref_squeeze %dma_start3A : memref<1x1024xf32, #tpu.memory_space<vmem_shared>> -> memref<1024xf32, #tpu.memory_space<vmem_shared>>
      %dma_start3A_415 = tpu.memref_slice %arg22[%run_scoped3A_369, %mul3A_262] : memref<16x16384xf32, #tpu.memory_space<vmem_shared>> -> memref<1x1024xf32, #tpu.memory_space<vmem_shared>>
      %dma_start3A_416 = tpu.memref_squeeze %dma_start3A_415 : memref<1x1024xf32, #tpu.memory_space<vmem_shared>> -> memref<1024xf32, #tpu.memory_space<vmem_shared>>
      tpu.enqueue_dma source(%dma_start3A_416 : memref<1024xf32, #tpu.memory_space<vmem_shared>>) target(%arg19 : memref<1024xf32, #tpu.memory_space<vmem>>) target_semaphore(%run_scoped3A_413 : memref<!tpu.dma_semaphore, #tpu.memory_space<semaphore_mem>>)
      %dma_wait3A = tpu.memref_slice %arg22[%run_scoped3A_369, %mul3A_262] : memref<16x16384xf32, #tpu.memory_space<vmem_shared>> -> memref<1x1024xf32, #tpu.memory_space<vmem_shared>>
      %dma_wait3A_417 = tpu.memref_squeeze %dma_wait3A : memref<1x1024xf32, #tpu.memory_space<vmem_shared>> -> memref<1024xf32, #tpu.memory_space<vmem_shared>>
      %dma_wait3A_418 = tpu.memref_slice %arg22[%run_scoped3A_369, %mul3A_262] : memref<16x16384xf32, #tpu.memory_space<vmem_shared>> -> memref<1x1024xf32, #tpu.memory_space<vmem_shared>>
      %dma_wait3A_419 = tpu.memref_squeeze %dma_wait3A_418 : memref<1x1024xf32, #tpu.memory_space<vmem_shared>> -> memref<1024xf32, #tpu.memory_space<vmem_shared>>
      tpu.wait_dma2 semaphore(%run_scoped3A_413 : memref<!tpu.dma_semaphore, #tpu.memory_space<semaphore_mem>>) src(%dma_wait3A_419 : memref<1024xf32, #tpu.memory_space<vmem_shared>>) dst(%arg19 : memref<1024xf32, #tpu.memory_space<vmem>>)
      tpu.yield
    }) : () -> ()
    %scan3A_370 = arith.constant 0 : i32
    %scan3A_371 = arith.constant 0 : i32
    %scan3A_372 = arith.constant 64 : i32
    %scan3A_373 = arith.addi %scan3A_371, %scan3A_372 : i32
    %scan3A_374 = arith.constant 1 : i32
    %scan3A_375 = scf.for %scan3A_413 = %scan3A_371 to %scan3A_373 step %scan3A_374 iter_args(%scan3A_414 = %scan3A_370) -> (i32)  : i32 {
      %mul3A_415 = arith.constant 16 : i32
      %mul3A_416 = arith.muli %scan3A_413, %mul3A_415 : i32
      %get3A_417 = arith.index_cast %mul3A_416 : i32 to index
      %get3A_418 = tpu.vector_load %arg18[%get3A_417] {strides = array<i32>} : memref<1024xi32, #tpu.memory_space<vmem>>, vector<16xi32>,
      %swap3A_419 = arith.index_cast %mul3A_416 : i32 to index
      %swap3A_420 = tpu.vector_load %arg16[%swap3A_419] {strides = array<i32>} : memref<1024xi32, #tpu.memory_space<vmem>>, vector<16xi32>,
      tpu.vector_store %arg16[%swap3A_419], %get3A_418 {add = true, strides = array<i32>} : memref<1024xi32, #tpu.memory_space<vmem>>, vector<16xi32>,
      %get3A_421 = arith.index_cast %mul3A_416 : i32 to index
      %get3A_422 = tpu.vector_load %arg19[%get3A_421] {strides = array<i32>} : memref<1024xf32, #tpu.memory_space<vmem>>, vector<16xf32>,
      %swap3A_423 = arith.index_cast %mul3A_416 : i32 to index
      %swap3A_424 = tpu.vector_load %arg17[%swap3A_423] {strides = array<i32>} : memref<1024xf32, #tpu.memory_space<vmem>>, vector<16xf32>,
      tpu.vector_store %arg17[%swap3A_423], %get3A_422 {add = true, strides = array<i32>} : memref<1024xf32, #tpu.memory_space<vmem>>, vector<16xf32>,
      %scan3A_425 = arith.constant 0 : i32
      scf.yield %scan3A_425 : i32
    }
    %scan3A_376 = arith.constant 64 : i32
    %run_scoped3A_377 = arith.constant 12 : i32
    "tpu.region"() ({
      %run_scoped3A_413 = tpu.sem_alloc : memref<!tpu.dma_semaphore, #tpu.memory_space<semaphore_mem>>
      %dma_start3A = tpu.memref_slice %arg21[%run_scoped3A_377, %mul3A_262] : memref<16x16384xi32, #tpu.memory_space<vmem_shared>> -> memref<1x1024xi32, #tpu.memory_space<vmem_shared>>
      %dma_start3A_414 = tpu.memref_squeeze %dma_start3A : memref<1x1024xi32, #tpu.memory_space<vmem_shared>> -> memref<1024xi32, #tpu.memory_space<vmem_shared>>
      %dma_start3A_415 = tpu.memref_slice %arg21[%run_scoped3A_377, %mul3A_262] : memref<16x16384xi32, #tpu.memory_space<vmem_shared>> -> memref<1x1024xi32, #tpu.memory_space<vmem_shared>>
      %dma_start3A_416 = tpu.memref_squeeze %dma_start3A_415 : memref<1x1024xi32, #tpu.memory_space<vmem_shared>> -> memref<1024xi32, #tpu.memory_space<vmem_shared>>
      tpu.enqueue_dma source(%dma_start3A_416 : memref<1024xi32, #tpu.memory_space<vmem_shared>>) target(%arg18 : memref<1024xi32, #tpu.memory_space<vmem>>) target_semaphore(%run_scoped3A_413 : memref<!tpu.dma_semaphore, #tpu.memory_space<semaphore_mem>>)
      %dma_wait3A = tpu.memref_slice %arg21[%run_scoped3A_377, %mul3A_262] : memref<16x16384xi32, #tpu.memory_space<vmem_shared>> -> memref<1x1024xi32, #tpu.memory_space<vmem_shared>>
      %dma_wait3A_417 = tpu.memref_squeeze %dma_wait3A : memref<1x1024xi32, #tpu.memory_space<vmem_shared>> -> memref<1024xi32, #tpu.memory_space<vmem_shared>>
      %dma_wait3A_418 = tpu.memref_slice %arg21[%run_scoped3A_377, %mul3A_262] : memref<16x16384xi32, #tpu.memory_space<vmem_shared>> -> memref<1x1024xi32, #tpu.memory_space<vmem_shared>>
      %dma_wait3A_419 = tpu.memref_squeeze %dma_wait3A_418 : memref<1x1024xi32, #tpu.memory_space<vmem_shared>> -> memref<1024xi32, #tpu.memory_space<vmem_shared>>
      tpu.wait_dma2 semaphore(%run_scoped3A_413 : memref<!tpu.dma_semaphore, #tpu.memory_space<semaphore_mem>>) src(%dma_wait3A_419 : memref<1024xi32, #tpu.memory_space<vmem_shared>>) dst(%arg18 : memref<1024xi32, #tpu.memory_space<vmem>>)
      tpu.yield
    }) : () -> ()
    %run_scoped3A_378 = arith.constant 12 : i32
    "tpu.region"() ({
      %run_scoped3A_413 = tpu.sem_alloc : memref<!tpu.dma_semaphore, #tpu.memory_space<semaphore_mem>>
      %dma_start3A = tpu.memref_slice %arg22[%run_scoped3A_378, %mul3A_262] : memref<16x16384xf32, #tpu.memory_space<vmem_shared>> -> memref<1x1024xf32, #tpu.memory_space<vmem_shared>>
      %dma_start3A_414 = tpu.memref_squeeze %dma_start3A : memref<1x1024xf32, #tpu.memory_space<vmem_shared>> -> memref<1024xf32, #tpu.memory_space<vmem_shared>>
      %dma_start3A_415 = tpu.memref_slice %arg22[%run_scoped3A_378, %mul3A_262] : memref<16x16384xf32, #tpu.memory_space<vmem_shared>> -> memref<1x1024xf32, #tpu.memory_space<vmem_shared>>
      %dma_start3A_416 = tpu.memref_squeeze %dma_start3A_415 : memref<1x1024xf32, #tpu.memory_space<vmem_shared>> -> memref<1024xf32, #tpu.memory_space<vmem_shared>>
      tpu.enqueue_dma source(%dma_start3A_416 : memref<1024xf32, #tpu.memory_space<vmem_shared>>) target(%arg19 : memref<1024xf32, #tpu.memory_space<vmem>>) target_semaphore(%run_scoped3A_413 : memref<!tpu.dma_semaphore, #tpu.memory_space<semaphore_mem>>)
      %dma_wait3A = tpu.memref_slice %arg22[%run_scoped3A_378, %mul3A_262] : memref<16x16384xf32, #tpu.memory_space<vmem_shared>> -> memref<1x1024xf32, #tpu.memory_space<vmem_shared>>
      %dma_wait3A_417 = tpu.memref_squeeze %dma_wait3A : memref<1x1024xf32, #tpu.memory_space<vmem_shared>> -> memref<1024xf32, #tpu.memory_space<vmem_shared>>
      %dma_wait3A_418 = tpu.memref_slice %arg22[%run_scoped3A_378, %mul3A_262] : memref<16x16384xf32, #tpu.memory_space<vmem_shared>> -> memref<1x1024xf32, #tpu.memory_space<vmem_shared>>
      %dma_wait3A_419 = tpu.memref_squeeze %dma_wait3A_418 : memref<1x1024xf32, #tpu.memory_space<vmem_shared>> -> memref<1024xf32, #tpu.memory_space<vmem_shared>>
      tpu.wait_dma2 semaphore(%run_scoped3A_413 : memref<!tpu.dma_semaphore, #tpu.memory_space<semaphore_mem>>) src(%dma_wait3A_419 : memref<1024xf32, #tpu.memory_space<vmem_shared>>) dst(%arg19 : memref<1024xf32, #tpu.memory_space<vmem>>)
      tpu.yield
    }) : () -> ()
    %scan3A_379 = arith.constant 0 : i32
    %scan3A_380 = arith.constant 0 : i32
    %scan3A_381 = arith.constant 64 : i32
    %scan3A_382 = arith.addi %scan3A_380, %scan3A_381 : i32
    %scan3A_383 = arith.constant 1 : i32
    %scan3A_384 = scf.for %scan3A_413 = %scan3A_380 to %scan3A_382 step %scan3A_383 iter_args(%scan3A_414 = %scan3A_379) -> (i32)  : i32 {
      %mul3A_415 = arith.constant 16 : i32
      %mul3A_416 = arith.muli %scan3A_413, %mul3A_415 : i32
      %get3A_417 = arith.index_cast %mul3A_416 : i32 to index
      %get3A_418 = tpu.vector_load %arg18[%get3A_417] {strides = array<i32>} : memref<1024xi32, #tpu.memory_space<vmem>>, vector<16xi32>,
      %swap3A_419 = arith.index_cast %mul3A_416 : i32 to index
      %swap3A_420 = tpu.vector_load %arg16[%swap3A_419] {strides = array<i32>} : memref<1024xi32, #tpu.memory_space<vmem>>, vector<16xi32>,
      tpu.vector_store %arg16[%swap3A_419], %get3A_418 {add = true, strides = array<i32>} : memref<1024xi32, #tpu.memory_space<vmem>>, vector<16xi32>,
      %get3A_421 = arith.index_cast %mul3A_416 : i32 to index
      %get3A_422 = tpu.vector_load %arg19[%get3A_421] {strides = array<i32>} : memref<1024xf32, #tpu.memory_space<vmem>>, vector<16xf32>,
      %swap3A_423 = arith.index_cast %mul3A_416 : i32 to index
      %swap3A_424 = tpu.vector_load %arg17[%swap3A_423] {strides = array<i32>} : memref<1024xf32, #tpu.memory_space<vmem>>, vector<16xf32>,
      tpu.vector_store %arg17[%swap3A_423], %get3A_422 {add = true, strides = array<i32>} : memref<1024xf32, #tpu.memory_space<vmem>>, vector<16xf32>,
      %scan3A_425 = arith.constant 0 : i32
      scf.yield %scan3A_425 : i32
    }
    %scan3A_385 = arith.constant 64 : i32
    %run_scoped3A_386 = arith.constant 13 : i32
    "tpu.region"() ({
      %run_scoped3A_413 = tpu.sem_alloc : memref<!tpu.dma_semaphore, #tpu.memory_space<semaphore_mem>>
      %dma_start3A = tpu.memref_slice %arg21[%run_scoped3A_386, %mul3A_262] : memref<16x16384xi32, #tpu.memory_space<vmem_shared>> -> memref<1x1024xi32, #tpu.memory_space<vmem_shared>>
      %dma_start3A_414 = tpu.memref_squeeze %dma_start3A : memref<1x1024xi32, #tpu.memory_space<vmem_shared>> -> memref<1024xi32, #tpu.memory_space<vmem_shared>>
      %dma_start3A_415 = tpu.memref_slice %arg21[%run_scoped3A_386, %mul3A_262] : memref<16x16384xi32, #tpu.memory_space<vmem_shared>> -> memref<1x1024xi32, #tpu.memory_space<vmem_shared>>
      %dma_start3A_416 = tpu.memref_squeeze %dma_start3A_415 : memref<1x1024xi32, #tpu.memory_space<vmem_shared>> -> memref<1024xi32, #tpu.memory_space<vmem_shared>>
      tpu.enqueue_dma source(%dma_start3A_416 : memref<1024xi32, #tpu.memory_space<vmem_shared>>) target(%arg18 : memref<1024xi32, #tpu.memory_space<vmem>>) target_semaphore(%run_scoped3A_413 : memref<!tpu.dma_semaphore, #tpu.memory_space<semaphore_mem>>)
      %dma_wait3A = tpu.memref_slice %arg21[%run_scoped3A_386, %mul3A_262] : memref<16x16384xi32, #tpu.memory_space<vmem_shared>> -> memref<1x1024xi32, #tpu.memory_space<vmem_shared>>
      %dma_wait3A_417 = tpu.memref_squeeze %dma_wait3A : memref<1x1024xi32, #tpu.memory_space<vmem_shared>> -> memref<1024xi32, #tpu.memory_space<vmem_shared>>
      %dma_wait3A_418 = tpu.memref_slice %arg21[%run_scoped3A_386, %mul3A_262] : memref<16x16384xi32, #tpu.memory_space<vmem_shared>> -> memref<1x1024xi32, #tpu.memory_space<vmem_shared>>
      %dma_wait3A_419 = tpu.memref_squeeze %dma_wait3A_418 : memref<1x1024xi32, #tpu.memory_space<vmem_shared>> -> memref<1024xi32, #tpu.memory_space<vmem_shared>>
      tpu.wait_dma2 semaphore(%run_scoped3A_413 : memref<!tpu.dma_semaphore, #tpu.memory_space<semaphore_mem>>) src(%dma_wait3A_419 : memref<1024xi32, #tpu.memory_space<vmem_shared>>) dst(%arg18 : memref<1024xi32, #tpu.memory_space<vmem>>)
      tpu.yield
    }) : () -> ()
    %run_scoped3A_387 = arith.constant 13 : i32
    "tpu.region"() ({
      %run_scoped3A_413 = tpu.sem_alloc : memref<!tpu.dma_semaphore, #tpu.memory_space<semaphore_mem>>
      %dma_start3A = tpu.memref_slice %arg22[%run_scoped3A_387, %mul3A_262] : memref<16x16384xf32, #tpu.memory_space<vmem_shared>> -> memref<1x1024xf32, #tpu.memory_space<vmem_shared>>
      %dma_start3A_414 = tpu.memref_squeeze %dma_start3A : memref<1x1024xf32, #tpu.memory_space<vmem_shared>> -> memref<1024xf32, #tpu.memory_space<vmem_shared>>
      %dma_start3A_415 = tpu.memref_slice %arg22[%run_scoped3A_387, %mul3A_262] : memref<16x16384xf32, #tpu.memory_space<vmem_shared>> -> memref<1x1024xf32, #tpu.memory_space<vmem_shared>>
      %dma_start3A_416 = tpu.memref_squeeze %dma_start3A_415 : memref<1x1024xf32, #tpu.memory_space<vmem_shared>> -> memref<1024xf32, #tpu.memory_space<vmem_shared>>
      tpu.enqueue_dma source(%dma_start3A_416 : memref<1024xf32, #tpu.memory_space<vmem_shared>>) target(%arg19 : memref<1024xf32, #tpu.memory_space<vmem>>) target_semaphore(%run_scoped3A_413 : memref<!tpu.dma_semaphore, #tpu.memory_space<semaphore_mem>>)
      %dma_wait3A = tpu.memref_slice %arg22[%run_scoped3A_387, %mul3A_262] : memref<16x16384xf32, #tpu.memory_space<vmem_shared>> -> memref<1x1024xf32, #tpu.memory_space<vmem_shared>>
      %dma_wait3A_417 = tpu.memref_squeeze %dma_wait3A : memref<1x1024xf32, #tpu.memory_space<vmem_shared>> -> memref<1024xf32, #tpu.memory_space<vmem_shared>>
      %dma_wait3A_418 = tpu.memref_slice %arg22[%run_scoped3A_387, %mul3A_262] : memref<16x16384xf32, #tpu.memory_space<vmem_shared>> -> memref<1x1024xf32, #tpu.memory_space<vmem_shared>>
      %dma_wait3A_419 = tpu.memref_squeeze %dma_wait3A_418 : memref<1x1024xf32, #tpu.memory_space<vmem_shared>> -> memref<1024xf32, #tpu.memory_space<vmem_shared>>
      tpu.wait_dma2 semaphore(%run_scoped3A_413 : memref<!tpu.dma_semaphore, #tpu.memory_space<semaphore_mem>>) src(%dma_wait3A_419 : memref<1024xf32, #tpu.memory_space<vmem_shared>>) dst(%arg19 : memref<1024xf32, #tpu.memory_space<vmem>>)
      tpu.yield
    }) : () -> ()
    %scan3A_388 = arith.constant 0 : i32
    %scan3A_389 = arith.constant 0 : i32
    %scan3A_390 = arith.constant 64 : i32
    %scan3A_391 = arith.addi %scan3A_389, %scan3A_390 : i32
    %scan3A_392 = arith.constant 1 : i32
    %scan3A_393 = scf.for %scan3A_413 = %scan3A_389 to %scan3A_391 step %scan3A_392 iter_args(%scan3A_414 = %scan3A_388) -> (i32)  : i32 {
      %mul3A_415 = arith.constant 16 : i32
      %mul3A_416 = arith.muli %scan3A_413, %mul3A_415 : i32
      %get3A_417 = arith.index_cast %mul3A_416 : i32 to index
      %get3A_418 = tpu.vector_load %arg18[%get3A_417] {strides = array<i32>} : memref<1024xi32, #tpu.memory_space<vmem>>, vector<16xi32>,
      %swap3A_419 = arith.index_cast %mul3A_416 : i32 to index
      %swap3A_420 = tpu.vector_load %arg16[%swap3A_419] {strides = array<i32>} : memref<1024xi32, #tpu.memory_space<vmem>>, vector<16xi32>,
      tpu.vector_store %arg16[%swap3A_419], %get3A_418 {add = true, strides = array<i32>} : memref<1024xi32, #tpu.memory_space<vmem>>, vector<16xi32>,
      %get3A_421 = arith.index_cast %mul3A_416 : i32 to index
      %get3A_422 = tpu.vector_load %arg19[%get3A_421] {strides = array<i32>} : memref<1024xf32, #tpu.memory_space<vmem>>, vector<16xf32>,
      %swap3A_423 = arith.index_cast %mul3A_416 : i32 to index
      %swap3A_424 = tpu.vector_load %arg17[%swap3A_423] {strides = array<i32>} : memref<1024xf32, #tpu.memory_space<vmem>>, vector<16xf32>,
      tpu.vector_store %arg17[%swap3A_423], %get3A_422 {add = true, strides = array<i32>} : memref<1024xf32, #tpu.memory_space<vmem>>, vector<16xf32>,
      %scan3A_425 = arith.constant 0 : i32
      scf.yield %scan3A_425 : i32
    }
    %scan3A_394 = arith.constant 64 : i32
    %run_scoped3A_395 = arith.constant 14 : i32
    "tpu.region"() ({
      %run_scoped3A_413 = tpu.sem_alloc : memref<!tpu.dma_semaphore, #tpu.memory_space<semaphore_mem>>
      %dma_start3A = tpu.memref_slice %arg21[%run_scoped3A_395, %mul3A_262] : memref<16x16384xi32, #tpu.memory_space<vmem_shared>> -> memref<1x1024xi32, #tpu.memory_space<vmem_shared>>
      %dma_start3A_414 = tpu.memref_squeeze %dma_start3A : memref<1x1024xi32, #tpu.memory_space<vmem_shared>> -> memref<1024xi32, #tpu.memory_space<vmem_shared>>
      %dma_start3A_415 = tpu.memref_slice %arg21[%run_scoped3A_395, %mul3A_262] : memref<16x16384xi32, #tpu.memory_space<vmem_shared>> -> memref<1x1024xi32, #tpu.memory_space<vmem_shared>>
      %dma_start3A_416 = tpu.memref_squeeze %dma_start3A_415 : memref<1x1024xi32, #tpu.memory_space<vmem_shared>> -> memref<1024xi32, #tpu.memory_space<vmem_shared>>
      tpu.enqueue_dma source(%dma_start3A_416 : memref<1024xi32, #tpu.memory_space<vmem_shared>>) target(%arg18 : memref<1024xi32, #tpu.memory_space<vmem>>) target_semaphore(%run_scoped3A_413 : memref<!tpu.dma_semaphore, #tpu.memory_space<semaphore_mem>>)
      %dma_wait3A = tpu.memref_slice %arg21[%run_scoped3A_395, %mul3A_262] : memref<16x16384xi32, #tpu.memory_space<vmem_shared>> -> memref<1x1024xi32, #tpu.memory_space<vmem_shared>>
      %dma_wait3A_417 = tpu.memref_squeeze %dma_wait3A : memref<1x1024xi32, #tpu.memory_space<vmem_shared>> -> memref<1024xi32, #tpu.memory_space<vmem_shared>>
      %dma_wait3A_418 = tpu.memref_slice %arg21[%run_scoped3A_395, %mul3A_262] : memref<16x16384xi32, #tpu.memory_space<vmem_shared>> -> memref<1x1024xi32, #tpu.memory_space<vmem_shared>>
      %dma_wait3A_419 = tpu.memref_squeeze %dma_wait3A_418 : memref<1x1024xi32, #tpu.memory_space<vmem_shared>> -> memref<1024xi32, #tpu.memory_space<vmem_shared>>
      tpu.wait_dma2 semaphore(%run_scoped3A_413 : memref<!tpu.dma_semaphore, #tpu.memory_space<semaphore_mem>>) src(%dma_wait3A_419 : memref<1024xi32, #tpu.memory_space<vmem_shared>>) dst(%arg18 : memref<1024xi32, #tpu.memory_space<vmem>>)
      tpu.yield
    }) : () -> ()
    %run_scoped3A_396 = arith.constant 14 : i32
    "tpu.region"() ({
      %run_scoped3A_413 = tpu.sem_alloc : memref<!tpu.dma_semaphore, #tpu.memory_space<semaphore_mem>>
      %dma_start3A = tpu.memref_slice %arg22[%run_scoped3A_396, %mul3A_262] : memref<16x16384xf32, #tpu.memory_space<vmem_shared>> -> memref<1x1024xf32, #tpu.memory_space<vmem_shared>>
      %dma_start3A_414 = tpu.memref_squeeze %dma_start3A : memref<1x1024xf32, #tpu.memory_space<vmem_shared>> -> memref<1024xf32, #tpu.memory_space<vmem_shared>>
      %dma_start3A_415 = tpu.memref_slice %arg22[%run_scoped3A_396, %mul3A_262] : memref<16x16384xf32, #tpu.memory_space<vmem_shared>> -> memref<1x1024xf32, #tpu.memory_space<vmem_shared>>
      %dma_start3A_416 = tpu.memref_squeeze %dma_start3A_415 : memref<1x1024xf32, #tpu.memory_space<vmem_shared>> -> memref<1024xf32, #tpu.memory_space<vmem_shared>>
      tpu.enqueue_dma source(%dma_start3A_416 : memref<1024xf32, #tpu.memory_space<vmem_shared>>) target(%arg19 : memref<1024xf32, #tpu.memory_space<vmem>>) target_semaphore(%run_scoped3A_413 : memref<!tpu.dma_semaphore, #tpu.memory_space<semaphore_mem>>)
      %dma_wait3A = tpu.memref_slice %arg22[%run_scoped3A_396, %mul3A_262] : memref<16x16384xf32, #tpu.memory_space<vmem_shared>> -> memref<1x1024xf32, #tpu.memory_space<vmem_shared>>
      %dma_wait3A_417 = tpu.memref_squeeze %dma_wait3A : memref<1x1024xf32, #tpu.memory_space<vmem_shared>> -> memref<1024xf32, #tpu.memory_space<vmem_shared>>
      %dma_wait3A_418 = tpu.memref_slice %arg22[%run_scoped3A_396, %mul3A_262] : memref<16x16384xf32, #tpu.memory_space<vmem_shared>> -> memref<1x1024xf32, #tpu.memory_space<vmem_shared>>
      %dma_wait3A_419 = tpu.memref_squeeze %dma_wait3A_418 : memref<1x1024xf32, #tpu.memory_space<vmem_shared>> -> memref<1024xf32, #tpu.memory_space<vmem_shared>>
      tpu.wait_dma2 semaphore(%run_scoped3A_413 : memref<!tpu.dma_semaphore, #tpu.memory_space<semaphore_mem>>) src(%dma_wait3A_419 : memref<1024xf32, #tpu.memory_space<vmem_shared>>) dst(%arg19 : memref<1024xf32, #tpu.memory_space<vmem>>)
      tpu.yield
    }) : () -> ()
    %scan3A_397 = arith.constant 0 : i32
    %scan3A_398 = arith.constant 0 : i32
    %scan3A_399 = arith.constant 64 : i32
    %scan3A_400 = arith.addi %scan3A_398, %scan3A_399 : i32
    %scan3A_401 = arith.constant 1 : i32
    %scan3A_402 = scf.for %scan3A_413 = %scan3A_398 to %scan3A_400 step %scan3A_401 iter_args(%scan3A_414 = %scan3A_397) -> (i32)  : i32 {
      %mul3A_415 = arith.constant 16 : i32
      %mul3A_416 = arith.muli %scan3A_413, %mul3A_415 : i32
      %get3A_417 = arith.index_cast %mul3A_416 : i32 to index
      %get3A_418 = tpu.vector_load %arg18[%get3A_417] {strides = array<i32>} : memref<1024xi32, #tpu.memory_space<vmem>>, vector<16xi32>,
      %swap3A_419 = arith.index_cast %mul3A_416 : i32 to index
      %swap3A_420 = tpu.vector_load %arg16[%swap3A_419] {strides = array<i32>} : memref<1024xi32, #tpu.memory_space<vmem>>, vector<16xi32>,
      tpu.vector_store %arg16[%swap3A_419], %get3A_418 {add = true, strides = array<i32>} : memref<1024xi32, #tpu.memory_space<vmem>>, vector<16xi32>,
      %get3A_421 = arith.index_cast %mul3A_416 : i32 to index
      %get3A_422 = tpu.vector_load %arg19[%get3A_421] {strides = array<i32>} : memref<1024xf32, #tpu.memory_space<vmem>>, vector<16xf32>,
      %swap3A_423 = arith.index_cast %mul3A_416 : i32 to index
      %swap3A_424 = tpu.vector_load %arg17[%swap3A_423] {strides = array<i32>} : memref<1024xf32, #tpu.memory_space<vmem>>, vector<16xf32>,
      tpu.vector_store %arg17[%swap3A_423], %get3A_422 {add = true, strides = array<i32>} : memref<1024xf32, #tpu.memory_space<vmem>>, vector<16xf32>,
      %scan3A_425 = arith.constant 0 : i32
      scf.yield %scan3A_425 : i32
    }
    %scan3A_403 = arith.constant 64 : i32
    %run_scoped3A_404 = arith.constant 15 : i32
    "tpu.region"() ({
      %run_scoped3A_413 = tpu.sem_alloc : memref<!tpu.dma_semaphore, #tpu.memory_space<semaphore_mem>>
      %dma_start3A = tpu.memref_slice %arg21[%run_scoped3A_404, %mul3A_262] : memref<16x16384xi32, #tpu.memory_space<vmem_shared>> -> memref<1x1024xi32, #tpu.memory_space<vmem_shared>>
      %dma_start3A_414 = tpu.memref_squeeze %dma_start3A : memref<1x1024xi32, #tpu.memory_space<vmem_shared>> -> memref<1024xi32, #tpu.memory_space<vmem_shared>>
      %dma_start3A_415 = tpu.memref_slice %arg21[%run_scoped3A_404, %mul3A_262] : memref<16x16384xi32, #tpu.memory_space<vmem_shared>> -> memref<1x1024xi32, #tpu.memory_space<vmem_shared>>
      %dma_start3A_416 = tpu.memref_squeeze %dma_start3A_415 : memref<1x1024xi32, #tpu.memory_space<vmem_shared>> -> memref<1024xi32, #tpu.memory_space<vmem_shared>>
      tpu.enqueue_dma source(%dma_start3A_416 : memref<1024xi32, #tpu.memory_space<vmem_shared>>) target(%arg18 : memref<1024xi32, #tpu.memory_space<vmem>>) target_semaphore(%run_scoped3A_413 : memref<!tpu.dma_semaphore, #tpu.memory_space<semaphore_mem>>)
      %dma_wait3A = tpu.memref_slice %arg21[%run_scoped3A_404, %mul3A_262] : memref<16x16384xi32, #tpu.memory_space<vmem_shared>> -> memref<1x1024xi32, #tpu.memory_space<vmem_shared>>
      %dma_wait3A_417 = tpu.memref_squeeze %dma_wait3A : memref<1x1024xi32, #tpu.memory_space<vmem_shared>> -> memref<1024xi32, #tpu.memory_space<vmem_shared>>
      %dma_wait3A_418 = tpu.memref_slice %arg21[%run_scoped3A_404, %mul3A_262] : memref<16x16384xi32, #tpu.memory_space<vmem_shared>> -> memref<1x1024xi32, #tpu.memory_space<vmem_shared>>
      %dma_wait3A_419 = tpu.memref_squeeze %dma_wait3A_418 : memref<1x1024xi32, #tpu.memory_space<vmem_shared>> -> memref<1024xi32, #tpu.memory_space<vmem_shared>>
      tpu.wait_dma2 semaphore(%run_scoped3A_413 : memref<!tpu.dma_semaphore, #tpu.memory_space<semaphore_mem>>) src(%dma_wait3A_419 : memref<1024xi32, #tpu.memory_space<vmem_shared>>) dst(%arg18 : memref<1024xi32, #tpu.memory_space<vmem>>)
      tpu.yield
    }) : () -> ()
    %run_scoped3A_405 = arith.constant 15 : i32
    "tpu.region"() ({
      %run_scoped3A_413 = tpu.sem_alloc : memref<!tpu.dma_semaphore, #tpu.memory_space<semaphore_mem>>
      %dma_start3A = tpu.memref_slice %arg22[%run_scoped3A_405, %mul3A_262] : memref<16x16384xf32, #tpu.memory_space<vmem_shared>> -> memref<1x1024xf32, #tpu.memory_space<vmem_shared>>
      %dma_start3A_414 = tpu.memref_squeeze %dma_start3A : memref<1x1024xf32, #tpu.memory_space<vmem_shared>> -> memref<1024xf32, #tpu.memory_space<vmem_shared>>
      %dma_start3A_415 = tpu.memref_slice %arg22[%run_scoped3A_405, %mul3A_262] : memref<16x16384xf32, #tpu.memory_space<vmem_shared>> -> memref<1x1024xf32, #tpu.memory_space<vmem_shared>>
      %dma_start3A_416 = tpu.memref_squeeze %dma_start3A_415 : memref<1x1024xf32, #tpu.memory_space<vmem_shared>> -> memref<1024xf32, #tpu.memory_space<vmem_shared>>
      tpu.enqueue_dma source(%dma_start3A_416 : memref<1024xf32, #tpu.memory_space<vmem_shared>>) target(%arg19 : memref<1024xf32, #tpu.memory_space<vmem>>) target_semaphore(%run_scoped3A_413 : memref<!tpu.dma_semaphore, #tpu.memory_space<semaphore_mem>>)
      %dma_wait3A = tpu.memref_slice %arg22[%run_scoped3A_405, %mul3A_262] : memref<16x16384xf32, #tpu.memory_space<vmem_shared>> -> memref<1x1024xf32, #tpu.memory_space<vmem_shared>>
      %dma_wait3A_417 = tpu.memref_squeeze %dma_wait3A : memref<1x1024xf32, #tpu.memory_space<vmem_shared>> -> memref<1024xf32, #tpu.memory_space<vmem_shared>>
      %dma_wait3A_418 = tpu.memref_slice %arg22[%run_scoped3A_405, %mul3A_262] : memref<16x16384xf32, #tpu.memory_space<vmem_shared>> -> memref<1x1024xf32, #tpu.memory_space<vmem_shared>>
      %dma_wait3A_419 = tpu.memref_squeeze %dma_wait3A_418 : memref<1x1024xf32, #tpu.memory_space<vmem_shared>> -> memref<1024xf32, #tpu.memory_space<vmem_shared>>
      tpu.wait_dma2 semaphore(%run_scoped3A_413 : memref<!tpu.dma_semaphore, #tpu.memory_space<semaphore_mem>>) src(%dma_wait3A_419 : memref<1024xf32, #tpu.memory_space<vmem_shared>>) dst(%arg19 : memref<1024xf32, #tpu.memory_space<vmem>>)
      tpu.yield
    }) : () -> ()
    %scan3A_406 = arith.constant 0 : i32
    %scan3A_407 = arith.constant 0 : i32
    %scan3A_408 = arith.constant 64 : i32
    %scan3A_409 = arith.addi %scan3A_407, %scan3A_408 : i32
    %scan3A_410 = arith.constant 1 : i32
    %scan3A_411 = scf.for %scan3A_413 = %scan3A_407 to %scan3A_409 step %scan3A_410 iter_args(%scan3A_414 = %scan3A_406) -> (i32)  : i32 {
      %mul3A_415 = arith.constant 16 : i32
      %mul3A_416 = arith.muli %scan3A_413, %mul3A_415 : i32
      %get3A_417 = arith.index_cast %mul3A_416 : i32 to index
      %get3A_418 = tpu.vector_load %arg18[%get3A_417] {strides = array<i32>} : memref<1024xi32, #tpu.memory_space<vmem>>, vector<16xi32>,
      %swap3A_419 = arith.index_cast %mul3A_416 : i32 to index
      %swap3A_420 = tpu.vector_load %arg16[%swap3A_419] {strides = array<i32>} : memref<1024xi32, #tpu.memory_space<vmem>>, vector<16xi32>,
      tpu.vector_store %arg16[%swap3A_419], %get3A_418 {add = true, strides = array<i32>} : memref<1024xi32, #tpu.memory_space<vmem>>, vector<16xi32>,
      %get3A_421 = arith.index_cast %mul3A_416 : i32 to index
      %get3A_422 = tpu.vector_load %arg19[%get3A_421] {strides = array<i32>} : memref<1024xf32, #tpu.memory_space<vmem>>, vector<16xf32>,
      %swap3A_423 = arith.index_cast %mul3A_416 : i32 to index
      %swap3A_424 = tpu.vector_load %arg17[%swap3A_423] {strides = array<i32>} : memref<1024xf32, #tpu.memory_space<vmem>>, vector<16xf32>,
      tpu.vector_store %arg17[%swap3A_423], %get3A_422 {add = true, strides = array<i32>} : memref<1024xf32, #tpu.memory_space<vmem>>, vector<16xf32>,
      %scan3A_425 = arith.constant 0 : i32
      scf.yield %scan3A_425 : i32
    }
    %scan3A_412 = arith.constant 64 : i32
    "tpu.region"() ({
      %run_scoped3A_413 = tpu.sem_alloc : memref<!tpu.dma_semaphore, #tpu.memory_space<semaphore_mem>>
      %dma_start3A = tpu.memref_slice %arg4[%mul3A_262] : memref<16384xi32, #tpu.memory_space<hbm>> -> memref<1024xi32, #tpu.memory_space<hbm>>
      %dma_start3A_414 = tpu.memref_slice %arg4[%mul3A_262] : memref<16384xi32, #tpu.memory_space<hbm>> -> memref<1024xi32, #tpu.memory_space<hbm>>
      tpu.enqueue_dma source(%arg16 : memref<1024xi32, #tpu.memory_space<vmem>>) target(%dma_start3A_414 : memref<1024xi32, #tpu.memory_space<hbm>>) target_semaphore(%run_scoped3A_413 : memref<!tpu.dma_semaphore, #tpu.memory_space<semaphore_mem>>)
      %dma_wait3A = tpu.memref_slice %arg4[%mul3A_262] : memref<16384xi32, #tpu.memory_space<hbm>> -> memref<1024xi32, #tpu.memory_space<hbm>>
      %dma_wait3A_415 = tpu.memref_slice %arg4[%mul3A_262] : memref<16384xi32, #tpu.memory_space<hbm>> -> memref<1024xi32, #tpu.memory_space<hbm>>
      tpu.wait_dma2 semaphore(%run_scoped3A_413 : memref<!tpu.dma_semaphore, #tpu.memory_space<semaphore_mem>>) src(%arg16 : memref<1024xi32, #tpu.memory_space<vmem>>) dst(%dma_wait3A_415 : memref<1024xi32, #tpu.memory_space<hbm>>)
      tpu.yield
    }) : () -> ()
    "tpu.region"() ({
      %run_scoped3A_413 = tpu.sem_alloc : memref<!tpu.dma_semaphore, #tpu.memory_space<semaphore_mem>>
      %dma_start3A = tpu.memref_slice %arg5[%mul3A_262] : memref<16384xf32, #tpu.memory_space<hbm>> -> memref<1024xf32, #tpu.memory_space<hbm>>
      %dma_start3A_414 = tpu.memref_slice %arg5[%mul3A_262] : memref<16384xf32, #tpu.memory_space<hbm>> -> memref<1024xf32, #tpu.memory_space<hbm>>
      tpu.enqueue_dma source(%arg17 : memref<1024xf32, #tpu.memory_space<vmem>>) target(%dma_start3A_414 : memref<1024xf32, #tpu.memory_space<hbm>>) target_semaphore(%run_scoped3A_413 : memref<!tpu.dma_semaphore, #tpu.memory_space<semaphore_mem>>)
      %dma_wait3A = tpu.memref_slice %arg5[%mul3A_262] : memref<16384xf32, #tpu.memory_space<hbm>> -> memref<1024xf32, #tpu.memory_space<hbm>>
      %dma_wait3A_415 = tpu.memref_slice %arg5[%mul3A_262] : memref<16384xf32, #tpu.memory_space<hbm>> -> memref<1024xf32, #tpu.memory_space<hbm>>
      tpu.wait_dma2 semaphore(%run_scoped3A_413 : memref<!tpu.dma_semaphore, #tpu.memory_space<semaphore_mem>>) src(%arg17 : memref<1024xf32, #tpu.memory_space<vmem>>) dst(%dma_wait3A_415 : memref<1024xf32, #tpu.memory_space<hbm>>)
      tpu.yield
    }) : () -> ()
    return
  }
}

module attributes {stable_mosaic.version = 14 : i64} {
  func.func @_router_body(%arg0: i32, %arg1: memref<1024x2048xf32, #tpu.memory_space<vmem>>, %arg2: memref<2048x16xf32, #tpu.memory_space<vmem>>, %arg3: memref<8x16xf32, #tpu.memory_space<vmem>>, %arg4: memref<1024x8xf32, #tpu.memory_space<vmem>>, %arg5: memref<1024xi32, #tpu.memory_space<vmem>>, %arg6: memref<1024xf32, #tpu.memory_space<vmem>>, %arg7: memref<1024x1024xi32, #tpu.memory_space<vmem>>) attributes {dimension_semantics = [#tpu.dimension_semantics<arbitrary>], iteration_bounds = array<i64: 8>, scalar_prefetch = 0 : i64, scratch_operands = 0 : i64, tpu.core_type = #tpu.core_type<tc>, window_params = [{transform_indices = @transform_0, window_bounds = array<i64: 1024, 2048>}, {pipeline_mode = #tpu.pipeline_mode<synchronous>, transform_indices = @transform_1, window_bounds = array<i64: 2048, 16>}, {pipeline_mode = #tpu.pipeline_mode<synchronous>, transform_indices = @transform_2, window_bounds = array<i64: 8, 16>}, {transform_indices = @transform_3, window_bounds = array<i64: 1024, 8>}, {transform_indices = @transform_4, window_bounds = array<i64: 1024>}, {transform_indices = @transform_5, window_bounds = array<i64: 1024>}, {transform_indices = @transform_6, window_bounds = array<i64: 1024, 1024>}]} {
    %get3A = arith.constant 0 : index
    %get3A_0 = arith.constant 0 : index
    %get3A_1 = vector.load %arg1[%get3A, %get3A_0] : memref<1024x2048xf32, #tpu.memory_space<vmem>>, vector<1024x2048xf32>
    %convert_element_type3A = arith.truncf %get3A_1 : vector<1024x2048xf32> to vector<1024x2048xbf16>
    %bitcast_convert_type3A = tpu.bitcast %convert_element_type3A : vector<1024x2048xbf16> -> vector<1024x2048xi16>
    %slice3A = vector.extract_strided_slice %bitcast_convert_type3A {offsets = [0, 0], sizes = [1024, 1024], strides = [1, 1]} : vector<1024x2048xi16> to vector<1024x1024xi16>
    %convert_element_type3A_2 = arith.extui %slice3A : vector<1024x1024xi16> to vector<1024x1024xi32>
    %slice3A_3 = vector.extract_strided_slice %bitcast_convert_type3A {offsets = [0, 1024], sizes = [1024, 1024], strides = [1, 1]} : vector<1024x2048xi16> to vector<1024x1024xi16>
    %convert_element_type3A_4 = arith.extui %slice3A_3 : vector<1024x1024xi16> to vector<1024x1024xi32>
    %shift_left3A = arith.constant 16 : i32
    %shift_left3A_5 = vector.broadcast %shift_left3A : i32 to vector<1024x1024xi32>
    %shift_left3A_6 = arith.shli %convert_element_type3A_4, %shift_left3A_5 : vector<1024x1024xi32>
    %or3A = arith.ori %convert_element_type3A_2, %shift_left3A_6 : vector<1024x1024xi32>
    %swap3A = arith.constant 0 : index
    %swap3A_7 = arith.constant 0 : index
    %swap3A_8 = vector.load %arg7[%swap3A, %swap3A_7] : memref<1024x1024xi32, #tpu.memory_space<vmem>>, vector<1024x1024xi32>
    tpu.vector_store %arg7[%swap3A, %swap3A_7], %or3A {strides = array<i32>} : memref<1024x1024xi32, #tpu.memory_space<vmem>>, vector<1024x1024xi32>,
    %get3A_9 = arith.constant 0 : index
    %get3A_10 = arith.constant 0 : index
    %get3A_11 = vector.load %arg1[%get3A_9, %get3A_10] : memref<1024x2048xf32, #tpu.memory_space<vmem>>, vector<1024x2048xf32>
    %get3A_12 = arith.constant 0 : index
    %get3A_13 = arith.constant 0 : index
    %get3A_14 = vector.load %arg2[%get3A_12, %get3A_13] : memref<2048x16xf32, #tpu.memory_space<vmem>>, vector<2048x16xf32>
    %dot_general3A = arith.constant dense<0.000000e+00> : vector<1024x16xf32>
    %dot_general3A_15 = tpu.matmul %get3A_11, %get3A_14, %dot_general3A {dimension_numbers = #tpu.dot_dimension_numbers<[1], [0], [0], [1], [0, 0, 1, 1], [], []>, transpose_lhs_hint = false} : vector<1024x2048xf32>, vector<2048x16xf32>, vector<1024x16xf32> -> vector<1024x16xf32>
    %get3A_16 = arith.constant 0 : index
    %get3A_17 = arith.constant 0 : index
    %get3A_18 = vector.load %arg3[%get3A_16, %get3A_17] : memref<8x16xf32, #tpu.memory_space<vmem>>, vector<1x16xf32>
    %slice3A_19 = vector.extract_strided_slice %dot_general3A_15 {offsets = [0, 0], sizes = [1024, 8], strides = [1, 1]} : vector<1024x16xf32> to vector<1024x8xf32>
    %slice3A_20 = vector.extract_strided_slice %get3A_18 {offsets = [0, 0], sizes = [1, 8], strides = [1, 1]} : vector<1x16xf32> to vector<1x8xf32>
    %add3A = vector.broadcast %slice3A_20 : vector<1x8xf32> to vector<1024x8xf32>
    %add3A_21 = arith.addf %slice3A_19, %add3A : vector<1024x8xf32>
    %slice3A_22 = vector.extract_strided_slice %dot_general3A_15 {offsets = [0, 8], sizes = [1024, 8], strides = [1, 1]} : vector<1024x16xf32> to vector<1024x8xf32>
    %slice3A_23 = vector.extract_strided_slice %get3A_18 {offsets = [0, 8], sizes = [1, 8], strides = [1, 1]} : vector<1x16xf32> to vector<1x8xf32>
    %add3A_24 = vector.broadcast %slice3A_23 : vector<1x8xf32> to vector<1024x8xf32>
    %add3A_25 = arith.addf %slice3A_22, %add3A_24 : vector<1024x8xf32>
    %max3A = arith.constant 0.000000e+00 : f32
    %max3A_26 = vector.broadcast %max3A : f32 to vector<1024x8xf32>
    %max3A_27 = arith.maximumf %add3A_25, %max3A_26 : vector<1024x8xf32>
    %abs3A = math.absf %add3A_25 : vector<1024x8xf32>
    %neg3A = arith.constant 0.000000e+00 : f32
    %neg3A_28 = vector.broadcast %neg3A : f32 to vector<1024x8xf32>
    %neg3A_29 = arith.subf %neg3A_28, %abs3A : vector<1024x8xf32>
    %exp3A = math.exp %neg3A_29 : vector<1024x8xf32>
    %log1p3A = math.log1p %exp3A : vector<1024x8xf32>
    %add3A_30 = arith.addf %max3A_27, %log1p3A : vector<1024x8xf32>
    %get3A_31 = arith.constant 0 : index
    %get3A_32 = arith.constant 0 : index
    %get3A_33 = vector.load %arg4[%get3A_31, %get3A_32] : memref<1024x8xf32, #tpu.memory_space<vmem>>, vector<1024x8xf32>
    %mul3A = arith.mulf %get3A_33, %add3A_30 : vector<1024x8xf32>
    %add3A_34 = arith.addf %add3A_21, %mul3A : vector<1024x8xf32>
    %iota3A = tpu.iota {dimensions = array<i32: 1>} : vector<1024x8xi32>
    %reduce_max3A = arith.constant dense<0xFF800000> : vector<1024xf32>
    %reduce_max3A_35 = vector.multi_reduction <maximumf>, %add3A_34, %reduce_max3A [1] : vector<1024x8xf32> to vector<1024xf32>
    %broadcast_in_dim3A = vector.shape_cast %reduce_max3A_35 : vector<1024xf32> to vector<1024x1xf32>
    %eq3A = vector.broadcast %broadcast_in_dim3A : vector<1024x1xf32> to vector<1024x8xf32>
    %eq3A_36 = arith.cmpf oeq, %add3A_34, %eq3A : vector<1024x8xf32>
    %jit3A = arith.constant 8 : i32
    %broadcast_in_dim3A_37 = vector.broadcast %jit3A : i32 to vector<1024x8xi32>
    %select_n3A = arith.select %eq3A_36, %iota3A, %broadcast_in_dim3A_37 : vector<1024x8xi1>, vector<1024x8xi32>
    %reduce_min3A = arith.constant dense<2147483647> : vector<1024xi32>
    %reduce_min3A_38 = vector.multi_reduction <minsi>, %select_n3A, %reduce_min3A [1] : vector<1024x8xi32> to vector<1024xi32>
    %broadcast_in_dim3A_39 = vector.shape_cast %reduce_min3A_38 : vector<1024xi32> to vector<1024x1xi32>
    %eq3A_40 = vector.broadcast %broadcast_in_dim3A_39 : vector<1024x1xi32> to vector<1024x8xi32>
    %eq3A_41 = arith.cmpi eq, %iota3A, %eq3A_40 : vector<1024x8xi32>
    %jit3A_42 = arith.constant 0xFF800000 : f32
    %broadcast_in_dim3A_43 = vector.broadcast %jit3A_42 : f32 to vector<1024x8xf32>
    %select_n3A_44 = arith.select %eq3A_41, %broadcast_in_dim3A_43, %add3A_34 : vector<1024x8xi1>, vector<1024x8xf32>
    %reduce_max3A_45 = arith.constant dense<0xFF800000> : vector<1024xf32>
    %reduce_max3A_46 = vector.multi_reduction <maximumf>, %select_n3A_44, %reduce_max3A_45 [1] : vector<1024x8xf32> to vector<1024xf32>
    %broadcast_in_dim3A_47 = vector.shape_cast %reduce_max3A_46 : vector<1024xf32> to vector<1024x1xf32>
    %eq3A_48 = vector.broadcast %broadcast_in_dim3A_47 : vector<1024x1xf32> to vector<1024x8xf32>
    %eq3A_49 = arith.cmpf oeq, %select_n3A_44, %eq3A_48 : vector<1024x8xf32>
    %jit3A_50 = arith.constant 8 : i32
    %broadcast_in_dim3A_51 = vector.broadcast %jit3A_50 : i32 to vector<1024x8xi32>
    %select_n3A_52 = arith.select %eq3A_49, %iota3A, %broadcast_in_dim3A_51 : vector<1024x8xi1>, vector<1024x8xi32>
    %reduce_min3A_53 = arith.constant dense<2147483647> : vector<1024xi32>
    %reduce_min3A_54 = vector.multi_reduction <minsi>, %select_n3A_52, %reduce_min3A_53 [1] : vector<1024x8xi32> to vector<1024xi32>
    %broadcast_in_dim3A_55 = vector.shape_cast %reduce_min3A_54 : vector<1024xi32> to vector<1024x1xi32>
    %sub3A = arith.subf %broadcast_in_dim3A_47, %broadcast_in_dim3A : vector<1024x1xf32>
    %exp3A_56 = math.exp %sub3A : vector<1024x1xf32>
    %add3A_57 = arith.constant 1.000000e+00 : f32
    %add3A_58 = vector.broadcast %add3A_57 : f32 to vector<1024x1xf32>
    %add3A_59 = arith.addf %add3A_58, %exp3A_56 : vector<1024x1xf32>
    %div3A = arith.constant 1.000000e+00 : f32
    %div3A_60 = vector.broadcast %div3A : f32 to vector<1024x1xf32>
    %div3A_61 = arith.divf %div3A_60, %add3A_59 : vector<1024x1xf32>
    %shift_left3A_62 = arith.constant 3 : i32
    %shift_left3A_63 = vector.broadcast %shift_left3A_62 : i32 to vector<1024x1xi32>
    %shift_left3A_64 = arith.shli %broadcast_in_dim3A_39, %shift_left3A_63 : vector<1024x1xi32>
    %or3A_65 = arith.ori %shift_left3A_64, %broadcast_in_dim3A_55 : vector<1024x1xi32>
    %reshape3A = vector.shape_cast %or3A_65 : vector<1024x1xi32> to vector<1024xi32>
    %swap3A_66 = arith.constant 0 : index
    %swap3A_67 = vector.load %arg5[%swap3A_66] : memref<1024xi32, #tpu.memory_space<vmem>>, vector<1024xi32>
    tpu.vector_store %arg5[%swap3A_66], %reshape3A {strides = array<i32>} : memref<1024xi32, #tpu.memory_space<vmem>>, vector<1024xi32>,
    %reshape3A_68 = vector.shape_cast %div3A_61 : vector<1024x1xf32> to vector<1024xf32>
    %swap3A_69 = arith.constant 0 : index
    %swap3A_70 = vector.load %arg6[%swap3A_69] : memref<1024xf32, #tpu.memory_space<vmem>>, vector<1024xf32>
    tpu.vector_store %arg6[%swap3A_69], %reshape3A_68 {strides = array<i32>} : memref<1024xf32, #tpu.memory_space<vmem>>, vector<1024xf32>,
    return
  }
  func.func @transform_0(%arg0: i32) -> (i32, i32) {
    %c0_i32 = arith.constant 0 : i32
    %c0_i32_0 = arith.constant 0 : i32
    return %arg0, %c0_i32 : i32, i32
  }
  func.func @transform_1(%arg0: i32) -> (i32, i32) {
    %c0_i32 = arith.constant 0 : i32
    %c0_i32_0 = arith.constant 0 : i32
    %c0_i32_1 = arith.constant 0 : i32
    return %c0_i32, %c0_i32_0 : i32, i32
  }
  func.func @transform_2(%arg0: i32) -> (i32, i32) {
    %c0_i32 = arith.constant 0 : i32
    %c0_i32_0 = arith.constant 0 : i32
    %c0_i32_1 = arith.constant 0 : i32
    return %c0_i32, %c0_i32_0 : i32, i32
  }
  func.func @transform_3(%arg0: i32) -> (i32, i32) {
    %c0_i32 = arith.constant 0 : i32
    %c0_i32_0 = arith.constant 0 : i32
    return %arg0, %c0_i32 : i32, i32
  }
  func.func @transform_4(%arg0: i32) -> i32 {
    %c0_i32 = arith.constant 0 : i32
    return %arg0 : i32
  }
  func.func @transform_5(%arg0: i32) -> i32 {
    %c0_i32 = arith.constant 0 : i32
    return %arg0 : i32
  }
  func.func @transform_6(%arg0: i32) -> (i32, i32) {
    %c0_i32 = arith.constant 0 : i32
    %c0_i32_0 = arith.constant 0 : i32
    return %arg0, %c0_i32 : i32, i32
  }
}

module attributes {stable_mosaic.version = 14 : i64} {
  func.func @_ffn_body(%arg0: i32, %arg1: i32, %arg2: memref<512x1024xi32, #tpu.memory_space<vmem>>, %arg3: memref<1x2048x512xf32, #tpu.memory_space<vmem>>, %arg4: memref<1x1x512xf32, #tpu.memory_space<vmem>>, %arg5: memref<1x512x2048xf32, #tpu.memory_space<vmem>>, %arg6: memref<1x1x2048xf32, #tpu.memory_space<vmem>>, %arg7: memref<512xf32, #tpu.memory_space<vmem>>, %arg8: memref<512x1024xi32, #tpu.memory_space<vmem>>) attributes {dimension_semantics = [#tpu.dimension_semantics<arbitrary>, #tpu.dimension_semantics<arbitrary>], iteration_bounds = array<i64: 9, 4>, scalar_prefetch = 0 : i64, scratch_operands = 0 : i64, tpu.core_type = #tpu.core_type<tc>, window_params = [{transform_indices = @transform_0, window_bounds = array<i64: 512, 1024>}, {transform_indices = @transform_1, window_bounds = array<i64: 1, 2048, 512>}, {transform_indices = @transform_2, window_bounds = array<i64: 1, 1, 512>}, {transform_indices = @transform_3, window_bounds = array<i64: 1, 512, 2048>}, {transform_indices = @transform_4, window_bounds = array<i64: 1, 1, 2048>}, {transform_indices = @transform_5, window_bounds = array<i64: 512>}, {transform_indices = @transform_6, window_bounds = array<i64: 512, 1024>}]} {
    %lt3A = arith.constant 8 : i32
    %lt3A_0 = arith.cmpi slt, %arg0, %lt3A : i32
    %convert_element_type3A = arith.extui %lt3A_0 : i1 to i32
    %cond3A = arith.constant 0 : i32
    %cond3A_1 = arith.cmpi ne, %convert_element_type3A, %cond3A : i32
    scf.if %cond3A_1 {
      %get3A = arith.constant 0 : index
      %get3A_6 = arith.constant 0 : index
      %get3A_7 = vector.load %arg2[%get3A, %get3A_6] : memref<512x1024xi32, #tpu.memory_space<vmem>>, vector<512x1024xi32>
      %convert_element_type3A_8 = arith.trunci %get3A_7 : vector<512x1024xi32> to vector<512x1024xi16>
      %shift_right_logical3A = arith.constant 16 : i32
      %shift_right_logical3A_9 = vector.broadcast %shift_right_logical3A : i32 to vector<512x1024xi32>
      %shift_right_logical3A_10 = arith.shrui %get3A_7, %shift_right_logical3A_9 : vector<512x1024xi32>
      %convert_element_type3A_11 = arith.trunci %shift_right_logical3A_10 : vector<512x1024xi32> to vector<512x1024xi16>
      %bitcast_convert_type3A = tpu.bitcast %convert_element_type3A_8 : vector<512x1024xi16> -> vector<512x1024xbf16>
      %bitcast_convert_type3A_12 = tpu.bitcast %convert_element_type3A_11 : vector<512x1024xi16> -> vector<512x1024xbf16>
      %concatenate3A = tpu.concatenate %bitcast_convert_type3A, %bitcast_convert_type3A_12 in 1 : vector<512x1024xbf16>, vector<512x1024xbf16> -> vector<512x2048xbf16>
      %convert_element_type3A_13 = arith.extf %concatenate3A : vector<512x2048xbf16> to vector<512x2048xf32>
      %get3A_14 = arith.constant 0 : index
      %get3A_15 = arith.constant 0 : index
      %get3A_16 = arith.constant 0 : index
      %get3A_17 = vector.load %arg3[%get3A_14, %get3A_15, %get3A_16] : memref<1x2048x512xf32, #tpu.memory_space<vmem>>, vector<1x2048x512xf32>
      %get3A_18 = vector.shape_cast %get3A_17 : vector<1x2048x512xf32> to vector<2048x512xf32>
      %dot_general3A = arith.constant dense<0.000000e+00> : vector<512x512xf32>
      %dot_general3A_19 = tpu.matmul %convert_element_type3A_13, %get3A_18, %dot_general3A {dimension_numbers = #tpu.dot_dimension_numbers<[1], [0], [0], [1], [0, 0, 1, 1], [], []>, transpose_lhs_hint = false} : vector<512x2048xf32>, vector<2048x512xf32>, vector<512x512xf32> -> vector<512x512xf32>
      %get3A_20 = arith.constant 0 : index
      %get3A_21 = arith.constant 0 : index
      %get3A_22 = arith.constant 0 : index
      %get3A_23 = vector.load %arg4[%get3A_20, %get3A_21, %get3A_22] : memref<1x1x512xf32, #tpu.memory_space<vmem>>, vector<1x1x512xf32>
      %get3A_24 = vector.shape_cast %get3A_23 : vector<1x1x512xf32> to vector<1x512xf32>
      %add3A = vector.broadcast %get3A_24 : vector<1x512xf32> to vector<512x512xf32>
      %add3A_25 = arith.addf %dot_general3A_19, %add3A : vector<512x512xf32>
      %mul3A = arith.constant 5.000000e-01 : f32
      %mul3A_26 = vector.broadcast %mul3A : f32 to vector<512x512xf32>
      %mul3A_27 = arith.mulf %mul3A_26, %add3A_25 : vector<512x512xf32>
      %mul3A_28 = arith.constant 0.707106769 : f32
      %mul3A_29 = vector.broadcast %mul3A_28 : f32 to vector<512x512xf32>
      %mul3A_30 = arith.mulf %add3A_25, %mul3A_29 : vector<512x512xf32>
      %erf3A = math.erf %mul3A_30 : vector<512x512xf32>
      %add3A_31 = arith.constant 1.000000e+00 : f32
      %add3A_32 = vector.broadcast %add3A_31 : f32 to vector<512x512xf32>
      %add3A_33 = arith.addf %add3A_32, %erf3A : vector<512x512xf32>
      %mul3A_34 = arith.mulf %mul3A_27, %add3A_33 : vector<512x512xf32>
      %get3A_35 = arith.constant 0 : index
      %get3A_36 = arith.constant 0 : index
      %get3A_37 = arith.constant 0 : index
      %get3A_38 = vector.load %arg5[%get3A_35, %get3A_36, %get3A_37] : memref<1x512x2048xf32, #tpu.memory_space<vmem>>, vector<1x512x2048xf32>
      %get3A_39 = vector.shape_cast %get3A_38 : vector<1x512x2048xf32> to vector<512x2048xf32>
      %dot_general3A_40 = arith.constant dense<0.000000e+00> : vector<512x2048xf32>
      %dot_general3A_41 = tpu.matmul %mul3A_34, %get3A_39, %dot_general3A_40 {dimension_numbers = #tpu.dot_dimension_numbers<[1], [0], [0], [1], [0, 0, 1, 1], [], []>, transpose_lhs_hint = false} : vector<512x512xf32>, vector<512x2048xf32>, vector<512x2048xf32> -> vector<512x2048xf32>
      %get3A_42 = arith.constant 0 : index
      %get3A_43 = arith.constant 0 : index
      %get3A_44 = arith.constant 0 : index
      %get3A_45 = vector.load %arg6[%get3A_42, %get3A_43, %get3A_44] : memref<1x1x2048xf32, #tpu.memory_space<vmem>>, vector<1x1x2048xf32>
      %get3A_46 = vector.shape_cast %get3A_45 : vector<1x1x2048xf32> to vector<1x2048xf32>
      %add3A_47 = vector.broadcast %get3A_46 : vector<1x2048xf32> to vector<512x2048xf32>
      %add3A_48 = arith.addf %dot_general3A_41, %add3A_47 : vector<512x2048xf32>
      %get3A_49 = arith.constant 0 : index
      %get3A_50 = vector.load %arg7[%get3A_49] : memref<512xf32, #tpu.memory_space<vmem>>, vector<512xf32>
      %reshape3A = vector.shape_cast %get3A_50 : vector<512xf32> to vector<512x1xf32>
      %add3A_51 = arith.addf %convert_element_type3A_13, %add3A_48 : vector<512x2048xf32>
      %mul3A_52 = vector.broadcast %reshape3A : vector<512x1xf32> to vector<512x2048xf32>
      %mul3A_53 = arith.mulf %add3A_51, %mul3A_52 : vector<512x2048xf32>
      %convert_element_type3A_54 = arith.truncf %mul3A_53 : vector<512x2048xf32> to vector<512x2048xbf16>
      %bitcast_convert_type3A_55 = tpu.bitcast %convert_element_type3A_54 : vector<512x2048xbf16> -> vector<512x2048xi16>
      %slice3A = vector.extract_strided_slice %bitcast_convert_type3A_55 {offsets = [0, 0], sizes = [512, 1024], strides = [1, 1]} : vector<512x2048xi16> to vector<512x1024xi16>
      %convert_element_type3A_56 = arith.extui %slice3A : vector<512x1024xi16> to vector<512x1024xi32>
      %slice3A_57 = vector.extract_strided_slice %bitcast_convert_type3A_55 {offsets = [0, 1024], sizes = [512, 1024], strides = [1, 1]} : vector<512x2048xi16> to vector<512x1024xi16>
      %convert_element_type3A_58 = arith.extui %slice3A_57 : vector<512x1024xi16> to vector<512x1024xi32>
      %shift_left3A = arith.constant 16 : i32
      %shift_left3A_59 = vector.broadcast %shift_left3A : i32 to vector<512x1024xi32>
      %shift_left3A_60 = arith.shli %convert_element_type3A_58, %shift_left3A_59 : vector<512x1024xi32>
      %or3A = arith.ori %convert_element_type3A_56, %shift_left3A_60 : vector<512x1024xi32>
      %swap3A = arith.constant 0 : index
      %swap3A_61 = arith.constant 0 : index
      %swap3A_62 = vector.load %arg8[%swap3A, %swap3A_61] : memref<512x1024xi32, #tpu.memory_space<vmem>>, vector<512x1024xi32>
      tpu.vector_store %arg8[%swap3A, %swap3A_61], %or3A {strides = array<i32>} : memref<512x1024xi32, #tpu.memory_space<vmem>>, vector<512x1024xi32>,
    } else {
    }
    %eq3A = arith.constant 8 : i32
    %eq3A_2 = arith.cmpi eq, %arg0, %eq3A : i32
    %convert_element_type3A_3 = arith.extui %eq3A_2 : i1 to i32
    %cond3A_4 = arith.constant 0 : i32
    %cond3A_5 = arith.cmpi ne, %convert_element_type3A_3, %cond3A_4 : i32
    scf.if %cond3A_5 {
      %broadcast_in_dim3A = arith.constant 0 : i32
      %broadcast_in_dim3A_6 = vector.broadcast %broadcast_in_dim3A : i32 to vector<512x1024xi32>
      %swap3A = arith.constant 0 : index
      %swap3A_7 = arith.constant 0 : index
      %swap3A_8 = vector.load %arg8[%swap3A, %swap3A_7] : memref<512x1024xi32, #tpu.memory_space<vmem>>, vector<512x1024xi32>
      tpu.vector_store %arg8[%swap3A, %swap3A_7], %broadcast_in_dim3A_6 {strides = array<i32>} : memref<512x1024xi32, #tpu.memory_space<vmem>>, vector<512x1024xi32>,
    } else {
    }
    return
  }
  func.func @transform_0(%arg0: i32, %arg1: i32) -> (i32, i32) {
    %min3A = arith.constant 7 : i32
    %min3A_0 = arith.minsi %arg0, %min3A : i32
    %mul3A = arith.constant 4 : i32
    %mul3A_1 = arith.muli %min3A_0, %mul3A : i32
    %add3A = arith.addi %mul3A_1, %arg1 : i32
    %c0_i32 = arith.constant 0 : i32
    %c0_i32_2 = arith.constant 0 : i32
    return %add3A, %c0_i32 : i32, i32
  }
  func.func @transform_1(%arg0: i32, %arg1: i32) -> (i32, i32, i32) {
    %min3A = arith.constant 7 : i32
    %min3A_0 = arith.minsi %arg0, %min3A : i32
    %c0_i32 = arith.constant 0 : i32
    %c0_i32_1 = arith.constant 0 : i32
    %c0_i32_2 = arith.constant 0 : i32
    return %min3A_0, %c0_i32, %c0_i32_1 : i32, i32, i32
  }
  func.func @transform_2(%arg0: i32, %arg1: i32) -> (i32, i32, i32) {
    %min3A = arith.constant 7 : i32
    %min3A_0 = arith.minsi %arg0, %min3A : i32
    %c0_i32 = arith.constant 0 : i32
    %c0_i32_1 = arith.constant 0 : i32
    %c0_i32_2 = arith.constant 0 : i32
    return %min3A_0, %c0_i32, %c0_i32_1 : i32, i32, i32
  }
  func.func @transform_3(%arg0: i32, %arg1: i32) -> (i32, i32, i32) {
    %min3A = arith.constant 7 : i32
    %min3A_0 = arith.minsi %arg0, %min3A : i32
    %c0_i32 = arith.constant 0 : i32
    %c0_i32_1 = arith.constant 0 : i32
    %c0_i32_2 = arith.constant 0 : i32
    return %min3A_0, %c0_i32, %c0_i32_1 : i32, i32, i32
  }
  func.func @transform_4(%arg0: i32, %arg1: i32) -> (i32, i32, i32) {
    %min3A = arith.constant 7 : i32
    %min3A_0 = arith.minsi %arg0, %min3A : i32
    %c0_i32 = arith.constant 0 : i32
    %c0_i32_1 = arith.constant 0 : i32
    %c0_i32_2 = arith.constant 0 : i32
    return %min3A_0, %c0_i32, %c0_i32_1 : i32, i32, i32
  }
  func.func @transform_5(%arg0: i32, %arg1: i32) -> i32 {
    %min3A = arith.constant 7 : i32
    %min3A_0 = arith.minsi %arg0, %min3A : i32
    %mul3A = arith.constant 4 : i32
    %mul3A_1 = arith.muli %min3A_0, %mul3A : i32
    %add3A = arith.addi %mul3A_1, %arg1 : i32
    %c0_i32 = arith.constant 0 : i32
    return %add3A : i32
  }
  func.func @transform_6(%arg0: i32, %arg1: i32) -> (i32, i32) {
    %mul3A = arith.constant 4 : i32
    %mul3A_0 = arith.muli %arg0, %mul3A : i32
    %add3A = arith.addi %mul3A_0, %arg1 : i32
    %c0_i32 = arith.constant 0 : i32
    %c0_i32_1 = arith.constant 0 : i32
    return %add3A, %c0_i32 : i32, i32
  }
}

</mosaic_0001>

<sc_bundles>
// kernel: kernel.10.cloned.1.call-start
scs
__scs_entry_jumppad:
0x0: {  	(pc) =	sbr.rel $0x88, $3  }
0x1: {  	(tag) =	ssettag $0x0;
	lr =	simm.s32 $0x1  }
0x2: {  	[smem:$0x3F97] =	sst lr;
	_ =	strace $0xD0000000  }
0x3: {  	_ = 	snop  }
0x4: {  	_ = 	snop  }
0x5: {  	_ = 	snop  }
0x6: {  	_ = 	snop  }
0x7: {  	_ = 	snop  }
__scs_overlays_trampoline_lowered:
0x8: {  	[smem:$0x3FA6] =	sst s0  }
0x9: {  	[smem:$0x3FA7] =	sst s1  }
0xa: {  	[smem:$0x3FA8] =	sst s2  }
0xb: {  	[smem:$0x3FA9] =	sst s3  }
0xc: {  	[smem:$0x3FAA] =	sst s4  }
0xd: {  	[smem:$0x3FAB] =	sst s5  }
0xe: {  	[smem:$0x3FAC] =	sst s6  }
0xf: {  	[smem:$0x3FAD] =	sst s7  }
0x10: {  	[smem:$0x3FAE] =	sst s8  }
0x11: {  	[smem:$0x3FAF] =	sst s9;
	s0 =	simm.s32 @!p0 $0x0  }
0x12: {  	s1 =	sld [smem:$0x3F95];
	s0 =	simm.s32 @p0 $0x1  }
0x13: {  	[smem:$0x3FB0] =	sst s0;
	s0 =	simm.s32 @!p1 $0x0  }
0x14: {  	s2 =	sld [smem:$0x3F94];
	s0 =	simm.s32 @p1 $0x1  }
0x15: {  	[smem:$0x3FB1] =	sst s0;
	s0 =	simm.s32 @!p2 $0x0  }
0x16: {  	s3 =	sld [smem:$0x3FDB];
	s0 =	simm.s32 @p2 $0x1  }
0x17: {  	s4 =	simm.s32 $0x1BF5;
	[smem:$0x3FB3] =	sst s0  }
0x18: {  	s0 =	sld [smem:$0x3F96];
	_ =	swait.ge [sflag:s4], $0x0  }
0x19: {  	s7 =	sld [smem:$0x3F97]  }
0x1a: {  	s8 =	sadd.s32 $0xFFFFE003, lr  }
0x1b: {  	s9 =	sadd.s32 $0xFFFFFEF7, lr;
	s5 =	simm.s32 $0xFFFFFFFF;
	p2 =	slt.u32 s8, $0xFFFFF086  }
0x1c: {  	p1 =	slt.u32 s9, $0xF7A;
	s5 =	simm.s32 @!p2 $0x0  }
0x1d: {  	s5 =	simm.s32 @p1 $0x1;
	p0 =	seq.s32 s7, s2  }
0x1e: {  	s7 =	smul.u32 @!p0 $0xF7A, s2;
	p2 =	seq.s32 @!p0 s5, $0x0  }
0x1f: {  	s9 =	smul.u32 $0xF7A, s1;
	s8 =	simm.s32 @!p0 $0x1BF5;
	p2 =	por !p2, p0  }
0x20: {  	[sflag:s8] =	ssyncset.s32 @!p0 $0xFFFFF086;
	s6 =	sadd.s32 @!p0 s3, s7;
	s7 =	simm.s32 @!p0 $0x108  }
0x21: {  	s3 =	sadd.s32 s3, s9;
	s6 =	sadd.s32 @!p0 $0x88, s6;
	s7 =	simm.s32 @p2 $0x1082  }
0x22: {  	[simem:s7], [sflag:s8] =	dma.local @!p0 [hbm:s6], $0xF7A  }
0x23: {  	s9 =	sor.u32 $0xD0000000, s2;
	s6 =	simm.s32 $0x108;
	_ =	swait.ge @!p0 [sflag:s8], $0x0  }
0x24: {  	s3 =	sadd.s32 $0x88, s3;
	s6 =	simm.s32 @!p1 $0x1082;
	[sflag:s4] =	ssyncset.s32 $0xFFFFF086  }
0x25: {  	[simem:s6], [sflag:s4] =	dma.local [hbm:s3], $0xF7A  }
0x26: {  	[smem:$0x3F97] =	sst s1;
	(tag) =	ssettag s2;
	_ =	strace s9  }
0x27: {  	s1 =	sld [smem:$0x3FA7]  }
0x28: {  	s2 =	sld [smem:$0x3FA8]  }
0x29: {  	s4 =	sld [smem:$0x3FAA]  }
0x2a: {  	p0 =	seq.s32 s5, $0x0;
	s5 =	sld [smem:$0x3FAB]  }
0x2b: {  	s6 =	sld [smem:$0x3FAC]  }
0x2c: {  	s7 =	sld [smem:$0x3FAD]  }
0x2d: {  	s3 =	simm.s32 $0x108;
	s8 =	sld [smem:$0x3FAE]  }
0x2e: {  	s3 =	simm.s32 @!p0 $0x1082;
	s9 =	sld [smem:$0x3FAF]  }
0x2f: {  	lr =	sadd.s32 s0, s3;
	s0 =	sld [smem:$0x3FA6]  }
0x30: {  	s3 =	sld [smem:$0x3FA9]  }
0x31: {  	[smem:$0x3FB2] =	sst s10  }
0x32: {  	s10 =	sld [smem:$0x3FB0];
	_ =	sdelay $0x3  }
0x33: {  	p0 =	seq.s32 s10, $0x1;
	s10 =	sld [smem:$0x3FB2];
	_ =	sdelay $0x3  }
0x34: {  	[smem:$0x3FB2] =	sst s10  }
0x35: {  	s10 =	sld [smem:$0x3FB1];
	_ =	sdelay $0x3  }
0x36: {  	p1 =	seq.s32 s10, $0x1;
	s10 =	sld [smem:$0x3FB2];
	_ =	sdelay $0x3  }
0x37: {  	[smem:$0x3FB2] =	sst s10  }
0x38: {  	s10 =	sld [smem:$0x3FB3]  }
0x39: {  	_ = 	snop;
	(pc) =	sbr.ind lr, $3  }
0x3a: {  	_ = 	snop  }
0x3b: {  	_ = 	snop  }
0x3c: {  	p2 =	seq.s32 s10, $0x1;
	s10 =	sld [smem:$0x3FB2]  }
0x3d: {  	_ =	shalt  }
0x3e: {  	_ =	shalt  }
0x3f: {  	_ =	shalt  }
0x40: {  	_ =	shalt  }
0x41: {  	_ =	shalt  }
0x42: {  	_ =	shalt  }
0x43: {  	_ =	shalt  }
0x44: {  	_ =	shalt  }
0x45: {  	_ =	shalt  }
0x46: {  	_ =	shalt  }
0x47: {  	_ =	shalt  }
0x48: {  	_ =	shalt  }
0x49: {  	_ =	shalt  }
0x4a: {  	_ =	shalt  }
0x4b: {  	_ =	shalt  }
0x4c: {  	_ =	shalt  }
0x4d: {  	_ =	shalt  }
0x4e: {  	_ =	shalt  }
0x4f: {  	_ =	shalt  }
0x50: {  	_ =	shalt  }
0x51: {  	_ =	shalt  }
0x52: {  	_ =	shalt  }
0x53: {  	_ =	shalt  }
0x54: {  	_ =	shalt  }
0x55: {  	_ =	shalt  }
0x56: {  	_ =	shalt  }
0x57: {  	_ =	shalt  }
0x58: {  	_ =	shalt  }
0x59: {  	_ =	shalt  }
0x5a: {  	_ =	shalt  }
0x5b: {  	_ =	shalt  }
0x5c: {  	_ =	shalt  }
0x5d: {  	_ =	shalt  }
0x5e: {  	_ =	shalt  }
0x5f: {  	_ =	shalt  }
0x60: {  	_ =	shalt  }
0x61: {  	_ =	shalt  }
0x62: {  	_ =	shalt  }
0x63: {  	_ =	shalt  }
0x64: {  	_ =	shalt  }
0x65: {  	_ =	shalt  }
0x66: {  	_ =	shalt  }
0x67: {  	_ =	shalt  }
0x68: {  	_ =	shalt  }
0x69: {  	_ =	shalt  }
0x6a: {  	_ =	shalt  }
0x6b: {  	_ =	shalt  }
0x6c: {  	_ =	shalt  }
0x6d: {  	_ =	shalt  }
0x6e: {  	_ =	shalt  }
0x6f: {  	_ =	shalt  }
0x70: {  	_ =	shalt  }
0x71: {  	_ =	shalt  }
0x72: {  	_ =	shalt  }
0x73: {  	_ =	shalt  }
0x74: {  	_ =	shalt  }
0x75: {  	_ =	shalt  }
0x76: {  	_ =	shalt  }
0x77: {  	_ =	shalt  }
0x78: {  	_ =	shalt  }
0x79: {  	_ =	shalt  }
0x7a: {  	_ =	shalt  }
0x7b: {  	_ =	shalt  }
0x7c: {  	_ =	shalt  }
0x7d: {  	_ =	shalt  }
0x7e: {  	_ =	shalt  }
0x7f: {  	_ =	shalt  }
0x80: {  	_ =	shalt  }
0x81: {  	_ =	shalt  }
0x82: {  	_ =	shalt  }
0x83: {  	_ =	shalt  }
0x84: {  	_ =	shalt  }
0x85: {  	_ =	shalt  }
0x86: {  	_ =	shalt  }
0x87: {  	_ =	shalt  }
.Lfunc_end0:
.L_simem_size_0:
called_computation.1_lowered:
.L_overlay_start_0:
0x88: {  	s2 =	sld [smem:$0x3FD9]  }
0x89: {  	s3 =	sld [smem:$0x3FFE];
	_ =	sdelay $0x1  }
0x8a: {  	s1 =	srdreg.scid  }
0x8b: {  	s0 =	sand.u32 $0x1, s1  }
0x8c: {  	s17 =	sshll.u32 s0, $0xA;
	s2 =	sadd.s32 s3, s2  }
0x8d: {  	s2 =	sadd.s32 s2, s17  }
0x8e: {  	[smem:$0x3FBE] =	sst s2  }
0x8f: {  	_ = 	snop  }
0x90: {  	s2 =	sld [smem:$0x3FD0];
	(tm) =	ssettm $0x1  }
0x91: {  	s18 =	sld [smem:$0x3FFB];
	_ =	sdelay $0x3  }
0x92: {  	_ =	strace s18  }
0x93: {  	s3 =	sld [smem:$0x3FFC];
	_ =	sdelay $0x3  }
0x94: {  	_ =	strace s3  }
0x95: {  	s3 =	sld [smem:$0x3FFD];
	_ =	sdelay $0x3  }
0x96: {  	_ =	strace s3  }
0x97: {  	_ =	strace $0x8FFFFFFF  }
0x98: {  	s19 =	sld [smem:$0x3FDB];
	_ =	sdelay $0x1  }
0x99: {  	s4 =	simm.s32 $_scs_section_size  }
0x9a: {  	s5 =	simm.s32 $_size__tile_overlayer_lowered;
	s6 =	simm.s32 $_tile_overlayer_lowered  }
0x9b: {  	s22 =	simm.s32 $0x1BFF;
	s21 =	sshll.u32 s6, $0x1;
	s3 =	sadd.s32 s4, s19  }
0x9c: {  	s7 =	simm.s32 $0x0;
	s20 =	sshll.u32 s5, $0x1;
	s5 =	sadd.s32 s21, s3  }
0x9d: {  	[timem:s7], [sflag:s22] =	dma.local [hbm:s5], s20  }
0x9e: {  	_ =	swait.ge [sflag:s22], s20  }
0x9f: {  	s4 =	ssub.s32 $0x0, s20;
	[sflag:s22] =	ssyncset.done $0x0  }
0xa0: {  	[sflag:s22] =	ssyncadd.s32 s4;
	_ =	sdelay $0x1  }
0xa1: {  	s23 =	simm.s32 $0x1B8B  }
0xa2: {  	_ =	swait.ge [sflag:s23], $0x1  }
0xa3: {  	[sflag:s23] =	ssyncset.done $0x0  }
0xa4: {  	s25 =	simm.s32 $0x1B8E;
	s24 =	sld [smem:$0x3FFE];
	[sflag:s23] =	ssyncadd.s32 $0xFFFFFFFF  }
0xa5: {  	s26 =	simm.s32 $execute0_lowered;
	[smem:$0x3FD2] =	sst s25  }
0xa6: {  	s5 =	sshll.u32 s26, $0x1;
	_ =	strace $0x80000049;
	[dreg:$0x1] =	wrdreg $0xFFFFFFFF  }
0xa7: {  	s28 =	simm.s32 $_size_execute0_lowered;
	s3 =	sadd.s32 s3, s5;
	[dreg:$0x0] =	wrdreg $0x0  }
0xa8: {  	s5 =	sshll.u32 s28, $0x1;
	[dreg:$0x2] =	wrdreg s3  }
0xa9: {  	[dreg:$0x3] =	wrdreg s5  }
0xaa: {  	[dreg:$0x4] =	wrdreg $0xC0  }
0xab: {  	_ =	task [dreg:s7], $0x5FFFF  }
0xac: {  	[dreg:$0x1] =	wrdreg $0xFFFFFFFF  }
0xad: {  	[dreg:$0x0] =	wrdreg $0x60  }
0xae: {  	[dreg:$0x2] =	wrdreg s24  }
0xaf: {  	[dreg:$0x3] =	wrdreg s2  }
0xb0: {  	[dreg:$0x4] =	wrdreg $0x9  }
0xb1: {  	_ =	task.clear_ibuf [dreg:s7], $0x5FFFF;
	_ =	strace $0x90000049  }
0xb2: {  	s29 =	simm.s32 $0x9;
	_ =	strace $0x8000004B  }
0xb3: {  	_ =	swait.ge [sflag:s29], $0x1  }
0xb4: {  	[sflag:s29] =	ssyncadd.s32 $0xFFFFFFFF  }
0xb5: {  	_ =	strace $0x9000004B  }
0xb6: {  	_ =	sfence  }
0xb7: {  	s30 =	sld [smem:$0x0];
	_ =	sdelay $0x2  }
0xb8: {  	s31 =	sshll.u32 s1, $0xD;
	s1 =	sshrl.u32 s1, $0x2  }
0xb9: {  	s3 =	sand.u32 $0x4000, s31;
	s1 =	sadd.s32 s1, s30  }
0xba: {  	s0 =	sor.u32 s3, s0;
	s1 =	sshll.u32 s1, $0x11  }
0xbb: {  	s0 =	sor.u32 s1, s0  }
0xbc: {  	s0 =	sadd.s32 $0x8F2B, s0  }
0xbd: {  	[sflag:s0] =	ssyncadd.remote.s32 $0x1  }
0xbe: {  	_ =	sfence.sel $0xFFFF  }
0xbf: {  	[dreg:$0x0] =	wrdreg $0xFFFFFFFF;
	(pc) =	sbr.abs _section_cstart, $3  }
0xc0: {  	[dreg:$0x1] =	wrdreg $0xFFFFFFFF  }
0xc1: {  	_ =	task.clear_ibuf [dreg:s7], $0x2FFFF;
	_ =	strace $0x9FFFFFFF  }
0xc2: {  	(tm) =	ssettm $0x7FFFFFFF  }
0xc3: {  	_ =	shalt  }
tec
execute0_lowered:
.L_overlay_start_1:
0x0: {  	(tag) =	ssettag $0x1  }
0x1: {  	s0 =	rddreg [dreg:$0x0]  }
0x2: {  	s1 =	rddreg [dreg:$0x1]  }
0x3: {  	s2 =	simm.s32 $0x0;
	s3 =	srdreg.scid;
	s11 =	stileid.u32  }
0x4: {  	s13 =	simm.s32 $0x3;
	s31 =	simm.s32 $0x80;
	s15 =	simm.s32 $0x9100  }
0x5: {  	s16 =	simm.s32 $0x9900;
	s17 =	simm.s32 $0xA100;
	s18 =	simm.s32 $0xA900  }
0x6: {  	s19 =	simm.s32 $0xB100;
	s28 =	simm.s32 $0xF100;
	s29 =	simm.s32 $0xF900  }
0x7: {  	s30 =	simm.s32 $0x1;
	[smem:$0x7FF] =	sst s2;
	s4 =	sand.u32 $0x1, s3  }
0x8: {  	s5 =	sshll.u32 s11, $0xA;
	s3 =	sadd.s32 $0x1E00, s0;
	s9 =	sadd.s32 $0x102200, s0  }
0x9: {  	s21 =	sshll.u32 s11, $0x11;
	_ =	strace $0x8000004A;
	s6 =	sshll.u32 s4, $0x9  }
0xa: {  	s7 =	ssub.s32 $0x2, s4;
	s23 =	sshll.u32 s4, $0x10;
	s8 =	sor.u32 s6, s5  }
0xb: {  	s20 =	sshrl.u32 s7, $0x1;
	s5 =	sadd.s32 $0x1F00, s0;
	s6 =	sshrl.u32 s8, $0x3  }
0xc: {  	s10 =	ssub.s32 s7, s20;
	s7 =	sadd.s32 $0x2100, s0;
	s24 =	sor.u32 $0x60, s8  }
0xd: {  	s8 =	sor.u32 $0x40, s8;
	s20 =	simm.s32 $0xB900;
	s12 =	sadd.s32 s9, s6  }
0xe: {  	s6 =	sadd.s32 $0x2000, s0;
	s10 =	smax.u32 s10, $0x1;
	s0 =	sadd.s32 s21, s1  }
0xf: {  	s25 =	sshrl.u32 s24, $0x3;
	s26 =	sshrl.u32 s8, $0x3;
	s1 =	simm.s32 $0x8900  }
0x10: {  	s21 =	simm.s32 $0xC100;
	s24 =	simm.s32 $0xD900;
	s8 =	simm.s32 $0x2  }
.Ltmp0:
0x11: {  	[dreg:$0x3] =	wrdreg s12;
	s22 =	sadd.s32 $0x4, s12;
	(pc) =	sbr.rel .LBB2_1-.Ltmp0, $4  }
0x12: {  	[dreg:$0x5] =	wrdreg s10;
	s0 =	sadd.s32 s23, s0;
	s11 =	sadd.s32 s25, s9  }
0x13: {  	v2 =	vlaneseq.u32;
	s12 =	sadd.s32 s26, s9;
	s23 =	simm.s32 $0xD100;
	s25 =	simm.s32 $0xE100  }
0x14: {  	vm0 =	vmmov $0xffff;
	v1 =	vshrl.u32 v2, $0x3;
	s26 =	simm.s32 $0xE900;
	s9 =	simm.s32 $0x0;
	[dreg:$0x4] =	wrdreg s22  }
0x15: {  	v0 =	vand.u32 $0x7, v2;
	v2 =	vor.u32 $0x8, v2;
	v1 =	vmul.u32 $0x8, v1;
	[dreg:$0x6] =	wrdreg s0;
	s0 =	simm.s32 $0x8100;
	s22 =	simm.s32 $0xC900  }
.LBB2_4:
0x16: {  	s9 =	rddreg [dreg:$0x7]  }
0x17: {  	s4 =	rddreg [dreg:$0x5];
	s9 =	sadd.s32 $0x1, s9  }
0x18: {  	p0 =	sne.s32 s9, s4  }
.Ltmp1:
0x19: {  	_ = 	snop;
	(pc) =	sbr.rel @!p0 .LBB2_5-.Ltmp1, $1  }
0x1a: {  	_ =	sdelay $0x3  }
.LBB2_1:
0x1b: {  	[dreg:$0x7] =	wrdreg s9  }
0x1c: {  	s4 =	rddreg [dreg:$0x3]  }
0x1d: {  	[tilespmem:s2], [sflag:$0x3] =	stream.linear.gather [hbm4b:s4+s2], $0x20, $0x38;
	[tilespmem:$0x10100] =	vst v63  }
0x1e: {  	_ =	swait.ge [sflag:s13], $0x20  }
0x1f: {  	[sflag:s13] =	ssyncset.done $0x0  }
0x20: {  	[sflag:s13] =	ssyncadd.s32 $0xFFFFFFE0  }
0x21: {  	v3 =	vld [tilespmem:$0x0];
	_ =	sdelay $0x4  }
0x22: {  	v4 =	vshll.u32 v3, $0x3  }
0x23: {  	v3 =	vand.u32 $0x7, v3;
	v4 =	vand.u32 $0xFFFFFFC0, v4  }
0x24: {  	v3 =	vor.u32 v3, v4  }
0x25: {  	v4 =	vperm.xlane v3, v0;
	_ =	sdelay $0x1  }
0x26: {  	v4 =	vadd.s32 v1, v4;
	_ =	sdelay $0x3  }
0x27: {  	s10 =	simm.s32 $0x100  }
0x28: {  	[tilespmem:s10], [sflag:$0x1] =	stream.indirect_vreg.gather [hbm4b:s3+s2], $0x80, v4, vm0, $0xb8;
	[tilespmem:$0x10100] =	vst v63  }
0x29: {  	s14 =	simm.s32 $0x900;
	v3 =	vperm.xlane v3, v2  }
0x2a: {  	[tilespmem:s14], [sflag:$0x1] =	stream.indirect_vreg.gather [hbm4b:s5+s2], $0x80, v4, vm0, $0xb8;
	[tilespmem:$0x10100] =	vst v63  }
0x2b: {  	s9 =	simm.s32 $0x1100;
	v3 =	vadd.s32 v1, v3  }
0x2c: {  	[tilespmem:s9], [sflag:$0x1] =	stream.indirect_vreg.gather [hbm4b:s6+s2], $0x80, v4, vm0, $0xb8;
	[tilespmem:$0x10100] =	vst v63  }
0x2d: {  	s10 =	simm.s32 $0x1900  }
0x2e: {  	[tilespmem:s10], [sflag:$0x1] =	stream.indirect_vreg.gather [hbm4b:s7+s2], $0x80, v4, vm0, $0xb8;
	[tilespmem:$0x10100] =	vst v63  }
0x2f: {  	s14 =	simm.s32 $0x2100  }
0x30: {  	[tilespmem:s14], [sflag:$0x1] =	stream.indirect_vreg.gather [hbm4b:s3+s2], $0x80, v3, vm0, $0xb8;
	[tilespmem:$0x10100] =	vst v63  }
0x31: {  	s9 =	simm.s32 $0x2900  }
0x32: {  	[tilespmem:s9], [sflag:$0x1] =	stream.indirect_vreg.gather [hbm4b:s5+s2], $0x80, v3, vm0, $0xb8;
	[tilespmem:$0x10100] =	vst v63  }
0x33: {  	s10 =	simm.s32 $0x3100  }
0x34: {  	[tilespmem:s10], [sflag:$0x1] =	stream.indirect_vreg.gather [hbm4b:s6+s2], $0x80, v3, vm0, $0xb8;
	[tilespmem:$0x10100] =	vst v63  }
0x35: {  	s14 =	simm.s32 $0x3900  }
0x36: {  	[tilespmem:s14], [sflag:$0x1] =	stream.indirect_vreg.gather [hbm4b:s7+s2], $0x80, v3, vm0, $0xb8;
	[tilespmem:$0x10100] =	vst v63  }
0x37: {  	v3 =	vld [tilespmem:$0x10];
	_ =	sdelay $0x4  }
0x38: {  	v61 =	vshll.u32 v3, $0x3  }
0x39: {  	v3 =	vand.u32 $0x7, v3;
	v4 =	vand.u32 $0xFFFFFFC0, v61  }
0x3a: {  	v3 =	vor.u32 v3, v4  }
0x3b: {  	v4 =	vperm.xlane v3, v0;
	_ =	sdelay $0x1  }
0x3c: {  	v4 =	vadd.s32 v1, v4;
	_ =	sdelay $0x3  }
0x3d: {  	s9 =	simm.s32 $0x4100  }
0x3e: {  	[tilespmem:s9], [sflag:$0x1] =	stream.indirect_vreg.gather [hbm4b:s3+s2], $0x80, v4, vm0, $0xb8;
	[tilespmem:$0x10100] =	vst v63  }
0x3f: {  	s10 =	simm.s32 $0x4900;
	v3 =	vperm.xlane v3, v2  }
0x40: {  	[tilespmem:s10], [sflag:$0x1] =	stream.indirect_vreg.gather [hbm4b:s5+s2], $0x80, v4, vm0, $0xb8;
	[tilespmem:$0x10100] =	vst v63  }
0x41: {  	s14 =	simm.s32 $0x5100;
	v3 =	vadd.s32 v1, v3  }
0x42: {  	[tilespmem:s14], [sflag:$0x1] =	stream.indirect_vreg.gather [hbm4b:s6+s2], $0x80, v4, vm0, $0xb8;
	[tilespmem:$0x10100] =	vst v63  }
0x43: {  	s9 =	simm.s32 $0x5900  }
0x44: {  	[tilespmem:s9], [sflag:$0x1] =	stream.indirect_vreg.gather [hbm4b:s7+s2], $0x80, v4, vm0, $0xb8;
	[tilespmem:$0x10100] =	vst v63  }
0x45: {  	s10 =	simm.s32 $0x6100  }
0x46: {  	[tilespmem:s10], [sflag:$0x1] =	stream.indirect_vreg.gather [hbm4b:s3+s2], $0x80, v3, vm0, $0xb8;
	[tilespmem:$0x10100] =	vst v63  }
0x47: {  	s14 =	simm.s32 $0x6900  }
0x48: {  	[tilespmem:s14], [sflag:$0x1] =	stream.indirect_vreg.gather [hbm4b:s5+s2], $0x80, v3, vm0, $0xb8;
	[tilespmem:$0x10100] =	vst v63  }
0x49: {  	s9 =	simm.s32 $0x7100  }
0x4a: {  	[tilespmem:s9], [sflag:$0x1] =	stream.indirect_vreg.gather [hbm4b:s6+s2], $0x80, v3, vm0, $0xb8;
	[tilespmem:$0x10100] =	vst v63  }
0x4b: {  	s10 =	simm.s32 $0x7900  }
0x4c: {  	[tilespmem:s10], [sflag:$0x1] =	stream.indirect_vreg.gather [hbm4b:s7+s2], $0x80, v3, vm0, $0xb8;
	[tilespmem:$0x10100] =	vst v63  }
0x4d: {  	s14 =	rddreg [dreg:$0x4]  }
0x4e: {  	[tilespmem:s31], [sflag:$0x3] =	stream.linear.gather [hbm4b:s14+s2], $0x20, $0x38;
	[tilespmem:$0x10100] =	vst v63  }
0x4f: {  	_ =	swait.ge [sflag:s13], $0x20  }
0x50: {  	[sflag:s13] =	ssyncset.done $0x0  }
0x51: {  	[sflag:s13] =	ssyncadd.s32 $0xFFFFFFE0  }
0x52: {  	v3 =	vld [tilespmem:$0x80];
	_ =	sdelay $0x4  }
0x53: {  	v62 =	vshll.u32 v3, $0x3  }
0x54: {  	v3 =	vand.u32 $0x7, v3;
	v4 =	vand.u32 $0xFFFFFFC0, v62  }
0x55: {  	v3 =	vor.u32 v3, v4  }
0x56: {  	v4 =	vperm.xlane v3, v0;
	_ =	sdelay $0x1  }
0x57: {  	v4 =	vadd.s32 v1, v4;
	_ =	sdelay $0x4  }
0x58: {  	[tilespmem:s0], [sflag:$0x2] =	stream.indirect_vreg.gather [hbm4b:s3+s2], $0x80, v4, vm0, $0xb8;
	[tilespmem:$0x10100] =	vst v63  }
0x59: {  	v3 =	vperm.xlane v3, v2  }
0x5a: {  	[tilespmem:s1], [sflag:$0x2] =	stream.indirect_vreg.gather [hbm4b:s5+s2], $0x80, v4, vm0, $0xb8;
	[tilespmem:$0x10100] =	vst v63  }
0x5b: {  	v3 =	vadd.s32 v1, v3  }
0x5c: {  	[tilespmem:s15], [sflag:$0x2] =	stream.indirect_vreg.gather [hbm4b:s6+s2], $0x80, v4, vm0, $0xb8;
	[tilespmem:$0x10100] =	vst v63  }
0x5d: {  	_ = 	snop  }
0x5e: {  	[tilespmem:s16], [sflag:$0x2] =	stream.indirect_vreg.gather [hbm4b:s7+s2], $0x80, v4, vm0, $0xb8;
	[tilespmem:$0x10100] =	vst v63  }
0x5f: {  	_ = 	snop  }
0x60: {  	[tilespmem:s17], [sflag:$0x2] =	stream.indirect_vreg.gather [hbm4b:s3+s2], $0x80, v3, vm0, $0xb8;
	[tilespmem:$0x10100] =	vst v63  }
0x61: {  	_ = 	snop  }
0x62: {  	[tilespmem:s18], [sflag:$0x2] =	stream.indirect_vreg.gather [hbm4b:s5+s2], $0x80, v3, vm0, $0xb8;
	[tilespmem:$0x10100] =	vst v63  }
0x63: {  	_ = 	snop  }
0x64: {  	[tilespmem:s19], [sflag:$0x2] =	stream.indirect_vreg.gather [hbm4b:s6+s2], $0x80, v3, vm0, $0xb8;
	[tilespmem:$0x10100] =	vst v63  }
0x65: {  	_ = 	snop  }
0x66: {  	[tilespmem:s20], [sflag:$0x2] =	stream.indirect_vreg.gather [hbm4b:s7+s2], $0x80, v3, vm0, $0xb8;
	[tilespmem:$0x10100] =	vst v63  }
0x67: {  	v3 =	vld [tilespmem:$0x90];
	_ =	sdelay $0x4  }
0x68: {  	v63 =	vshll.u32 v3, $0x3  }
0x69: {  	v3 =	vand.u32 $0x7, v3;
	v4 =	vand.u32 $0xFFFFFFC0, v63  }
0x6a: {  	v3 =	vor.u32 v3, v4  }
0x6b: {  	v4 =	vperm.xlane v3, v0;
	_ =	sdelay $0x1  }
0x6c: {  	v4 =	vadd.s32 v1, v4;
	_ =	sdelay $0x4  }
0x6d: {  	[tilespmem:s21], [sflag:$0x2] =	stream.indirect_vreg.gather [hbm4b:s3+s2], $0x80, v4, vm0, $0xb8;
	[tilespmem:$0x10100] =	vst v63  }
0x6e: {  	v3 =	vperm.xlane v3, v2  }
0x6f: {  	[tilespmem:s22], [sflag:$0x2] =	stream.indirect_vreg.gather [hbm4b:s5+s2], $0x80, v4, vm0, $0xb8;
	[tilespmem:$0x10100] =	vst v63  }
0x70: {  	v3 =	vadd.s32 v1, v3  }
0x71: {  	[tilespmem:s23], [sflag:$0x2] =	stream.indirect_vreg.gather [hbm4b:s6+s2], $0x80, v4, vm0, $0xb8;
	[tilespmem:$0x10100] =	vst v63  }
0x72: {  	_ = 	snop  }
0x73: {  	[tilespmem:s24], [sflag:$0x2] =	stream.indirect_vreg.gather [hbm4b:s7+s2], $0x80, v4, vm0, $0xb8;
	[tilespmem:$0x10100] =	vst v63  }
0x74: {  	_ = 	snop  }
0x75: {  	[tilespmem:s25], [sflag:$0x2] =	stream.indirect_vreg.gather [hbm4b:s3+s2], $0x80, v3, vm0, $0xb8;
	[tilespmem:$0x10100] =	vst v63  }
0x76: {  	_ = 	snop  }
0x77: {  	[tilespmem:s26], [sflag:$0x2] =	stream.indirect_vreg.gather [hbm4b:s5+s2], $0x80, v3, vm0, $0xb8;
	[tilespmem:$0x10100] =	vst v63  }
0x78: {  	_ = 	snop  }
0x79: {  	[tilespmem:s28], [sflag:$0x2] =	stream.indirect_vreg.gather [hbm4b:s6+s2], $0x80, v3, vm0, $0xb8;
	[tilespmem:$0x10100] =	vst v63  }
0x7a: {  	s4 =	simm.s32 $0x0;
	s10 =	rddreg [dreg:$0x6]  }
0x7b: {  	[tilespmem:s29], [sflag:$0x2] =	stream.indirect_vreg.gather [hbm4b:s7+s2], $0x80, v3, vm0, $0xb8;
	[tilespmem:$0x10100] =	vst v63  }
.LBB2_2:
0x7c: {  	_ =	swait.ge [sflag:s30], $0x8000  }
0x7d: {  	[sflag:s30] =	ssyncset.done $0x0  }
0x7e: {  	s9 =	simm.s32 $0x100;
	[sflag:s30] =	ssyncadd.s32 $0xFFFF8000  }
0x7f: {  	[hbm4b:s10+s2] =	stream.linear.scatter [tilespmem:s9], [sflag:$0x3], $0x8000, $0x38;
	[tilespmem:$0x10100] =	vst v63  }
0x80: {  	_ =	swait.ge [sflag:s13], $0x8000  }
0x81: {  	p0 =	seq.s32 s4, $0x38;
	[sflag:s13] =	ssyncset.done $0x0  }
0x82: {  	s14 =	simm.s32 @!p0 $0x0;
	s9 =	sadd.s32 @!p0 s4, s12;
	[sflag:s13] =	ssyncadd.s32 $0xFFFF8000  }
0x83: {  	[tilespmem:s14], [sflag:$0x3] =	stream.linear.gather @!p0 [hbm4b:s9+s14], $0x20, $0x38;
	[tilespmem:$0x10100] =	vst v63  }
0x84: {  	s9 =	simm.s32 @!p0 $0x3  }
0x85: {  	_ =	swait.ge @!p0 [sflag:s9], $0x20  }
0x86: {  	[sflag:s9] =	ssyncset.done @!p0 $0x0  }
0x87: {  	[sflag:s9] =	ssyncadd.s32 @!p0 $0xFFFFFFE0  }
0x88: {  	v3 =	vld @!p0 [tilespmem:$0x0];
	_ =	sdelay $0x4  }
0x89: {  	v4 =	vshll.u32 @!p0 v3, $0x3  }
0x8a: {  	v5 =	vlaneseq.u32 @!p0;
	v3 =	vand.u32 @!p0 $0x7, v3;
	v4 =	vand.u32 @!p0 $0xFFFFFFC0, v4  }
0x8b: {  	v6 =	vshrl.u32 @!p0 v5, $0x3;
	v3 =	vor.u32 @!p0 v3, v4;
	v4 =	vand.u32 @!p0 $0x7, v5  }
0x8c: {  	v6 =	vmul.u32 @!p0 $0x8, v6;
	v7 =	vperm.xlane @!p0 v3, v4;
	_ =	sdelay $0x1  }
0x8d: {  	v7 =	vadd.s32 @!p0 v6, v7;
	_ =	sdelay $0x3  }
0x8e: {  	vm1 =	vmmov @!p0 $0xffff;
	s9 =	simm.s32 @!p0 $0x100  }
0x8f: {  	v5 =	vor.u32 @!p0 $0x8, v5;
	[tilespmem:s9], [sflag:$0x1] =	stream.indirect_vreg.gather @!p0 [hbm4b:s3+s14], $0x80, v7, vm1, $0xb8;
	[tilespmem:$0x10100] =	vst v63  }
0x90: {  	v3 =	vperm.xlane @!p0 v3, v5;
	s9 =	simm.s32 @!p0 $0x900  }
0x91: {  	[tilespmem:s9], [sflag:$0x1] =	stream.indirect_vreg.gather @!p0 [hbm4b:s5+s14], $0x80, v7, vm1, $0xb8;
	[tilespmem:$0x10100] =	vst v63  }
0x92: {  	v3 =	vadd.s32 @!p0 v6, v3;
	s9 =	simm.s32 @!p0 $0x1100  }
0x93: {  	[tilespmem:s9], [sflag:$0x1] =	stream.indirect_vreg.gather @!p0 [hbm4b:s6+s14], $0x80, v7, vm1, $0xb8;
	[tilespmem:$0x10100] =	vst v63  }
0x94: {  	s9 =	simm.s32 @!p0 $0x1900  }
0x95: {  	[tilespmem:s9], [sflag:$0x1] =	stream.indirect_vreg.gather @!p0 [hbm4b:s7+s14], $0x80, v7, vm1, $0xb8;
	[tilespmem:$0x10100] =	vst v63  }
0x96: {  	s9 =	simm.s32 @!p0 $0x2100  }
0x97: {  	[tilespmem:s9], [sflag:$0x1] =	stream.indirect_vreg.gather @!p0 [hbm4b:s3+s14], $0x80, v3, vm1, $0xb8;
	[tilespmem:$0x10100] =	vst v63  }
0x98: {  	s9 =	simm.s32 @!p0 $0x2900  }
0x99: {  	[tilespmem:s9], [sflag:$0x1] =	stream.indirect_vreg.gather @!p0 [hbm4b:s5+s14], $0x80, v3, vm1, $0xb8;
	[tilespmem:$0x10100] =	vst v63  }
0x9a: {  	s9 =	simm.s32 @!p0 $0x3100  }
0x9b: {  	[tilespmem:s9], [sflag:$0x1] =	stream.indirect_vreg.gather @!p0 [hbm4b:s6+s14], $0x80, v3, vm1, $0xb8;
	[tilespmem:$0x10100] =	vst v63  }
0x9c: {  	s9 =	simm.s32 @!p0 $0x3900  }
0x9d: {  	[tilespmem:s9], [sflag:$0x1] =	stream.indirect_vreg.gather @!p0 [hbm4b:s7+s14], $0x80, v3, vm1, $0xb8;
	[tilespmem:$0x10100] =	vst v63  }
0x9e: {  	v3 =	vld @!p0 [tilespmem:$0x10];
	_ =	sdelay $0x4  }
0x9f: {  	v7 =	vshll.u32 @!p0 v3, $0x3  }
0xa0: {  	v3 =	vand.u32 @!p0 $0x7, v3;
	v7 =	vand.u32 @!p0 $0xFFFFFFC0, v7  }
0xa1: {  	v3 =	vor.u32 @!p0 v3, v7  }
0xa2: {  	v4 =	vperm.xlane @!p0 v3, v4;
	_ =	sdelay $0x1  }
0xa3: {  	v4 =	vadd.s32 @!p0 v6, v4;
	_ =	sdelay $0x3  }
0xa4: {  	s9 =	simm.s32 @!p0 $0x4100  }
0xa5: {  	[tilespmem:s9], [sflag:$0x1] =	stream.indirect_vreg.gather @!p0 [hbm4b:s3+s14], $0x80, v4, vm1, $0xb8;
	[tilespmem:$0x10100] =	vst v63  }
0xa6: {  	v3 =	vperm.xlane @!p0 v3, v5;
	s9 =	simm.s32 @!p0 $0x4900  }
0xa7: {  	[tilespmem:s9], [sflag:$0x1] =	stream.indirect_vreg.gather @!p0 [hbm4b:s5+s14], $0x80, v4, vm1, $0xb8;
	[tilespmem:$0x10100] =	vst v63  }
0xa8: {  	v3 =	vadd.s32 @!p0 v6, v3;
	s9 =	simm.s32 @!p0 $0x5100  }
0xa9: {  	[tilespmem:s9], [sflag:$0x1] =	stream.indirect_vreg.gather @!p0 [hbm4b:s6+s14], $0x80, v4, vm1, $0xb8;
	[tilespmem:$0x10100] =	vst v63  }
0xaa: {  	s9 =	simm.s32 @!p0 $0x5900  }
0xab: {  	[tilespmem:s9], [sflag:$0x1] =	stream.indirect_vreg.gather @!p0 [hbm4b:s7+s14], $0x80, v4, vm1, $0xb8;
	[tilespmem:$0x10100] =	vst v63  }
0xac: {  	s9 =	simm.s32 @!p0 $0x6100  }
0xad: {  	[tilespmem:s9], [sflag:$0x1] =	stream.indirect_vreg.gather @!p0 [hbm4b:s3+s14], $0x80, v3, vm1, $0xb8;
	[tilespmem:$0x10100] =	vst v63  }
0xae: {  	s9 =	simm.s32 @!p0 $0x6900  }
0xaf: {  	[tilespmem:s9], [sflag:$0x1] =	stream.indirect_vreg.gather @!p0 [hbm4b:s5+s14], $0x80, v3, vm1, $0xb8;
	[tilespmem:$0x10100] =	vst v63  }
0xb0: {  	s9 =	simm.s32 @!p0 $0x7100  }
0xb1: {  	[tilespmem:s9], [sflag:$0x1] =	stream.indirect_vreg.gather @!p0 [hbm4b:s6+s14], $0x80, v3, vm1, $0xb8;
	[tilespmem:$0x10100] =	vst v63  }
0xb2: {  	s9 =	simm.s32 @!p0 $0x7900  }
0xb3: {  	[tilespmem:s9], [sflag:$0x1] =	stream.indirect_vreg.gather @!p0 [hbm4b:s7+s14], $0x80, v3, vm1, $0xb8;
	[tilespmem:$0x10100] =	vst v63  }
0xb4: {  	_ =	swait.ge [sflag:s8], $0x8000  }
0xb5: {  	[sflag:s8] =	ssyncset.done $0x0  }
.Ltmp2:
0xb6: {  	s14 =	sadd.s32 $0x1000, s10;
	[sflag:s8] =	ssyncadd.s32 $0xFFFF8000;
	(pc) =	sbr.rel @p0 .LBB2_4-.Ltmp2, $4  }
0xb7: {  	[hbm4b:s14+s2] =	stream.linear.scatter [tilespmem:s0], [sflag:$0x3], $0x8000, $0x38;
	[tilespmem:$0x10100] =	vst v63  }
0xb8: {  	_ =	swait.ge [sflag:s13], $0x8000  }
0xb9: {  	[sflag:s13] =	ssyncset.done $0x0  }
0xba: {  	[sflag:s13] =	ssyncadd.s32 $0xFFFF8000  }
0xbb: {  	s9 =	sadd.s32 s4, s11  }
0xbc: {  	[tilespmem:s31], [sflag:$0x3] =	stream.linear.gather [hbm4b:s9+s2], $0x20, $0x38;
	[tilespmem:$0x10100] =	vst v63  }
0xbd: {  	_ =	swait.ge [sflag:s13], $0x20  }
0xbe: {  	[sflag:s13] =	ssyncset.done $0x0  }
0xbf: {  	[sflag:s13] =	ssyncadd.s32 $0xFFFFFFE0  }
0xc0: {  	v3 =	vld [tilespmem:$0x80];
	_ =	sdelay $0x4  }
0xc1: {  	v4 =	vshll.u32 v3, $0x3  }
0xc2: {  	v3 =	vand.u32 $0x7, v3;
	v4 =	vand.u32 $0xFFFFFFC0, v4  }
0xc3: {  	v3 =	vor.u32 v3, v4  }
0xc4: {  	v4 =	vperm.xlane v3, v0;
	_ =	sdelay $0x1  }
0xc5: {  	v4 =	vadd.s32 v1, v4;
	_ =	sdelay $0x4  }
0xc6: {  	[tilespmem:s0], [sflag:$0x2] =	stream.indirect_vreg.gather [hbm4b:s3+s2], $0x80, v4, vm0, $0xb8;
	[tilespmem:$0x10100] =	vst v63  }
0xc7: {  	v3 =	vperm.xlane v3, v2  }
0xc8: {  	[tilespmem:s1], [sflag:$0x2] =	stream.indirect_vreg.gather [hbm4b:s5+s2], $0x80, v4, vm0, $0xb8;
	[tilespmem:$0x10100] =	vst v63  }
0xc9: {  	v3 =	vadd.s32 v1, v3  }
0xca: {  	[tilespmem:s15], [sflag:$0x2] =	stream.indirect_vreg.gather [hbm4b:s6+s2], $0x80, v4, vm0, $0xb8;
	[tilespmem:$0x10100] =	vst v63  }
0xcb: {  	_ = 	snop  }
0xcc: {  	[tilespmem:s16], [sflag:$0x2] =	stream.indirect_vreg.gather [hbm4b:s7+s2], $0x80, v4, vm0, $0xb8;
	[tilespmem:$0x10100] =	vst v63  }
0xcd: {  	_ = 	snop  }
0xce: {  	[tilespmem:s17], [sflag:$0x2] =	stream.indirect_vreg.gather [hbm4b:s3+s2], $0x80, v3, vm0, $0xb8;
	[tilespmem:$0x10100] =	vst v63  }
0xcf: {  	_ = 	snop  }
0xd0: {  	[tilespmem:s18], [sflag:$0x2] =	stream.indirect_vreg.gather [hbm4b:s5+s2], $0x80, v3, vm0, $0xb8;
	[tilespmem:$0x10100] =	vst v63  }
0xd1: {  	_ = 	snop  }
0xd2: {  	[tilespmem:s19], [sflag:$0x2] =	stream.indirect_vreg.gather [hbm4b:s6+s2], $0x80, v3, vm0, $0xb8;
	[tilespmem:$0x10100] =	vst v63  }
0xd3: {  	_ = 	snop  }
0xd4: {  	[tilespmem:s20], [sflag:$0x2] =	stream.indirect_vreg.gather [hbm4b:s7+s2], $0x80, v3, vm0, $0xb8;
	[tilespmem:$0x10100] =	vst v63  }
0xd5: {  	v3 =	vld [tilespmem:$0x90];
	_ =	sdelay $0x4  }
0xd6: {  	v63 =	vshll.u32 v3, $0x3  }
0xd7: {  	v3 =	vand.u32 $0x7, v3;
	v4 =	vand.u32 $0xFFFFFFC0, v63  }
0xd8: {  	v3 =	vor.u32 v3, v4  }
0xd9: {  	v4 =	vperm.xlane v3, v0;
	_ =	sdelay $0x1  }
0xda: {  	v4 =	vadd.s32 v1, v4;
	_ =	sdelay $0x4  }
0xdb: {  	[tilespmem:s21], [sflag:$0x2] =	stream.indirect_vreg.gather [hbm4b:s3+s2], $0x80, v4, vm0, $0xb8;
	[tilespmem:$0x10100] =	vst v63  }
0xdc: {  	v3 =	vperm.xlane v3, v2  }
0xdd: {  	[tilespmem:s22], [sflag:$0x2] =	stream.indirect_vreg.gather [hbm4b:s5+s2], $0x80, v4, vm0, $0xb8;
	[tilespmem:$0x10100] =	vst v63  }
0xde: {  	v3 =	vadd.s32 v1, v3  }
0xdf: {  	[tilespmem:s23], [sflag:$0x2] =	stream.indirect_vreg.gather [hbm4b:s6+s2], $0x80, v4, vm0, $0xb8;
	[tilespmem:$0x10100] =	vst v63  }
0xe0: {  	_ = 	snop  }
0xe1: {  	[tilespmem:s24], [sflag:$0x2] =	stream.indirect_vreg.gather [hbm4b:s7+s2], $0x80, v4, vm0, $0xb8;
	[tilespmem:$0x10100] =	vst v63  }
0xe2: {  	_ = 	snop  }
0xe3: {  	[tilespmem:s25], [sflag:$0x2] =	stream.indirect_vreg.gather [hbm4b:s3+s2], $0x80, v3, vm0, $0xb8;
	[tilespmem:$0x10100] =	vst v63  }
0xe4: {  	_ = 	snop  }
0xe5: {  	[tilespmem:s26], [sflag:$0x2] =	stream.indirect_vreg.gather [hbm4b:s5+s2], $0x80, v3, vm0, $0xb8;
	[tilespmem:$0x10100] =	vst v63  }
.Ltmp3:
0xe6: {  	_ = 	snop;
	(pc) =	sbr.rel .LBB2_2-.Ltmp3, $4  }
0xe7: {  	_ = 	snop  }
0xe8: {  	[tilespmem:s28], [sflag:$0x2] =	stream.indirect_vreg.gather [hbm4b:s6+s2], $0x80, v3, vm0, $0xb8;
	[tilespmem:$0x10100] =	vst v63  }
0xe9: {  	s10 =	sadd.s32 $0x2000, s10;
	s4 =	sadd.s32 $0x8, s4  }
0xea: {  	[tilespmem:s29], [sflag:$0x2] =	stream.indirect_vreg.gather [hbm4b:s7+s2], $0x80, v3, vm0, $0xb8;
	[tilespmem:$0x10100] =	vst v63  }
.LBB2_5:
0xeb: {  	_ =	sfence.sel $0x180000  }
0xec: {  	[bflag:$0x0] =	sbarrier.arrive $0xFFFF  }
0xed: {  	_ =	strace $0x9000004A  }
0xee: {  	s0 =	stileid.u32;
	[bflag:$0x2] =	sbarrier.arrive $0xFFFF  }
0xef: {  	p0 =	sne.s32 s0, $0x0;
	s0 =	rddreg [dreg:$0x2]  }
0xf0: {  	s0 =	sadd.s32 @!p0 $0x100000, s0  }
0xf1: {  	[sflag:s0] =	ssyncadd.tile.s32 @!p0 $0x1;
	_ =	shalt  }
.Lfunc_end2:
_tile_overlayer_lowered:
.L_overlay_start_2:
0xf2: {  	(tag) =	ssettag $0x2  }
0xf3: {  	s0 =	rddreg [dreg:$0x0];
	s2 =	stileid.u32  }
0xf4: {  	s1 =	rddreg [dreg:$0x1];
	p0 =	sne.s32 s2, $0x0  }
0xf5: {  	s3 =	rddreg [dreg:$0x2];
	[bflag:$0x3] =	sbarrier.arrive $0xFFFF;
	s2 =	simm.s32 @!p0 $0x1C03  }
0xf6: {  	[timem:s3], [sflag:s2] =	dma.local @!p0 [hbm:s0], s1  }
0xf7: {  	s0 =	simm.s32 @!p0 $0x3  }
0xf8: {  	_ =	swait.ge @!p0 [sflag:s0], s1  }
0xf9: {  	s1 =	ssub.s32 @!p0 $0x0, s1;
	[sflag:s0] =	ssyncset.done @!p0 $0x0  }
0xfa: {  	[sflag:s0] =	ssyncadd.s32 @!p0 s1  }
0xfb: {  	[bflag:$0x3] =	sbarrier.arrive $0xFFFF  }
0xfc: {  	_ =	shalt  }

// kernel: kernel.13.cloned.1.call-start
scs
__scs_entry_jumppad:
0x0: {  	(pc) =	sbr.rel $0x88, $3  }
0x1: {  	(tag) =	ssettag $0x0;
	lr =	simm.s32 $0x1  }
0x2: {  	[smem:$0x3F97] =	sst lr;
	_ =	strace $0xD0000000  }
0x3: {  	_ = 	snop  }
0x4: {  	_ = 	snop  }
0x5: {  	_ = 	snop  }
0x6: {  	_ = 	snop  }
0x7: {  	_ = 	snop  }
__scs_overlays_trampoline_lowered:
0x8: {  	[smem:$0x3FA6] =	sst s0  }
0x9: {  	[smem:$0x3FA7] =	sst s1  }
0xa: {  	[smem:$0x3FA8] =	sst s2  }
0xb: {  	[smem:$0x3FA9] =	sst s3  }
0xc: {  	[smem:$0x3FAA] =	sst s4  }
0xd: {  	[smem:$0x3FAB] =	sst s5  }
0xe: {  	[smem:$0x3FAC] =	sst s6  }
0xf: {  	[smem:$0x3FAD] =	sst s7  }
0x10: {  	[smem:$0x3FAE] =	sst s8  }
0x11: {  	[smem:$0x3FAF] =	sst s9;
	s0 =	simm.s32 @!p0 $0x0  }
0x12: {  	s1 =	sld [smem:$0x3F95];
	s0 =	simm.s32 @p0 $0x1  }
0x13: {  	[smem:$0x3FB0] =	sst s0;
	s0 =	simm.s32 @!p1 $0x0  }
0x14: {  	s2 =	sld [smem:$0x3F94];
	s0 =	simm.s32 @p1 $0x1  }
0x15: {  	[smem:$0x3FB1] =	sst s0;
	s0 =	simm.s32 @!p2 $0x0  }
0x16: {  	s3 =	sld [smem:$0x3FDB];
	s0 =	simm.s32 @p2 $0x1  }
0x17: {  	s4 =	simm.s32 $0x1BF5;
	[smem:$0x3FB3] =	sst s0  }
0x18: {  	s0 =	sld [smem:$0x3F96];
	_ =	swait.ge [sflag:s4], $0x0  }
0x19: {  	s7 =	sld [smem:$0x3F97]  }
0x1a: {  	s8 =	sadd.s32 $0xFFFFE003, lr  }
0x1b: {  	s9 =	sadd.s32 $0xFFFFFEF7, lr;
	s5 =	simm.s32 $0xFFFFFFFF;
	p2 =	slt.u32 s8, $0xFFFFF086  }
0x1c: {  	p1 =	slt.u32 s9, $0xF7A;
	s5 =	simm.s32 @!p2 $0x0  }
0x1d: {  	s5 =	simm.s32 @p1 $0x1;
	p0 =	seq.s32 s7, s2  }
0x1e: {  	s7 =	smul.u32 @!p0 $0xF7A, s2;
	p2 =	seq.s32 @!p0 s5, $0x0  }
0x1f: {  	s9 =	smul.u32 $0xF7A, s1;
	s8 =	simm.s32 @!p0 $0x1BF5;
	p2 =	por !p2, p0  }
0x20: {  	[sflag:s8] =	ssyncset.s32 @!p0 $0xFFFFF086;
	s6 =	sadd.s32 @!p0 s3, s7;
	s7 =	simm.s32 @!p0 $0x108  }
0x21: {  	s3 =	sadd.s32 s3, s9;
	s6 =	sadd.s32 @!p0 $0x88, s6;
	s7 =	simm.s32 @p2 $0x1082  }
0x22: {  	[simem:s7], [sflag:s8] =	dma.local @!p0 [hbm:s6], $0xF7A  }
0x23: {  	s9 =	sor.u32 $0xD0000000, s2;
	s6 =	simm.s32 $0x108;
	_ =	swait.ge @!p0 [sflag:s8], $0x0  }
0x24: {  	s3 =	sadd.s32 $0x88, s3;
	s6 =	simm.s32 @!p1 $0x1082;
	[sflag:s4] =	ssyncset.s32 $0xFFFFF086  }
0x25: {  	[simem:s6], [sflag:s4] =	dma.local [hbm:s3], $0xF7A  }
0x26: {  	[smem:$0x3F97] =	sst s1;
	(tag) =	ssettag s2;
	_ =	strace s9  }
0x27: {  	s1 =	sld [smem:$0x3FA7]  }
0x28: {  	s2 =	sld [smem:$0x3FA8]  }
0x29: {  	s4 =	sld [smem:$0x3FAA]  }
0x2a: {  	p0 =	seq.s32 s5, $0x0;
	s5 =	sld [smem:$0x3FAB]  }
0x2b: {  	s6 =	sld [smem:$0x3FAC]  }
0x2c: {  	s7 =	sld [smem:$0x3FAD]  }
0x2d: {  	s3 =	simm.s32 $0x108;
	s8 =	sld [smem:$0x3FAE]  }
0x2e: {  	s3 =	simm.s32 @!p0 $0x1082;
	s9 =	sld [smem:$0x3FAF]  }
0x2f: {  	lr =	sadd.s32 s0, s3;
	s0 =	sld [smem:$0x3FA6]  }
0x30: {  	s3 =	sld [smem:$0x3FA9]  }
0x31: {  	[smem:$0x3FB2] =	sst s10  }
0x32: {  	s10 =	sld [smem:$0x3FB0];
	_ =	sdelay $0x3  }
0x33: {  	p0 =	seq.s32 s10, $0x1;
	s10 =	sld [smem:$0x3FB2];
	_ =	sdelay $0x3  }
0x34: {  	[smem:$0x3FB2] =	sst s10  }
0x35: {  	s10 =	sld [smem:$0x3FB1];
	_ =	sdelay $0x3  }
0x36: {  	p1 =	seq.s32 s10, $0x1;
	s10 =	sld [smem:$0x3FB2];
	_ =	sdelay $0x3  }
0x37: {  	[smem:$0x3FB2] =	sst s10  }
0x38: {  	s10 =	sld [smem:$0x3FB3]  }
0x39: {  	_ = 	snop;
	(pc) =	sbr.ind lr, $3  }
0x3a: {  	_ = 	snop  }
0x3b: {  	_ = 	snop  }
0x3c: {  	p2 =	seq.s32 s10, $0x1;
	s10 =	sld [smem:$0x3FB2]  }
0x3d: {  	_ =	shalt  }
0x3e: {  	_ =	shalt  }
0x3f: {  	_ =	shalt  }
0x40: {  	_ =	shalt  }
0x41: {  	_ =	shalt  }
0x42: {  	_ =	shalt  }
0x43: {  	_ =	shalt  }
0x44: {  	_ =	shalt  }
0x45: {  	_ =	shalt  }
0x46: {  	_ =	shalt  }
0x47: {  	_ =	shalt  }
0x48: {  	_ =	shalt  }
0x49: {  	_ =	shalt  }
0x4a: {  	_ =	shalt  }
0x4b: {  	_ =	shalt  }
0x4c: {  	_ =	shalt  }
0x4d: {  	_ =	shalt  }
0x4e: {  	_ =	shalt  }
0x4f: {  	_ =	shalt  }
0x50: {  	_ =	shalt  }
0x51: {  	_ =	shalt  }
0x52: {  	_ =	shalt  }
0x53: {  	_ =	shalt  }
0x54: {  	_ =	shalt  }
0x55: {  	_ =	shalt  }
0x56: {  	_ =	shalt  }
0x57: {  	_ =	shalt  }
0x58: {  	_ =	shalt  }
0x59: {  	_ =	shalt  }
0x5a: {  	_ =	shalt  }
0x5b: {  	_ =	shalt  }
0x5c: {  	_ =	shalt  }
0x5d: {  	_ =	shalt  }
0x5e: {  	_ =	shalt  }
0x5f: {  	_ =	shalt  }
0x60: {  	_ =	shalt  }
0x61: {  	_ =	shalt  }
0x62: {  	_ =	shalt  }
0x63: {  	_ =	shalt  }
0x64: {  	_ =	shalt  }
0x65: {  	_ =	shalt  }
0x66: {  	_ =	shalt  }
0x67: {  	_ =	shalt  }
0x68: {  	_ =	shalt  }
0x69: {  	_ =	shalt  }
0x6a: {  	_ =	shalt  }
0x6b: {  	_ =	shalt  }
0x6c: {  	_ =	shalt  }
0x6d: {  	_ =	shalt  }
0x6e: {  	_ =	shalt  }
0x6f: {  	_ =	shalt  }
0x70: {  	_ =	shalt  }
0x71: {  	_ =	shalt  }
0x72: {  	_ =	shalt  }
0x73: {  	_ =	shalt  }
0x74: {  	_ =	shalt  }
0x75: {  	_ =	shalt  }
0x76: {  	_ =	shalt  }
0x77: {  	_ =	shalt  }
0x78: {  	_ =	shalt  }
0x79: {  	_ =	shalt  }
0x7a: {  	_ =	shalt  }
0x7b: {  	_ =	shalt  }
0x7c: {  	_ =	shalt  }
0x7d: {  	_ =	shalt  }
0x7e: {  	_ =	shalt  }
0x7f: {  	_ =	shalt  }
0x80: {  	_ =	shalt  }
0x81: {  	_ =	shalt  }
0x82: {  	_ =	shalt  }
0x83: {  	_ =	shalt  }
0x84: {  	_ =	shalt  }
0x85: {  	_ =	shalt  }
0x86: {  	_ =	shalt  }
0x87: {  	_ =	shalt  }
.Lfunc_end0:
.L_simem_size_0:
called_computation.2_lowered:
.L_overlay_start_0:
0x88: {  	s2 =	sld [smem:$0x3FD9]  }
0x89: {  	s3 =	sld [smem:$0x3FFE];
	_ =	sdelay $0x1  }
0x8a: {  	s1 =	srdreg.scid  }
0x8b: {  	s0 =	sand.u32 $0x1, s1  }
0x8c: {  	s17 =	sshll.u32 s0, $0xA;
	s2 =	sadd.s32 s3, s2  }
0x8d: {  	s2 =	sadd.s32 s2, s17  }
0x8e: {  	[smem:$0x3FBE] =	sst s2  }
0x8f: {  	_ = 	snop  }
0x90: {  	s2 =	sld [smem:$0x3FD0];
	(tm) =	ssettm $0x1  }
0x91: {  	s18 =	sld [smem:$0x3FFB];
	_ =	sdelay $0x3  }
0x92: {  	_ =	strace s18  }
0x93: {  	s3 =	sld [smem:$0x3FFC];
	_ =	sdelay $0x3  }
0x94: {  	_ =	strace s3  }
0x95: {  	s3 =	sld [smem:$0x3FFD];
	_ =	sdelay $0x3  }
0x96: {  	_ =	strace s3  }
0x97: {  	_ =	strace $0x8FFFFFFF  }
0x98: {  	s19 =	sld [smem:$0x3FDB];
	_ =	sdelay $0x1  }
0x99: {  	s4 =	simm.s32 $_scs_section_size  }
0x9a: {  	s5 =	simm.s32 $_size__tile_overlayer_lowered;
	s6 =	simm.s32 $_tile_overlayer_lowered  }
0x9b: {  	s22 =	simm.s32 $0x1BFF;
	s21 =	sshll.u32 s6, $0x1;
	s3 =	sadd.s32 s4, s19  }
0x9c: {  	s7 =	simm.s32 $0x0;
	s20 =	sshll.u32 s5, $0x1;
	s5 =	sadd.s32 s21, s3  }
0x9d: {  	[timem:s7], [sflag:s22] =	dma.local [hbm:s5], s20  }
0x9e: {  	_ =	swait.ge [sflag:s22], s20  }
0x9f: {  	s4 =	ssub.s32 $0x0, s20;
	[sflag:s22] =	ssyncset.done $0x0  }
0xa0: {  	[sflag:s22] =	ssyncadd.s32 s4;
	_ =	sdelay $0x1  }
0xa1: {  	s23 =	simm.s32 $0x1B8B  }
0xa2: {  	_ =	swait.ge [sflag:s23], $0x1  }
0xa3: {  	[sflag:s23] =	ssyncset.done $0x0  }
0xa4: {  	s25 =	simm.s32 $0x1B8E;
	s24 =	sld [smem:$0x3FFE];
	[sflag:s23] =	ssyncadd.s32 $0xFFFFFFFF  }
0xa5: {  	s26 =	simm.s32 $execute0_lowered;
	[smem:$0x3FD2] =	sst s25  }
0xa6: {  	s5 =	sshll.u32 s26, $0x1;
	_ =	strace $0x8000004C;
	[dreg:$0x1] =	wrdreg $0xFFFFFFFF  }
0xa7: {  	s28 =	simm.s32 $_size_execute0_lowered;
	s3 =	sadd.s32 s3, s5;
	[dreg:$0x0] =	wrdreg $0x0  }
0xa8: {  	s5 =	sshll.u32 s28, $0x1;
	[dreg:$0x2] =	wrdreg s3  }
0xa9: {  	[dreg:$0x3] =	wrdreg s5  }
0xaa: {  	[dreg:$0x4] =	wrdreg $0xC0  }
0xab: {  	_ =	task [dreg:s7], $0x5FFFF  }
0xac: {  	[dreg:$0x1] =	wrdreg $0xFFFFFFFF  }
0xad: {  	[dreg:$0x0] =	wrdreg $0x60  }
0xae: {  	[dreg:$0x2] =	wrdreg s24  }
0xaf: {  	[dreg:$0x3] =	wrdreg s2  }
0xb0: {  	[dreg:$0x4] =	wrdreg $0x9  }
0xb1: {  	_ =	task.clear_ibuf [dreg:s7], $0x5FFFF;
	_ =	strace $0x9000004C  }
0xb2: {  	s29 =	simm.s32 $0x9;
	_ =	strace $0x8000004E  }
0xb3: {  	_ =	swait.ge [sflag:s29], $0x1  }
0xb4: {  	[sflag:s29] =	ssyncadd.s32 $0xFFFFFFFF  }
0xb5: {  	_ =	strace $0x9000004E  }
0xb6: {  	_ =	sfence  }
0xb7: {  	s30 =	sld [smem:$0x0];
	_ =	sdelay $0x2  }
0xb8: {  	s31 =	sshll.u32 s1, $0xD;
	s1 =	sshrl.u32 s1, $0x2  }
0xb9: {  	s3 =	sand.u32 $0x4000, s31;
	s1 =	sadd.s32 s1, s30  }
0xba: {  	s0 =	sor.u32 s3, s0;
	s1 =	sshll.u32 s1, $0x11  }
0xbb: {  	s0 =	sor.u32 s1, s0  }
0xbc: {  	s0 =	sadd.s32 $0x8F2B, s0  }
0xbd: {  	[sflag:s0] =	ssyncadd.remote.s32 $0x1  }
0xbe: {  	_ =	sfence.sel $0xFFFF  }
0xbf: {  	[dreg:$0x0] =	wrdreg $0xFFFFFFFF;
	(pc) =	sbr.abs _section_cstart, $3  }
0xc0: {  	[dreg:$0x1] =	wrdreg $0xFFFFFFFF  }
0xc1: {  	_ =	task.clear_ibuf [dreg:s7], $0x2FFFF;
	_ =	strace $0x9FFFFFFF  }
0xc2: {  	(tm) =	ssettm $0x7FFFFFFF  }
0xc3: {  	_ =	shalt  }
tec
execute0_lowered:
.L_overlay_start_1:
0x0: {  	(tag) =	ssettag $0x1  }
0x1: {  	s0 =	rddreg [dreg:$0x0]  }
0x2: {  	s9 =	rddreg [dreg:$0x1]  }
0x3: {  	s3 =	simm.s32 $0x0;
	s1 =	srdreg.scid;
	s2 =	stileid.u32  }
0x4: {  	s19 =	simm.s32 $0x3;
	s21 =	simm.s32 $0x200;
	s22 =	simm.s32 $0x4200  }
0x5: {  	s13 =	simm.s32 $0xEA00;
	s14 =	simm.s32 $0xF200;
	s16 =	simm.s32 $0x1  }
0x6: {  	s18 =	simm.s32 $0x2;
	[smem:$0x7FF] =	sst s3;
	s2 =	sshll.u32 s2, $0x9  }
0x7: {  	s20 =	simm.s32 $0x0;
	s4 =	sadd.s32 $0x103A00, s0;
	s6 =	sadd.s32 $0x103200, s0  }
0x8: {  	s1 =	sand.u32 $0x1, s1;
	s7 =	sadd.s32 $0x103600, s0;
	s10 =	sadd.s32 $0x103B00, s0  }
0x9: {  	s11 =	sadd.s32 $0x103C00, s0;
	s12 =	sadd.s32 $0x103D00, s0;
	s5 =	sshll.u32 s1, $0x8  }
0xa: {  	_ =	strace $0x8000004D;
	s1 =	ssub.s32 $0x2, s1;
	s5 =	sor.u32 s5, s2  }
0xb: {  	s24 =	sshrl.u32 s1, $0x1;
	s2 =	simm.s32 $0xD200;
	s8 =	sshrl.u32 s5, $0x3  }
0xc: {  	s1 =	ssub.s32 s1, s24;
	s29 =	sshll.u32 s5, $0x7;
	s30 =	sor.u32 $0x20, s5  }
0xd: {  	s17 =	sor.u32 $0x30, s5;
	s25 =	sadd.s32 s6, s8;
	[dreg:$0x7] =	wrdreg s30  }
.Ltmp0:
0xe: {  	s26 =	sadd.s32 s7, s8;
	[dreg:$0x3] =	wrdreg s25;
	(pc) =	sbr.rel .LBB2_1-.Ltmp0, $4  }
0xf: {  	s28 =	sor.u32 $0x2, s8;
	s31 =	smax.u32 s1, $0x1;
	[dreg:$0x4] =	wrdreg s26  }
0x10: {  	v2 =	vlaneseq.u32;
	s15 =	sadd.s32 s9, s29;
	s8 =	sadd.s32 s6, s28;
	[dreg:$0x8] =	wrdreg s31  }
0x11: {  	vm0 =	vmmov $0xffff;
	v1 =	vshrl.u32 v2, $0x3;
	s9 =	simm.s32 $0xE200;
	s0 =	sadd.s32 s7, s28;
	[dreg:$0x5] =	wrdreg s8  }
0x12: {  	v0 =	vand.u32 $0x7, v2;
	v2 =	vor.u32 $0x8, v2;
	v1 =	vmul.u32 $0x8, v1;
	s1 =	simm.s32 $0xFA00;
	[dreg:$0x6] =	wrdreg s0;
	s8 =	simm.s32 $0xDA00  }
.LBB2_10:
0x13: {  	s20 =	rddreg [dreg:$0x9]  }
0x14: {  	s0 =	rddreg [dreg:$0x8];
	s20 =	sadd.s32 $0x1, s20  }
0x15: {  	p0 =	sne.s32 s20, s0  }
.Ltmp1:
0x16: {  	_ = 	snop;
	(pc) =	sbr.rel @!p0 .LBB2_11-.Ltmp1, $1  }
0x17: {  	_ =	sdelay $0x3  }
.LBB2_1:
0x18: {  	[dreg:$0x9] =	wrdreg s20  }
0x19: {  	s0 =	rddreg [dreg:$0x3]  }
0x1a: {  	[tilespmem:s3], [sflag:$0x3] =	stream.linear.gather [hbm4b:s0+s3], $0x10, $0x38;
	[tilespmem:$0x10200] =	vst v63  }
0x1b: {  	_ =	swait.ge [sflag:s19], $0x10  }
0x1c: {  	[sflag:s19] =	ssyncset.done $0x0  }
0x1d: {  	s30 =	simm.s32 $0x100;
	s29 =	rddreg [dreg:$0x4];
	[sflag:s19] =	ssyncadd.s32 $0xFFFFFFF0  }
0x1e: {  	[tilespmem:s30], [sflag:$0x3] =	stream.linear.gather [hbm4b:s29+s3], $0x10, $0x38;
	[tilespmem:$0x10200] =	vst v63  }
0x1f: {  	_ =	swait.ge [sflag:s19], $0x10  }
0x20: {  	[sflag:s19] =	ssyncset.done $0x0  }
0x21: {  	[sflag:s19] =	ssyncadd.s32 $0xFFFFFFF0  }
0x22: {  	v3 =	vld [tilespmem:$0x0];
	_ =	sdelay $0x4  }
0x23: {  	v4 =	vshll.u32 v3, $0x3  }
0x24: {  	v3 =	vand.u32 $0x7, v3;
	v4 =	vand.u32 $0xFFFFFFC0, v4  }
0x25: {  	v3 =	vor.u32 v3, v4  }
0x26: {  	v4 =	vperm.xlane v3, v0;
	_ =	sdelay $0x1  }
0x27: {  	v4 =	vadd.s32 v1, v4;
	_ =	sdelay $0x4  }
0x28: {  	[tilespmem:s21], [sflag:$0x1] =	stream.indirect_vreg.gather [hbm4b:s4+s3], $0x80, v4, vm0, $0xb8;
	[tilespmem:$0x10200] =	vst v63  }
0x29: {  	s31 =	simm.s32 $0xA00;
	v3 =	vperm.xlane v3, v2  }
0x2a: {  	[tilespmem:s31], [sflag:$0x1] =	stream.indirect_vreg.gather [hbm4b:s10+s3], $0x80, v4, vm0, $0xb8;
	[tilespmem:$0x10200] =	vst v63  }
0x2b: {  	s20 =	simm.s32 $0x1200;
	v3 =	vadd.s32 v1, v3  }
0x2c: {  	[tilespmem:s20], [sflag:$0x1] =	stream.indirect_vreg.gather [hbm4b:s11+s3], $0x80, v4, vm0, $0xb8;
	[tilespmem:$0x10200] =	vst v63  }
0x2d: {  	s23 =	simm.s32 $0x1A00  }
0x2e: {  	[tilespmem:s23], [sflag:$0x1] =	stream.indirect_vreg.gather [hbm4b:s12+s3], $0x80, v4, vm0, $0xb8;
	[tilespmem:$0x10200] =	vst v63  }
0x2f: {  	s24 =	simm.s32 $0x2200  }
0x30: {  	[tilespmem:s24], [sflag:$0x1] =	stream.indirect_vreg.gather [hbm4b:s4+s3], $0x80, v3, vm0, $0xb8;
	[tilespmem:$0x10200] =	vst v63  }
0x31: {  	s25 =	simm.s32 $0x2A00  }
0x32: {  	[tilespmem:s25], [sflag:$0x1] =	stream.indirect_vreg.gather [hbm4b:s10+s3], $0x80, v3, vm0, $0xb8;
	[tilespmem:$0x10200] =	vst v63  }
0x33: {  	s26 =	simm.s32 $0x3200  }
0x34: {  	[tilespmem:s26], [sflag:$0x1] =	stream.indirect_vreg.gather [hbm4b:s11+s3], $0x80, v3, vm0, $0xb8;
	[tilespmem:$0x10200] =	vst v63  }
0x35: {  	s28 =	simm.s32 $0x3A00  }
0x36: {  	[tilespmem:s28], [sflag:$0x1] =	stream.indirect_vreg.gather [hbm4b:s12+s3], $0x80, v3, vm0, $0xb8;
	[tilespmem:$0x10200] =	vst v63  }
0x37: {  	v3 =	vld [tilespmem:$0x100];
	_ =	sdelay $0x4  }
0x38: {  	v61 =	vshll.u32 v3, $0x3  }
0x39: {  	v3 =	vand.u32 $0x7, v3;
	v4 =	vand.u32 $0xFFFFFFC0, v61  }
0x3a: {  	v3 =	vor.u32 v3, v4  }
0x3b: {  	v4 =	vperm.xlane v3, v0;
	_ =	sdelay $0x1  }
0x3c: {  	v4 =	vadd.s32 v1, v4;
	_ =	sdelay $0x3  }
0x3d: {  	s29 =	simm.s32 $0x8200  }
0x3e: {  	[tilespmem:s29], [sflag:$0x1] =	stream.indirect_vreg.gather [hbm4b:s4+s3], $0x80, v4, vm0, $0xb8;
	[tilespmem:$0x10200] =	vst v63  }
0x3f: {  	s30 =	simm.s32 $0x8A00;
	v3 =	vperm.xlane v3, v2  }
0x40: {  	[tilespmem:s30], [sflag:$0x1] =	stream.indirect_vreg.gather [hbm4b:s10+s3], $0x80, v4, vm0, $0xb8;
	[tilespmem:$0x10200] =	vst v63  }
0x41: {  	s31 =	simm.s32 $0x9200;
	v3 =	vadd.s32 v1, v3  }
0x42: {  	[tilespmem:s31], [sflag:$0x1] =	stream.indirect_vreg.gather [hbm4b:s11+s3], $0x80, v4, vm0, $0xb8;
	[tilespmem:$0x10200] =	vst v63  }
0x43: {  	s20 =	simm.s32 $0x9A00  }
0x44: {  	[tilespmem:s20], [sflag:$0x1] =	stream.indirect_vreg.gather [hbm4b:s12+s3], $0x80, v4, vm0, $0xb8;
	[tilespmem:$0x10200] =	vst v63  }
0x45: {  	s23 =	simm.s32 $0xA200  }
0x46: {  	[tilespmem:s23], [sflag:$0x1] =	stream.indirect_vreg.gather [hbm4b:s4+s3], $0x80, v3, vm0, $0xb8;
	[tilespmem:$0x10200] =	vst v63  }
0x47: {  	s24 =	simm.s32 $0xAA00  }
0x48: {  	[tilespmem:s24], [sflag:$0x1] =	stream.indirect_vreg.gather [hbm4b:s10+s3], $0x80, v3, vm0, $0xb8;
	[tilespmem:$0x10200] =	vst v63  }
0x49: {  	s25 =	simm.s32 $0xB200  }
0x4a: {  	[tilespmem:s25], [sflag:$0x1] =	stream.indirect_vreg.gather [hbm4b:s11+s3], $0x80, v3, vm0, $0xb8;
	[tilespmem:$0x10200] =	vst v63  }
0x4b: {  	s26 =	simm.s32 $0xBA00  }
0x4c: {  	[tilespmem:s26], [sflag:$0x1] =	stream.indirect_vreg.gather [hbm4b:s12+s3], $0x80, v3, vm0, $0xb8;
	[tilespmem:$0x10200] =	vst v63  }
0x4d: {  	s28 =	rddreg [dreg:$0x5];
	s29 =	simm.s32 $0x80  }
0x4e: {  	[tilespmem:s29], [sflag:$0x3] =	stream.linear.gather [hbm4b:s28+s3], $0x10, $0x38;
	[tilespmem:$0x10200] =	vst v63  }
0x4f: {  	_ =	swait.ge [sflag:s19], $0x10  }
0x50: {  	[sflag:s19] =	ssyncset.done $0x0  }
0x51: {  	s31 =	simm.s32 $0x180;
	s30 =	rddreg [dreg:$0x6];
	[sflag:s19] =	ssyncadd.s32 $0xFFFFFFF0  }
0x52: {  	[tilespmem:s31], [sflag:$0x3] =	stream.linear.gather [hbm4b:s30+s3], $0x10, $0x38;
	[tilespmem:$0x10200] =	vst v63  }
0x53: {  	_ =	swait.ge [sflag:s19], $0x10  }
0x54: {  	[sflag:s19] =	ssyncset.done $0x0  }
0x55: {  	[sflag:s19] =	ssyncadd.s32 $0xFFFFFFF0  }
0x56: {  	v3 =	vld [tilespmem:$0x80];
	_ =	sdelay $0x4  }
0x57: {  	v62 =	vshll.u32 v3, $0x3  }
0x58: {  	v3 =	vand.u32 $0x7, v3;
	v4 =	vand.u32 $0xFFFFFFC0, v62  }
0x59: {  	v3 =	vor.u32 v3, v4  }
0x5a: {  	v4 =	vperm.xlane v3, v0;
	_ =	sdelay $0x1  }
0x5b: {  	v4 =	vadd.s32 v1, v4;
	_ =	sdelay $0x4  }
0x5c: {  	[tilespmem:s22], [sflag:$0x2] =	stream.indirect_vreg.gather [hbm4b:s4+s3], $0x80, v4, vm0, $0xb8;
	[tilespmem:$0x10200] =	vst v63  }
0x5d: {  	s20 =	simm.s32 $0x4A00;
	v3 =	vperm.xlane v3, v2  }
0x5e: {  	[tilespmem:s20], [sflag:$0x2] =	stream.indirect_vreg.gather [hbm4b:s10+s3], $0x80, v4, vm0, $0xb8;
	[tilespmem:$0x10200] =	vst v63  }
0x5f: {  	s23 =	simm.s32 $0x5200;
	v3 =	vadd.s32 v1, v3  }
0x60: {  	[tilespmem:s23], [sflag:$0x2] =	stream.indirect_vreg.gather [hbm4b:s11+s3], $0x80, v4, vm0, $0xb8;
	[tilespmem:$0x10200] =	vst v63  }
0x61: {  	s24 =	simm.s32 $0x5A00  }
0x62: {  	[tilespmem:s24], [sflag:$0x2] =	stream.indirect_vreg.gather [hbm4b:s12+s3], $0x80, v4, vm0, $0xb8;
	[tilespmem:$0x10200] =	vst v63  }
0x63: {  	s25 =	simm.s32 $0x6200  }
0x64: {  	[tilespmem:s25], [sflag:$0x2] =	stream.indirect_vreg.gather [hbm4b:s4+s3], $0x80, v3, vm0, $0xb8;
	[tilespmem:$0x10200] =	vst v63  }
0x65: {  	s26 =	simm.s32 $0x6A00  }
0x66: {  	[tilespmem:s26], [sflag:$0x2] =	stream.indirect_vreg.gather [hbm4b:s10+s3], $0x80, v3, vm0, $0xb8;
	[tilespmem:$0x10200] =	vst v63  }
0x67: {  	s28 =	simm.s32 $0x7200  }
0x68: {  	[tilespmem:s28], [sflag:$0x2] =	stream.indirect_vreg.gather [hbm4b:s11+s3], $0x80, v3, vm0, $0xb8;
	[tilespmem:$0x10200] =	vst v63  }
0x69: {  	s29 =	simm.s32 $0x7A00  }
0x6a: {  	[tilespmem:s29], [sflag:$0x2] =	stream.indirect_vreg.gather [hbm4b:s12+s3], $0x80, v3, vm0, $0xb8;
	[tilespmem:$0x10200] =	vst v63  }
0x6b: {  	v3 =	vld [tilespmem:$0x180];
	_ =	sdelay $0x4  }
0x6c: {  	v63 =	vshll.u32 v3, $0x3  }
0x6d: {  	v3 =	vand.u32 $0x7, v3;
	v4 =	vand.u32 $0xFFFFFFC0, v63  }
0x6e: {  	v3 =	vor.u32 v3, v4  }
0x6f: {  	v4 =	vperm.xlane v3, v0;
	_ =	sdelay $0x1  }
0x70: {  	v4 =	vadd.s32 v1, v4;
	_ =	sdelay $0x3  }
0x71: {  	s30 =	simm.s32 $0xC200  }
0x72: {  	[tilespmem:s30], [sflag:$0x2] =	stream.indirect_vreg.gather [hbm4b:s4+s3], $0x80, v4, vm0, $0xb8;
	[tilespmem:$0x10200] =	vst v63  }
0x73: {  	s31 =	simm.s32 $0xCA00;
	v3 =	vperm.xlane v3, v2  }
0x74: {  	[tilespmem:s31], [sflag:$0x2] =	stream.indirect_vreg.gather [hbm4b:s10+s3], $0x80, v4, vm0, $0xb8;
	[tilespmem:$0x10200] =	vst v63  }
0x75: {  	v3 =	vadd.s32 v1, v3  }
0x76: {  	[tilespmem:s2], [sflag:$0x2] =	stream.indirect_vreg.gather [hbm4b:s11+s3], $0x80, v4, vm0, $0xb8;
	[tilespmem:$0x10200] =	vst v63  }
0x77: {  	_ = 	snop  }
0x78: {  	[tilespmem:s8], [sflag:$0x2] =	stream.indirect_vreg.gather [hbm4b:s12+s3], $0x80, v4, vm0, $0xb8;
	[tilespmem:$0x10200] =	vst v63  }
0x79: {  	_ = 	snop  }
0x7a: {  	[tilespmem:s9], [sflag:$0x2] =	stream.indirect_vreg.gather [hbm4b:s4+s3], $0x80, v3, vm0, $0xb8;
	[tilespmem:$0x10200] =	vst v63  }
0x7b: {  	_ = 	snop  }
0x7c: {  	[tilespmem:s13], [sflag:$0x2] =	stream.indirect_vreg.gather [hbm4b:s10+s3], $0x80, v3, vm0, $0xb8;
	[tilespmem:$0x10200] =	vst v63  }
0x7d: {  	_ = 	snop  }
0x7e: {  	[tilespmem:s14], [sflag:$0x2] =	stream.indirect_vreg.gather [hbm4b:s11+s3], $0x80, v3, vm0, $0xb8;
	[tilespmem:$0x10200] =	vst v63  }
0x7f: {  	s20 =	simm.s32 $0x0  }
0x80: {  	[tilespmem:s1], [sflag:$0x2] =	stream.indirect_vreg.gather [hbm4b:s12+s3], $0x80, v3, vm0, $0xb8;
	[tilespmem:$0x10200] =	vst v63  }
.LBB2_2:
0x81: {  	_ =	swait.ge [sflag:s16], $0x4000;
	s23 =	simm.s32 $0x0  }
0x82: {  	s25 =	simm.s32 $0x0;
	s26 =	simm.s32 $0x0;
	[sflag:s16] =	ssyncset.done $0x0  }
0x83: {  	s24 =	sand.u32 $0x70, s23;
	s23 =	sand.u32 $0x1C00, s23;
	[sflag:s16] =	ssyncadd.s32 $0xFFFFC000  }
0x84: {  	s25 =	sand.u32 $0x2000, s25;
	s23 =	sor.u32 s23, s24;
	_ =	swait.ge [sflag:s16], $0x4000  }
0x85: {  	s26 =	sand.u32 $0x380, s26;
	s23 =	sor.u32 s25, s23;
	[sflag:s16] =	ssyncset.done $0x0  }
0x86: {  	s23 =	sor.u32 s26, s23;
	[sflag:s16] =	ssyncadd.s32 $0xFFFFC000  }
0x87: {  	v3 =	vld [tilespmem:s23+$0x8200]  }
0x88: {  	v4 =	vld [tilespmem:s23+$0x200];
	_ =	sdelay $0x1  }
0x89: {  	s28 =	simm.s32 $0x2;
	s24 =	simm.s32 $0x10;
	s25 =	simm.s32 $0x80  }
0x8a: {  	s29 =	simm.s32 $0x10;
	s31 =	sand.u32 $0x70, s24;
	s30 =	sand.u32 $0x1C00, s25  }
0x8b: {  	s29 =	sand.u32 $0x2000, s29;
	s26 =	simm.s32 $0x2;
	s30 =	sor.u32 s30, s31  }
.LBB2_3:
0x8c: {  	p0 =	sne.s32 s26, $0x3FF;
	s28 =	sand.u32 $0x380, s28;
	s29 =	sor.u32 s29, s30;
	v4 =	vadd.bf16 v3, v4  }
0x8d: {  	s28 =	sor.u32 s28, s29  }
0x8e: {  	v3 =	vld [tilespmem:s28+$0x8200];
	[tilespmem:s23+$0x200] =	vst v4;
	s23 =	smov.u32 s28  }
.Ltmp2:
0x8f: {  	v4 =	vld [tilespmem:s23+$0x200];
	(pc) =	sbr.rel @p0 .LBB2_3-.Ltmp2, $4  }
0x90: {  	_ = 	snop  }
0x91: {  	s24 =	sadd.s32 $0x10, s24;
	s25 =	sadd.s32 $0x80, s25;
	s28 =	sshll.u32 s26, $0x1  }
0x92: {  	s30 =	sand.u32 $0x70, s24;
	s29 =	sshll.u32 s26, $0x4;
	s31 =	sand.u32 $0x1C00, s25  }
0x93: {  	s29 =	sand.u32 $0x2000, s29;
	s30 =	sor.u32 s31, s30;
	s26 =	sadd.s32 $0x1, s26  }
0x94: {  	s24 =	sand.u32 $0x380, s28;
	s25 =	sor.u32 s29, s30;
	v3 =	vadd.bf16 v3, v4  }
0x95: {  	s24 =	sor.u32 s24, s25  }
0x96: {  	v63 =	vld [tilespmem:s24+$0x8200];
	[tilespmem:s23+$0x200] =	vst v3  }
0x97: {  	v3 =	vld [tilespmem:s24+$0x200];
	_ =	sdelay $0x4  }
0x98: {  	v3 =	vadd.bf16 v63, v3  }
0x99: {  	s31 =	sshll.u32 s20, $0xC;
	p0 =	seq.s32 s20, $0x7  }
.Ltmp3:
0x9a: {  	s23 =	sadd.s32 s31, s15;
	[tilespmem:s24+$0x200] =	vst v3;
	(pc) =	sbr.rel @p0 .LBB2_6-.Ltmp3, $4  }
0x9b: {  	[hbm4b:s23+s3] =	stream.linear.scatter [tilespmem:s21], [sflag:$0x3], $0x4000, $0x38;
	[tilespmem:$0x10200] =	vst v63  }
0x9c: {  	_ =	swait.ge [sflag:s19], $0x4000  }
0x9d: {  	[sflag:s19] =	ssyncset.done $0x0  }
0x9e: {  	s23 =	sshll.u32 s20, $0x5;
	[sflag:s19] =	ssyncadd.s32 $0xFFFFC000  }
0x9f: {  	s0 =	rddreg [dreg:$0x7]  }
0xa0: {  	s24 =	sadd.s32 s23, s0  }
0xa1: {  	s24 =	sshrl.u32 s24, $0x3  }
0xa2: {  	s25 =	sadd.s32 s6, s24  }
0xa3: {  	[tilespmem:s3], [sflag:$0x3] =	stream.linear.gather [hbm4b:s25+s3], $0x10, $0x38;
	[tilespmem:$0x10200] =	vst v63  }
0xa4: {  	_ =	swait.ge [sflag:s19], $0x10  }
0xa5: {  	[sflag:s19] =	ssyncset.done $0x0  }
0xa6: {  	s30 =	simm.s32 $0x100;
	s24 =	sadd.s32 s7, s24;
	[sflag:s19] =	ssyncadd.s32 $0xFFFFFFF0  }
0xa7: {  	[tilespmem:s30], [sflag:$0x3] =	stream.linear.gather [hbm4b:s24+s3], $0x10, $0x38;
	[tilespmem:$0x10200] =	vst v63  }
0xa8: {  	_ =	swait.ge [sflag:s19], $0x10  }
0xa9: {  	[sflag:s19] =	ssyncset.done $0x0  }
0xaa: {  	[sflag:s19] =	ssyncadd.s32 $0xFFFFFFF0  }
0xab: {  	v3 =	vld [tilespmem:$0x0];
	_ =	sdelay $0x4  }
0xac: {  	v4 =	vshll.u32 v3, $0x3  }
0xad: {  	v3 =	vand.u32 $0x7, v3;
	v4 =	vand.u32 $0xFFFFFFC0, v4  }
0xae: {  	v3 =	vor.u32 v3, v4  }
0xaf: {  	v4 =	vperm.xlane v3, v0;
	_ =	sdelay $0x1  }
0xb0: {  	v4 =	vadd.s32 v1, v4;
	_ =	sdelay $0x4  }
0xb1: {  	[tilespmem:s21], [sflag:$0x1] =	stream.indirect_vreg.gather [hbm4b:s4+s3], $0x80, v4, vm0, $0xb8;
	[tilespmem:$0x10200] =	vst v63  }
0xb2: {  	s31 =	simm.s32 $0xA00;
	v3 =	vperm.xlane v3, v2  }
0xb3: {  	[tilespmem:s31], [sflag:$0x1] =	stream.indirect_vreg.gather [hbm4b:s10+s3], $0x80, v4, vm0, $0xb8;
	[tilespmem:$0x10200] =	vst v63  }
0xb4: {  	s24 =	simm.s32 $0x1200;
	v3 =	vadd.s32 v1, v3  }
0xb5: {  	[tilespmem:s24], [sflag:$0x1] =	stream.indirect_vreg.gather [hbm4b:s11+s3], $0x80, v4, vm0, $0xb8;
	[tilespmem:$0x10200] =	vst v63  }
0xb6: {  	s25 =	simm.s32 $0x1A00  }
0xb7: {  	[tilespmem:s25], [sflag:$0x1] =	stream.indirect_vreg.gather [hbm4b:s12+s3], $0x80, v4, vm0, $0xb8;
	[tilespmem:$0x10200] =	vst v63  }
0xb8: {  	s26 =	simm.s32 $0x2200  }
0xb9: {  	[tilespmem:s26], [sflag:$0x1] =	stream.indirect_vreg.gather [hbm4b:s4+s3], $0x80, v3, vm0, $0xb8;
	[tilespmem:$0x10200] =	vst v63  }
0xba: {  	s28 =	simm.s32 $0x2A00  }
0xbb: {  	[tilespmem:s28], [sflag:$0x1] =	stream.indirect_vreg.gather [hbm4b:s10+s3], $0x80, v3, vm0, $0xb8;
	[tilespmem:$0x10200] =	vst v63  }
0xbc: {  	s29 =	simm.s32 $0x3200  }
0xbd: {  	[tilespmem:s29], [sflag:$0x1] =	stream.indirect_vreg.gather [hbm4b:s11+s3], $0x80, v3, vm0, $0xb8;
	[tilespmem:$0x10200] =	vst v63  }
0xbe: {  	s30 =	simm.s32 $0x3A00  }
0xbf: {  	[tilespmem:s30], [sflag:$0x1] =	stream.indirect_vreg.gather [hbm4b:s12+s3], $0x80, v3, vm0, $0xb8;
	[tilespmem:$0x10200] =	vst v63  }
0xc0: {  	v3 =	vld [tilespmem:$0x100];
	_ =	sdelay $0x4  }
0xc1: {  	v63 =	vshll.u32 v3, $0x3  }
0xc2: {  	v3 =	vand.u32 $0x7, v3;
	v4 =	vand.u32 $0xFFFFFFC0, v63  }
0xc3: {  	v3 =	vor.u32 v3, v4  }
0xc4: {  	v4 =	vperm.xlane v3, v0;
	_ =	sdelay $0x1  }
0xc5: {  	v4 =	vadd.s32 v1, v4;
	_ =	sdelay $0x3  }
0xc6: {  	s31 =	simm.s32 $0x8200  }
0xc7: {  	[tilespmem:s31], [sflag:$0x1] =	stream.indirect_vreg.gather [hbm4b:s4+s3], $0x80, v4, vm0, $0xb8;
	[tilespmem:$0x10200] =	vst v63  }
0xc8: {  	s24 =	simm.s32 $0x8A00;
	v3 =	vperm.xlane v3, v2  }
0xc9: {  	[tilespmem:s24], [sflag:$0x1] =	stream.indirect_vreg.gather [hbm4b:s10+s3], $0x80, v4, vm0, $0xb8;
	[tilespmem:$0x10200] =	vst v63  }
0xca: {  	s25 =	simm.s32 $0x9200;
	v3 =	vadd.s32 v1, v3  }
0xcb: {  	[tilespmem:s25], [sflag:$0x1] =	stream.indirect_vreg.gather [hbm4b:s11+s3], $0x80, v4, vm0, $0xb8;
	[tilespmem:$0x10200] =	vst v63  }
0xcc: {  	s26 =	simm.s32 $0x9A00  }
0xcd: {  	[tilespmem:s26], [sflag:$0x1] =	stream.indirect_vreg.gather [hbm4b:s12+s3], $0x80, v4, vm0, $0xb8;
	[tilespmem:$0x10200] =	vst v63  }
0xce: {  	s28 =	simm.s32 $0xA200  }
0xcf: {  	[tilespmem:s28], [sflag:$0x1] =	stream.indirect_vreg.gather [hbm4b:s4+s3], $0x80, v3, vm0, $0xb8;
	[tilespmem:$0x10200] =	vst v63  }
0xd0: {  	s29 =	simm.s32 $0xAA00  }
0xd1: {  	[tilespmem:s29], [sflag:$0x1] =	stream.indirect_vreg.gather [hbm4b:s10+s3], $0x80, v3, vm0, $0xb8;
	[tilespmem:$0x10200] =	vst v63  }
0xd2: {  	s30 =	simm.s32 $0xB200  }
0xd3: {  	[tilespmem:s30], [sflag:$0x1] =	stream.indirect_vreg.gather [hbm4b:s11+s3], $0x80, v3, vm0, $0xb8;
	[tilespmem:$0x10200] =	vst v63  }
0xd4: {  	s31 =	simm.s32 $0xBA00  }
0xd5: {  	[tilespmem:s31], [sflag:$0x1] =	stream.indirect_vreg.gather [hbm4b:s12+s3], $0x80, v3, vm0, $0xb8;
	[tilespmem:$0x10200] =	vst v63  }
.LBB2_6:
0xd6: {  	_ =	swait.ge [sflag:s18], $0x4000;
	s24 =	simm.s32 $0x0  }
0xd7: {  	s26 =	simm.s32 $0x0;
	s28 =	simm.s32 $0x0;
	[sflag:s18] =	ssyncset.done $0x0  }
0xd8: {  	s25 =	sand.u32 $0x70, s24;
	s24 =	sand.u32 $0x1C00, s24;
	[sflag:s18] =	ssyncadd.s32 $0xFFFFC000  }
0xd9: {  	s26 =	sand.u32 $0x2000, s26;
	s24 =	sor.u32 s25, s24;
	_ =	swait.ge [sflag:s18], $0x4000  }
0xda: {  	s0 =	sand.u32 $0x380, s28;
	s24 =	sor.u32 s26, s24;
	[sflag:s18] =	ssyncset.done $0x0  }
0xdb: {  	s24 =	sor.u32 s0, s24;
	[sflag:s18] =	ssyncadd.s32 $0xFFFFC000  }
0xdc: {  	v3 =	vld [tilespmem:s24+$0xC200]  }
0xdd: {  	v4 =	vld [tilespmem:s24+$0x4200];
	_ =	sdelay $0x1  }
0xde: {  	s29 =	simm.s32 $0x2;
	s25 =	simm.s32 $0x10;
	s26 =	simm.s32 $0x80  }
0xdf: {  	s30 =	simm.s32 $0x10;
	s28 =	sand.u32 $0x70, s25;
	s31 =	sand.u32 $0x1C00, s26  }
0xe0: {  	s30 =	sand.u32 $0x2000, s30;
	s31 =	sor.u32 s28, s31;
	s28 =	simm.s32 $0x2  }
.LBB2_7:
0xe1: {  	p1 =	sne.s32 s28, $0x3FF;
	s29 =	sand.u32 $0x380, s29;
	s30 =	sor.u32 s30, s31;
	v4 =	vadd.bf16 v3, v4  }
0xe2: {  	s29 =	sor.u32 s29, s30  }
0xe3: {  	v3 =	vld [tilespmem:s29+$0xC200];
	[tilespmem:s24+$0x4200] =	vst v4;
	s24 =	smov.u32 s29  }
.Ltmp4:
0xe4: {  	v4 =	vld [tilespmem:s24+$0x4200];
	(pc) =	sbr.rel @p1 .LBB2_7-.Ltmp4, $4  }
0xe5: {  	_ = 	snop  }
0xe6: {  	s25 =	sadd.s32 $0x10, s25;
	s26 =	sadd.s32 $0x80, s26;
	s29 =	sshll.u32 s28, $0x1  }
0xe7: {  	s31 =	sand.u32 $0x70, s25;
	s30 =	sshll.u32 s28, $0x4;
	s0 =	sand.u32 $0x1C00, s26  }
0xe8: {  	s30 =	sand.u32 $0x2000, s30;
	s31 =	sor.u32 s31, s0;
	s28 =	sadd.s32 $0x1, s28  }
0xe9: {  	s0 =	sand.u32 $0x380, s29;
	s25 =	sor.u32 s30, s31;
	v3 =	vadd.bf16 v3, v4  }
0xea: {  	s0 =	sor.u32 s0, s25  }
0xeb: {  	v63 =	vld [tilespmem:s0+$0xC200];
	[tilespmem:s24+$0x4200] =	vst v3  }
0xec: {  	v3 =	vld [tilespmem:s0+$0x4200];
	_ =	sdelay $0x3  }
0xed: {  	s29 =	sadd.s32 s23, s5  }
0xee: {  	s30 =	rddreg [dreg:$0x1];
	s24 =	sshll.u32 s29, $0x7;
	v3 =	vadd.bf16 v63, v3  }
0xef: {  	s24 =	sadd.s32 s30, s24  }
.Ltmp5:
0xf0: {  	s31 =	sadd.s32 $0x800, s24;
	[tilespmem:s0+$0x4200] =	vst v3;
	(pc) =	sbr.rel @p0 .LBB2_10-.Ltmp5, $4  }
0xf1: {  	[hbm4b:s31+s3] =	stream.linear.scatter [tilespmem:s22], [sflag:$0x3], $0x4000, $0x38;
	[tilespmem:$0x10200] =	vst v63  }
0xf2: {  	_ =	swait.ge [sflag:s19], $0x4000  }
0xf3: {  	[sflag:s19] =	ssyncset.done $0x0  }
0xf4: {  	[sflag:s19] =	ssyncadd.s32 $0xFFFFC000  }
0xf5: {  	s0 =	sadd.s32 s23, s17  }
0xf6: {  	s0 =	sshrl.u32 s0, $0x3  }
0xf7: {  	s24 =	simm.s32 $0x80;
	s29 =	sadd.s32 s6, s0  }
0xf8: {  	[tilespmem:s24], [sflag:$0x3] =	stream.linear.gather [hbm4b:s29+s3], $0x10, $0x38;
	[tilespmem:$0x10200] =	vst v63  }
0xf9: {  	_ =	swait.ge [sflag:s19], $0x10  }
0xfa: {  	[sflag:s19] =	ssyncset.done $0x0  }
0xfb: {  	s30 =	simm.s32 $0x180;
	s0 =	sadd.s32 s7, s0;
	[sflag:s19] =	ssyncadd.s32 $0xFFFFFFF0  }
0xfc: {  	[tilespmem:s30], [sflag:$0x3] =	stream.linear.gather [hbm4b:s0+s3], $0x10, $0x38;
	[tilespmem:$0x10200] =	vst v63  }
0xfd: {  	_ =	swait.ge [sflag:s19], $0x10  }
0xfe: {  	[sflag:s19] =	ssyncset.done $0x0  }
0xff: {  	[sflag:s19] =	ssyncadd.s32 $0xFFFFFFF0  }
0x100: {  	v3 =	vld [tilespmem:$0x80];
	_ =	sdelay $0x4  }
0x101: {  	v4 =	vshll.u32 v3, $0x3  }
0x102: {  	v3 =	vand.u32 $0x7, v3;
	v4 =	vand.u32 $0xFFFFFFC0, v4  }
0x103: {  	v3 =	vor.u32 v3, v4  }
0x104: {  	v4 =	vperm.xlane v3, v0;
	_ =	sdelay $0x1  }
0x105: {  	v4 =	vadd.s32 v1, v4;
	_ =	sdelay $0x4  }
0x106: {  	[tilespmem:s22], [sflag:$0x2] =	stream.indirect_vreg.gather [hbm4b:s4+s3], $0x80, v4, vm0, $0xb8;
	[tilespmem:$0x10200] =	vst v63  }
0x107: {  	s31 =	simm.s32 $0x4A00;
	v3 =	vperm.xlane v3, v2  }
0x108: {  	[tilespmem:s31], [sflag:$0x2] =	stream.indirect_vreg.gather [hbm4b:s10+s3], $0x80, v4, vm0, $0xb8;
	[tilespmem:$0x10200] =	vst v63  }
0x109: {  	s23 =	simm.s32 $0x5200;
	v3 =	vadd.s32 v1, v3  }
0x10a: {  	[tilespmem:s23], [sflag:$0x2] =	stream.indirect_vreg.gather [hbm4b:s11+s3], $0x80, v4, vm0, $0xb8;
	[tilespmem:$0x10200] =	vst v63  }
0x10b: {  	s24 =	simm.s32 $0x5A00  }
0x10c: {  	[tilespmem:s24], [sflag:$0x2] =	stream.indirect_vreg.gather [hbm4b:s12+s3], $0x80, v4, vm0, $0xb8;
	[tilespmem:$0x10200] =	vst v63  }
0x10d: {  	s25 =	simm.s32 $0x6200  }
0x10e: {  	[tilespmem:s25], [sflag:$0x2] =	stream.indirect_vreg.gather [hbm4b:s4+s3], $0x80, v3, vm0, $0xb8;
	[tilespmem:$0x10200] =	vst v63  }
0x10f: {  	s26 =	simm.s32 $0x6A00  }
0x110: {  	[tilespmem:s26], [sflag:$0x2] =	stream.indirect_vreg.gather [hbm4b:s10+s3], $0x80, v3, vm0, $0xb8;
	[tilespmem:$0x10200] =	vst v63  }
0x111: {  	s28 =	simm.s32 $0x7200  }
0x112: {  	[tilespmem:s28], [sflag:$0x2] =	stream.indirect_vreg.gather [hbm4b:s11+s3], $0x80, v3, vm0, $0xb8;
	[tilespmem:$0x10200] =	vst v63  }
0x113: {  	s29 =	simm.s32 $0x7A00  }
0x114: {  	[tilespmem:s29], [sflag:$0x2] =	stream.indirect_vreg.gather [hbm4b:s12+s3], $0x80, v3, vm0, $0xb8;
	[tilespmem:$0x10200] =	vst v63  }
0x115: {  	v3 =	vld [tilespmem:$0x180];
	_ =	sdelay $0x4  }
0x116: {  	v63 =	vshll.u32 v3, $0x3  }
0x117: {  	v3 =	vand.u32 $0x7, v3;
	v4 =	vand.u32 $0xFFFFFFC0, v63  }
0x118: {  	v3 =	vor.u32 v3, v4  }
0x119: {  	v4 =	vperm.xlane v3, v0;
	_ =	sdelay $0x1  }
0x11a: {  	v4 =	vadd.s32 v1, v4;
	_ =	sdelay $0x3  }
0x11b: {  	s30 =	simm.s32 $0xC200  }
0x11c: {  	[tilespmem:s30], [sflag:$0x2] =	stream.indirect_vreg.gather [hbm4b:s4+s3], $0x80, v4, vm0, $0xb8;
	[tilespmem:$0x10200] =	vst v63  }
0x11d: {  	s31 =	simm.s32 $0xCA00;
	v3 =	vperm.xlane v3, v2  }
0x11e: {  	[tilespmem:s31], [sflag:$0x2] =	stream.indirect_vreg.gather [hbm4b:s10+s3], $0x80, v4, vm0, $0xb8;
	[tilespmem:$0x10200] =	vst v63  }
0x11f: {  	v3 =	vadd.s32 v1, v3  }
0x120: {  	[tilespmem:s2], [sflag:$0x2] =	stream.indirect_vreg.gather [hbm4b:s11+s3], $0x80, v4, vm0, $0xb8;
	[tilespmem:$0x10200] =	vst v63  }
0x121: {  	_ = 	snop  }
0x122: {  	[tilespmem:s8], [sflag:$0x2] =	stream.indirect_vreg.gather [hbm4b:s12+s3], $0x80, v4, vm0, $0xb8;
	[tilespmem:$0x10200] =	vst v63  }
0x123: {  	_ = 	snop  }
0x124: {  	[tilespmem:s9], [sflag:$0x2] =	stream.indirect_vreg.gather [hbm4b:s4+s3], $0x80, v3, vm0, $0xb8;
	[tilespmem:$0x10200] =	vst v63  }
0x125: {  	_ = 	snop  }
0x126: {  	[tilespmem:s13], [sflag:$0x2] =	stream.indirect_vreg.gather [hbm4b:s10+s3], $0x80, v3, vm0, $0xb8;
	[tilespmem:$0x10200] =	vst v63  }
.Ltmp6:
0x127: {  	_ = 	snop;
	(pc) =	sbr.rel .LBB2_2-.Ltmp6, $4  }
0x128: {  	_ = 	snop  }
0x129: {  	[tilespmem:s14], [sflag:$0x2] =	stream.indirect_vreg.gather [hbm4b:s11+s3], $0x80, v3, vm0, $0xb8;
	[tilespmem:$0x10200] =	vst v63  }
0x12a: {  	s20 =	sadd.s32 $0x1, s20  }
0x12b: {  	[tilespmem:s1], [sflag:$0x2] =	stream.indirect_vreg.gather [hbm4b:s12+s3], $0x80, v3, vm0, $0xb8;
	[tilespmem:$0x10200] =	vst v63  }
.LBB2_11:
0x12c: {  	_ =	sfence.sel $0x180000  }
0x12d: {  	[bflag:$0x0] =	sbarrier.arrive $0xFFFF  }
0x12e: {  	_ =	strace $0x9000004D  }
0x12f: {  	s0 =	stileid.u32;
	[bflag:$0x2] =	sbarrier.arrive $0xFFFF  }
0x130: {  	p0 =	sne.s32 s0, $0x0;
	s0 =	rddreg [dreg:$0x2]  }
0x131: {  	s0 =	sadd.s32 @!p0 $0x100000, s0  }
0x132: {  	[sflag:s0] =	ssyncadd.tile.s32 @!p0 $0x1;
	_ =	shalt  }
.Lfunc_end2:
_tile_overlayer_lowered:
.L_overlay_start_2:
0x133: {  	(tag) =	ssettag $0x2  }
0x134: {  	s0 =	rddreg [dreg:$0x0];
	s2 =	stileid.u32  }
0x135: {  	s1 =	rddreg [dreg:$0x1];
	p0 =	sne.s32 s2, $0x0  }
0x136: {  	s3 =	rddreg [dreg:$0x2];
	[bflag:$0x3] =	sbarrier.arrive $0xFFFF;
	s2 =	simm.s32 @!p0 $0x1C03  }
0x137: {  	[timem:s3], [sflag:s2] =	dma.local @!p0 [hbm:s0], s1  }
0x138: {  	s0 =	simm.s32 @!p0 $0x3  }
0x139: {  	_ =	swait.ge @!p0 [sflag:s0], s1  }
0x13a: {  	s1 =	ssub.s32 @!p0 $0x0, s1;
	[sflag:s0] =	ssyncset.done @!p0 $0x0  }
0x13b: {  	[sflag:s0] =	ssyncadd.s32 @!p0 s1  }
0x13c: {  	[bflag:$0x3] =	sbarrier.arrive $0xFFFF  }
0x13d: {  	_ =	shalt  }

// kernel: kernel.7.cloned.1.call-start
scs
__scs_entry_jumppad:
0x0: {  	(pc) =	sbr.rel $0x88, $3  }
0x1: {  	(tag) =	ssettag $0x0;
	lr =	simm.s32 $0x1  }
0x2: {  	[smem:$0x3F97] =	sst lr;
	_ =	strace $0xD0000000  }
0x3: {  	_ = 	snop  }
0x4: {  	_ = 	snop  }
0x5: {  	_ = 	snop  }
0x6: {  	_ = 	snop  }
0x7: {  	_ = 	snop  }
__scs_overlays_trampoline_lowered:
0x8: {  	[smem:$0x3FA6] =	sst s0  }
0x9: {  	[smem:$0x3FA7] =	sst s1  }
0xa: {  	[smem:$0x3FA8] =	sst s2  }
0xb: {  	[smem:$0x3FA9] =	sst s3  }
0xc: {  	[smem:$0x3FAA] =	sst s4  }
0xd: {  	[smem:$0x3FAB] =	sst s5  }
0xe: {  	[smem:$0x3FAC] =	sst s6  }
0xf: {  	[smem:$0x3FAD] =	sst s7  }
0x10: {  	[smem:$0x3FAE] =	sst s8  }
0x11: {  	[smem:$0x3FAF] =	sst s9;
	s0 =	simm.s32 @!p0 $0x0  }
0x12: {  	s1 =	sld [smem:$0x3F95];
	s0 =	simm.s32 @p0 $0x1  }
0x13: {  	[smem:$0x3FB0] =	sst s0;
	s0 =	simm.s32 @!p1 $0x0  }
0x14: {  	s2 =	sld [smem:$0x3F94];
	s0 =	simm.s32 @p1 $0x1  }
0x15: {  	[smem:$0x3FB1] =	sst s0;
	s0 =	simm.s32 @!p2 $0x0  }
0x16: {  	s3 =	sld [smem:$0x3FDB];
	s0 =	simm.s32 @p2 $0x1  }
0x17: {  	s4 =	simm.s32 $0x1BF5;
	[smem:$0x3FB3] =	sst s0  }
0x18: {  	s0 =	sld [smem:$0x3F96];
	_ =	swait.ge [sflag:s4], $0x0  }
0x19: {  	s7 =	sld [smem:$0x3F97]  }
0x1a: {  	s8 =	sadd.s32 $0xFFFFE003, lr  }
0x1b: {  	s9 =	sadd.s32 $0xFFFFFEF7, lr;
	s5 =	simm.s32 $0xFFFFFFFF;
	p2 =	slt.u32 s8, $0xFFFFF086  }
0x1c: {  	p1 =	slt.u32 s9, $0xF7A;
	s5 =	simm.s32 @!p2 $0x0  }
0x1d: {  	s5 =	simm.s32 @p1 $0x1;
	p0 =	seq.s32 s7, s2  }
0x1e: {  	s7 =	smul.u32 @!p0 $0xF7A, s2;
	p2 =	seq.s32 @!p0 s5, $0x0  }
0x1f: {  	s9 =	smul.u32 $0xF7A, s1;
	s8 =	simm.s32 @!p0 $0x1BF5;
	p2 =	por !p2, p0  }
0x20: {  	[sflag:s8] =	ssyncset.s32 @!p0 $0xFFFFF086;
	s6 =	sadd.s32 @!p0 s3, s7;
	s7 =	simm.s32 @!p0 $0x108  }
0x21: {  	s3 =	sadd.s32 s3, s9;
	s6 =	sadd.s32 @!p0 $0x88, s6;
	s7 =	simm.s32 @p2 $0x1082  }
0x22: {  	[simem:s7], [sflag:s8] =	dma.local @!p0 [hbm:s6], $0xF7A  }
0x23: {  	s9 =	sor.u32 $0xD0000000, s2;
	s6 =	simm.s32 $0x108;
	_ =	swait.ge @!p0 [sflag:s8], $0x0  }
0x24: {  	s3 =	sadd.s32 $0x88, s3;
	s6 =	simm.s32 @!p1 $0x1082;
	[sflag:s4] =	ssyncset.s32 $0xFFFFF086  }
0x25: {  	[simem:s6], [sflag:s4] =	dma.local [hbm:s3], $0xF7A  }
0x26: {  	[smem:$0x3F97] =	sst s1;
	(tag) =	ssettag s2;
	_ =	strace s9  }
0x27: {  	s1 =	sld [smem:$0x3FA7]  }
0x28: {  	s2 =	sld [smem:$0x3FA8]  }
0x29: {  	s4 =	sld [smem:$0x3FAA]  }
0x2a: {  	p0 =	seq.s32 s5, $0x0;
	s5 =	sld [smem:$0x3FAB]  }
0x2b: {  	s6 =	sld [smem:$0x3FAC]  }
0x2c: {  	s7 =	sld [smem:$0x3FAD]  }
0x2d: {  	s3 =	simm.s32 $0x108;
	s8 =	sld [smem:$0x3FAE]  }
0x2e: {  	s3 =	simm.s32 @!p0 $0x1082;
	s9 =	sld [smem:$0x3FAF]  }
0x2f: {  	lr =	sadd.s32 s0, s3;
	s0 =	sld [smem:$0x3FA6]  }
0x30: {  	s3 =	sld [smem:$0x3FA9]  }
0x31: {  	[smem:$0x3FB2] =	sst s10  }
0x32: {  	s10 =	sld [smem:$0x3FB0];
	_ =	sdelay $0x3  }
0x33: {  	p0 =	seq.s32 s10, $0x1;
	s10 =	sld [smem:$0x3FB2];
	_ =	sdelay $0x3  }
0x34: {  	[smem:$0x3FB2] =	sst s10  }
0x35: {  	s10 =	sld [smem:$0x3FB1];
	_ =	sdelay $0x3  }
0x36: {  	p1 =	seq.s32 s10, $0x1;
	s10 =	sld [smem:$0x3FB2];
	_ =	sdelay $0x3  }
0x37: {  	[smem:$0x3FB2] =	sst s10  }
0x38: {  	s10 =	sld [smem:$0x3FB3]  }
0x39: {  	_ = 	snop;
	(pc) =	sbr.ind lr, $3  }
0x3a: {  	_ = 	snop  }
0x3b: {  	_ = 	snop  }
0x3c: {  	p2 =	seq.s32 s10, $0x1;
	s10 =	sld [smem:$0x3FB2]  }
0x3d: {  	_ =	shalt  }
0x3e: {  	_ =	shalt  }
0x3f: {  	_ =	shalt  }
0x40: {  	_ =	shalt  }
0x41: {  	_ =	shalt  }
0x42: {  	_ =	shalt  }
0x43: {  	_ =	shalt  }
0x44: {  	_ =	shalt  }
0x45: {  	_ =	shalt  }
0x46: {  	_ =	shalt  }
0x47: {  	_ =	shalt  }
0x48: {  	_ =	shalt  }
0x49: {  	_ =	shalt  }
0x4a: {  	_ =	shalt  }
0x4b: {  	_ =	shalt  }
0x4c: {  	_ =	shalt  }
0x4d: {  	_ =	shalt  }
0x4e: {  	_ =	shalt  }
0x4f: {  	_ =	shalt  }
0x50: {  	_ =	shalt  }
0x51: {  	_ =	shalt  }
0x52: {  	_ =	shalt  }
0x53: {  	_ =	shalt  }
0x54: {  	_ =	shalt  }
0x55: {  	_ =	shalt  }
0x56: {  	_ =	shalt  }
0x57: {  	_ =	shalt  }
0x58: {  	_ =	shalt  }
0x59: {  	_ =	shalt  }
0x5a: {  	_ =	shalt  }
0x5b: {  	_ =	shalt  }
0x5c: {  	_ =	shalt  }
0x5d: {  	_ =	shalt  }
0x5e: {  	_ =	shalt  }
0x5f: {  	_ =	shalt  }
0x60: {  	_ =	shalt  }
0x61: {  	_ =	shalt  }
0x62: {  	_ =	shalt  }
0x63: {  	_ =	shalt  }
0x64: {  	_ =	shalt  }
0x65: {  	_ =	shalt  }
0x66: {  	_ =	shalt  }
0x67: {  	_ =	shalt  }
0x68: {  	_ =	shalt  }
0x69: {  	_ =	shalt  }
0x6a: {  	_ =	shalt  }
0x6b: {  	_ =	shalt  }
0x6c: {  	_ =	shalt  }
0x6d: {  	_ =	shalt  }
0x6e: {  	_ =	shalt  }
0x6f: {  	_ =	shalt  }
0x70: {  	_ =	shalt  }
0x71: {  	_ =	shalt  }
0x72: {  	_ =	shalt  }
0x73: {  	_ =	shalt  }
0x74: {  	_ =	shalt  }
0x75: {  	_ =	shalt  }
0x76: {  	_ =	shalt  }
0x77: {  	_ =	shalt  }
0x78: {  	_ =	shalt  }
0x79: {  	_ =	shalt  }
0x7a: {  	_ =	shalt  }
0x7b: {  	_ =	shalt  }
0x7c: {  	_ =	shalt  }
0x7d: {  	_ =	shalt  }
0x7e: {  	_ =	shalt  }
0x7f: {  	_ =	shalt  }
0x80: {  	_ =	shalt  }
0x81: {  	_ =	shalt  }
0x82: {  	_ =	shalt  }
0x83: {  	_ =	shalt  }
0x84: {  	_ =	shalt  }
0x85: {  	_ =	shalt  }
0x86: {  	_ =	shalt  }
0x87: {  	_ =	shalt  }
.Lfunc_end0:
.L_simem_size_0:
called_computation_lowered:
.L_overlay_start_0:
0x88: {  	s0 =	sld [smem:$0x3FD9]  }
0x89: {  	s1 =	sld [smem:$0x3FFE];
	_ =	sdelay $0x3  }
0x8a: {  	s0 =	sadd.s32 s1, s0  }
0x8b: {  	[smem:$0x3FBE] =	sst s0  }
0x8c: {  	_ = 	snop  }
0x8d: {  	s0 =	sld [smem:$0x3FD0];
	(tm) =	ssettm $0x1  }
0x8e: {  	s16 =	sld [smem:$0x3FFB];
	_ =	sdelay $0x3  }
0x8f: {  	_ =	strace s16  }
0x90: {  	s1 =	sld [smem:$0x3FFC];
	_ =	sdelay $0x3  }
0x91: {  	_ =	strace s1  }
0x92: {  	s1 =	sld [smem:$0x3FFD];
	_ =	sdelay $0x3  }
0x93: {  	_ =	strace s1  }
0x94: {  	_ =	strace $0x8FFFFFFF  }
0x95: {  	s17 =	sld [smem:$0x3FDB];
	_ =	sdelay $0x1  }
0x96: {  	s2 =	simm.s32 $_scs_section_size  }
0x97: {  	s3 =	simm.s32 $_size__tile_overlayer_lowered;
	s4 =	simm.s32 $_tile_overlayer_lowered  }
0x98: {  	s20 =	simm.s32 $0x1BFF;
	s19 =	sshll.u32 s4, $0x1;
	s1 =	sadd.s32 s2, s17  }
0x99: {  	s5 =	simm.s32 $0x0;
	s18 =	sshll.u32 s3, $0x1;
	s3 =	sadd.s32 s19, s1  }
0x9a: {  	[timem:s5], [sflag:s20] =	dma.local [hbm:s3], s18  }
0x9b: {  	_ =	swait.ge [sflag:s20], s18  }
0x9c: {  	s2 =	ssub.s32 $0x0, s18;
	[sflag:s20] =	ssyncset.done $0x0  }
0x9d: {  	[sflag:s20] =	ssyncadd.s32 s2;
	_ =	sdelay $0x1  }
0x9e: {  	s21 =	simm.s32 $0x1B8B  }
0x9f: {  	_ =	swait.ge [sflag:s21], $0x1  }
0xa0: {  	[sflag:s21] =	ssyncset.done $0x0  }
0xa1: {  	s23 =	simm.s32 $0x1B8E;
	s22 =	sld [smem:$0x3FFE];
	[sflag:s21] =	ssyncadd.s32 $0xFFFFFFFF  }
0xa2: {  	s24 =	simm.s32 $execute0_lowered;
	[smem:$0x3FD2] =	sst s23  }
0xa3: {  	s3 =	sshll.u32 s24, $0x1;
	_ =	strace $0x80000046;
	[dreg:$0x1] =	wrdreg $0xFFFFFFFF  }
0xa4: {  	s25 =	simm.s32 $_size_execute0_lowered;
	s1 =	sadd.s32 s1, s3;
	[dreg:$0x0] =	wrdreg $0x0  }
0xa5: {  	s3 =	sshll.u32 s25, $0x1;
	[dreg:$0x2] =	wrdreg s1  }
0xa6: {  	[dreg:$0x3] =	wrdreg s3  }
0xa7: {  	[dreg:$0x4] =	wrdreg $0xC0  }
0xa8: {  	_ =	task [dreg:s5], $0x5FFFF  }
0xa9: {  	[dreg:$0x1] =	wrdreg $0xFFFFFFFF  }
0xaa: {  	[dreg:$0x0] =	wrdreg $0x60  }
0xab: {  	[dreg:$0x2] =	wrdreg s0  }
0xac: {  	[dreg:$0x3] =	wrdreg s22  }
0xad: {  	[dreg:$0x4] =	wrdreg $0xA0800  }
0xae: {  	[dreg:$0x5] =	wrdreg $0xA0900  }
0xaf: {  	[dreg:$0x6] =	wrdreg $0xE0900  }
0xb0: {  	[dreg:$0x7] =	wrdreg $0x9  }
0xb1: {  	_ =	task.clear_ibuf [dreg:s5], $0x8FFFF;
	_ =	strace $0x90000046  }
0xb2: {  	s26 =	simm.s32 $0x9;
	_ =	strace $0x80000048  }
0xb3: {  	_ =	swait.ge [sflag:s26], $0x1  }
0xb4: {  	[sflag:s26] =	ssyncadd.s32 $0xFFFFFFFF  }
0xb5: {  	_ =	strace $0x90000048  }
0xb6: {  	_ =	sfence  }
0xb7: {  	s28 =	sld [smem:$0x0];
	_ =	sdelay $0x1  }
0xb8: {  	s29 =	srdreg.scid  }
0xb9: {  	s30 =	sshll.u32 s29, $0xD;
	s31 =	sshrl.u32 s29, $0x2  }
0xba: {  	s2 =	sand.u32 $0x4000, s30;
	s1 =	sand.u32 $0x1, s29;
	s0 =	sadd.s32 s31, s28  }
0xbb: {  	s1 =	sor.u32 s2, s1;
	s0 =	sshll.u32 s0, $0x11  }
0xbc: {  	s0 =	sor.u32 s0, s1  }
0xbd: {  	s0 =	sadd.s32 $0x8F2B, s0  }
0xbe: {  	[sflag:s0] =	ssyncadd.remote.s32 $0x1  }
0xbf: {  	_ =	sfence.sel $0xFFFF  }
0xc0: {  	[dreg:$0x0] =	wrdreg $0xFFFFFFFF;
	(pc) =	sbr.abs _section_cstart, $3  }
0xc1: {  	[dreg:$0x1] =	wrdreg $0xFFFFFFFF  }
0xc2: {  	_ =	task.clear_ibuf [dreg:s5], $0x2FFFF;
	_ =	strace $0x9FFFFFFF  }
0xc3: {  	(tm) =	ssettm $0x7FFFFFFF  }
tec
execute0_lowered:
.L_overlay_start_1:
0x0: {  	(tag) =	ssettag $0x1  }
0x1: {  	s2 =	rddreg [dreg:$0x0]  }
0x2: {  	s7 =	rddreg [dreg:$0x1]  }
0x3: {  	s10 =	rddreg [dreg:$0x2]  }
0x4: {  	s5 =	rddreg [dreg:$0x3]  }
0x5: {  	s4 =	rddreg [dreg:$0x4]  }
0x6: {  	s0 =	rddreg [dreg:$0x5];
	s9 =	simm.s32 $0x0;
	s1 =	stileid.u32  }
0x7: {  	[smem:$0x7FF] =	sst s9;
	s6 =	sshll.u32 s1, $0x6  }
0x8: {  	s11 =	simm.s32 $0x1;
	_ =	strace $0x80000047;
	s2 =	sadd.s32 s2, s6  }
0x9: {  	[tilespmem:s9], [sflag:$0x1] =	stream.linear.gather [hbm4b:s2+s9], $0x200, $0x38;
	[tilespmem:$0x12090] =	vst v63  }
0xa: {  	_ =	swait.ge [sflag:s11], $0x200  }
0xb: {  	s31 =	sadd.s32 s6, s7;
	[sflag:s11] =	ssyncset.done $0x0  }
0xc: {  	s3 =	simm.s32 $0x200;
	s2 =	sadd.s32 $0x101E00, s31;
	[sflag:s11] =	ssyncadd.s32 $0xFFFFFE00  }
0xd: {  	[tilespmem:s3], [sflag:$0x1] =	stream.linear.gather [hbm4b:s2+s9], $0x200, $0x38;
	[tilespmem:$0x12090] =	vst v63  }
0xe: {  	s8 =	sadd.s32 $0x103200, s7;
	_ =	swait.ge [sflag:s11], $0x200  }
0xf: {  	s3 =	sadd.s32 $0x102200, s7;
	s2 =	sadd.s32 $0x102A00, s7;
	[sflag:s11] =	ssyncset.done $0x0  }
0x10: {  	v1 =	vimm.f32 $0.0e+00;
	v0 =	vimm.s32 $0x0;
	s7 =	sadd.s32 $0x103600, s7;
	[sflag:s11] =	ssyncadd.s32 $0xFFFFFE00  }
.LBB2_1:
0x11: {  	p0 =	sne.s32 s9, $0xFFC0  }
.Ltmp0:
0x12: {  	_ = 	snop;
	(pc) =	sbr.rel @p0 .LBB2_1-.Ltmp0, $4  }
0x13: {  	_ = 	snop  }
0x14: {  	s11 =	sshra.s32 s9, $0x2  }
0x15: {  	[tilespmem:s11+$0xC80] =	vst v0  }
0x16: {  	s9 =	sadd.s32 $0x40, s9;
	[tilespmem:s11+$0x4C80] =	vst v1  }
0x17: {  	s9 =	simm.s32 $0x0  }
0x18: {  	v1 =	vld [tilespmem:s9+$0x0];
	_ =	sdelay $0x2  }
0x19: {  	vm0 =	vmmov $0x1  }
0x1a: {  	vm1 =	vcmask $0x704;
	vm6 =	vcmask $0xB08;
	vm5 =	vcmask $0xF0C  }
0x1b: {  	vm4 =	vcmask $0x1310;
	v2 =	vshra.s32 v1, $0x3;
	v1 =	vand.u32 $0x7, v1  }
0x1c: {  	vm3 =	vcmask $0x1714;
	vm9 =	veq.s32 v2, $0x0;
	vm10 =	veq.s32 v1, $0x0  }
0x1d: {  	vm11 =	veq.s32 v1, $0x1;
	vm9 =	vmor vm9, vm10;
	vm10 =	veq.s32 v2, $0x1  }
0x1e: {  	vm8 =	veq.s32 v2, $0x7;
	v3 =	vsel vm9, $0x1, v0;
	vm9 =	vmor vm10, vm11  }
0x1f: {  	s31 =	simm.s32 $0x10;
	vm7 =	veq.s32 v2, $0x2;
	vm10 =	veq.s32 v1, $0x2;
	v4 =	vsel vm9, $0x1, v0;
	(xrf0) =	vadd.scan.msk.s32 $0xffff, v3  }
0x20: {  	v5 =	vld [tilespmem:s31+$0x0];
	vm7 =	vmor vm7, vm10;
	vm10 =	veq.s32 v2, $0x3;
	vm9 =	veq.s32 v1, $0x3;
	(xrf0) =	vadd.scan.msk.s32 $0xffff, v4  }
0x21: {  	vm11 =	veq.s32 v2, $0x5;
	v3 =	vsel vm7, $0x1, v0;
	vm9 =	vmor vm10, vm9  }
0x22: {  	vm7 =	veq.s32 v2, $0x4;
	vm10 =	veq.s32 v1, $0x4;
	v4 =	vsel vm9, $0x1, v0;
	(xrf0) =	vadd.scan.msk.s32 $0xffff, v3  }
0x23: {  	vm7 =	vmor vm7, vm10;
	vm9 =	veq.s32 v1, $0x5;
	vm10 =	veq.s32 v2, $0x6  }
0x24: {  	v2 =	vsel vm7, $0x1, v0;
	vm7 =	vmor vm11, vm9;
	(xrf0) =	vadd.scan.msk.s32 $0xffff, v4;
	vm9 =	veq.s32 v1, $0x6  }
0x25: {  	vm11 =	veq.s32 v1, $0x7;
	v1 =	vand.u32 $0x7, v5;
	v3 =	vsel vm7, $0x1, v0;
	(xrf0) =	vadd.scan.msk.s32 $0xffff, v2;
	v7, _, _ =	vpop (xrf0)  }
0x26: {  	vm9 =	vmor vm10, vm9;
	v2 =	vshra.s32 v5, $0x3;
	v5 =	vbroadcast v7, $0xF;
	v7, _, _ =	vpop (xrf0)  }
0x27: {  	vm8 =	vmor vm8, vm11;
	v4 =	vsel vm9, $0x1, v0;
	(xrf0) =	vadd.scan.msk.s32 $0xffff, v3;
	v7 =	vbroadcast v7, $0xF  }
0x28: {  	vm2 =	vcmask $0x1F1C;
	vm7 =	vmmov vm1;
	v6 =	vsel vm8, $0x1, v0;
	v3, _, _ =	vpop (xrf0);
	(xrf0) =	vadd.scan.msk.s32 $0xffff, v4  }
0x29: {  	vm8 =	veq.s32 v2, $0x7;
	vm10 =	veq.s32 v2, $0x5;
	vm9 =	veq.s32 v2, $0x6;
	(xrf0) =	vadd.scan.msk.s32 $0xffff, v6  }
0x2a: {  	vm11 =	veq.s32 v2, $0x4;
	v4 =	vnsel vm0, $0x0, v5;
	v3 =	vbroadcast v3, $0xF;
	v8, _, _ =	vpop (xrf0)  }
0x2b: {  	s9 =	simm.s32 $0x80;
	v5 =	vadd.s32 v0, v4;
	v6 =	vnsel vm1, $0x0, v7;
	v4 =	vbroadcast v8, $0xF;
	v7, _, _ =	vpop (xrf0)  }
.LBB2_3:
0x2c: {  	v5 =	vadd.s32 v6, v5  }
0x2d: {  	p0 =	sne.s32 s9, $0x7C0;
	v3 =	vnsel vm6, $0x0, v3;
	v6 =	vbroadcast v7, $0xF;
	v7, _, _ =	vpop (xrf0);
	vm1 =	vcmask $0x1B18  }
0x2e: {  	v3 =	vadd.s32 v3, v5;
	v4 =	vnsel vm5, $0x0, v4;
	v5 =	vbroadcast v7, $0xF;
	v7, _, _ =	vpop (xrf0)  }
0x2f: {  	v3 =	vadd.s32 v4, v3;
	v4 =	vnsel vm4, $0x0, v6;
	v6 =	vbroadcast v7, $0xF;
	v7, _, _ =	vpop (xrf0)  }
0x30: {  	v3 =	vadd.s32 v4, v3;
	v4 =	vnsel vm3, $0x0, v5;
	v5 =	vbroadcast v7, $0xF  }
0x31: {  	vm12 =	veq.s32 v2, $0x3;
	v3 =	vadd.s32 v4, v3;
	v4 =	vnsel vm1, $0x0, v6  }
0x32: {  	vm13 =	veq.s32 v2, $0x2;
	v3 =	vadd.s32 v4, v3;
	v4 =	vnsel vm2, $0x0, v5  }
0x33: {  	vm14 =	veq.s32 v2, $0x0;
	vm15 =	veq.s32 v1, $0x0;
	v4 =	vadd.s32 v4, v3  }
0x34: {  	vm14 =	vmor vm14, vm15;
	vm15 =	veq.s32 v2, $0x1;
	vm1 =	veq.s32 v1, $0x1  }
0x35: {  	v2 =	vsel vm14, $0x1, v0;
	vm14 =	veq.s32 v1, $0x2;
	vm1 =	vmor vm15, vm1  }
0x36: {  	s11 =	sshra.s32 s9, $0x2;
	v3 =	vsel vm1, $0x1, v0;
	vm1 =	vmor vm13, vm14;
	vm13 =	veq.s32 v1, $0x3;
	(xrf0) =	vadd.scan.msk.s32 $0xffff, v2  }
0x37: {  	v2 =	vsel vm1, $0x1, v0;
	vm1 =	vmor vm12, vm13;
	vm12 =	veq.s32 v1, $0x4;
	v5 =	vld [tilespmem:s11+$0x0];
	(xrf0) =	vadd.scan.msk.s32 $0xffff, v3  }
0x38: {  	v3 =	vsel vm1, $0x1, v0;
	vm1 =	vmor vm11, vm12;
	vm11 =	veq.s32 v1, $0x5;
	(xrf0) =	vadd.scan.msk.s32 $0xffff, v2  }
0x39: {  	v2 =	vsel vm1, $0x1, v0;
	vm1 =	vmor vm10, vm11;
	vm10 =	veq.s32 v1, $0x6;
	(xrf0) =	vadd.scan.msk.s32 $0xffff, v3  }
0x3a: {  	v3 =	vsel vm1, $0x1, v0;
	vm1 =	vmor vm9, vm10;
	vm9 =	veq.s32 v1, $0x7;
	(xrf0) =	vadd.scan.msk.s32 $0xffff, v2  }
0x3b: {  	v1 =	vsel vm1, $0x1, v0;
	vm1 =	vmor vm8, vm9;
	(xrf0) =	vadd.scan.msk.s32 $0xffff, v3  }
.Ltmp1:
0x3c: {  	v7 =	vsel vm1, $0x1, v0;
	v2 =	vshra.s32 v5, $0x3;
	v6, _, _ =	vpop (xrf0);
	(xrf0) =	vadd.scan.msk.s32 $0xffff, v1;
	(pc) =	sbr.rel @p0 .LBB2_3-.Ltmp1, $4  }
0x3d: {  	v1 =	vand.u32 $0x7, v5;
	vm8 =	veq.s32 v2, $0x7;
	v5 =	vbroadcast v6, $0xF;
	v6, _, _ =	vpop (xrf0);
	(xrf0) =	vadd.scan.msk.s32 $0xffff, v7  }
0x3e: {  	vm10 =	veq.s32 v2, $0x5;
	vm9 =	veq.s32 v2, $0x6;
	v6 =	vbroadcast v6, $0xF;
	v3, _, _ =	vpop (xrf0)  }
0x3f: {  	vm11 =	veq.s32 v2, $0x4;
	v5 =	vnsel vm0, $0x0, v5;
	v3 =	vbroadcast v3, $0xF;
	v7, _, _ =	vpop (xrf0)  }
0x40: {  	s9 =	sadd.s32 $0x40, s9;
	v5 =	vadd.s32 v4, v5;
	v6 =	vnsel vm7, $0x0, v6;
	v4 =	vbroadcast v7, $0xF;
	v7, _, _ =	vpop (xrf0)  }
0x41: {  	v5 =	vadd.s32 v6, v5  }
0x42: {  	v3 =	vnsel vm6, $0x0, v3;
	v6 =	vbroadcast v7, $0xF;
	vm1 =	veq.s32 v2, $0x0  }
0x43: {  	v7, _, _ =	vpop (xrf0);
	vm12 =	veq.s32 v1, $0x0;
	vm13 =	veq.s32 v2, $0x3;
	vm14 =	veq.s32 v1, $0x1  }
0x44: {  	v3 =	vadd.s32 v3, v5;
	v4 =	vnsel vm5, $0x0, v4;
	v5 =	vbroadcast v7, $0xF  }
0x45: {  	vm1 =	vmor vm1, vm12;
	vm12 =	veq.s32 v2, $0x1;
	v3 =	vadd.s32 v4, v3  }
0x46: {  	v6 =	vnsel vm4, $0x0, v6;
	v7 =	vsel vm1, $0x1, v0;
	vm12 =	vmor vm12, vm14  }
0x47: {  	vm1 =	veq.s32 v2, $0x2;
	vm14 =	veq.s32 v1, $0x2;
	v2 =	vsel vm12, $0x1, v0  }
0x48: {  	vm1 =	vmor vm1, vm14;
	vm12 =	veq.s32 v1, $0x3;
	(xrf0) =	vadd.scan.msk.s32 $0xffff, v7;
	v3 =	vadd.s32 v6, v3  }
0x49: {  	v7 =	vsel vm1, $0x1, v0;
	vm1 =	vmor vm13, vm12;
	vm12 =	veq.s32 v1, $0x4  }
0x4a: {  	v4, _, _ =	vpop (xrf0);
	(xrf0) =	vadd.scan.msk.s32 $0xffff, v2;
	v2 =	vsel vm1, $0x1, v0;
	vm1 =	vmor vm11, vm12;
	vm11 =	veq.s32 v1, $0x5  }
0x4b: {  	(xrf0) =	vadd.scan.msk.s32 $0xffff, v7;
	v7 =	vsel vm1, $0x1, v0;
	vm1 =	vmor vm10, vm11;
	vm10 =	veq.s32 v1, $0x6  }
0x4c: {  	(xrf0) =	vadd.scan.msk.s32 $0xffff, v2;
	v2 =	vsel vm1, $0x1, v0;
	vm1 =	vmor vm9, vm10;
	vm9 =	veq.s32 v1, $0x7  }
0x4d: {  	v4 =	vbroadcast v4, $0xF;
	(xrf0) =	vadd.scan.msk.s32 $0xffff, v7;
	v1, _, _ =	vpop (xrf0);
	v6 =	vsel vm1, $0x1, v0;
	vm1 =	vmor vm8, vm9  }
0x4e: {  	(xrf0) =	vadd.scan.msk.s32 $0xffff, v2;
	v2 =	vnsel vm3, $0x0, v5;
	v0 =	vsel vm1, $0x1, v0;
	v5, _, _ =	vpop (xrf0);
	vm1 =	vcmask $0x1B18  }
0x4f: {  	v2 =	vadd.s32 v2, v3;
	v3 =	vnsel vm1, $0x0, v4;
	v4 =	vbroadcast v5, $0xF  }
0x50: {  	v1 =	vbroadcast v1, $0xF;
	(xrf0) =	vadd.scan.msk.s32 $0xffff, v6  }
0x51: {  	v5, _, _ =	vpop (xrf0);
	(xrf0) =	vadd.scan.msk.s32 $0xffff, v0  }
0x52: {  	v1 =	vnsel vm2, $0x0, v1;
	v0 =	vadd.s32 v3, v2;
	v2 =	vbroadcast v5, $0xF;
	v3, _, _ =	vpop (xrf0)  }
0x53: {  	v0 =	vadd.s32 v1, v0;
	v1 =	vnsel vm0, $0x0, v4;
	v3 =	vbroadcast v3, $0xF;
	v4, _, _ =	vpop (xrf0)  }
0x54: {  	v0 =	vadd.s32 v0, v1;
	v1 =	vnsel vm7, $0x0, v2;
	v2 =	vbroadcast v4, $0xF;
	v4, _, _ =	vpop (xrf0)  }
0x55: {  	v0 =	vadd.s32 v1, v0;
	v1 =	vnsel vm6, $0x0, v3;
	v3 =	vbroadcast v4, $0xF;
	v4, _, _ =	vpop (xrf0)  }
0x56: {  	v0 =	vadd.s32 v1, v0;
	v1 =	vnsel vm5, $0x0, v2;
	v2 =	vbroadcast v4, $0xF;
	v4, _, _ =	vpop (xrf0)  }
0x57: {  	v0 =	vadd.s32 v1, v0;
	v1 =	vnsel vm4, $0x0, v3;
	v3 =	vbroadcast v4, $0xF;
	v4, _, _ =	vpop (xrf0)  }
0x58: {  	v0 =	vadd.s32 v1, v0;
	v1 =	vnsel vm3, $0x0, v2;
	v2 =	vbroadcast v4, $0xF  }
0x59: {  	v0 =	vadd.s32 v1, v0;
	v1 =	vnsel vm1, $0x0, v3  }
0x5a: {  	s9 =	sshll.u32 s1, $0x9;
	v0 =	vadd.s32 v1, v0;
	v1 =	vnsel vm2, $0x0, v2  }
0x5b: {  	s11 =	sshrl.u32 s9, $0x2;
	v0 =	vadd.s32 v1, v0  }
0x5c: {  	s12 =	simm.s32 $0x400;
	s30 =	simm.s32 $0x1;
	s11 =	sadd.s32 s11, s10;
	[tilespmem:$0x400] =	vst v0  }
0x5d: {  	[spmem:s11] =	stream.linear.scatter [tilespmem:s12], [sflag:$0x1], $0x80, $0x38;
	[tilespmem:$0x12090] =	vst v63  }
0x5e: {  	_ =	swait.ge [sflag:s30], $0x80  }
0x5f: {  	[sflag:s30] =	ssyncset.done $0x0  }
0x60: {  	[sflag:s30] =	ssyncadd.s32 $0xFFFFFF80  }
0x61: {  	s31 =	simm.s32 $0x480;
	[bflag:$0x0] =	sbarrier.arrive $0xFFFF  }
0x62: {  	[tilespmem:s31], [sflag:$0x1] =	stream.linear.gather [spmem:s10], $0x800, $0x38;
	[tilespmem:$0x12090] =	vst v63  }
0x63: {  	_ =	swait.ge [sflag:s30], $0x800  }
0x64: {  	[sflag:s30] =	ssyncset.done $0x0  }
0x65: {  	[sflag:s30] =	ssyncadd.s32 $0xFFFFF800  }
0x66: {  	v0 =	vld [tilespmem:$0x480]  }
0x67: {  	v1 =	vld [tilespmem:$0x500]  }
0x68: {  	v2 =	vld [tilespmem:$0x580]  }
0x69: {  	v3 =	vld [tilespmem:$0x600]  }
0x6a: {  	v4 =	vld [tilespmem:$0x680]  }
0x6b: {  	p0 =	seq.s32 s1, $0x0;
	p1 =	sgt.u32 s1, $0x1;
	v5 =	vld [tilespmem:$0x700]  }
0x6c: {  	p6 =	sgt.u32 s1, $0x2;
	v6 =	vld [tilespmem:$0x780];
	v0 =	vpsel p0, $0x0, v0;
	v1 =	vpsel !p1, $0x0, v1  }
0x6d: {  	v2 =	vpsel !p6, $0x0, v2;
	p1 =	sgt.u32 s1, $0x3;
	v0 =	vadd.s32 v0, v1;
	v1 =	vld [tilespmem:$0x800]  }
0x6e: {  	p2 =	sgt.u32 s1, $0x4;
	v3 =	vpsel !p1, $0x0, v3;
	v0 =	vadd.s32 v2, v0;
	v2 =	vld [tilespmem:$0x880]  }
0x6f: {  	p3 =	sgt.u32 s1, $0x5;
	v4 =	vpsel !p2, $0x0, v4;
	v0 =	vadd.s32 v3, v0;
	v3 =	vld [tilespmem:$0x900]  }
0x70: {  	p4 =	sgt.u32 s1, $0x6;
	v5 =	vpsel !p3, $0x0, v5;
	v0 =	vadd.s32 v4, v0;
	v4 =	vld [tilespmem:$0x980]  }
0x71: {  	p5 =	sgt.u32 s1, $0x7;
	v6 =	vpsel !p4, $0x0, v6;
	v0 =	vadd.s32 v5, v0;
	v5 =	vld [tilespmem:$0xA00]  }
0x72: {  	p6 =	sgt.u32 s1, $0x8;
	v1 =	vpsel !p5, $0x0, v1;
	v0 =	vadd.s32 v6, v0;
	v6 =	vld [tilespmem:$0xA80]  }
0x73: {  	p1 =	sgt.u32 s1, $0x9;
	v2 =	vpsel !p6, $0x0, v2;
	v0 =	vadd.s32 v1, v0;
	v1 =	vld [tilespmem:$0xB00]  }
0x74: {  	p2 =	sgt.u32 s1, $0xA;
	v3 =	vpsel !p1, $0x0, v3;
	v0 =	vadd.s32 v2, v0;
	v2 =	vld [tilespmem:$0xB80]  }
0x75: {  	p3 =	sgt.u32 s1, $0xB;
	v4 =	vpsel !p2, $0x0, v4;
	v0 =	vadd.s32 v3, v0  }
0x76: {  	p4 =	sgt.u32 s1, $0xC;
	v3 =	vpsel !p3, $0x0, v5;
	v0 =	vadd.s32 v4, v0  }
0x77: {  	p5 =	sgt.u32 s1, $0xD;
	v4 =	vpsel !p4, $0x0, v6;
	v0 =	vadd.s32 v3, v0  }
0x78: {  	p6 =	seq.s32 s1, $0xF;
	v1 =	vpsel !p5, $0x0, v1;
	v0 =	vadd.s32 v4, v0  }
0x79: {  	v2 =	vpsel !p6, $0x0, v2;
	v0 =	vadd.s32 v1, v0  }
0x7a: {  	s10 =	simm.s32 $0x0;
	v0 =	vadd.s32 v2, v0  }
0x7b: {  	v2 =	vld [tilespmem:s10+$0x0];
	v1 =	vnsel vm0, $0x0, v0;
	vm0 =	vcmask $0x308  }
0x7c: {  	(xrf0) =	vadd.scan.msk.s32 $0xffff, v1;
	v1 =	vsel vm0, $0x0, v0;
	vm0 =	vcmask $0x70C  }
0x7d: {  	(xrf0) =	vadd.scan.msk.s32 $0xffff, v1;
	v1 =	vsel vm0, $0x0, v0;
	vm0 =	vcmask $0xB10  }
0x7e: {  	(xrf0) =	vadd.scan.msk.s32 $0xffff, v1;
	v1 =	vsel vm0, $0x0, v0  }
0x7f: {  	vm1 =	vcmask $0x171C;
	vm2 =	vcmask $0x1B20;
	(xrf0) =	vadd.scan.msk.s32 $0xffff, v1  }
0x80: {  	v4 =	vsel vm1, $0x0, v0;
	v6 =	vshra.s32 v2, $0x3;
	v2 =	vand.u32 $0x7, v2  }
0x81: {  	v5 =	vsel vm2, $0x0, v0;
	vm0 =	vcmask $0xF14;
	vm8 =	veq.s32 v2, $0x1  }
0x82: {  	vm5 =	veq.s32 v6, $0x4;
	vm1 =	veq.s32 v6, $0x5;
	vm13 =	veq.s32 v6, $0x3;
	v1, _, _ =	vpop (xrf0)  }
0x83: {  	vm7 =	veq.s32 v2, $0x3;
	vm4 =	veq.s32 v6, $0x0;
	(v2sf) =	vpush v1, $0xF;
	v1, _, _ =	vpop (xrf0)  }
0x84: {  	vm2 =	veq.s32 v2, $0x4;
	vm6 =	veq.s32 v6, $0x2;
	(v2sf) =	vpush v1, $0xF;
	v1, _, _ =	vpop (xrf0)  }
0x85: {  	vm15 =	vmor vm13, vm7;
	vm3 =	vmor vm5, vm2;
	(v2sf) =	vpush v1, $0xF;
	v1, _, _ =	vpop (xrf0)  }
0x86: {  	(v2sf) =	vpush v1, $0xF;
	v1 =	vsel vm0, $0x0, v0;
	vm0 =	vcmask $0x1318  }
0x87: {  	v3 =	vsel vm0, $0x0, v0;
	(xrf0) =	vadd.scan.msk.s32 $0xffff, v1;
	vm0 =	veq.s32 v2, $0x5;
	v1 =	vimm.s32 $0x0  }
0x88: {  	v0 =	vimm.s32 $0x0;
	(xrf0) =	vadd.scan.msk.s32 $0xffff, v3;
	v1 =	vsel vm0, $0xFFFFFFFF, v1;
	v3 =	vimm.s32 $0x0  }
0x89: {  	vm0 =	vmor vm1, vm0;
	[tilespmem:$0x1FFE0] =	vst v1;
	v1 =	vimm.s32 $0x0;
	v3 =	vsel vm3, $0xFFFFFFFF, v3  }
0x8a: {  	(xrf0) =	vadd.scan.msk.s32 $0xffff, v4;
	v4 =	vimm.s32 $0x0;
	v1 =	vsel vm2, $0xFFFFFFFF, v1;
	[tilespmem:$0x1FFC0] =	vst v3  }
0x8b: {  	(xrf0) =	vadd.scan.msk.s32 $0xffff, v5;
	v3 =	vsel vm3, $0x1, v0;
	[tilespmem:$0x1FFA0] =	vst v1;
	v1 =	vsel vm15, $0x1, v0  }
0x8c: {  	vm9 =	veq.s32 v2, $0x2;
	vm11 =	veq.s32 v2, $0x0;
	v4 =	vsel vm0, $0xFFFFFFFF, v4;
	(xrf0) =	vadd.scan.msk.s32 $0xffff, v1  }
0x8d: {  	vm14 =	vmor vm6, vm9;
	vm12 =	vmor vm4, vm11;
	v1 =	vsel vm0, $0x1, v0;
	(xrf0) =	vadd.scan.msk.s32 $0xffff, v3  }
0x8e: {  	v5 =	vsel vm12, $0x1, v0;
	vm0 =	veq.s32 v6, $0x1;
	v3, _, _ =	vpop (xrf0);
	(xrf0) =	vadd.scan.msk.s32 $0xffff, v1;
	v1 =	vsel vm14, $0x1, v0  }
0x8f: {  	[tilespmem:$0x1FFF0] =	vst v4;
	vm3 =	vmor vm0, vm8;
	v4, _, _ =	vpop (xrf0);
	(xrf0) =	vadd.scan.msk.s32 $0xffff, v1  }
0x90: {  	v7, _, _ =	vpop (xrf0);
	v1 =	vsel vm3, $0x1, v0;
	(xrf0) =	vadd.scan.msk.s32 $0xffff, v5  }
0x91: {  	v5, _, _ =	vpop (xrf0);
	(xrf0) =	vadd.scan.msk.s32 $0xffff, v1  }
0x92: {  	v1 =	vld [tilespmem:s10+$0x200];
	v8, _, _ =	vpop (xrf0)  }
0x93: {  	s11 =	spop (v2sf);
	v9, _, _ =	vpop (xrf0)  }
0x94: {  	s12 =	spop (v2sf);
	(v2sf) =	vpush v3, $0xF;
	v3 =	vmov s11;
	v12, _, _ =	vpop (xrf0)  }
0x95: {  	s13 =	spop (v2sf);
	(v2sf) =	vpush v4, $0xF;
	v4 =	vadd.s32 $0xFFFFFFFF, v3;
	v10, _, _ =	vpop (xrf0)  }
0x96: {  	s21 =	spop (v2sf);
	(v2sf) =	vpush v7, $0xF;
	v4 =	vbroadcast v4, $0x0;
	v13, _, _ =	vpop (xrf0)  }
0x97: {  	v3 =	vsub.f32 $1.000000000e+00, v1;
	v17 =	vadd.s32 s21, v8;
	(v2sf) =	vpush v5, $0xF;
	v16, _, _ =	vpop (xrf0)  }
0x98: {  	v14 =	vadd.s32 $0xFFFFFFFF, v17;
	(v2sf) =	vpush v8, $0xF;
	v11 =	vadd.s32 s12, v16  }
0x99: {  	v18 =	vsel vm0, v1, v3;
	v5 =	vsel vm13, v1, v3;
	v7 =	vadd.s32 $0xFFFFFFFF, v11  }
0x9a: {  	v19 =	vsel vm4, v1, v3;
	(v2sf) =	vpush v10, $0xF;
	vm10 =	vlt.s32 v7, $0x800  }
0x9b: {  	v7 =	vimm.s32 $0x0;
	vm3 =	vmand vm3, vm10;
	vm2 =	vmand vm8, vm10  }
0x9c: {  	vm8 =	vlt.s32 v14, $0x800;
	v7 =	vsel vm2, $0xFFFFFFFF, v7;
	vm2 =	vmand vm0, vm10  }
0x9d: {  	vm10 =	vmmov vm1;
	vm1 =	vmand vm13, vm8;
	vm0 =	vmand vm7, vm8  }
0x9e: {  	vm13 =	vmand vm15, vm8;
	vm8 =	veq.s32 v6, $0x6;
	[tilespmem:$0x1FF20] =	vst v7;
	v7 =	vimm.s32 $0x0  }
0x9f: {  	vm15 =	veq.s32 v2, $0x6;
	v7 =	vsel vm1, $0xFFFFFFFF, v7;
	vm1 =	veq.s32 v2, $0x7  }
0xa0: {  	v2 =	vimm.s32 $0x0;
	[tilespmem:$0x1FF30] =	vst v7;
	v7 =	vadd.s32 v13, v4;
	v4 =	vimm.s32 $0x0  }
0xa1: {  	v14 =	vadd.s32 s13, v10;
	v2 =	vsel vm8, $0xFFFFFFFF, v2;
	v4 =	vsel vm0, $0xFFFFFFFF, v4  }
0xa2: {  	vm7 =	vlt.s32 v7, $0x800;
	[tilespmem:$0x1FF50] =	vst v2;
	vm0 =	vmor vm8, vm15;
	v2 =	vimm.s32 $0x0  }
0xa3: {  	v10 =	vadd.s32 $0x7FF, v11;
	vm4 =	vmand vm4, vm7;
	v2 =	vsel vm0, $0xFFFFFFFF, v2  }
0xa4: {  	[tilespmem:$0x1FF40] =	vst v4;
	v4 =	vnsel vm4, $0x4000, v7;
	vm4 =	veq.s32 v6, $0x7;
	v6 =	vimm.s32 $0x0  }
0xa5: {  	v8 =	vadd.s32 $0xFFFFFFFF, v14;
	v11 =	vadd.s32 $0xFFF, v14;
	[tilespmem:$0x1FF60] =	vst v2;
	v6 =	vsel vm1, $0xFFFFFFFF, v6  }
0xa6: {  	vm8 =	vmmov vm15;
	v2 =	vsel vm0, $0x1, v0;
	s16 =	spop (v2sf);
	[tilespmem:$0x1FF70] =	vst v6;
	v6 =	vimm.s32 $0x0  }
0xa7: {  	vm1 =	vmor vm4, vm1;
	s17 =	spop (v2sf);
	(v2sf) =	vpush v9, $0xF;
	v6 =	vsel vm4, $0xFFFFFFFF, v6  }
0xa8: {  	s18 =	spop (v2sf);
	(v2sf) =	vpush v13, $0xF;
	vm4 =	vlt.s32 v8, $0x800;
	[tilespmem:$0x1FF80] =	vst v6;
	v6 =	vimm.s32 $0x0  }
0xa9: {  	v15 =	vld [tilespmem:$0x1FFA0];
	(xrf0) =	vadd.scan.msk.s32 $0xffff, v2;
	v8 =	vsel vm6, v1, v3;
	s19 =	spop (v2sf);
	(v2sf) =	vpush v12, $0xF;
	v6 =	vsel vm1, $0xFFFFFFFF, v6  }
0xaa: {  	vm14 =	vmand vm14, vm4;
	vm6 =	vmand vm6, vm4;
	[tilespmem:$0x1FF90] =	vst v6;
	v6 =	vsel vm1, $0x1, v0  }
0xab: {  	vm9 =	vmand vm9, vm4;
	vm4 =	vmand vm12, vm7;
	(xrf0) =	vadd.scan.msk.s32 $0xffff, v6;
	v6 =	vadd.s32 s16, v9;
	v9 =	vld [tilespmem:$0x1FFC0]  }
0xac: {  	vm15 =	vmand vm11, vm7;
	v2 =	vsel vm2, v10, v4;
	(v2sf) =	vpush v16, $0xF;
	v16 =	vld [tilespmem:$0x1FFE0]  }
0xad: {  	v22 =	vadd.s32 s17, v12;
	v12 =	vadd.s32 $0x17FF, v17;
	v4 =	vadd.s32 $0xFFFFFFFF, v6  }
0xae: {  	v14 =	vsel vm6, v11, v2;
	vm1 =	vnez.u8 v15;
	vm0 =	vlt.s32 v4, $0x800  }
0xaf: {  	v2 =	vlaneseq.u32;
	v15 =	vimm.s32 $0x0;
	vm1 =	vmand vm1, vm0  }
0xb0: {  	s14 =	simm.s32 $0xC80;
	v4 =	vor.u32 s9, v2;
	v15 =	vsel vm1, $0xFFFFFFFF, v15;
	vm1 =	vnez.u8 v9  }
0xb1: {  	s15 =	simm.s32 $0x4C80;
	vm7 =	vmmov vm5;
	[tilespmem:v7+s14+$0x0] =	vst.idx.msk vm4, v4;
	vm2 =	vmand vm1, vm0;
	vm1 =	vnez.u8 v16;
	v16 =	vld [tilespmem:$0x1FFF0]  }
0xb2: {  	v20, _, _ =	vpop (xrf0);
	v6 =	vadd.s32 $0x1FFF, v6;
	[tilespmem:v7+s15+$0x0] =	vst.idx.msk vm4, v19;
	v9 =	vimm.s32 $0x0;
	vm0 =	vmand vm5, vm0  }
0xb3: {  	s22 =	spop (v2sf);
	(v2sf) =	vpush v20, $0xF;
	[tilespmem:$0x1FFB0] =	vst v15;
	v15 =	vadd.s32 s18, v20;
	v21, _, _ =	vpop (xrf0);
	v9 =	vsel vm0, $0xFFFFFFFF, v9  }
0xb4: {  	v13 =	vadd.s32 s19, v21;
	[tilespmem:$0x1FFD0] =	vst v9;
	v9 =	vadd.s32 $0x27FF, v22;
	v22 =	vadd.s32 $0xFFFFFFFF, v22  }
0xb5: {  	[tilespmem:v10+s14+$0x0] =	vst.idx.msk vm3, v4;
	(v2sf) =	vpush v21, $0xF;
	v17 =	vadd.s32 $0xFFFFFFFF, v13;
	vm0 =	vlt.s32 v22, $0x800  }
0xb6: {  	[tilespmem:v10+s15+$0x0] =	vst.idx.msk vm3, v18;
	vm12 =	vmand vm1, vm0;
	vm1 =	vnez.u8 v16;
	v16 =	vadd.s32 $0xFFFFFFFF, v15  }
0xb7: {  	s20 =	simm.s32 $0x40;
	s21 =	sadd.s32 s21, s22;
	s22 =	spop (v2sf);
	[tilespmem:v11+s14+$0x0] =	vst.idx.msk vm14, v4;
	vm6 =	vmand vm1, vm0;
	vm0 =	vmand vm10, vm0;
	vm1 =	vlt.s32 v17, $0x800  }
.LBB2_5:
0xb8: {  	[tilespmem:v11+s15+$0x0] =	vst.idx.msk vm14, v8;
	v8 =	vsel vm7, v1, v3;
	vm7 =	vlt.s32 v16, $0x800;
	v16 =	vld [tilespmem:$0x1FF20];
	_ =	sdelay $0x4  }
0xb9: {  	v7 =	vnsel vm15, $0x4000, v7;
	vm3 =	vnez.u8 v16  }
0xba: {  	v7 =	vsel vm3, v10, v7;
	v10 =	vld [tilespmem:$0x1FF60];
	_ =	sdelay $0x4  }
0xbb: {  	vm3 =	vnez.u8 v10;
	v10 =	vld [tilespmem:$0x1FF50];
	_ =	sdelay $0x4  }
0xbc: {  	vm11 =	vnez.u8 v10;
	v10 =	vld [tilespmem:$0x1FF40]  }
0xbd: {  	v7 =	vsel vm9, v11, v7;
	v11 =	vld [tilespmem:$0x1FF90]  }
0xbe: {  	[tilespmem:v12+s14+$0x0] =	vst.idx.msk vm13, v4  }
0xbf: {  	[tilespmem:v12+s15+$0x0] =	vst.idx.msk vm13, v5  }
0xc0: {  	vm8 =	vmand vm8, vm7;
	[tilespmem:v6+s14+$0x0] =	vst.idx.msk vm2, v4  }
0xc1: {  	[tilespmem:v6+s15+$0x0] =	vst.idx.msk vm2, v8;
	v8 =	vld [tilespmem:$0x1FFB0];
	vm4 =	vmand vm3, vm7;
	vm3 =	vmand vm11, vm7;
	vm7 =	vnez.u8 v10  }
0xc2: {  	v7 =	vsel vm7, v12, v7;
	vm7 =	vnez.u8 v11;
	v11 =	vadd.s32 $0x37FF, v13;
	v13 =	vld [tilespmem:$0x1FF80];
	_ =	sdelay $0x3  }
0xc3: {  	vm2 =	vnez.u8 v8  }
0xc4: {  	v7 =	vsel vm2, v6, v7;
	vm2 =	vnez.u8 v13  }
0xc5: {  	v8 =	vsel vm11, v1, v3;
	v10 =	vsel vm10, v1, v3;
	v1 =	vsel vm2, v1, v3;
	v3 =	vld [tilespmem:$0x1FF30];
	_ =	sdelay $0x4  }
0xc6: {  	vm5 =	vnez.u8 v3  }
0xc7: {  	v3 =	vsel vm5, v12, v14;
	v12 =	vld [tilespmem:$0x1FFD0]  }
0xc8: {  	v5 =	vadd.s32 $0x2FFF, v15  }
0xc9: {  	vm7 =	vmand vm7, vm1;
	_ =	sdelay $0x1  }
0xca: {  	[tilespmem:v9+s14+$0x0] =	vst.idx.msk vm6, v4  }
0xcb: {  	[tilespmem:v9+s15+$0x0] =	vst.idx.msk vm6, v10;
	vm5 =	vnez.u8 v12  }
0xcc: {  	[tilespmem:v5+s14+$0x0] =	vst.idx.msk vm4, v4;
	v3 =	vsel vm5, v6, v3  }
0xcd: {  	[tilespmem:v5+s15+$0x0] =	vst.idx.msk vm4, v8;
	v3 =	vsel vm0, v9, v3  }
0xce: {  	[tilespmem:v11+s14+$0x0] =	vst.idx.msk vm7, v4;
	vm0 =	vmand vm2, vm1;
	v3 =	vsel vm3, v5, v3  }
0xcf: {  	[tilespmem:v11+s15+$0x0] =	vst.idx.msk vm7, v1;
	v1 =	vsel vm0, v11, v3;
	v3 =	vld [tilespmem:$0x1FF70];
	_ =	sdelay $0x2  }
0xd0: {  	s23 =	smov.u32 s20  }
0xd1: {  	s23 =	sshra.s32 s23, $0x2  }
0xd2: {  	vm0 =	vnez.u8 v3;
	v3 =	vld [tilespmem:s23+$0x0];
	_ =	sdelay $0x1  }
0xd3: {  	v7 =	vsel vm12, v9, v7  }
0xd4: {  	v7 =	vsel vm8, v5, v7;
	vm0 =	vmand vm0, vm1  }
0xd5: {  	v4 =	vsel vm0, v11, v7  }
0xd6: {  	s24 =	spop (v2sf);
	[tilespmem:s10+$0x8E80] =	vst v4;
	v4 =	vshra.s32 v3, $0x3  }
0xd7: {  	s25 =	spop (v2sf);
	[tilespmem:s10+$0x8C80] =	vst v1;
	v1 =	vimm.s32 $0x0;
	vm2 =	veq.s32 v4, $0x5  }
0xd8: {  	s11 =	sadd.s32 s11, s25;
	v15 =	vimm.s32 $0x0;
	v3 =	vand.u32 $0x7, v3;
	v1 =	vsel vm2, $0xFFFFFFFF, v1  }
0xd9: {  	v10 =	vmov s11;
	vm7 =	veq.s32 v3, $0x5;
	[tilespmem:$0x1FEB0] =	vst v1;
	v1 =	vimm.s32 $0x0  }
0xda: {  	v8 =	vimm.s32 $0x0;
	v6 =	vadd.s32 $0xFFFFFFFF, v10;
	v1 =	vsel vm7, $0xFFFFFFFF, v1  }
0xdb: {  	v10 =	vbroadcast v6, $0x0;
	vm3 =	veq.s32 v3, $0x0;
	[tilespmem:$0x1FEC0] =	vst v1;
	v1 =	vimm.s32 $0x0  }
0xdc: {  	vm4 =	veq.s32 v4, $0x3;
	vm12 =	veq.s32 v3, $0x3;
	v1 =	vsel vm3, $0xFFFFFFFF, v1  }
0xdd: {  	vm0 =	veq.s32 v3, $0x2;
	vm14 =	vmor vm4, vm12;
	[tilespmem:$0x1FEF0] =	vst v1;
	v1 =	vimm.s32 $0x0  }
0xde: {  	vm10 =	veq.s32 v3, $0x1;
	v5 =	vsel vm14, $0x1, v0;
	v1 =	vsel vm0, $0xFFFFFFFF, v1  }
0xdf: {  	vm5 =	veq.s32 v4, $0x4;
	(xrf0) =	vadd.scan.msk.s32 $0xffff, v5;
	[tilespmem:$0x1FED0] =	vst v1;
	v1 =	vimm.s32 $0x0  }
0xe0: {  	vm9 =	veq.s32 v4, $0x0;
	vm15 =	veq.s32 v3, $0x4;
	v1 =	vsel vm14, $0xFFFFFFFF, v1  }
0xe1: {  	vm11 =	vmor vm9, vm3;
	vm3 =	vmor vm5, vm15;
	[tilespmem:$0x1FEA0] =	vst v1;
	v1 =	vimm.s32 $0x0  }
0xe2: {  	vm1 =	veq.s32 v3, $0x7;
	v7 =	vsel vm3, $0x1, v0;
	v1 =	vsel vm3, $0xFFFFFFFF, v1  }
0xe3: {  	vm3 =	vmor vm2, vm7;
	vm2 =	veq.s32 v3, $0x6;
	v3 =	vimm.s32 $0x0  }
0xe4: {  	vm8 =	veq.s32 v4, $0x6;
	vm13 =	veq.s32 v4, $0x1;
	v3 =	vsel vm2, $0xFFFFFFFF, v3  }
0xe5: {  	vm6 =	veq.s32 v4, $0x2;
	vm14 =	vmor vm13, vm10;
	v6, _, _ =	vpop (xrf0);
	[tilespmem:$0x1FF10] =	vst v3;
	v3 =	vimm.s32 $0x0  }
0xe6: {  	(xrf0) =	vadd.scan.msk.s32 $0xffff, v7;
	v12 =	vadd.s32 s21, v6;
	vm7 =	veq.s32 v4, $0x7;
	v3 =	vsel vm8, $0xFFFFFFFF, v3  }
0xe7: {  	v4 =	vimm.s32 $0x0;
	v8 =	vsel vm3, $0xFFFFFFFF, v8;
	[tilespmem:$0x1FF50] =	vst v3;
	v3 =	vimm.s32 $0x0  }
0xe8: {  	s10 =	smov.u32 s23;
	[tilespmem:$0x1FEE0] =	vst v1;
	v5 =	vsel vm3, $0x1, v0;
	vm8 =	vmor vm8, vm2;
	v3 =	vsel vm1, $0xFFFFFFFF, v3  }
0xe9: {  	s26 =	spop (v2sf);
	v1 =	vld [tilespmem:s10+$0x200];
	vm3 =	vmor vm6, vm0;
	v4 =	vsel vm8, $0xFFFFFFFF, v4;
	[tilespmem:$0x1FF70] =	vst v3;
	v3 =	vimm.s32 $0x0  }
0xea: {  	s28 =	spop (v2sf);
	vm0 =	vmor vm7, vm1;
	[tilespmem:$0x1FF60] =	vst v4;
	v4 =	vimm.s32 $0x0;
	v3 =	vsel vm7, $0xFFFFFFFF, v3  }
0xeb: {  	s29 =	spop (v2sf);
	(xrf0) =	vadd.scan.msk.s32 $0xffff, v5;
	v4 =	vsel vm0, $0xFFFFFFFF, v4;
	[tilespmem:$0x1FF80] =	vst v3;
	v3 =	vsel vm3, $0x1, v0  }
0xec: {  	s16 =	sadd.s32 s16, s24;
	s30 =	spop (v2sf);
	(v2sf) =	vpush v6, $0xF;
	v11, _, _ =	vpop (xrf0);
	[tilespmem:$0x1FF90] =	vst v4;
	v4 =	vsel vm11, $0x1, v0;
	(xrf0) =	vadd.scan.msk.s32 $0xffff, v3  }
0xed: {  	v6 =	vadd.s32 $0xFFFFFFFF, v12;
	v9 =	vsel vm0, $0x1, v0;
	v13 =	vadd.s32 s16, v11;
	(xrf0) =	vadd.scan.msk.s32 $0xffff, v4  }
0xee: {  	v7 =	vsel vm8, $0x1, v0;
	vm8 =	vlt.s32 v6, $0x800;
	v3 =	vsub.f32 $1.000000000e+00, v1  }
0xef: {  	v5 =	vsel vm14, $0x1, v0;
	v6 =	vadd.s32 $0xFFFFFFFF, v13;
	vm0 =	vmand vm4, vm8  }
0xf0: {  	v15 =	vsel vm0, $0xFFFFFFFF, v15;
	vm0 =	vmand vm12, vm8;
	(xrf0) =	vadd.scan.msk.s32 $0xffff, v5;
	v5 =	vsel vm4, v1, v3  }
0xf1: {  	s17 =	sadd.s32 s17, s26;
	v14, _, _ =	vpop (xrf0);
	vm4 =	vlt.s32 v6, $0x800;
	v6 =	vadd.s32 $0x1FFF, v13;
	v13 =	vimm.s32 $0x0  }
0xf2: {  	s13 =	sadd.s32 s13, s22;
	v22 =	vadd.s32 s17, v14;
	(xrf0) =	vadd.scan.msk.s32 $0xffff, v7;
	v13 =	vsel vm0, $0xFFFFFFFF, v13;
	v7, _, _ =	vpop (xrf0)  }
0xf3: {  	vm0 =	vmand vm15, vm4;
	(xrf0) =	vadd.scan.msk.s32 $0xffff, v9;
	v18 =	vadd.s32 s13, v7;
	v9, _, _ =	vpop (xrf0);
	(v2sf) =	vpush v7, $0xF  }
0xf4: {  	v7 =	vadd.s32 v9, v10;
	v10 =	vadd.s32 $0xFFFFFFFF, v18;
	(v2sf) =	vpush v11, $0xF  }
0xf5: {  	vm7 =	vlt.s32 v10, $0x800;
	vm15 =	vlt.s32 v7, $0x800;
	(v2sf) =	vpush v9, $0xF  }
0xf6: {  	s12 =	sadd.s32 s12, s28;
	v19, _, _ =	vpop (xrf0);
	v10 =	vimm.s32 $0x0;
	vm12 =	vmand vm11, vm15;
	(v2sf) =	vpush v14, $0xF;
	v14 =	vld [tilespmem:$0x1FEA0]  }
0xf7: {  	[tilespmem:$0x1FF40] =	vst v13;
	v13 =	vadd.s32 s12, v19;
	v10 =	vsel vm0, $0xFFFFFFFF, v10  }
0xf8: {  	s9 =	sadd.s32 $0x10, s9;
	vm2 =	vmmov vm5;
	[tilespmem:$0x1FFB0] =	vst v10;
	v10 =	vadd.s32 $0xFFFFFFFF, v13  }
0xf9: {  	v4 =	vor.u32 s9, v2;
	v16 =	vsel vm9, v1, v3;
	vm0 =	vlt.s32 v10, $0x800  }
0xfa: {  	vm1 =	vmand vm5, vm4;
	vm11 =	vmand vm14, vm0;
	vm10 =	vmand vm10, vm0  }
0xfb: {  	vm5 =	vmand vm13, vm0;
	vm0 =	vnez.u8 v14;
	v14 =	vadd.s32 $0xFFFFFFFF, v22  }
0xfc: {  	v17 =	vsel vm13, v1, v3;
	vm13 =	vmand vm0, vm8;
	vm8 =	vlt.s32 v14, $0x800;
	[tilespmem:v7+s14+$0x0] =	vst.idx.msk vm12, v4;
	v14 =	vld [tilespmem:$0x1FEB0]  }
0xfd: {  	[tilespmem:v7+s15+$0x0] =	vst.idx.msk vm12, v16;
	v16 =	vld [tilespmem:$0x1FEC0]  }
0xfe: {  	v10 =	vimm.s32 $0x0  }
0xff: {  	v10 =	vsel vm1, $0xFFFFFFFF, v10  }
0x100: {  	[tilespmem:$0x1FFD0] =	vst v10;
	v10 =	vimm.s32 $0x0  }
0x101: {  	vm14 =	vmand vm3, vm7;
	vm3 =	vmand vm9, vm15;
	v10 =	vsel vm10, $0xFFFFFFFF, v10  }
0x102: {  	vm10 =	vnez.u8 v14;
	v14 =	vnsel vm3, $0x4000, v7;
	vm3 =	vnez.u8 v16;
	v16 =	vld [tilespmem:$0x1FED0]  }
0x103: {  	v11 =	vadd.s32 $0xFFF, v18;
	v18 =	vld [tilespmem:$0x1FEF0];
	_ =	sdelay $0x3  }
0x104: {  	[tilespmem:$0x1FF00] =	vst v8;
	vm12 =	vmand vm3, vm8;
	vm3 =	vnez.u8 v16  }
0x105: {  	vm9 =	vmand vm3, vm7;
	vm3 =	vnez.u8 v18;
	v18 =	vld [tilespmem:$0x1FF00];
	_ =	sdelay $0x1  }
0x106: {  	[tilespmem:$0x1FF20] =	vst v10;
	v10 =	vadd.s32 $0x7FF, v13  }
0x107: {  	v12 =	vadd.s32 $0x17FF, v12;
	v16 =	vld [tilespmem:$0x1FEE0]  }
0x108: {  	v8 =	vsel vm6, v1, v3;
	vm1 =	vmand vm6, vm7;
	v14 =	vsel vm5, v10, v14  }
0x109: {  	p0 =	sne.s32 s20, $0x7C0;
	s18 =	sadd.s32 s18, s29;
	v20, _, _ =	vpop (xrf0);
	(v2sf) =	vpush v19, $0xF;
	v14 =	vsel vm1, v11, v14;
	vm1 =	vnez.u8 v18;
	v18 =	vld [tilespmem:$0x1FF10]  }
.Ltmp2:
0x10a: {  	s19 =	sadd.s32 s19, s30;
	[tilespmem:$0x1FF30] =	vst v15;
	s31 =	spop (v2sf);
	v9 =	vadd.s32 $0x27FF, v22;
	v21, _, _ =	vpop (xrf0);
	v15 =	vadd.s32 s18, v20;
	(v2sf) =	vpush v20, $0xF;
	(pc) =	sbr.rel @p0 .LBB2_5-.Ltmp2, $4  }
0x10b: {  	(v2sf) =	vpush v21, $0xF;
	v13 =	vadd.s32 s19, v21;
	[tilespmem:v10+s14+$0x0] =	vst.idx.msk vm11, v4;
	vm0 =	vmand vm10, vm8  }
0x10c: {  	[tilespmem:v10+s15+$0x0] =	vst.idx.msk vm11, v17;
	v17 =	vadd.s32 $0xFFFFFFFF, v13;
	vm7 =	vmmov vm2;
	vm2 =	vnez.u8 v16  }
0x10d: {  	vm15 =	vmand vm3, vm15;
	v16 =	vadd.s32 $0xFFFFFFFF, v15;
	vm2 =	vmand vm2, vm4  }
0x10e: {  	s20 =	sadd.s32 $0x40, s20;
	s21 =	sadd.s32 s21, s31;
	s22 =	spop (v2sf);
	[tilespmem:v11+s14+$0x0] =	vst.idx.msk vm14, v4;
	vm6 =	vmand vm1, vm8;
	vm1 =	vlt.s32 v17, $0x800;
	vm8 =	vnez.u8 v18  }
0x10f: {  	v0 =	vld [tilespmem:$0x1FF60]  }
0x110: {  	v53 =	vld [tilespmem:$0x1FF20]  }
0x111: {  	v54 =	vld [tilespmem:$0x1FF90]  }
0x112: {  	v56 =	vld [tilespmem:$0x1FF40]  }
0x113: {  	v59 =	vld [tilespmem:$0x1FF30]  }
0x114: {  	v60 =	vld [tilespmem:$0x1FFD0]  }
0x115: {  	v62 =	vld [tilespmem:$0x1FF50]  }
0x116: {  	vm3 =	vlt.s32 v16, $0x800;
	v2 =	vadd.s32 $0x2FFF, v15  }
0x117: {  	[tilespmem:v11+s15+$0x0] =	vst.idx.msk vm14, v8;
	v52 =	vsel vm7, v1, v3;
	v57 =	vsel vm10, v1, v3;
	v58 =	vld [tilespmem:$0x1FFB0];
	vm4 =	vnez.u8 v0  }
0x118: {  	[tilespmem:v12+s14+$0x0] =	vst.idx.msk vm13, v4;
	v0 =	vnsel vm15, $0x4000, v7;
	vm14 =	vnez.u8 v53;
	vm4 =	vmand vm4, vm3  }
0x119: {  	[tilespmem:v12+s15+$0x0] =	vst.idx.msk vm13, v5;
	vm15 =	vnez.u8 v54;
	vm5 =	vnez.u8 v56;
	vm10 =	vnez.u8 v59  }
0x11a: {  	[tilespmem:v6+s14+$0x0] =	vst.idx.msk vm2, v4;
	vm11 =	vnez.u8 v60;
	vm13 =	vnez.u8 v62;
	v0 =	vsel vm14, v10, v0  }
0x11b: {  	[tilespmem:v6+s15+$0x0] =	vst.idx.msk vm2, v52;
	vm7 =	vmand vm15, vm1;
	v8 =	vsel vm10, v12, v14;
	v0 =	vsel vm9, v11, v0  }
0x11c: {  	[tilespmem:v9+s14+$0x0] =	vst.idx.msk vm6, v4;
	v7 =	vsel vm13, v1, v3;
	vm9 =	vnez.u8 v58;
	v0 =	vsel vm5, v12, v0  }
0x11d: {  	[tilespmem:v9+s15+$0x0] =	vst.idx.msk vm6, v57;
	vm2 =	vmand vm13, vm3;
	v61 =	vsel vm11, v6, v8;
	v0 =	vsel vm9, v6, v0  }
0x11e: {  	v63 =	vld [tilespmem:$0x1FF80];
	vm3 =	vmand vm8, vm3;
	v6 =	vsel vm0, v9, v61;
	v0 =	vsel vm12, v9, v0;
	[tilespmem:v2+s14+$0x0] =	vst.idx.msk vm4, v4  }
0x11f: {  	v55 =	vadd.s32 $0x37FF, v13;
	v6 =	vsel vm2, v2, v6;
	v0 =	vsel vm3, v2, v0;
	[tilespmem:v2+s15+$0x0] =	vst.idx.msk vm4, v7;
	v2 =	vld [tilespmem:$0x1FF70];
	_ =	sdelay $0x2  }
0x120: {  	s9 =	spop (v2sf)  }
0x121: {  	s9 =	spop (v2sf);
	vm14 =	vnez.u8 v63  }
0x122: {  	s9 =	spop (v2sf);
	v1 =	vsel vm14, v1, v3;
	vm0 =	vmand vm14, vm1;
	[tilespmem:v55+s14+$0x0] =	vst.idx.msk vm7, v4;
	vm15 =	vnez.u8 v2  }
0x123: {  	s9 =	spop (v2sf);
	[tilespmem:v55+s15+$0x0] =	vst.idx.msk vm7, v1;
	v1 =	vsel vm0, v55, v6;
	vm0 =	vmand vm15, vm1  }
0x124: {  	s9 =	spop (v2sf);
	[tilespmem:s10+$0x8C80] =	vst v1;
	v0 =	vsel vm0, v55, v0  }
0x125: {  	s8 =	sadd.s32 s8, s6;
	s23 =	simm.s32 $0x8C80;
	s9 =	simm.s32 $0x0;
	[tilespmem:s10+$0x8E80] =	vst v0  }
0x126: {  	[hbm4b:s8+s9] =	stream.linear.scatter [tilespmem:s23], [sflag:$0x1], $0x200, $0x38;
	[tilespmem:$0x12090] =	vst v63  }
0x127: {  	s24 =	spop (v2sf);
	s8 =	simm.s32 $0x1  }
0x128: {  	_ =	swait.ge [sflag:s8], $0x200  }
0x129: {  	s7 =	sadd.s32 s7, s6;
	s25 =	sshll.u32 s1, $0xE;
	[sflag:s8] =	ssyncset.done $0x0  }
0x12a: {  	s6 =	sshll.u32 s1, $0x7;
	s11 =	simm.s32 $0x8E80;
	[sflag:s8] =	ssyncadd.s32 $0xFFFFFE00  }
0x12b: {  	[hbm4b:s7+s9] =	stream.linear.scatter [tilespmem:s11], [sflag:$0x1], $0x200, $0x38;
	[tilespmem:$0x12090] =	vst v63  }
0x12c: {  	s29 =	simm.s32 $0x80;
	s26 =	sor.u32 s6, s25;
	_ =	swait.ge [sflag:s8], $0x200  }
0x12d: {  	s30 =	simm.s32 $0x400;
	s7 =	sand.u32 $0x20380, s26;
	[sflag:s8] =	ssyncset.done $0x0  }
0x12e: {  	s12 =	simm.s32 $0xC80;
	s28 =	sadd.s32 s7, s5;
	[sflag:s8] =	ssyncadd.s32 $0xFFFFFE00  }
0x12f: {  	[spmem:s28] =	stream.strided.scatter [tilespmem:s12], [sflag:$0x1], $0x4000, s30, s29, $0x38;
	[tilespmem:$0x12090] =	vst v63  }
0x130: {  	_ =	swait.ge [sflag:s8], $0x4000  }
0x131: {  	[sflag:s8] =	ssyncset.done $0x0  }
0x132: {  	s31 =	simm.s32 $0x4C80;
	s7 =	sadd.s32 s7, s4;
	[sflag:s8] =	ssyncadd.s32 $0xFFFFC000  }
0x133: {  	[spmem:s7] =	stream.strided.scatter [tilespmem:s31], [sflag:$0x1], $0x4000, s30, s29, $0x38;
	[tilespmem:$0x12090] =	vst v63  }
0x134: {  	_ =	swait.ge [sflag:s8], $0x4000  }
0x135: {  	[sflag:s8] =	ssyncset.done $0x0  }
0x136: {  	[sflag:s8] =	ssyncadd.s32 $0xFFFFC000  }
0x137: {  	v1 =	vimm.s32 $0x0;
	v0 =	vimm.f32 $0.0e+00;
	s7 =	simm.s32 $0x40;
	s8 =	simm.s32 $0x0;
	[bflag:$0x0] =	sbarrier.arrive $0xFFFF  }
.LBB2_7:
0x138: {  	p0 =	sne.s32 s7, $0xFC0;
	[tilespmem:s8+$0x9080] =	vst v1;
	s9 =	smov.u32 s7;
	s7 =	sadd.s32 $0x40, s7  }
.Ltmp3:
0x139: {  	[tilespmem:s8+$0x9480] =	vst v0;
	(pc) =	sbr.rel @p0 .LBB2_7-.Ltmp3, $2  }
0x13a: {  	_ =	sdelay $0x2  }
0x13b: {  	s8 =	sshra.s32 s9, $0x2  }
0x13c: {  	s7 =	sshll.u32 s1, $0xD;
	[tilespmem:s8+$0x9080] =	vst v1;
	s29 =	simm.s32 $0x80;
	s10 =	simm.s32 $0x400  }
0x13d: {  	[tilespmem:s8+$0x9480] =	vst v0;
	s11 =	simm.s32 $0x9880;
	s30 =	simm.s32 $0x1;
	s9 =	sadd.s32 s7, s5  }
0x13e: {  	[tilespmem:s11], [sflag:$0x1] =	stream.strided.gather [spmem:s9], $0x400, s10, s29, $0x38;
	[tilespmem:$0x12090] =	vst v63  }
0x13f: {  	_ =	swait.ge [sflag:s30], $0x400  }
0x140: {  	[sflag:s30] =	ssyncset.done $0x0  }
0x141: {  	s12 =	simm.s32 $0x9C80;
	s31 =	sadd.s32 s7, s4;
	[sflag:s30] =	ssyncadd.s32 $0xFFFFFC00  }
0x142: {  	[tilespmem:s12], [sflag:$0x1] =	stream.strided.gather [spmem:s31], $0x400, s10, s29, $0x38;
	[tilespmem:$0x12090] =	vst v63  }
0x143: {  	_ =	swait.ge [sflag:s30], $0x400  }
0x144: {  	[sflag:s30] =	ssyncset.done $0x0  }
0x145: {  	s8 =	simm.s32 $0x0;
	[sflag:s30] =	ssyncadd.s32 $0xFFFFFC00  }
0x146: {  	v0 =	vld [tilespmem:s8+$0x9C80];
	_ =	sdelay $0x1  }
0x147: {  	s9 =	simm.s32 $0x40;
	v1 =	vld [tilespmem:s8+$0x9880]  }
.LBB2_9:
0x148: {  	p0 =	sne.s32 s9, $0xFC0  }
.Ltmp4:
0x149: {  	_ = 	snop;
	(pc) =	sbr.rel @p0 .LBB2_9-.Ltmp4, $4  }
0x14a: {  	s10 =	sshra.s32 s9, $0x2;
	[tilespmem:s8+$0x9480] =	vst.add.f32.msk $0xffff, v0  }
0x14b: {  	v0 =	vld [tilespmem:s10+$0x9C80]  }
0x14c: {  	v2 =	vmov v1;
	v1 =	vld [tilespmem:s10+$0x9880]  }
0x14d: {  	s9 =	sadd.s32 $0x40, s9;
	[tilespmem:s8+$0x9080] =	vst.add.s32.msk $0xffff, v2;
	s8 =	smov.u32 s10  }
0x14e: {  	_ =	sdelay $0x1  }
0x14f: {  	s9 =	sor.u32 $0x80, s7;
	s29 =	simm.s32 $0x80;
	s11 =	simm.s32 $0x400;
	[tilespmem:s8+$0x9480] =	vst.add.f32.msk $0xffff, v0  }
0x150: {  	s12 =	simm.s32 $0x9880;
	s30 =	simm.s32 $0x1;
	s10 =	sadd.s32 s9, s5;
	[tilespmem:s8+$0x9080] =	vst.add.s32.msk $0xffff, v1  }
0x151: {  	[tilespmem:s12], [sflag:$0x1] =	stream.strided.gather [spmem:s10], $0x400, s11, s29, $0x38;
	[tilespmem:$0x12090] =	vst v63  }
0x152: {  	_ =	swait.ge [sflag:s30], $0x400  }
0x153: {  	[sflag:s30] =	ssyncset.done $0x0  }
0x154: {  	s31 =	simm.s32 $0x9C80;
	s9 =	sadd.s32 s9, s4;
	[sflag:s30] =	ssyncadd.s32 $0xFFFFFC00  }
0x155: {  	[tilespmem:s31], [sflag:$0x1] =	stream.strided.gather [spmem:s9], $0x400, s11, s29, $0x38;
	[tilespmem:$0x12090] =	vst v63  }
0x156: {  	_ =	swait.ge [sflag:s30], $0x400  }
0x157: {  	[sflag:s30] =	ssyncset.done $0x0  }
0x158: {  	s8 =	simm.s32 $0x0;
	[sflag:s30] =	ssyncadd.s32 $0xFFFFFC00  }
0x159: {  	v0 =	vld [tilespmem:s8+$0x9C80];
	_ =	sdelay $0x1  }
0x15a: {  	s9 =	simm.s32 $0x40;
	v1 =	vld [tilespmem:s8+$0x9880]  }
.LBB2_11:
0x15b: {  	p0 =	sne.s32 s9, $0xFC0  }
.Ltmp5:
0x15c: {  	_ = 	snop;
	(pc) =	sbr.rel @p0 .LBB2_11-.Ltmp5, $4  }
0x15d: {  	s10 =	sshra.s32 s9, $0x2;
	[tilespmem:s8+$0x9480] =	vst.add.f32.msk $0xffff, v0  }
0x15e: {  	v0 =	vld [tilespmem:s10+$0x9C80]  }
0x15f: {  	v2 =	vmov v1;
	v1 =	vld [tilespmem:s10+$0x9880]  }
0x160: {  	s9 =	sadd.s32 $0x40, s9;
	[tilespmem:s8+$0x9080] =	vst.add.s32.msk $0xffff, v2;
	s8 =	smov.u32 s10  }
0x161: {  	_ =	sdelay $0x1  }
0x162: {  	s9 =	sor.u32 $0x100, s7;
	s29 =	simm.s32 $0x80;
	s11 =	simm.s32 $0x400;
	[tilespmem:s8+$0x9480] =	vst.add.f32.msk $0xffff, v0  }
0x163: {  	s12 =	simm.s32 $0x9880;
	s30 =	simm.s32 $0x1;
	s10 =	sadd.s32 s9, s5;
	[tilespmem:s8+$0x9080] =	vst.add.s32.msk $0xffff, v1  }
0x164: {  	[tilespmem:s12], [sflag:$0x1] =	stream.strided.gather [spmem:s10], $0x400, s11, s29, $0x38;
	[tilespmem:$0x12090] =	vst v63  }
0x165: {  	_ =	swait.ge [sflag:s30], $0x400  }
0x166: {  	[sflag:s30] =	ssyncset.done $0x0  }
0x167: {  	s31 =	simm.s32 $0x9C80;
	s9 =	sadd.s32 s9, s4;
	[sflag:s30] =	ssyncadd.s32 $0xFFFFFC00  }
0x168: {  	[tilespmem:s31], [sflag:$0x1] =	stream.strided.gather [spmem:s9], $0x400, s11, s29, $0x38;
	[tilespmem:$0x12090] =	vst v63  }
0x169: {  	_ =	swait.ge [sflag:s30], $0x400  }
0x16a: {  	[sflag:s30] =	ssyncset.done $0x0  }
0x16b: {  	s8 =	simm.s32 $0x0;
	[sflag:s30] =	ssyncadd.s32 $0xFFFFFC00  }
0x16c: {  	v0 =	vld [tilespmem:s8+$0x9C80];
	_ =	sdelay $0x1  }
0x16d: {  	s9 =	simm.s32 $0x40;
	v1 =	vld [tilespmem:s8+$0x9880]  }
.LBB2_13:
0x16e: {  	p0 =	sne.s32 s9, $0xFC0  }
.Ltmp6:
0x16f: {  	_ = 	snop;
	(pc) =	sbr.rel @p0 .LBB2_13-.Ltmp6, $4  }
0x170: {  	s10 =	sshra.s32 s9, $0x2;
	[tilespmem:s8+$0x9480] =	vst.add.f32.msk $0xffff, v0  }
0x171: {  	v0 =	vld [tilespmem:s10+$0x9C80]  }
0x172: {  	v2 =	vmov v1;
	v1 =	vld [tilespmem:s10+$0x9880]  }
0x173: {  	s9 =	sadd.s32 $0x40, s9;
	[tilespmem:s8+$0x9080] =	vst.add.s32.msk $0xffff, v2;
	s8 =	smov.u32 s10  }
0x174: {  	_ =	sdelay $0x1  }
0x175: {  	s9 =	sor.u32 $0x180, s7;
	s29 =	simm.s32 $0x80;
	s11 =	simm.s32 $0x400;
	[tilespmem:s8+$0x9480] =	vst.add.f32.msk $0xffff, v0  }
0x176: {  	s12 =	simm.s32 $0x9880;
	s30 =	simm.s32 $0x1;
	s10 =	sadd.s32 s9, s5;
	[tilespmem:s8+$0x9080] =	vst.add.s32.msk $0xffff, v1  }
0x177: {  	[tilespmem:s12], [sflag:$0x1] =	stream.strided.gather [spmem:s10], $0x400, s11, s29, $0x38;
	[tilespmem:$0x12090] =	vst v63  }
0x178: {  	_ =	swait.ge [sflag:s30], $0x400  }
0x179: {  	[sflag:s30] =	ssyncset.done $0x0  }
0x17a: {  	s31 =	simm.s32 $0x9C80;
	s9 =	sadd.s32 s9, s4;
	[sflag:s30] =	ssyncadd.s32 $0xFFFFFC00  }
0x17b: {  	[tilespmem:s31], [sflag:$0x1] =	stream.strided.gather [spmem:s9], $0x400, s11, s29, $0x38;
	[tilespmem:$0x12090] =	vst v63  }
0x17c: {  	_ =	swait.ge [sflag:s30], $0x400  }
0x17d: {  	[sflag:s30] =	ssyncset.done $0x0  }
0x17e: {  	s8 =	simm.s32 $0x0;
	[sflag:s30] =	ssyncadd.s32 $0xFFFFFC00  }
0x17f: {  	v0 =	vld [tilespmem:s8+$0x9C80];
	_ =	sdelay $0x1  }
0x180: {  	s9 =	simm.s32 $0x40;
	v1 =	vld [tilespmem:s8+$0x9880]  }
.LBB2_15:
0x181: {  	p0 =	sne.s32 s9, $0xFC0  }
.Ltmp7:
0x182: {  	_ = 	snop;
	(pc) =	sbr.rel @p0 .LBB2_15-.Ltmp7, $4  }
0x183: {  	s10 =	sshra.s32 s9, $0x2;
	[tilespmem:s8+$0x9480] =	vst.add.f32.msk $0xffff, v0  }
0x184: {  	v0 =	vld [tilespmem:s10+$0x9C80]  }
0x185: {  	v2 =	vmov v1;
	v1 =	vld [tilespmem:s10+$0x9880]  }
0x186: {  	s9 =	sadd.s32 $0x40, s9;
	[tilespmem:s8+$0x9080] =	vst.add.s32.msk $0xffff, v2;
	s8 =	smov.u32 s10  }
0x187: {  	_ =	sdelay $0x1  }
0x188: {  	s9 =	sor.u32 $0x200, s7;
	s29 =	simm.s32 $0x80;
	s11 =	simm.s32 $0x400;
	[tilespmem:s8+$0x9480] =	vst.add.f32.msk $0xffff, v0  }
0x189: {  	s12 =	simm.s32 $0x9880;
	s30 =	simm.s32 $0x1;
	s10 =	sadd.s32 s9, s5;
	[tilespmem:s8+$0x9080] =	vst.add.s32.msk $0xffff, v1  }
0x18a: {  	[tilespmem:s12], [sflag:$0x1] =	stream.strided.gather [spmem:s10], $0x400, s11, s29, $0x38;
	[tilespmem:$0x12090] =	vst v63  }
0x18b: {  	_ =	swait.ge [sflag:s30], $0x400  }
0x18c: {  	[sflag:s30] =	ssyncset.done $0x0  }
0x18d: {  	s31 =	simm.s32 $0x9C80;
	s9 =	sadd.s32 s9, s4;
	[sflag:s30] =	ssyncadd.s32 $0xFFFFFC00  }
0x18e: {  	[tilespmem:s31], [sflag:$0x1] =	stream.strided.gather [spmem:s9], $0x400, s11, s29, $0x38;
	[tilespmem:$0x12090] =	vst v63  }
0x18f: {  	_ =	swait.ge [sflag:s30], $0x400  }
0x190: {  	[sflag:s30] =	ssyncset.done $0x0  }
0x191: {  	s8 =	simm.s32 $0x0;
	[sflag:s30] =	ssyncadd.s32 $0xFFFFFC00  }
0x192: {  	v0 =	vld [tilespmem:s8+$0x9C80];
	_ =	sdelay $0x1  }
0x193: {  	s9 =	simm.s32 $0x40;
	v1 =	vld [tilespmem:s8+$0x9880]  }
.LBB2_17:
0x194: {  	p0 =	sne.s32 s9, $0xFC0  }
.Ltmp8:
0x195: {  	_ = 	snop;
	(pc) =	sbr.rel @p0 .LBB2_17-.Ltmp8, $4  }
0x196: {  	s10 =	sshra.s32 s9, $0x2;
	[tilespmem:s8+$0x9480] =	vst.add.f32.msk $0xffff, v0  }
0x197: {  	v0 =	vld [tilespmem:s10+$0x9C80]  }
0x198: {  	v2 =	vmov v1;
	v1 =	vld [tilespmem:s10+$0x9880]  }
0x199: {  	s9 =	sadd.s32 $0x40, s9;
	[tilespmem:s8+$0x9080] =	vst.add.s32.msk $0xffff, v2;
	s8 =	smov.u32 s10  }
0x19a: {  	_ =	sdelay $0x1  }
0x19b: {  	s9 =	sor.u32 $0x280, s7;
	s29 =	simm.s32 $0x80;
	s11 =	simm.s32 $0x400;
	[tilespmem:s8+$0x9480] =	vst.add.f32.msk $0xffff, v0  }
0x19c: {  	s12 =	simm.s32 $0x9880;
	s30 =	simm.s32 $0x1;
	s10 =	sadd.s32 s9, s5;
	[tilespmem:s8+$0x9080] =	vst.add.s32.msk $0xffff, v1  }
0x19d: {  	[tilespmem:s12], [sflag:$0x1] =	stream.strided.gather [spmem:s10], $0x400, s11, s29, $0x38;
	[tilespmem:$0x12090] =	vst v63  }
0x19e: {  	_ =	swait.ge [sflag:s30], $0x400  }
0x19f: {  	[sflag:s30] =	ssyncset.done $0x0  }
0x1a0: {  	s31 =	simm.s32 $0x9C80;
	s9 =	sadd.s32 s9, s4;
	[sflag:s30] =	ssyncadd.s32 $0xFFFFFC00  }
0x1a1: {  	[tilespmem:s31], [sflag:$0x1] =	stream.strided.gather [spmem:s9], $0x400, s11, s29, $0x38;
	[tilespmem:$0x12090] =	vst v63  }
0x1a2: {  	_ =	swait.ge [sflag:s30], $0x400  }
0x1a3: {  	[sflag:s30] =	ssyncset.done $0x0  }
0x1a4: {  	s8 =	simm.s32 $0x0;
	[sflag:s30] =	ssyncadd.s32 $0xFFFFFC00  }
0x1a5: {  	v0 =	vld [tilespmem:s8+$0x9C80];
	_ =	sdelay $0x1  }
0x1a6: {  	s9 =	simm.s32 $0x40;
	v1 =	vld [tilespmem:s8+$0x9880]  }
.LBB2_19:
0x1a7: {  	p0 =	sne.s32 s9, $0xFC0  }
.Ltmp9:
0x1a8: {  	_ = 	snop;
	(pc) =	sbr.rel @p0 .LBB2_19-.Ltmp9, $4  }
0x1a9: {  	s10 =	sshra.s32 s9, $0x2;
	[tilespmem:s8+$0x9480] =	vst.add.f32.msk $0xffff, v0  }
0x1aa: {  	v0 =	vld [tilespmem:s10+$0x9C80]  }
0x1ab: {  	v2 =	vmov v1;
	v1 =	vld [tilespmem:s10+$0x9880]  }
0x1ac: {  	s9 =	sadd.s32 $0x40, s9;
	[tilespmem:s8+$0x9080] =	vst.add.s32.msk $0xffff, v2;
	s8 =	smov.u32 s10  }
0x1ad: {  	_ =	sdelay $0x1  }
0x1ae: {  	s9 =	sor.u32 $0x300, s7;
	s29 =	simm.s32 $0x80;
	s11 =	simm.s32 $0x400;
	[tilespmem:s8+$0x9480] =	vst.add.f32.msk $0xffff, v0  }
0x1af: {  	s12 =	simm.s32 $0x9880;
	s30 =	simm.s32 $0x1;
	s10 =	sadd.s32 s9, s5;
	[tilespmem:s8+$0x9080] =	vst.add.s32.msk $0xffff, v1  }
0x1b0: {  	[tilespmem:s12], [sflag:$0x1] =	stream.strided.gather [spmem:s10], $0x400, s11, s29, $0x38;
	[tilespmem:$0x12090] =	vst v63  }
0x1b1: {  	_ =	swait.ge [sflag:s30], $0x400  }
0x1b2: {  	[sflag:s30] =	ssyncset.done $0x0  }
0x1b3: {  	s31 =	simm.s32 $0x9C80;
	s9 =	sadd.s32 s9, s4;
	[sflag:s30] =	ssyncadd.s32 $0xFFFFFC00  }
0x1b4: {  	[tilespmem:s31], [sflag:$0x1] =	stream.strided.gather [spmem:s9], $0x400, s11, s29, $0x38;
	[tilespmem:$0x12090] =	vst v63  }
0x1b5: {  	_ =	swait.ge [sflag:s30], $0x400  }
0x1b6: {  	[sflag:s30] =	ssyncset.done $0x0  }
0x1b7: {  	s8 =	simm.s32 $0x0;
	[sflag:s30] =	ssyncadd.s32 $0xFFFFFC00  }
0x1b8: {  	v0 =	vld [tilespmem:s8+$0x9C80];
	_ =	sdelay $0x1  }
0x1b9: {  	s9 =	simm.s32 $0x40;
	v1 =	vld [tilespmem:s8+$0x9880]  }
.LBB2_21:
0x1ba: {  	p0 =	sne.s32 s9, $0xFC0  }
.Ltmp10:
0x1bb: {  	_ = 	snop;
	(pc) =	sbr.rel @p0 .LBB2_21-.Ltmp10, $4  }
0x1bc: {  	s10 =	sshra.s32 s9, $0x2;
	[tilespmem:s8+$0x9480] =	vst.add.f32.msk $0xffff, v0  }
0x1bd: {  	v0 =	vld [tilespmem:s10+$0x9C80]  }
0x1be: {  	v2 =	vmov v1;
	v1 =	vld [tilespmem:s10+$0x9880]  }
0x1bf: {  	s9 =	sadd.s32 $0x40, s9;
	[tilespmem:s8+$0x9080] =	vst.add.s32.msk $0xffff, v2;
	s8 =	smov.u32 s10  }
0x1c0: {  	_ =	sdelay $0x1  }
0x1c1: {  	s9 =	sor.u32 $0x380, s7;
	s29 =	simm.s32 $0x80;
	s11 =	simm.s32 $0x400;
	[tilespmem:s8+$0x9480] =	vst.add.f32.msk $0xffff, v0  }
0x1c2: {  	s12 =	simm.s32 $0x9880;
	s30 =	simm.s32 $0x1;
	s10 =	sadd.s32 s9, s5;
	[tilespmem:s8+$0x9080] =	vst.add.s32.msk $0xffff, v1  }
0x1c3: {  	[tilespmem:s12], [sflag:$0x1] =	stream.strided.gather [spmem:s10], $0x400, s11, s29, $0x38;
	[tilespmem:$0x12090] =	vst v63  }
0x1c4: {  	_ =	swait.ge [sflag:s30], $0x400  }
0x1c5: {  	[sflag:s30] =	ssyncset.done $0x0  }
0x1c6: {  	s31 =	simm.s32 $0x9C80;
	s9 =	sadd.s32 s9, s4;
	[sflag:s30] =	ssyncadd.s32 $0xFFFFFC00  }
0x1c7: {  	[tilespmem:s31], [sflag:$0x1] =	stream.strided.gather [spmem:s9], $0x400, s11, s29, $0x38;
	[tilespmem:$0x12090] =	vst v63  }
0x1c8: {  	_ =	swait.ge [sflag:s30], $0x400  }
0x1c9: {  	[sflag:s30] =	ssyncset.done $0x0  }
0x1ca: {  	s8 =	simm.s32 $0x0;
	[sflag:s30] =	ssyncadd.s32 $0xFFFFFC00  }
0x1cb: {  	v0 =	vld [tilespmem:s8+$0x9C80];
	_ =	sdelay $0x1  }
0x1cc: {  	s9 =	simm.s32 $0x40;
	v1 =	vld [tilespmem:s8+$0x9880]  }
.LBB2_23:
0x1cd: {  	p0 =	sne.s32 s9, $0xFC0  }
.Ltmp11:
0x1ce: {  	_ = 	snop;
	(pc) =	sbr.rel @p0 .LBB2_23-.Ltmp11, $4  }
0x1cf: {  	s10 =	sshra.s32 s9, $0x2;
	[tilespmem:s8+$0x9480] =	vst.add.f32.msk $0xffff, v0  }
0x1d0: {  	v0 =	vld [tilespmem:s10+$0x9C80]  }
0x1d1: {  	v2 =	vmov v1;
	v1 =	vld [tilespmem:s10+$0x9880]  }
0x1d2: {  	s9 =	sadd.s32 $0x40, s9;
	[tilespmem:s8+$0x9080] =	vst.add.s32.msk $0xffff, v2;
	s8 =	smov.u32 s10  }
0x1d3: {  	_ =	sdelay $0x1  }
0x1d4: {  	s9 =	sor.u32 $0x20000, s7;
	s29 =	simm.s32 $0x80;
	s11 =	simm.s32 $0x400;
	[tilespmem:s8+$0x9480] =	vst.add.f32.msk $0xffff, v0  }
0x1d5: {  	s12 =	simm.s32 $0x9880;
	s30 =	simm.s32 $0x1;
	s10 =	sadd.s32 s9, s5;
	[tilespmem:s8+$0x9080] =	vst.add.s32.msk $0xffff, v1  }
0x1d6: {  	[tilespmem:s12], [sflag:$0x1] =	stream.strided.gather [spmem:s10], $0x400, s11, s29, $0x38;
	[tilespmem:$0x12090] =	vst v63  }
0x1d7: {  	_ =	swait.ge [sflag:s30], $0x400  }
0x1d8: {  	[sflag:s30] =	ssyncset.done $0x0  }
0x1d9: {  	s31 =	simm.s32 $0x9C80;
	s9 =	sadd.s32 s9, s4;
	[sflag:s30] =	ssyncadd.s32 $0xFFFFFC00  }
0x1da: {  	[tilespmem:s31], [sflag:$0x1] =	stream.strided.gather [spmem:s9], $0x400, s11, s29, $0x38;
	[tilespmem:$0x12090] =	vst v63  }
0x1db: {  	_ =	swait.ge [sflag:s30], $0x400  }
0x1dc: {  	[sflag:s30] =	ssyncset.done $0x0  }
0x1dd: {  	s8 =	simm.s32 $0x0;
	[sflag:s30] =	ssyncadd.s32 $0xFFFFFC00  }
0x1de: {  	v0 =	vld [tilespmem:s8+$0x9C80];
	_ =	sdelay $0x1  }
0x1df: {  	s9 =	simm.s32 $0x40;
	v1 =	vld [tilespmem:s8+$0x9880]  }
.LBB2_25:
0x1e0: {  	p0 =	sne.s32 s9, $0xFC0  }
.Ltmp12:
0x1e1: {  	_ = 	snop;
	(pc) =	sbr.rel @p0 .LBB2_25-.Ltmp12, $4  }
0x1e2: {  	s10 =	sshra.s32 s9, $0x2;
	[tilespmem:s8+$0x9480] =	vst.add.f32.msk $0xffff, v0  }
0x1e3: {  	v0 =	vld [tilespmem:s10+$0x9C80]  }
0x1e4: {  	v2 =	vmov v1;
	v1 =	vld [tilespmem:s10+$0x9880]  }
0x1e5: {  	s9 =	sadd.s32 $0x40, s9;
	[tilespmem:s8+$0x9080] =	vst.add.s32.msk $0xffff, v2;
	s8 =	smov.u32 s10  }
0x1e6: {  	_ =	sdelay $0x1  }
0x1e7: {  	s9 =	sor.u32 $0x20080, s7;
	s29 =	simm.s32 $0x80;
	s11 =	simm.s32 $0x400;
	[tilespmem:s8+$0x9480] =	vst.add.f32.msk $0xffff, v0  }
0x1e8: {  	s12 =	simm.s32 $0x9880;
	s30 =	simm.s32 $0x1;
	s10 =	sadd.s32 s9, s5;
	[tilespmem:s8+$0x9080] =	vst.add.s32.msk $0xffff, v1  }
0x1e9: {  	[tilespmem:s12], [sflag:$0x1] =	stream.strided.gather [spmem:s10], $0x400, s11, s29, $0x38;
	[tilespmem:$0x12090] =	vst v63  }
0x1ea: {  	_ =	swait.ge [sflag:s30], $0x400  }
0x1eb: {  	[sflag:s30] =	ssyncset.done $0x0  }
0x1ec: {  	s31 =	simm.s32 $0x9C80;
	s9 =	sadd.s32 s9, s4;
	[sflag:s30] =	ssyncadd.s32 $0xFFFFFC00  }
0x1ed: {  	[tilespmem:s31], [sflag:$0x1] =	stream.strided.gather [spmem:s9], $0x400, s11, s29, $0x38;
	[tilespmem:$0x12090] =	vst v63  }
0x1ee: {  	_ =	swait.ge [sflag:s30], $0x400  }
0x1ef: {  	[sflag:s30] =	ssyncset.done $0x0  }
0x1f0: {  	s8 =	simm.s32 $0x0;
	[sflag:s30] =	ssyncadd.s32 $0xFFFFFC00  }
0x1f1: {  	v0 =	vld [tilespmem:s8+$0x9C80];
	_ =	sdelay $0x1  }
0x1f2: {  	s9 =	simm.s32 $0x40;
	v1 =	vld [tilespmem:s8+$0x9880]  }
.LBB2_27:
0x1f3: {  	p0 =	sne.s32 s9, $0xFC0  }
.Ltmp13:
0x1f4: {  	_ = 	snop;
	(pc) =	sbr.rel @p0 .LBB2_27-.Ltmp13, $4  }
0x1f5: {  	s10 =	sshra.s32 s9, $0x2;
	[tilespmem:s8+$0x9480] =	vst.add.f32.msk $0xffff, v0  }
0x1f6: {  	v0 =	vld [tilespmem:s10+$0x9C80]  }
0x1f7: {  	v2 =	vmov v1;
	v1 =	vld [tilespmem:s10+$0x9880]  }
0x1f8: {  	s9 =	sadd.s32 $0x40, s9;
	[tilespmem:s8+$0x9080] =	vst.add.s32.msk $0xffff, v2;
	s8 =	smov.u32 s10  }
0x1f9: {  	_ =	sdelay $0x1  }
0x1fa: {  	s9 =	sor.u32 $0x20100, s7;
	s29 =	simm.s32 $0x80;
	s11 =	simm.s32 $0x400;
	[tilespmem:s8+$0x9480] =	vst.add.f32.msk $0xffff, v0  }
0x1fb: {  	s12 =	simm.s32 $0x9880;
	s30 =	simm.s32 $0x1;
	s10 =	sadd.s32 s9, s5;
	[tilespmem:s8+$0x9080] =	vst.add.s32.msk $0xffff, v1  }
0x1fc: {  	[tilespmem:s12], [sflag:$0x1] =	stream.strided.gather [spmem:s10], $0x400, s11, s29, $0x38;
	[tilespmem:$0x12090] =	vst v63  }
0x1fd: {  	_ =	swait.ge [sflag:s30], $0x400  }
0x1fe: {  	[sflag:s30] =	ssyncset.done $0x0  }
0x1ff: {  	s31 =	simm.s32 $0x9C80;
	s9 =	sadd.s32 s9, s4;
	[sflag:s30] =	ssyncadd.s32 $0xFFFFFC00  }
0x200: {  	[tilespmem:s31], [sflag:$0x1] =	stream.strided.gather [spmem:s9], $0x400, s11, s29, $0x38;
	[tilespmem:$0x12090] =	vst v63  }
0x201: {  	_ =	swait.ge [sflag:s30], $0x400  }
0x202: {  	[sflag:s30] =	ssyncset.done $0x0  }
0x203: {  	s8 =	simm.s32 $0x0;
	[sflag:s30] =	ssyncadd.s32 $0xFFFFFC00  }
0x204: {  	v0 =	vld [tilespmem:s8+$0x9C80];
	_ =	sdelay $0x1  }
0x205: {  	s9 =	simm.s32 $0x40;
	v1 =	vld [tilespmem:s8+$0x9880]  }
.LBB2_29:
0x206: {  	p0 =	sne.s32 s9, $0xFC0  }
.Ltmp14:
0x207: {  	_ = 	snop;
	(pc) =	sbr.rel @p0 .LBB2_29-.Ltmp14, $4  }
0x208: {  	s10 =	sshra.s32 s9, $0x2;
	[tilespmem:s8+$0x9480] =	vst.add.f32.msk $0xffff, v0  }
0x209: {  	v0 =	vld [tilespmem:s10+$0x9C80]  }
0x20a: {  	v2 =	vmov v1;
	v1 =	vld [tilespmem:s10+$0x9880]  }
0x20b: {  	s9 =	sadd.s32 $0x40, s9;
	[tilespmem:s8+$0x9080] =	vst.add.s32.msk $0xffff, v2;
	s8 =	smov.u32 s10  }
0x20c: {  	_ =	sdelay $0x1  }
0x20d: {  	s9 =	sor.u32 $0x20180, s7;
	s29 =	simm.s32 $0x80;
	s11 =	simm.s32 $0x400;
	[tilespmem:s8+$0x9480] =	vst.add.f32.msk $0xffff, v0  }
0x20e: {  	s12 =	simm.s32 $0x9880;
	s30 =	simm.s32 $0x1;
	s10 =	sadd.s32 s9, s5;
	[tilespmem:s8+$0x9080] =	vst.add.s32.msk $0xffff, v1  }
0x20f: {  	[tilespmem:s12], [sflag:$0x1] =	stream.strided.gather [spmem:s10], $0x400, s11, s29, $0x38;
	[tilespmem:$0x12090] =	vst v63  }
0x210: {  	_ =	swait.ge [sflag:s30], $0x400  }
0x211: {  	[sflag:s30] =	ssyncset.done $0x0  }
0x212: {  	s31 =	simm.s32 $0x9C80;
	s9 =	sadd.s32 s9, s4;
	[sflag:s30] =	ssyncadd.s32 $0xFFFFFC00  }
0x213: {  	[tilespmem:s31], [sflag:$0x1] =	stream.strided.gather [spmem:s9], $0x400, s11, s29, $0x38;
	[tilespmem:$0x12090] =	vst v63  }
0x214: {  	_ =	swait.ge [sflag:s30], $0x400  }
0x215: {  	[sflag:s30] =	ssyncset.done $0x0  }
0x216: {  	s8 =	simm.s32 $0x0;
	[sflag:s30] =	ssyncadd.s32 $0xFFFFFC00  }
0x217: {  	v0 =	vld [tilespmem:s8+$0x9C80];
	_ =	sdelay $0x1  }
0x218: {  	s9 =	simm.s32 $0x40;
	v1 =	vld [tilespmem:s8+$0x9880]  }
.LBB2_31:
0x219: {  	p0 =	sne.s32 s9, $0xFC0  }
.Ltmp15:
0x21a: {  	_ = 	snop;
	(pc) =	sbr.rel @p0 .LBB2_31-.Ltmp15, $4  }
0x21b: {  	s10 =	sshra.s32 s9, $0x2;
	[tilespmem:s8+$0x9480] =	vst.add.f32.msk $0xffff, v0  }
0x21c: {  	v0 =	vld [tilespmem:s10+$0x9C80]  }
0x21d: {  	v2 =	vmov v1;
	v1 =	vld [tilespmem:s10+$0x9880]  }
0x21e: {  	s9 =	sadd.s32 $0x40, s9;
	[tilespmem:s8+$0x9080] =	vst.add.s32.msk $0xffff, v2;
	s8 =	smov.u32 s10  }
0x21f: {  	_ =	sdelay $0x1  }
0x220: {  	s9 =	sor.u32 $0x20200, s7;
	s29 =	simm.s32 $0x80;
	s11 =	simm.s32 $0x400;
	[tilespmem:s8+$0x9480] =	vst.add.f32.msk $0xffff, v0  }
0x221: {  	s12 =	simm.s32 $0x9880;
	s30 =	simm.s32 $0x1;
	s10 =	sadd.s32 s9, s5;
	[tilespmem:s8+$0x9080] =	vst.add.s32.msk $0xffff, v1  }
0x222: {  	[tilespmem:s12], [sflag:$0x1] =	stream.strided.gather [spmem:s10], $0x400, s11, s29, $0x38;
	[tilespmem:$0x12090] =	vst v63  }
0x223: {  	_ =	swait.ge [sflag:s30], $0x400  }
0x224: {  	[sflag:s30] =	ssyncset.done $0x0  }
0x225: {  	s31 =	simm.s32 $0x9C80;
	s9 =	sadd.s32 s9, s4;
	[sflag:s30] =	ssyncadd.s32 $0xFFFFFC00  }
0x226: {  	[tilespmem:s31], [sflag:$0x1] =	stream.strided.gather [spmem:s9], $0x400, s11, s29, $0x38;
	[tilespmem:$0x12090] =	vst v63  }
0x227: {  	_ =	swait.ge [sflag:s30], $0x400  }
0x228: {  	[sflag:s30] =	ssyncset.done $0x0  }
0x229: {  	s8 =	simm.s32 $0x0;
	[sflag:s30] =	ssyncadd.s32 $0xFFFFFC00  }
0x22a: {  	v0 =	vld [tilespmem:s8+$0x9C80];
	_ =	sdelay $0x1  }
0x22b: {  	s9 =	simm.s32 $0x40;
	v1 =	vld [tilespmem:s8+$0x9880]  }
.LBB2_33:
0x22c: {  	p0 =	sne.s32 s9, $0xFC0  }
.Ltmp16:
0x22d: {  	_ = 	snop;
	(pc) =	sbr.rel @p0 .LBB2_33-.Ltmp16, $4  }
0x22e: {  	s10 =	sshra.s32 s9, $0x2;
	[tilespmem:s8+$0x9480] =	vst.add.f32.msk $0xffff, v0  }
0x22f: {  	v0 =	vld [tilespmem:s10+$0x9C80]  }
0x230: {  	v2 =	vmov v1;
	v1 =	vld [tilespmem:s10+$0x9880]  }
0x231: {  	s9 =	sadd.s32 $0x40, s9;
	[tilespmem:s8+$0x9080] =	vst.add.s32.msk $0xffff, v2;
	s8 =	smov.u32 s10  }
0x232: {  	_ =	sdelay $0x1  }
0x233: {  	s9 =	sor.u32 $0x20280, s7;
	s29 =	simm.s32 $0x80;
	s11 =	simm.s32 $0x400;
	[tilespmem:s8+$0x9480] =	vst.add.f32.msk $0xffff, v0  }
0x234: {  	s12 =	simm.s32 $0x9880;
	s30 =	simm.s32 $0x1;
	s10 =	sadd.s32 s9, s5;
	[tilespmem:s8+$0x9080] =	vst.add.s32.msk $0xffff, v1  }
0x235: {  	[tilespmem:s12], [sflag:$0x1] =	stream.strided.gather [spmem:s10], $0x400, s11, s29, $0x38;
	[tilespmem:$0x12090] =	vst v63  }
0x236: {  	_ =	swait.ge [sflag:s30], $0x400  }
0x237: {  	[sflag:s30] =	ssyncset.done $0x0  }
0x238: {  	s31 =	simm.s32 $0x9C80;
	s9 =	sadd.s32 s9, s4;
	[sflag:s30] =	ssyncadd.s32 $0xFFFFFC00  }
0x239: {  	[tilespmem:s31], [sflag:$0x1] =	stream.strided.gather [spmem:s9], $0x400, s11, s29, $0x38;
	[tilespmem:$0x12090] =	vst v63  }
0x23a: {  	_ =	swait.ge [sflag:s30], $0x400  }
0x23b: {  	[sflag:s30] =	ssyncset.done $0x0  }
0x23c: {  	s8 =	simm.s32 $0x0;
	[sflag:s30] =	ssyncadd.s32 $0xFFFFFC00  }
0x23d: {  	v0 =	vld [tilespmem:s8+$0x9C80];
	_ =	sdelay $0x1  }
0x23e: {  	s9 =	simm.s32 $0x40;
	v1 =	vld [tilespmem:s8+$0x9880]  }
.LBB2_35:
0x23f: {  	p0 =	sne.s32 s9, $0xFC0  }
.Ltmp17:
0x240: {  	_ = 	snop;
	(pc) =	sbr.rel @p0 .LBB2_35-.Ltmp17, $4  }
0x241: {  	s10 =	sshra.s32 s9, $0x2;
	[tilespmem:s8+$0x9480] =	vst.add.f32.msk $0xffff, v0  }
0x242: {  	v0 =	vld [tilespmem:s10+$0x9C80]  }
0x243: {  	v2 =	vmov v1;
	v1 =	vld [tilespmem:s10+$0x9880]  }
0x244: {  	s9 =	sadd.s32 $0x40, s9;
	[tilespmem:s8+$0x9080] =	vst.add.s32.msk $0xffff, v2;
	s8 =	smov.u32 s10  }
0x245: {  	_ =	sdelay $0x1  }
0x246: {  	s9 =	sor.u32 $0x20300, s7;
	s29 =	simm.s32 $0x80;
	s11 =	simm.s32 $0x400;
	[tilespmem:s8+$0x9480] =	vst.add.f32.msk $0xffff, v0  }
0x247: {  	s12 =	simm.s32 $0x9880;
	s30 =	simm.s32 $0x1;
	s10 =	sadd.s32 s9, s5;
	[tilespmem:s8+$0x9080] =	vst.add.s32.msk $0xffff, v1  }
0x248: {  	[tilespmem:s12], [sflag:$0x1] =	stream.strided.gather [spmem:s10], $0x400, s11, s29, $0x38;
	[tilespmem:$0x12090] =	vst v63  }
0x249: {  	_ =	swait.ge [sflag:s30], $0x400  }
0x24a: {  	[sflag:s30] =	ssyncset.done $0x0  }
0x24b: {  	s31 =	simm.s32 $0x9C80;
	s9 =	sadd.s32 s9, s4;
	[sflag:s30] =	ssyncadd.s32 $0xFFFFFC00  }
0x24c: {  	[tilespmem:s31], [sflag:$0x1] =	stream.strided.gather [spmem:s9], $0x400, s11, s29, $0x38;
	[tilespmem:$0x12090] =	vst v63  }
0x24d: {  	_ =	swait.ge [sflag:s30], $0x400  }
0x24e: {  	[sflag:s30] =	ssyncset.done $0x0  }
0x24f: {  	s8 =	simm.s32 $0x0;
	[sflag:s30] =	ssyncadd.s32 $0xFFFFFC00  }
0x250: {  	v0 =	vld [tilespmem:s8+$0x9C80];
	_ =	sdelay $0x1  }
0x251: {  	s9 =	simm.s32 $0x40;
	v1 =	vld [tilespmem:s8+$0x9880]  }
.LBB2_37:
0x252: {  	p0 =	sne.s32 s9, $0xFC0  }
.Ltmp18:
0x253: {  	_ = 	snop;
	(pc) =	sbr.rel @p0 .LBB2_37-.Ltmp18, $4  }
0x254: {  	s10 =	sshra.s32 s9, $0x2;
	[tilespmem:s8+$0x9480] =	vst.add.f32.msk $0xffff, v0  }
0x255: {  	v0 =	vld [tilespmem:s10+$0x9C80]  }
0x256: {  	v2 =	vmov v1;
	v1 =	vld [tilespmem:s10+$0x9880]  }
0x257: {  	s9 =	sadd.s32 $0x40, s9;
	[tilespmem:s8+$0x9080] =	vst.add.s32.msk $0xffff, v2;
	s8 =	smov.u32 s10  }
0x258: {  	_ =	sdelay $0x1  }
0x259: {  	s7 =	sor.u32 $0x20380, s7;
	s29 =	simm.s32 $0x80;
	s9 =	simm.s32 $0x400;
	[tilespmem:s8+$0x9480] =	vst.add.f32.msk $0xffff, v0  }
0x25a: {  	s10 =	simm.s32 $0x9880;
	s30 =	simm.s32 $0x1;
	s5 =	sadd.s32 s7, s5;
	[tilespmem:s8+$0x9080] =	vst.add.s32.msk $0xffff, v1  }
0x25b: {  	[tilespmem:s10], [sflag:$0x1] =	stream.strided.gather [spmem:s5], $0x400, s9, s29, $0x38;
	[tilespmem:$0x12090] =	vst v63  }
0x25c: {  	_ =	swait.ge [sflag:s30], $0x400  }
0x25d: {  	[sflag:s30] =	ssyncset.done $0x0  }
0x25e: {  	s31 =	simm.s32 $0x9C80;
	s4 =	sadd.s32 s7, s4;
	[sflag:s30] =	ssyncadd.s32 $0xFFFFFC00  }
0x25f: {  	[tilespmem:s31], [sflag:$0x1] =	stream.strided.gather [spmem:s4], $0x400, s9, s29, $0x38;
	[tilespmem:$0x12090] =	vst v63  }
0x260: {  	_ =	swait.ge [sflag:s30], $0x400  }
0x261: {  	[sflag:s30] =	ssyncset.done $0x0  }
0x262: {  	s4 =	simm.s32 $0x0;
	[sflag:s30] =	ssyncadd.s32 $0xFFFFFC00  }
0x263: {  	v0 =	vld [tilespmem:s4+$0x9C80];
	_ =	sdelay $0x1  }
0x264: {  	s5 =	simm.s32 $0x40;
	v1 =	vld [tilespmem:s4+$0x9880]  }
.LBB2_39:
0x265: {  	p0 =	sne.s32 s5, $0xFC0  }
.Ltmp19:
0x266: {  	_ = 	snop;
	(pc) =	sbr.rel @p0 .LBB2_39-.Ltmp19, $4  }
0x267: {  	s7 =	sshra.s32 s5, $0x2;
	[tilespmem:s4+$0x9480] =	vst.add.f32.msk $0xffff, v0  }
0x268: {  	v0 =	vld [tilespmem:s7+$0x9C80]  }
0x269: {  	v2 =	vmov v1;
	v1 =	vld [tilespmem:s7+$0x9880]  }
0x26a: {  	s5 =	sadd.s32 $0x40, s5;
	[tilespmem:s4+$0x9080] =	vst.add.s32.msk $0xffff, v2;
	s4 =	smov.u32 s7  }
0x26b: {  	_ =	sdelay $0x1  }
0x26c: {  	s3 =	sadd.s32 s3, s6;
	[tilespmem:s4+$0x9480] =	vst.add.f32.msk $0xffff, v0  }
0x26d: {  	s29 =	simm.s32 $0x0;
	s5 =	simm.s32 $0x9080;
	s30 =	simm.s32 $0x1;
	[tilespmem:s4+$0x9080] =	vst.add.s32.msk $0xffff, v1  }
0x26e: {  	[hbm4b:s3+s29] =	stream.linear.scatter [tilespmem:s5], [sflag:$0x1], $0x400, $0x38;
	[tilespmem:$0x12090] =	vst v63  }
0x26f: {  	_ =	swait.ge [sflag:s30], $0x400  }
0x270: {  	[sflag:s30] =	ssyncset.done $0x0  }
0x271: {  	s2 =	sadd.s32 s2, s6;
	s31 =	simm.s32 $0x9480;
	[sflag:s30] =	ssyncadd.s32 $0xFFFFFC00  }
0x272: {  	[hbm4b:s2+s29] =	stream.linear.scatter [tilespmem:s31], [sflag:$0x1], $0x400, $0x38;
	[tilespmem:$0x12090] =	vst v63  }
0x273: {  	_ =	swait.ge [sflag:s30], $0x400  }
0x274: {  	[sflag:s30] =	ssyncset.done $0x0  }
0x275: {  	[sflag:s30] =	ssyncadd.s32 $0xFFFFFC00  }
0x276: {  	_ =	sfence.sel $0x180000  }
0x277: {  	[bflag:$0x0] =	sbarrier.arrive $0xFFFF  }
0x278: {  	p0 =	sne.s32 s1, $0x0;
	_ =	strace $0x90000047  }
0x279: {  	s0 =	sadd.s32 @!p0 $0x100000, s0;
	[bflag:$0x2] =	sbarrier.arrive $0xFFFF  }
0x27a: {  	[sflag:s0] =	ssyncadd.tile.s32 @!p0 $0x1;
	_ =	shalt  }
.Lfunc_end2:
_tile_overlayer_lowered:
.L_overlay_start_2:
0x27b: {  	(tag) =	ssettag $0x2  }
0x27c: {  	s0 =	rddreg [dreg:$0x0];
	s2 =	stileid.u32  }
0x27d: {  	s1 =	rddreg [dreg:$0x1];
	p0 =	sne.s32 s2, $0x0  }
0x27e: {  	s3 =	rddreg [dreg:$0x2];
	[bflag:$0x3] =	sbarrier.arrive $0xFFFF;
	s2 =	simm.s32 @!p0 $0x1C01  }
0x27f: {  	[timem:s3], [sflag:s2] =	dma.local @!p0 [hbm:s0], s1  }
0x280: {  	s0 =	simm.s32 @!p0 $0x1  }
0x281: {  	_ =	swait.ge @!p0 [sflag:s0], s1  }
0x282: {  	s1 =	ssub.s32 @!p0 $0x0, s1;
	[sflag:s0] =	ssyncset.done @!p0 $0x0  }
0x283: {  	[sflag:s0] =	ssyncadd.s32 @!p0 s1  }
0x284: {  	[bflag:$0x3] =	sbarrier.arrive $0xFFFF  }
0x285: {  	_ =	shalt  }

</sc_bundles>
